<compile_context>
chip_gen: v7x
topology: tpu7x:2x2x1
jax: 0.10.2.dev20260603
libtpu: 0.0.44.dev20260713+nightly
codegen_flags: <defaults>
</compile_context>

<pallas_src>
import functools

import jax
import jax.numpy as jnp
from jax import lax
from jax.experimental import pallas as pl
from jax.experimental.pallas import tpu as pltpu
from jax.experimental.pallas import tpu_sc as plsc

N = 10000
E = 320000
D = 128
NG = 64
DOUT = 64

NC = 2
NS = 16
NW = NC * NS
EPW = E // NW
CHUNK = 80
NCHUNK = EPW // CHUNK
BLKC = 5
NBLK = NCHUNK // BLKC
NBUF = 3
ZROWS = CHUNK
NZCHUNK = N // ZROWS
NZROUND = (NZCHUNK + NS - 1) // NS

_PREC = lax.Precision.DEFAULT


def _sc_agg_kernel(x_hbm, src_hbm, dst_hbm, out_hbm, src_v, dst_v, rows_v,
                   agg_sh, gsem, ssem):
    c = lax.axis_index("c")
    s = lax.axis_index("s")

    def zrow(i, _):
        for q in range(D // 16):
            rows_v[0, i, pl.ds(q * 16, 16)] = jnp.zeros((16,), jnp.float32)
        return 0
    lax.fori_loop(0, ZROWS, zrow, 0)

    def zchunk(k, _):
        ci = k * NS + s
        @pl.when(ci < NZCHUNK)
        def _():
            off = pl.multiple_of(ci * ZROWS, 8)
            pltpu.sync_copy(rows_v.at[0], agg_sh.at[pl.ds(off, ZROWS)])
        return 0
    lax.fori_loop(0, NZROUND, zchunk, 0)
    plsc.subcore_barrier()

    pltpu.sync_copy(src_hbm.at[c, s, 0], src_v.at[0])
    pltpu.sync_copy(dst_hbm.at[c, s, 0], dst_v.at[0])
    for b in range(2):
        pltpu.async_copy(x_hbm.at[src_v.at[0, b]], rows_v.at[b],
                         gsem.at[b])

    def chunk(g, _):
        b = lax.rem(g, NBUF)
        blk = g // BLKC
        j = g % BLKC
        slot = lax.rem(blk, 2)

        @pl.when(j == 0)
        def _():
            nslot = lax.rem(blk + 1, 2)
            @pl.when(blk + 1 < NBLK)
            def _():
                pltpu.sync_copy(src_hbm.at[c, s, blk + 1], src_v.at[nslot])
                pltpu.sync_copy(dst_hbm.at[c, s, blk + 1], dst_v.at[nslot])

        pltpu.make_async_copy(
            x_hbm.at[src_v.at[slot, j]], rows_v.at[b], gsem.at[b]).wait()
        pltpu.async_copy(rows_v.at[b], agg_sh.at[dst_v.at[slot, j]],
                         ssem.at[b], add=True)

        gn = g + 2
        @pl.when(gn < NCHUNK)
        def _():
            bn = lax.rem(gn, NBUF)
            nblk = gn // BLKC
            nj = gn % BLKC
            @pl.when(g >= 1)
            def _():
                pltpu.make_async_copy(
                    rows_v.at[bn], agg_sh.at[dst_v.at[slot, j]],
                    ssem.at[bn]).wait()
            pltpu.async_copy(
                x_hbm.at[src_v.at[lax.rem(nblk, 2), nj]], rows_v.at[bn],
                gsem.at[bn])
        return 0
    lax.fori_loop(0, NCHUNK, chunk, 0)

    for k in range(NCHUNK - NBUF, NCHUNK):
        pltpu.make_async_copy(
            rows_v.at[k % NBUF], agg_sh.at[dst_v.at[0, 0]],
            ssem.at[k % NBUF]).wait()
    plsc.subcore_barrier()

    def ochunk(k, _):
        ci = k * NS + s
        @pl.when(ci < NZCHUNK)
        def _():
            off = pl.multiple_of(ci * ZROWS, 8)
            pltpu.sync_copy(agg_sh.at[pl.ds(off, ZROWS)], rows_v.at[0])
            pltpu.sync_copy(rows_v.at[0], out_hbm.at[c, pl.ds(off, ZROWS)])
        return 0
    lax.fori_loop(0, NZROUND, ochunk, 0)


_sc_agg = functools.partial(
    pl.kernel,
    out_type=jax.ShapeDtypeStruct((NC, N, D), jnp.float32),
    mesh=plsc.VectorSubcoreMesh(core_axis_name="c", subcore_axis_name="s",
                                num_cores=NC, num_subcores=NS),
    scratch_types=[
        pltpu.VMEM((2, BLKC, CHUNK), jnp.int32),
        pltpu.VMEM((2, BLKC, CHUNK), jnp.int32),
        pltpu.VMEM((NBUF, CHUNK, D), jnp.float32),
        pltpu.VMEM_SHARED((N, D), jnp.float32),
        pltpu.SemaphoreType.DMA((NBUF,)),
        pltpu.SemaphoreType.DMA((NBUF,)),
    ],
)(_sc_agg_kernel)


BM = 2000
MB = N // BM


def _tc_layer_kernel(x_ref, agg_ref, w1_ref, b1_ref, g_ref, be_ref,
                     w2_ref, b2_ref, batch_ref, h_out, p_out, htmp):
    w1 = w1_ref[...]
    b1 = b1_ref[...]
    w2 = w2_ref[...]
    b2 = b2_ref[...]

    def pass1(i, carry):
        acc_s, acc_q = carry
        rows = pl.ds(i * BM, BM)
        hb = x_ref[rows, :] + agg_ref[0, rows, :] + agg_ref[1, rows, :]
        t = jnp.dot(hb, w1, precision=_PREC) + b1
        htmp[rows, :] = t
        return (acc_s + jnp.sum(t, axis=0, keepdims=True),
                acc_q + jnp.sum(t * t, axis=0, keepdims=True))

    acc_s, acc_q = lax.fori_loop(
        0, MB, pass1,
        (jnp.zeros((1, D), jnp.float32), jnp.zeros((1, D), jnp.float32)))
    mean = acc_s / N
    var = acc_q / N - mean * mean
    scale = g_ref[...] * lax.rsqrt(var + 1e-5)
    shift = be_ref[...] - mean * scale

    def pass2(i, p):
        rows = pl.ds(i * BM, BM)
        t = htmp[rows, :] * scale + shift
        t = jnp.maximum(t, 0.0)
        t = jnp.maximum(jnp.dot(t, w2, precision=_PREC) + b2, 0.0)
        h_out[rows, :] = t
        b = batch_ref[pl.ds(i, 1), :]
        gids = lax.broadcasted_iota(jnp.int32, (NG, BM), 0)
        mask = (gids == b).astype(jnp.float32)
        return p + jnp.dot(mask, t, precision=_PREC)

    p_out[...] = lax.fori_loop(0, MB, pass2, jnp.zeros((NG, D), jnp.float32))


_tc_layer = pl.pallas_call(
    _tc_layer_kernel,
    out_shape=(jax.ShapeDtypeStruct((N, D), jnp.float32),
               jax.ShapeDtypeStruct((NG, D), jnp.float32)),
    scratch_shapes=[pltpu.VMEM((N, D), jnp.float32)],
)


def _tc_layer3_kernel(x_ref, agg_ref, w1_ref, b1_ref, g_ref, be_ref,
                      w2_ref, b2_ref, batch_ref, p1_ref, p2_ref, l1w_ref,
                      l1b_ref, l2w_ref, l2b_ref, out_ref, htmp):
    w1 = w1_ref[...]
    b1 = b1_ref[...]
    w2 = w2_ref[...]
    b2 = b2_ref[...]

    def pass1(i, carry):
        acc_s, acc_q = carry
        rows = pl.ds(i * BM, BM)
        hb = x_ref[rows, :] + agg_ref[0, rows, :] + agg_ref[1, rows, :]
        t = jnp.dot(hb, w1, precision=_PREC) + b1
        htmp[rows, :] = t
        return (acc_s + jnp.sum(t, axis=0, keepdims=True),
                acc_q + jnp.sum(t * t, axis=0, keepdims=True))

    acc_s, acc_q = lax.fori_loop(
        0, MB, pass1,
        (jnp.zeros((1, D), jnp.float32), jnp.zeros((1, D), jnp.float32)))
    mean = acc_s / N
    var = acc_q / N - mean * mean
    scale = g_ref[...] * lax.rsqrt(var + 1e-5)
    shift = be_ref[...] - mean * scale

    def pass2(i, p):
        rows = pl.ds(i * BM, BM)
        t = htmp[rows, :] * scale + shift
        t = jnp.maximum(t, 0.0)
        t = jnp.maximum(jnp.dot(t, w2, precision=_PREC) + b2, 0.0)
        b = batch_ref[pl.ds(i, 1), :]
        gids = lax.broadcasted_iota(jnp.int32, (NG, BM), 0)
        mask = (gids == b).astype(jnp.float32)
        return p + jnp.dot(mask, t, precision=_PREC)

    p3 = lax.fori_loop(0, MB, pass2, jnp.zeros((NG, D), jnp.float32))
    p = jnp.concatenate((p1_ref[...], p2_ref[...], p3), axis=1)
    h = jnp.maximum(jnp.dot(p, l1w_ref[...], precision=_PREC) + l1b_ref[...],
                    0.0)
    out_ref[...] = jnp.dot(h, l2w_ref[...], precision=_PREC) + l2b_ref[...]


_tc_layer3 = pl.pallas_call(
    _tc_layer3_kernel,
    out_shape=jax.ShapeDtypeStruct((NG, DOUT), jnp.float32),
    scratch_shapes=[pltpu.VMEM((N, D), jnp.float32)],
)


def kernel(x, edge_index, batch, c1_w1, c1_b1, c1_g, c1_be, c1_w2, c1_b2,
           c2_w1, c2_b1, c2_g, c2_be, c2_w2, c2_b2, c3_w1, c3_b1, c3_g,
           c3_be, c3_w2, c3_b2, l1_w, l1_b, l2_w, l2_b):
    src = edge_index[0].reshape(NC, NS, NBLK, BLKC, CHUNK)
    dst = edge_index[1].reshape(NC, NS, NBLK, BLKC, CHUNK)
    batch2 = batch.reshape(MB, BM)

    h = x
    pools = []
    for (w1, b1, g, be, w2, b2) in (
            (c1_w1, c1_b1, c1_g, c1_be, c1_w2, c1_b2),
            (c2_w1, c2_b1, c2_g, c2_be, c2_w2, c2_b2)):
        agg = _sc_agg(h, src, dst)
        h, p = _tc_layer(h, agg, w1, b1.reshape(1, D), g.reshape(1, D),
                         be.reshape(1, D), w2, b2.reshape(1, D), batch2)
        pools.append(p)

    agg = _sc_agg(h, src, dst)
    return _tc_layer3(h, agg, c3_w1, c3_b1.reshape(1, D), c3_g.reshape(1, D),
                      c3_be.reshape(1, D), c3_w2, c3_b2.reshape(1, D), batch2,
                      pools[0], pools[1], l1_w, l1_b.reshape(1, 3 * D),
                      l2_w, l2_b.reshape(1, DOUT))

# --- scband reference (transcript-rebuilt; emitter-appended) ---
"""Pipeline reference for scband-gin-14302241096445 (READ-ONLY COPY).

The authoritative reference and input builder live on the scoring server;
editing this copy changes nothing except your own understanding.
"""

import jax, jax.numpy as jnp
import numpy as np

N = 10000
E = 320000
DIN = 128
DH = 128
DOUT = 64
NG = 64

def _glorot(key, shape):
    fan_in = shape[0]
    return jax.random.normal(key, shape, dtype=jnp.float32) / jnp.sqrt(fan_in)

def setup_inputs(seed: int = 0):
    key = jax.random.key(seed)
    ks = jax.random.split(key, 32)
    inp = {}
    inp["x"] = jax.random.normal(ks[0], (N, DIN), dtype=jnp.float32)
    inp["edge_index"] = jax.random.randint(ks[1], (2, E), 0, N, dtype=jnp.int32)
    inp["batch"] = jnp.sort(jax.random.randint(ks[2], (N,), 0, NG, dtype=jnp.int32))
    k = 3
    dims = [DIN, DH, DH]
    for i in (1, 2, 3):
        din = dims[i - 1]
        inp[f"c{i}_w1"] = _glorot(ks[k], (din, DH)); k += 1
        inp[f"c{i}_b1"] = jnp.zeros((DH,), dtype=jnp.float32)
        inp[f"c{i}_g"] = jnp.ones((DH,), dtype=jnp.float32)
        inp[f"c{i}_be"] = jnp.zeros((DH,), dtype=jnp.float32)
        inp[f"c{i}_w2"] = _glorot(ks[k], (DH, DH)); k += 1
        inp[f"c{i}_b2"] = jnp.zeros((DH,), dtype=jnp.float32)
    inp["l1_w"] = _glorot(ks[k], (3 * DH, 3 * DH)); k += 1
    inp["l1_b"] = jnp.zeros((3 * DH,), dtype=jnp.float32)
    inp["l2_w"] = _glorot(ks[k], (3 * DH, DOUT)); k += 1
    inp["l2_b"] = jnp.zeros((DOUT,), dtype=jnp.float32)
    return inp

def _bn(h, g, b):
    mean = jnp.mean(h, axis=0)
    var = jnp.var(h, axis=0)
    return (h - mean) / jnp.sqrt(var + 1e-5) * g + b

def _gin_conv(x, src, dst, w1, b1, g, be, w2, b2):
    agg = jax.ops.segment_sum(x[src], dst, num_segments=N)
    h = x + agg  # (1 + eps) * x_i + sum_j x_j, with eps = 0
    h = h @ w1 + b1
    h = _bn(h, g, be)
    h = jax.nn.relu(h)
    h = h @ w2 + b2
    return jax.nn.relu(h)

def reference(x, edge_index, batch, c1_w1, c1_b1, c1_g, c1_be, c1_w2, c1_b2, c2_w1, c2_b1, c2_g, c2_be, c2_w2, c2_b2, c3_w1, c3_b1, c3_g, c3_be, c3_w2, c3_b2, l1_w, l1_b, l2_w, l2_b):
    src = edge_index[0]
    dst = edge_index[1]
    h1 = _gin_conv(x, src, dst, c1_w1, c1_b1, c1_g, c1_be, c1_w2, c1_b2)
    h2 = _gin_conv(h1, src, dst, c2_w1, c2_b1, c2_g, c2_be, c2_w2, c2_b2)
    h3 = _gin_conv(h2, src, dst, c3_w1, c3_b1, c3_g, c3_be, c3_w2, c3_b2)
    p1 = jax.ops.segment_sum(h1, batch, num_segments=NG)
    p2 = jax.ops.segment_sum(h2, batch, num_segments=NG)
    p3 = jax.ops.segment_sum(h3, batch, num_segments=NG)
    h = jnp.concatenate((p1, p2, p3), axis=1)
    h = jax.nn.relu(h @ l1_w + l1_b)
    return h @ l2_w + l2_b

if __name__ == "__main__":
    import jax
    _d = setup_inputs()
    print(jax.jit(kernel)(*tuple(_d.values())))

</pallas_src>

<mosaic_0001>
#map = affine_map<(d0, d1) -> (0, 0)>
#map1 = affine_map<(d0, d1) -> (0, 0, 0, 0, 0)>
#map2 = affine_map<(d0, d1) -> (0, 0, 0)>
module attributes {stable_mosaic.version = 14 : i64} {
  func.func @_sc_agg_kernel(%arg0: i32, %arg1: i32, %arg2: memref<10000x128xf32, #tpu.memory_space<hbm>>, %arg3: memref<2x16x25x5x80xi32, #tpu.memory_space<hbm>>, %arg4: memref<2x16x25x5x80xi32, #tpu.memory_space<hbm>>, %arg5: memref<2x10000x128xf32, #tpu.memory_space<hbm>>, %arg6: memref<2x5x80xi32, #tpu.memory_space<vmem>>, %arg7: memref<2x5x80xi32, #tpu.memory_space<vmem>>, %arg8: memref<3x80x128xf32, #tpu.memory_space<vmem>>, %arg9: memref<10000x128xf32, #tpu.memory_space<vmem_shared>>, %arg10: memref<3x!tpu.dma_semaphore, #tpu.memory_space<semaphore_mem>>, %arg11: memref<3x!tpu.dma_semaphore, #tpu.memory_space<semaphore_mem>>) attributes {dimension_semantics = [#tpu.dimension_semantics<core_parallel>, #tpu.dimension_semantics<subcore_parallel>], iteration_bounds = array<i64: 2, 16>, scalar_prefetch = 0 : i64, scratch_operands = 6 : i64, tpu.core_type = #tpu.core_type<sc_vector_subcore>, window_params = [{transform_indices = #map}, {transform_indices = #map1}, {transform_indices = #map1}, {transform_indices = #map2}]} {
    %scan3A = arith.constant 0 : i32
    %scan3A_0 = arith.constant 0 : i32
    %scan3A_1 = arith.constant 80 : i32
    %scan3A_2 = arith.addi %scan3A_0, %scan3A_1 : i32
    %scan3A_3 = arith.constant 1 : i32
    %scan3A_4 = scf.for %scan3A_109 = %scan3A_0 to %scan3A_2 step %scan3A_3 iter_args(%scan3A_110 = %scan3A) -> (i32)  : i32 {
      %broadcast_in_dim3A = arith.constant 0.000000e+00 : f32
      %broadcast_in_dim3A_111 = vector.broadcast %broadcast_in_dim3A : f32 to vector<16xf32>
      %swap3A = arith.constant 0 : i32
      %swap3A_112 = arith.index_cast %swap3A : i32 to index
      %swap3A_113 = arith.index_cast %scan3A_109 : i32 to index
      %swap3A_114 = arith.constant 0 : index
      %swap3A_115 = tpu.vector_load %arg8[%swap3A_112, %swap3A_113, %swap3A_114] {strides = array<i32>} : memref<3x80x128xf32, #tpu.memory_space<vmem>>, vector<1x1x16xf32>,
      %swap3A_116 = vector.shape_cast %swap3A_115 : vector<1x1x16xf32> to vector<16xf32>
      %swap3A_117 = vector.shape_cast %broadcast_in_dim3A_111 : vector<16xf32> to vector<1x1x16xf32>
      tpu.vector_store %arg8[%swap3A_112, %swap3A_113, %swap3A_114], %swap3A_117 {strides = array<i32>} : memref<3x80x128xf32, #tpu.memory_space<vmem>>, vector<1x1x16xf32>,
      %broadcast_in_dim3A_118 = arith.constant 0.000000e+00 : f32
      %broadcast_in_dim3A_119 = vector.broadcast %broadcast_in_dim3A_118 : f32 to vector<16xf32>
      %swap3A_120 = arith.constant 0 : i32
      %swap3A_121 = arith.index_cast %swap3A_120 : i32 to index
      %swap3A_122 = arith.index_cast %scan3A_109 : i32 to index
      %swap3A_123 = arith.constant 16 : index
      %swap3A_124 = tpu.vector_load %arg8[%swap3A_121, %swap3A_122, %swap3A_123] {strides = array<i32>} : memref<3x80x128xf32, #tpu.memory_space<vmem>>, vector<1x1x16xf32>,
      %swap3A_125 = vector.shape_cast %swap3A_124 : vector<1x1x16xf32> to vector<16xf32>
      %swap3A_126 = vector.shape_cast %broadcast_in_dim3A_119 : vector<16xf32> to vector<1x1x16xf32>
      tpu.vector_store %arg8[%swap3A_121, %swap3A_122, %swap3A_123], %swap3A_126 {strides = array<i32>} : memref<3x80x128xf32, #tpu.memory_space<vmem>>, vector<1x1x16xf32>,
      %broadcast_in_dim3A_127 = arith.constant 0.000000e+00 : f32
      %broadcast_in_dim3A_128 = vector.broadcast %broadcast_in_dim3A_127 : f32 to vector<16xf32>
      %swap3A_129 = arith.constant 0 : i32
      %swap3A_130 = arith.index_cast %swap3A_129 : i32 to index
      %swap3A_131 = arith.index_cast %scan3A_109 : i32 to index
      %swap3A_132 = arith.constant 32 : index
      %swap3A_133 = tpu.vector_load %arg8[%swap3A_130, %swap3A_131, %swap3A_132] {strides = array<i32>} : memref<3x80x128xf32, #tpu.memory_space<vmem>>, vector<1x1x16xf32>,
      %swap3A_134 = vector.shape_cast %swap3A_133 : vector<1x1x16xf32> to vector<16xf32>
      %swap3A_135 = vector.shape_cast %broadcast_in_dim3A_128 : vector<16xf32> to vector<1x1x16xf32>
      tpu.vector_store %arg8[%swap3A_130, %swap3A_131, %swap3A_132], %swap3A_135 {strides = array<i32>} : memref<3x80x128xf32, #tpu.memory_space<vmem>>, vector<1x1x16xf32>,
      %broadcast_in_dim3A_136 = arith.constant 0.000000e+00 : f32
      %broadcast_in_dim3A_137 = vector.broadcast %broadcast_in_dim3A_136 : f32 to vector<16xf32>
      %swap3A_138 = arith.constant 0 : i32
      %swap3A_139 = arith.index_cast %swap3A_138 : i32 to index
      %swap3A_140 = arith.index_cast %scan3A_109 : i32 to index
      %swap3A_141 = arith.constant 48 : index
      %swap3A_142 = tpu.vector_load %arg8[%swap3A_139, %swap3A_140, %swap3A_141] {strides = array<i32>} : memref<3x80x128xf32, #tpu.memory_space<vmem>>, vector<1x1x16xf32>,
      %swap3A_143 = vector.shape_cast %swap3A_142 : vector<1x1x16xf32> to vector<16xf32>
      %swap3A_144 = vector.shape_cast %broadcast_in_dim3A_137 : vector<16xf32> to vector<1x1x16xf32>
      tpu.vector_store %arg8[%swap3A_139, %swap3A_140, %swap3A_141], %swap3A_144 {strides = array<i32>} : memref<3x80x128xf32, #tpu.memory_space<vmem>>, vector<1x1x16xf32>,
      %broadcast_in_dim3A_145 = arith.constant 0.000000e+00 : f32
      %broadcast_in_dim3A_146 = vector.broadcast %broadcast_in_dim3A_145 : f32 to vector<16xf32>
      %swap3A_147 = arith.constant 0 : i32
      %swap3A_148 = arith.index_cast %swap3A_147 : i32 to index
      %swap3A_149 = arith.index_cast %scan3A_109 : i32 to index
      %swap3A_150 = arith.constant 64 : index
      %swap3A_151 = tpu.vector_load %arg8[%swap3A_148, %swap3A_149, %swap3A_150] {strides = array<i32>} : memref<3x80x128xf32, #tpu.memory_space<vmem>>, vector<1x1x16xf32>,
      %swap3A_152 = vector.shape_cast %swap3A_151 : vector<1x1x16xf32> to vector<16xf32>
      %swap3A_153 = vector.shape_cast %broadcast_in_dim3A_146 : vector<16xf32> to vector<1x1x16xf32>
      tpu.vector_store %arg8[%swap3A_148, %swap3A_149, %swap3A_150], %swap3A_153 {strides = array<i32>} : memref<3x80x128xf32, #tpu.memory_space<vmem>>, vector<1x1x16xf32>,
      %broadcast_in_dim3A_154 = arith.constant 0.000000e+00 : f32
      %broadcast_in_dim3A_155 = vector.broadcast %broadcast_in_dim3A_154 : f32 to vector<16xf32>
      %swap3A_156 = arith.constant 0 : i32
      %swap3A_157 = arith.index_cast %swap3A_156 : i32 to index
      %swap3A_158 = arith.index_cast %scan3A_109 : i32 to index
      %swap3A_159 = arith.constant 80 : index
      %swap3A_160 = tpu.vector_load %arg8[%swap3A_157, %swap3A_158, %swap3A_159] {strides = array<i32>} : memref<3x80x128xf32, #tpu.memory_space<vmem>>, vector<1x1x16xf32>,
      %swap3A_161 = vector.shape_cast %swap3A_160 : vector<1x1x16xf32> to vector<16xf32>
      %swap3A_162 = vector.shape_cast %broadcast_in_dim3A_155 : vector<16xf32> to vector<1x1x16xf32>
      tpu.vector_store %arg8[%swap3A_157, %swap3A_158, %swap3A_159], %swap3A_162 {strides = array<i32>} : memref<3x80x128xf32, #tpu.memory_space<vmem>>, vector<1x1x16xf32>,
      %broadcast_in_dim3A_163 = arith.constant 0.000000e+00 : f32
      %broadcast_in_dim3A_164 = vector.broadcast %broadcast_in_dim3A_163 : f32 to vector<16xf32>
      %swap3A_165 = arith.constant 0 : i32
      %swap3A_166 = arith.index_cast %swap3A_165 : i32 to index
      %swap3A_167 = arith.index_cast %scan3A_109 : i32 to index
      %swap3A_168 = arith.constant 96 : index
      %swap3A_169 = tpu.vector_load %arg8[%swap3A_166, %swap3A_167, %swap3A_168] {strides = array<i32>} : memref<3x80x128xf32, #tpu.memory_space<vmem>>, vector<1x1x16xf32>,
      %swap3A_170 = vector.shape_cast %swap3A_169 : vector<1x1x16xf32> to vector<16xf32>
      %swap3A_171 = vector.shape_cast %broadcast_in_dim3A_164 : vector<16xf32> to vector<1x1x16xf32>
      tpu.vector_store %arg8[%swap3A_166, %swap3A_167, %swap3A_168], %swap3A_171 {strides = array<i32>} : memref<3x80x128xf32, #tpu.memory_space<vmem>>, vector<1x1x16xf32>,
      %broadcast_in_dim3A_172 = arith.constant 0.000000e+00 : f32
      %broadcast_in_dim3A_173 = vector.broadcast %broadcast_in_dim3A_172 : f32 to vector<16xf32>
      %swap3A_174 = arith.constant 0 : i32
      %swap3A_175 = arith.index_cast %swap3A_174 : i32 to index
      %swap3A_176 = arith.index_cast %scan3A_109 : i32 to index
      %swap3A_177 = arith.constant 112 : index
      %swap3A_178 = tpu.vector_load %arg8[%swap3A_175, %swap3A_176, %swap3A_177] {strides = array<i32>} : memref<3x80x128xf32, #tpu.memory_space<vmem>>, vector<1x1x16xf32>,
      %swap3A_179 = vector.shape_cast %swap3A_178 : vector<1x1x16xf32> to vector<16xf32>
      %swap3A_180 = vector.shape_cast %broadcast_in_dim3A_173 : vector<16xf32> to vector<1x1x16xf32>
      tpu.vector_store %arg8[%swap3A_175, %swap3A_176, %swap3A_177], %swap3A_180 {strides = array<i32>} : memref<3x80x128xf32, #tpu.memory_space<vmem>>, vector<1x1x16xf32>,
      %scan3A_181 = arith.constant 0 : i32
      scf.yield %scan3A_181 : i32
    }
    %scan3A_5 = arith.constant 80 : i32
    %scan3A_6 = arith.constant 0 : i32
    %scan3A_7 = arith.constant 0 : i32
    %scan3A_8 = arith.constant 8 : i32
    %scan3A_9 = arith.addi %scan3A_7, %scan3A_8 : i32
    %scan3A_10 = arith.constant 1 : i32
    %scan3A_11 = scf.for %scan3A_109 = %scan3A_7 to %scan3A_9 step %scan3A_10 iter_args(%scan3A_110 = %scan3A_6) -> (i32)  : i32 {
      %mul3A = arith.constant 16 : i32
      %mul3A_111 = arith.muli %scan3A_109, %mul3A : i32
      %add3A = arith.addi %mul3A_111, %arg1 : i32
      %lt3A = arith.constant 125 : i32
      %lt3A_112 = arith.cmpi slt, %add3A, %lt3A : i32
      %convert_element_type3A = arith.extui %lt3A_112 : i1 to i32
      %cond3A = arith.constant 0 : i32
      %cond3A_113 = arith.cmpi ne, %convert_element_type3A, %cond3A : i32
      scf.if %cond3A_113 {
        %mul3A_115 = arith.constant 80 : i32
        %mul3A_116 = arith.muli %add3A, %mul3A_115 : i32
        %multiple_of3A = tpu.assume_multiple %mul3A_116, 8 : i32
        %run_scoped3A_117 = arith.constant 0 : i32
        "tpu.region"() ({
          %run_scoped3A_118 = tpu.sem_alloc : memref<!tpu.dma_semaphore, #tpu.memory_space<semaphore_mem>>
          %dma_start3A_119 = arith.constant 0 : i32
          %dma_start3A_120 = arith.constant 0 : i32
          %dma_start3A_121 = tpu.memref_slice %arg8[%run_scoped3A_117, %dma_start3A_119, %dma_start3A_120] : memref<3x80x128xf32, #tpu.memory_space<vmem>> -> memref<1x80x128xf32, #tpu.memory_space<vmem>>
          %dma_start3A_122 = tpu.memref_squeeze %dma_start3A_121 : memref<1x80x128xf32, #tpu.memory_space<vmem>> -> memref<80x128xf32, #tpu.memory_space<vmem>>
          %dma_start3A_123 = arith.constant 0 : i32
          %dma_start3A_124 = tpu.memref_slice %arg9[%multiple_of3A, %dma_start3A_123] : memref<10000x128xf32, #tpu.memory_space<vmem_shared>> -> memref<80x128xf32, #tpu.memory_space<vmem_shared>>
          %dma_start3A_125 = arith.constant 0 : i32
          %dma_start3A_126 = tpu.memref_slice %arg9[%multiple_of3A, %dma_start3A_125] : memref<10000x128xf32, #tpu.memory_space<vmem_shared>> -> memref<80x128xf32, #tpu.memory_space<vmem_shared>>
          %dma_start3A_127 = arith.constant 0 : i32
          %dma_start3A_128 = arith.constant 0 : i32
          %dma_start3A_129 = tpu.memref_slice %arg8[%run_scoped3A_117, %dma_start3A_127, %dma_start3A_128] : memref<3x80x128xf32, #tpu.memory_space<vmem>> -> memref<1x80x128xf32, #tpu.memory_space<vmem>>
          %dma_start3A_130 = tpu.memref_squeeze %dma_start3A_129 : memref<1x80x128xf32, #tpu.memory_space<vmem>> -> memref<80x128xf32, #tpu.memory_space<vmem>>
          tpu.enqueue_dma source(%dma_start3A_130 : memref<80x128xf32, #tpu.memory_space<vmem>>) target(%dma_start3A_126 : memref<80x128xf32, #tpu.memory_space<vmem_shared>>) target_semaphore(%run_scoped3A_118 : memref<!tpu.dma_semaphore, #tpu.memory_space<semaphore_mem>>)
          %dma_wait3A_131 = arith.constant 0 : i32
          %dma_wait3A_132 = arith.constant 0 : i32
          %dma_wait3A_133 = tpu.memref_slice %arg8[%run_scoped3A_117, %dma_wait3A_131, %dma_wait3A_132] : memref<3x80x128xf32, #tpu.memory_space<vmem>> -> memref<1x80x128xf32, #tpu.memory_space<vmem>>
          %dma_wait3A_134 = tpu.memref_squeeze %dma_wait3A_133 : memref<1x80x128xf32, #tpu.memory_space<vmem>> -> memref<80x128xf32, #tpu.memory_space<vmem>>
          %dma_wait3A_135 = arith.constant 0 : i32
          %dma_wait3A_136 = tpu.memref_slice %arg9[%multiple_of3A, %dma_wait3A_135] : memref<10000x128xf32, #tpu.memory_space<vmem_shared>> -> memref<80x128xf32, #tpu.memory_space<vmem_shared>>
          %dma_wait3A_137 = arith.constant 0 : i32
          %dma_wait3A_138 = tpu.memref_slice %arg9[%multiple_of3A, %dma_wait3A_137] : memref<10000x128xf32, #tpu.memory_space<vmem_shared>> -> memref<80x128xf32, #tpu.memory_space<vmem_shared>>
          %dma_wait3A_139 = arith.constant 0 : i32
          %dma_wait3A_140 = arith.constant 0 : i32
          %dma_wait3A_141 = tpu.memref_slice %arg8[%run_scoped3A_117, %dma_wait3A_139, %dma_wait3A_140] : memref<3x80x128xf32, #tpu.memory_space<vmem>> -> memref<1x80x128xf32, #tpu.memory_space<vmem>>
          %dma_wait3A_142 = tpu.memref_squeeze %dma_wait3A_141 : memref<1x80x128xf32, #tpu.memory_space<vmem>> -> memref<80x128xf32, #tpu.memory_space<vmem>>
          tpu.wait_dma2 semaphore(%run_scoped3A_118 : memref<!tpu.dma_semaphore, #tpu.memory_space<semaphore_mem>>) src(%dma_wait3A_142 : memref<80x128xf32, #tpu.memory_space<vmem>>) dst(%dma_wait3A_138 : memref<80x128xf32, #tpu.memory_space<vmem_shared>>)
          tpu.yield
        }) : () -> ()
      } else {
      }
      %scan3A_114 = arith.constant 0 : i32
      scf.yield %scan3A_114 : i32
    }
    %scan3A_12 = arith.constant 8 : i32
    %barrier3A = arith.constant 0 : index
    tpu.barrier barrier_id(%barrier3A)
    %run_scoped3A = arith.constant 0 : i32
    %run_scoped3A_13 = arith.constant 0 : i32
    "tpu.region"() ({
      %run_scoped3A_109 = tpu.sem_alloc : memref<!tpu.dma_semaphore, #tpu.memory_space<semaphore_mem>>
      %dma_start3A_110 = arith.constant 0 : i32
      %dma_start3A_111 = arith.constant 0 : i32
      %dma_start3A_112 = tpu.memref_slice %arg6[%run_scoped3A_13, %dma_start3A_110, %dma_start3A_111] : memref<2x5x80xi32, #tpu.memory_space<vmem>> -> memref<1x5x80xi32, #tpu.memory_space<vmem>>
      %dma_start3A_113 = tpu.memref_squeeze %dma_start3A_112 : memref<1x5x80xi32, #tpu.memory_space<vmem>> -> memref<5x80xi32, #tpu.memory_space<vmem>>
      %dma_start3A_114 = arith.constant 0 : i32
      %dma_start3A_115 = arith.constant 0 : i32
      %dma_start3A_116 = tpu.memref_slice %arg3[%arg0, %arg1, %run_scoped3A, %dma_start3A_114, %dma_start3A_115] : memref<2x16x25x5x80xi32, #tpu.memory_space<hbm>> -> memref<1x1x1x5x80xi32, #tpu.memory_space<hbm>>
      %dma_start3A_117 = tpu.memref_squeeze %dma_start3A_116 : memref<1x1x1x5x80xi32, #tpu.memory_space<hbm>> -> memref<5x80xi32, #tpu.memory_space<hbm>>
      %dma_start3A_118 = arith.constant 0 : i32
      %dma_start3A_119 = arith.constant 0 : i32
      %dma_start3A_120 = tpu.memref_slice %arg6[%run_scoped3A_13, %dma_start3A_118, %dma_start3A_119] : memref<2x5x80xi32, #tpu.memory_space<vmem>> -> memref<1x5x80xi32, #tpu.memory_space<vmem>>
      %dma_start3A_121 = tpu.memref_squeeze %dma_start3A_120 : memref<1x5x80xi32, #tpu.memory_space<vmem>> -> memref<5x80xi32, #tpu.memory_space<vmem>>
      %dma_start3A_122 = arith.constant 0 : i32
      %dma_start3A_123 = arith.constant 0 : i32
      %dma_start3A_124 = tpu.memref_slice %arg3[%arg0, %arg1, %run_scoped3A, %dma_start3A_122, %dma_start3A_123] : memref<2x16x25x5x80xi32, #tpu.memory_space<hbm>> -> memref<1x1x1x5x80xi32, #tpu.memory_space<hbm>>
      %dma_start3A_125 = tpu.memref_squeeze %dma_start3A_124 : memref<1x1x1x5x80xi32, #tpu.memory_space<hbm>> -> memref<5x80xi32, #tpu.memory_space<hbm>>
      tpu.enqueue_dma source(%dma_start3A_125 : memref<5x80xi32, #tpu.memory_space<hbm>>) target(%dma_start3A_121 : memref<5x80xi32, #tpu.memory_space<vmem>>) target_semaphore(%run_scoped3A_109 : memref<!tpu.dma_semaphore, #tpu.memory_space<semaphore_mem>>)
      %dma_wait3A_126 = arith.constant 0 : i32
      %dma_wait3A_127 = arith.constant 0 : i32
      %dma_wait3A_128 = tpu.memref_slice %arg6[%run_scoped3A_13, %dma_wait3A_126, %dma_wait3A_127] : memref<2x5x80xi32, #tpu.memory_space<vmem>> -> memref<1x5x80xi32, #tpu.memory_space<vmem>>
      %dma_wait3A_129 = tpu.memref_squeeze %dma_wait3A_128 : memref<1x5x80xi32, #tpu.memory_space<vmem>> -> memref<5x80xi32, #tpu.memory_space<vmem>>
      %dma_wait3A_130 = arith.constant 0 : i32
      %dma_wait3A_131 = arith.constant 0 : i32
      %dma_wait3A_132 = tpu.memref_slice %arg3[%arg0, %arg1, %run_scoped3A, %dma_wait3A_130, %dma_wait3A_131] : memref<2x16x25x5x80xi32, #tpu.memory_space<hbm>> -> memref<1x1x1x5x80xi32, #tpu.memory_space<hbm>>
      %dma_wait3A_133 = tpu.memref_squeeze %dma_wait3A_132 : memref<1x1x1x5x80xi32, #tpu.memory_space<hbm>> -> memref<5x80xi32, #tpu.memory_space<hbm>>
      %dma_wait3A_134 = arith.constant 0 : i32
      %dma_wait3A_135 = arith.constant 0 : i32
      %dma_wait3A_136 = tpu.memref_slice %arg6[%run_scoped3A_13, %dma_wait3A_134, %dma_wait3A_135] : memref<2x5x80xi32, #tpu.memory_space<vmem>> -> memref<1x5x80xi32, #tpu.memory_space<vmem>>
      %dma_wait3A_137 = tpu.memref_squeeze %dma_wait3A_136 : memref<1x5x80xi32, #tpu.memory_space<vmem>> -> memref<5x80xi32, #tpu.memory_space<vmem>>
      %dma_wait3A_138 = arith.constant 0 : i32
      %dma_wait3A_139 = arith.constant 0 : i32
      %dma_wait3A_140 = tpu.memref_slice %arg3[%arg0, %arg1, %run_scoped3A, %dma_wait3A_138, %dma_wait3A_139] : memref<2x16x25x5x80xi32, #tpu.memory_space<hbm>> -> memref<1x1x1x5x80xi32, #tpu.memory_space<hbm>>
      %dma_wait3A_141 = tpu.memref_squeeze %dma_wait3A_140 : memref<1x1x1x5x80xi32, #tpu.memory_space<hbm>> -> memref<5x80xi32, #tpu.memory_space<hbm>>
      tpu.wait_dma2 semaphore(%run_scoped3A_109 : memref<!tpu.dma_semaphore, #tpu.memory_space<semaphore_mem>>) src(%dma_wait3A_141 : memref<5x80xi32, #tpu.memory_space<hbm>>) dst(%dma_wait3A_137 : memref<5x80xi32, #tpu.memory_space<vmem>>)
      tpu.yield
    }) : () -> ()
    %run_scoped3A_14 = arith.constant 0 : i32
    %run_scoped3A_15 = arith.constant 0 : i32
    "tpu.region"() ({
      %run_scoped3A_109 = tpu.sem_alloc : memref<!tpu.dma_semaphore, #tpu.memory_space<semaphore_mem>>
      %dma_start3A_110 = arith.constant 0 : i32
      %dma_start3A_111 = arith.constant 0 : i32
      %dma_start3A_112 = tpu.memref_slice %arg7[%run_scoped3A_15, %dma_start3A_110, %dma_start3A_111] : memref<2x5x80xi32, #tpu.memory_space<vmem>> -> memref<1x5x80xi32, #tpu.memory_space<vmem>>
      %dma_start3A_113 = tpu.memref_squeeze %dma_start3A_112 : memref<1x5x80xi32, #tpu.memory_space<vmem>> -> memref<5x80xi32, #tpu.memory_space<vmem>>
      %dma_start3A_114 = arith.constant 0 : i32
      %dma_start3A_115 = arith.constant 0 : i32
      %dma_start3A_116 = tpu.memref_slice %arg4[%arg0, %arg1, %run_scoped3A_14, %dma_start3A_114, %dma_start3A_115] : memref<2x16x25x5x80xi32, #tpu.memory_space<hbm>> -> memref<1x1x1x5x80xi32, #tpu.memory_space<hbm>>
      %dma_start3A_117 = tpu.memref_squeeze %dma_start3A_116 : memref<1x1x1x5x80xi32, #tpu.memory_space<hbm>> -> memref<5x80xi32, #tpu.memory_space<hbm>>
      %dma_start3A_118 = arith.constant 0 : i32
      %dma_start3A_119 = arith.constant 0 : i32
      %dma_start3A_120 = tpu.memref_slice %arg7[%run_scoped3A_15, %dma_start3A_118, %dma_start3A_119] : memref<2x5x80xi32, #tpu.memory_space<vmem>> -> memref<1x5x80xi32, #tpu.memory_space<vmem>>
      %dma_start3A_121 = tpu.memref_squeeze %dma_start3A_120 : memref<1x5x80xi32, #tpu.memory_space<vmem>> -> memref<5x80xi32, #tpu.memory_space<vmem>>
      %dma_start3A_122 = arith.constant 0 : i32
      %dma_start3A_123 = arith.constant 0 : i32
      %dma_start3A_124 = tpu.memref_slice %arg4[%arg0, %arg1, %run_scoped3A_14, %dma_start3A_122, %dma_start3A_123] : memref<2x16x25x5x80xi32, #tpu.memory_space<hbm>> -> memref<1x1x1x5x80xi32, #tpu.memory_space<hbm>>
      %dma_start3A_125 = tpu.memref_squeeze %dma_start3A_124 : memref<1x1x1x5x80xi32, #tpu.memory_space<hbm>> -> memref<5x80xi32, #tpu.memory_space<hbm>>
      tpu.enqueue_dma source(%dma_start3A_125 : memref<5x80xi32, #tpu.memory_space<hbm>>) target(%dma_start3A_121 : memref<5x80xi32, #tpu.memory_space<vmem>>) target_semaphore(%run_scoped3A_109 : memref<!tpu.dma_semaphore, #tpu.memory_space<semaphore_mem>>)
      %dma_wait3A_126 = arith.constant 0 : i32
      %dma_wait3A_127 = arith.constant 0 : i32
      %dma_wait3A_128 = tpu.memref_slice %arg7[%run_scoped3A_15, %dma_wait3A_126, %dma_wait3A_127] : memref<2x5x80xi32, #tpu.memory_space<vmem>> -> memref<1x5x80xi32, #tpu.memory_space<vmem>>
      %dma_wait3A_129 = tpu.memref_squeeze %dma_wait3A_128 : memref<1x5x80xi32, #tpu.memory_space<vmem>> -> memref<5x80xi32, #tpu.memory_space<vmem>>
      %dma_wait3A_130 = arith.constant 0 : i32
      %dma_wait3A_131 = arith.constant 0 : i32
      %dma_wait3A_132 = tpu.memref_slice %arg4[%arg0, %arg1, %run_scoped3A_14, %dma_wait3A_130, %dma_wait3A_131] : memref<2x16x25x5x80xi32, #tpu.memory_space<hbm>> -> memref<1x1x1x5x80xi32, #tpu.memory_space<hbm>>
      %dma_wait3A_133 = tpu.memref_squeeze %dma_wait3A_132 : memref<1x1x1x5x80xi32, #tpu.memory_space<hbm>> -> memref<5x80xi32, #tpu.memory_space<hbm>>
      %dma_wait3A_134 = arith.constant 0 : i32
      %dma_wait3A_135 = arith.constant 0 : i32
      %dma_wait3A_136 = tpu.memref_slice %arg7[%run_scoped3A_15, %dma_wait3A_134, %dma_wait3A_135] : memref<2x5x80xi32, #tpu.memory_space<vmem>> -> memref<1x5x80xi32, #tpu.memory_space<vmem>>
      %dma_wait3A_137 = tpu.memref_squeeze %dma_wait3A_136 : memref<1x5x80xi32, #tpu.memory_space<vmem>> -> memref<5x80xi32, #tpu.memory_space<vmem>>
      %dma_wait3A_138 = arith.constant 0 : i32
      %dma_wait3A_139 = arith.constant 0 : i32
      %dma_wait3A_140 = tpu.memref_slice %arg4[%arg0, %arg1, %run_scoped3A_14, %dma_wait3A_138, %dma_wait3A_139] : memref<2x16x25x5x80xi32, #tpu.memory_space<hbm>> -> memref<1x1x1x5x80xi32, #tpu.memory_space<hbm>>
      %dma_wait3A_141 = tpu.memref_squeeze %dma_wait3A_140 : memref<1x1x1x5x80xi32, #tpu.memory_space<hbm>> -> memref<5x80xi32, #tpu.memory_space<hbm>>
      tpu.wait_dma2 semaphore(%run_scoped3A_109 : memref<!tpu.dma_semaphore, #tpu.memory_space<semaphore_mem>>) src(%dma_wait3A_141 : memref<5x80xi32, #tpu.memory_space<hbm>>) dst(%dma_wait3A_137 : memref<5x80xi32, #tpu.memory_space<vmem>>)
      tpu.yield
    }) : () -> ()
    %dma_start3A = arith.constant 0 : i32
    %dma_start3A_16 = arith.constant 0 : i32
    %dma_start3A_17 = arith.constant 0 : i32
    %dma_start3A_18 = arith.constant 0 : i32
    %dma_start3A_19 = arith.constant 0 : i32
    %dma_start3A_20 = arith.constant 0 : i32
    %dma_start3A_21 = tpu.memref_slice %arg8[%dma_start3A_17, %dma_start3A_19, %dma_start3A_20] : memref<3x80x128xf32, #tpu.memory_space<vmem>> -> memref<1x80x128xf32, #tpu.memory_space<vmem>>
    %dma_start3A_22 = tpu.memref_squeeze %dma_start3A_21 : memref<1x80x128xf32, #tpu.memory_space<vmem>> -> memref<80x128xf32, #tpu.memory_space<vmem>>
    %dma_start3A_23 = arith.constant 0 : i32
    %dma_start3A_24 = tpu.memref_slice %arg6[%dma_start3A, %dma_start3A_16, %dma_start3A_23] : memref<2x5x80xi32, #tpu.memory_space<vmem>> -> memref<1x1x80xi32, #tpu.memory_space<vmem>>
    %dma_start3A_25 = tpu.memref_squeeze %dma_start3A_24 : memref<1x1x80xi32, #tpu.memory_space<vmem>> -> memref<80xi32, #tpu.memory_space<vmem>>
    %dma_start3A_26 = arith.constant 0 : i32
    %dma_start3A_27 = arith.constant 0 : i32
    %dma_start3A_28 = tpu.memref_slice %arg2[%dma_start3A_26, %dma_start3A_27] : memref<10000x128xf32, #tpu.memory_space<hbm>> -> memref<10000x128xf32, #tpu.memory_space<hbm>>
    %dma_start3A_29 = tpu.memref_slice %arg10[%dma_start3A_18] : memref<3x!tpu.dma_semaphore, #tpu.memory_space<semaphore_mem>> -> memref<1x!tpu.dma_semaphore, #tpu.memory_space<semaphore_mem>>
    %dma_start3A_30 = tpu.memref_squeeze %dma_start3A_29 : memref<1x!tpu.dma_semaphore, #tpu.memory_space<semaphore_mem>> -> memref<!tpu.dma_semaphore, #tpu.memory_space<semaphore_mem>>
    tpu.enqueue_indirect_dma source(%dma_start3A_28 : memref<10000x128xf32, #tpu.memory_space<hbm>>) target(%dma_start3A_22 : memref<80x128xf32, #tpu.memory_space<vmem>>) offsets(%dma_start3A_25 : memref<80xi32, #tpu.memory_space<vmem>>) semaphore(%dma_start3A_30 : memref<!tpu.dma_semaphore, #tpu.memory_space<semaphore_mem>>)
    %dma_start3A_31 = arith.constant 0 : i32
    %dma_start3A_32 = arith.constant 1 : i32
    %dma_start3A_33 = arith.constant 1 : i32
    %dma_start3A_34 = arith.constant 1 : i32
    %dma_start3A_35 = arith.constant 0 : i32
    %dma_start3A_36 = arith.constant 0 : i32
    %dma_start3A_37 = tpu.memref_slice %arg8[%dma_start3A_33, %dma_start3A_35, %dma_start3A_36] : memref<3x80x128xf32, #tpu.memory_space<vmem>> -> memref<1x80x128xf32, #tpu.memory_space<vmem>>
    %dma_start3A_38 = tpu.memref_squeeze %dma_start3A_37 : memref<1x80x128xf32, #tpu.memory_space<vmem>> -> memref<80x128xf32, #tpu.memory_space<vmem>>
    %dma_start3A_39 = arith.constant 0 : i32
    %dma_start3A_40 = tpu.memref_slice %arg6[%dma_start3A_31, %dma_start3A_32, %dma_start3A_39] : memref<2x5x80xi32, #tpu.memory_space<vmem>> -> memref<1x1x80xi32, #tpu.memory_space<vmem>>
    %dma_start3A_41 = tpu.memref_squeeze %dma_start3A_40 : memref<1x1x80xi32, #tpu.memory_space<vmem>> -> memref<80xi32, #tpu.memory_space<vmem>>
    %dma_start3A_42 = arith.constant 0 : i32
    %dma_start3A_43 = arith.constant 0 : i32
    %dma_start3A_44 = tpu.memref_slice %arg2[%dma_start3A_42, %dma_start3A_43] : memref<10000x128xf32, #tpu.memory_space<hbm>> -> memref<10000x128xf32, #tpu.memory_space<hbm>>
    %dma_start3A_45 = tpu.memref_slice %arg10[%dma_start3A_34] : memref<3x!tpu.dma_semaphore, #tpu.memory_space<semaphore_mem>> -> memref<1x!tpu.dma_semaphore, #tpu.memory_space<semaphore_mem>>
    %dma_start3A_46 = tpu.memref_squeeze %dma_start3A_45 : memref<1x!tpu.dma_semaphore, #tpu.memory_space<semaphore_mem>> -> memref<!tpu.dma_semaphore, #tpu.memory_space<semaphore_mem>>
    tpu.enqueue_indirect_dma source(%dma_start3A_44 : memref<10000x128xf32, #tpu.memory_space<hbm>>) target(%dma_start3A_38 : memref<80x128xf32, #tpu.memory_space<vmem>>) offsets(%dma_start3A_41 : memref<80xi32, #tpu.memory_space<vmem>>) semaphore(%dma_start3A_46 : memref<!tpu.dma_semaphore, #tpu.memory_space<semaphore_mem>>)
    %scan3A_47 = arith.constant 0 : i32
    %scan3A_48 = arith.constant 0 : i32
    %scan3A_49 = arith.constant 125 : i32
    %scan3A_50 = arith.addi %scan3A_48, %scan3A_49 : i32
    %scan3A_51 = arith.constant 1 : i32
    %scan3A_52 = scf.for %scan3A_109 = %scan3A_48 to %scan3A_50 step %scan3A_51 iter_args(%scan3A_110 = %scan3A_47) -> (i32)  : i32 {
      %rem3A = arith.constant 3 : i32
      %rem3A_111 = arith.remsi %scan3A_109, %rem3A : i32
      %jit3A = arith.constant 5 : i32
      %div3A = arith.divsi %scan3A_109, %jit3A : i32
      %sign3A = arith.constant 0 : i32
      %sign3A_112 = arith.cmpi sgt, %scan3A_109, %sign3A : i32
      %sign3A_113 = arith.extui %sign3A_112 : i1 to i32
      %sign3A_114 = arith.constant 0 : i32
      %sign3A_115 = arith.cmpi slt, %scan3A_109, %sign3A_114 : i32
      %sign3A_116 = arith.extui %sign3A_115 : i1 to i32
      %sign3A_117 = arith.subi %sign3A_113, %sign3A_116 : i32
      %sign3A_118 = arith.constant 0 : i32
      %sign3A_119 = arith.cmpi sgt, %jit3A, %sign3A_118 : i32
      %sign3A_120 = arith.extui %sign3A_119 : i1 to i32
      %sign3A_121 = arith.constant 0 : i32
      %sign3A_122 = arith.cmpi slt, %jit3A, %sign3A_121 : i32
      %sign3A_123 = arith.extui %sign3A_122 : i1 to i32
      %sign3A_124 = arith.subi %sign3A_120, %sign3A_123 : i32
      %ne3A = arith.cmpi ne, %sign3A_117, %sign3A_124 : i32
      %rem3A_125 = arith.remsi %scan3A_109, %jit3A : i32
      %ne3A_126 = arith.constant 0 : i32
      %ne3A_127 = arith.cmpi ne, %rem3A_125, %ne3A_126 : i32
      %and3A = arith.andi %ne3A, %ne3A_127 : i1
      %sub3A = arith.constant 1 : i32
      %sub3A_128 = arith.subi %div3A, %sub3A : i32
      %select_n3A = arith.select %and3A, %sub3A_128, %div3A : i32
      %jit3A_129 = arith.constant 5 : i32
      %eq3A = arith.constant 0 : i32
      %eq3A_130 = arith.cmpi eq, %jit3A_129, %eq3A : i32
      %jit3A_131 = arith.constant 1 : i32
      %select_n3A_132 = arith.select %eq3A_130, %jit3A_131, %jit3A_129 : i32
      %rem3A_133 = arith.remsi %scan3A_109, %select_n3A_132 : i32
      %ne3A_134 = arith.constant 0 : i32
      %ne3A_135 = arith.cmpi ne, %rem3A_133, %ne3A_134 : i32
      %lt3A = arith.constant 0 : i32
      %lt3A_136 = arith.cmpi slt, %rem3A_133, %lt3A : i32
      %lt3A_137 = arith.constant 0 : i32
      %lt3A_138 = arith.cmpi slt, %select_n3A_132, %lt3A_137 : i32
      %ne3A_139 = arith.xori %lt3A_136, %lt3A_138 : i1
      %and3A_140 = arith.andi %ne3A_139, %ne3A_135 : i1
      %add3A = arith.addi %rem3A_133, %select_n3A_132 : i32
      %select_n3A_141 = arith.select %and3A_140, %add3A, %rem3A_133 : i32
      %rem3A_142 = arith.constant 2 : i32
      %rem3A_143 = arith.remsi %select_n3A, %rem3A_142 : i32
      %eq3A_144 = arith.constant 0 : i32
      %eq3A_145 = arith.cmpi eq, %select_n3A_141, %eq3A_144 : i32
      %convert_element_type3A = arith.extui %eq3A_145 : i1 to i32
      %cond3A = arith.constant 0 : i32
      %cond3A_146 = arith.cmpi ne, %convert_element_type3A, %cond3A : i32
      scf.if %cond3A_146 {
        %add3A_179 = arith.constant 1 : i32
        %add3A_180 = arith.addi %select_n3A, %add3A_179 : i32
        %rem3A_181 = arith.constant 2 : i32
        %rem3A_182 = arith.remsi %add3A_180, %rem3A_181 : i32
        %add3A_183 = arith.constant 1 : i32
        %add3A_184 = arith.addi %select_n3A, %add3A_183 : i32
        %lt3A_185 = arith.constant 25 : i32
        %lt3A_186 = arith.cmpi slt, %add3A_184, %lt3A_185 : i32
        %convert_element_type3A_187 = arith.extui %lt3A_186 : i1 to i32
        %cond3A_188 = arith.constant 0 : i32
        %cond3A_189 = arith.cmpi ne, %convert_element_type3A_187, %cond3A_188 : i32
        scf.if %cond3A_189 {
          %add3A_190 = arith.constant 1 : i32
          %add3A_191 = arith.addi %select_n3A, %add3A_190 : i32
          "tpu.region"() ({
            %run_scoped3A_194 = tpu.sem_alloc : memref<!tpu.dma_semaphore, #tpu.memory_space<semaphore_mem>>
            %dma_start3A_195 = arith.constant 0 : i32
            %dma_start3A_196 = arith.constant 0 : i32
            %dma_start3A_197 = tpu.memref_slice %arg6[%rem3A_182, %dma_start3A_195, %dma_start3A_196] : memref<2x5x80xi32, #tpu.memory_space<vmem>> -> memref<1x5x80xi32, #tpu.memory_space<vmem>>
            %dma_start3A_198 = tpu.memref_squeeze %dma_start3A_197 : memref<1x5x80xi32, #tpu.memory_space<vmem>> -> memref<5x80xi32, #tpu.memory_space<vmem>>
            %dma_start3A_199 = arith.constant 0 : i32
            %dma_start3A_200 = arith.constant 0 : i32
            %dma_start3A_201 = tpu.memref_slice %arg3[%arg0, %arg1, %add3A_191, %dma_start3A_199, %dma_start3A_200] : memref<2x16x25x5x80xi32, #tpu.memory_space<hbm>> -> memref<1x1x1x5x80xi32, #tpu.memory_space<hbm>>
            %dma_start3A_202 = tpu.memref_squeeze %dma_start3A_201 : memref<1x1x1x5x80xi32, #tpu.memory_space<hbm>> -> memref<5x80xi32, #tpu.memory_space<hbm>>
            %dma_start3A_203 = arith.constant 0 : i32
            %dma_start3A_204 = arith.constant 0 : i32
            %dma_start3A_205 = tpu.memref_slice %arg6[%rem3A_182, %dma_start3A_203, %dma_start3A_204] : memref<2x5x80xi32, #tpu.memory_space<vmem>> -> memref<1x5x80xi32, #tpu.memory_space<vmem>>
            %dma_start3A_206 = tpu.memref_squeeze %dma_start3A_205 : memref<1x5x80xi32, #tpu.memory_space<vmem>> -> memref<5x80xi32, #tpu.memory_space<vmem>>
            %dma_start3A_207 = arith.constant 0 : i32
            %dma_start3A_208 = arith.constant 0 : i32
            %dma_start3A_209 = tpu.memref_slice %arg3[%arg0, %arg1, %add3A_191, %dma_start3A_207, %dma_start3A_208] : memref<2x16x25x5x80xi32, #tpu.memory_space<hbm>> -> memref<1x1x1x5x80xi32, #tpu.memory_space<hbm>>
            %dma_start3A_210 = tpu.memref_squeeze %dma_start3A_209 : memref<1x1x1x5x80xi32, #tpu.memory_space<hbm>> -> memref<5x80xi32, #tpu.memory_space<hbm>>
            tpu.enqueue_dma source(%dma_start3A_210 : memref<5x80xi32, #tpu.memory_space<hbm>>) target(%dma_start3A_206 : memref<5x80xi32, #tpu.memory_space<vmem>>) target_semaphore(%run_scoped3A_194 : memref<!tpu.dma_semaphore, #tpu.memory_space<semaphore_mem>>)
            %dma_wait3A_211 = arith.constant 0 : i32
            %dma_wait3A_212 = arith.constant 0 : i32
            %dma_wait3A_213 = tpu.memref_slice %arg6[%rem3A_182, %dma_wait3A_211, %dma_wait3A_212] : memref<2x5x80xi32, #tpu.memory_space<vmem>> -> memref<1x5x80xi32, #tpu.memory_space<vmem>>
            %dma_wait3A_214 = tpu.memref_squeeze %dma_wait3A_213 : memref<1x5x80xi32, #tpu.memory_space<vmem>> -> memref<5x80xi32, #tpu.memory_space<vmem>>
            %dma_wait3A_215 = arith.constant 0 : i32
            %dma_wait3A_216 = arith.constant 0 : i32
            %dma_wait3A_217 = tpu.memref_slice %arg3[%arg0, %arg1, %add3A_191, %dma_wait3A_215, %dma_wait3A_216] : memref<2x16x25x5x80xi32, #tpu.memory_space<hbm>> -> memref<1x1x1x5x80xi32, #tpu.memory_space<hbm>>
            %dma_wait3A_218 = tpu.memref_squeeze %dma_wait3A_217 : memref<1x1x1x5x80xi32, #tpu.memory_space<hbm>> -> memref<5x80xi32, #tpu.memory_space<hbm>>
            %dma_wait3A_219 = arith.constant 0 : i32
            %dma_wait3A_220 = arith.constant 0 : i32
            %dma_wait3A_221 = tpu.memref_slice %arg6[%rem3A_182, %dma_wait3A_219, %dma_wait3A_220] : memref<2x5x80xi32, #tpu.memory_space<vmem>> -> memref<1x5x80xi32, #tpu.memory_space<vmem>>
            %dma_wait3A_222 = tpu.memref_squeeze %dma_wait3A_221 : memref<1x5x80xi32, #tpu.memory_space<vmem>> -> memref<5x80xi32, #tpu.memory_space<vmem>>
            %dma_wait3A_223 = arith.constant 0 : i32
            %dma_wait3A_224 = arith.constant 0 : i32
            %dma_wait3A_225 = tpu.memref_slice %arg3[%arg0, %arg1, %add3A_191, %dma_wait3A_223, %dma_wait3A_224] : memref<2x16x25x5x80xi32, #tpu.memory_space<hbm>> -> memref<1x1x1x5x80xi32, #tpu.memory_space<hbm>>
            %dma_wait3A_226 = tpu.memref_squeeze %dma_wait3A_225 : memref<1x1x1x5x80xi32, #tpu.memory_space<hbm>> -> memref<5x80xi32, #tpu.memory_space<hbm>>
            tpu.wait_dma2 semaphore(%run_scoped3A_194 : memref<!tpu.dma_semaphore, #tpu.memory_space<semaphore_mem>>) src(%dma_wait3A_226 : memref<5x80xi32, #tpu.memory_space<hbm>>) dst(%dma_wait3A_222 : memref<5x80xi32, #tpu.memory_space<vmem>>)
            tpu.yield
          }) : () -> ()
          %add3A_192 = arith.constant 1 : i32
          %add3A_193 = arith.addi %select_n3A, %add3A_192 : i32
          "tpu.region"() ({
            %run_scoped3A_194 = tpu.sem_alloc : memref<!tpu.dma_semaphore, #tpu.memory_space<semaphore_mem>>
            %dma_start3A_195 = arith.constant 0 : i32
            %dma_start3A_196 = arith.constant 0 : i32
            %dma_start3A_197 = tpu.memref_slice %arg7[%rem3A_182, %dma_start3A_195, %dma_start3A_196] : memref<2x5x80xi32, #tpu.memory_space<vmem>> -> memref<1x5x80xi32, #tpu.memory_space<vmem>>
            %dma_start3A_198 = tpu.memref_squeeze %dma_start3A_197 : memref<1x5x80xi32, #tpu.memory_space<vmem>> -> memref<5x80xi32, #tpu.memory_space<vmem>>
            %dma_start3A_199 = arith.constant 0 : i32
            %dma_start3A_200 = arith.constant 0 : i32
            %dma_start3A_201 = tpu.memref_slice %arg4[%arg0, %arg1, %add3A_193, %dma_start3A_199, %dma_start3A_200] : memref<2x16x25x5x80xi32, #tpu.memory_space<hbm>> -> memref<1x1x1x5x80xi32, #tpu.memory_space<hbm>>
            %dma_start3A_202 = tpu.memref_squeeze %dma_start3A_201 : memref<1x1x1x5x80xi32, #tpu.memory_space<hbm>> -> memref<5x80xi32, #tpu.memory_space<hbm>>
            %dma_start3A_203 = arith.constant 0 : i32
            %dma_start3A_204 = arith.constant 0 : i32
            %dma_start3A_205 = tpu.memref_slice %arg7[%rem3A_182, %dma_start3A_203, %dma_start3A_204] : memref<2x5x80xi32, #tpu.memory_space<vmem>> -> memref<1x5x80xi32, #tpu.memory_space<vmem>>
            %dma_start3A_206 = tpu.memref_squeeze %dma_start3A_205 : memref<1x5x80xi32, #tpu.memory_space<vmem>> -> memref<5x80xi32, #tpu.memory_space<vmem>>
            %dma_start3A_207 = arith.constant 0 : i32
            %dma_start3A_208 = arith.constant 0 : i32
            %dma_start3A_209 = tpu.memref_slice %arg4[%arg0, %arg1, %add3A_193, %dma_start3A_207, %dma_start3A_208] : memref<2x16x25x5x80xi32, #tpu.memory_space<hbm>> -> memref<1x1x1x5x80xi32, #tpu.memory_space<hbm>>
            %dma_start3A_210 = tpu.memref_squeeze %dma_start3A_209 : memref<1x1x1x5x80xi32, #tpu.memory_space<hbm>> -> memref<5x80xi32, #tpu.memory_space<hbm>>
            tpu.enqueue_dma source(%dma_start3A_210 : memref<5x80xi32, #tpu.memory_space<hbm>>) target(%dma_start3A_206 : memref<5x80xi32, #tpu.memory_space<vmem>>) target_semaphore(%run_scoped3A_194 : memref<!tpu.dma_semaphore, #tpu.memory_space<semaphore_mem>>)
            %dma_wait3A_211 = arith.constant 0 : i32
            %dma_wait3A_212 = arith.constant 0 : i32
            %dma_wait3A_213 = tpu.memref_slice %arg7[%rem3A_182, %dma_wait3A_211, %dma_wait3A_212] : memref<2x5x80xi32, #tpu.memory_space<vmem>> -> memref<1x5x80xi32, #tpu.memory_space<vmem>>
            %dma_wait3A_214 = tpu.memref_squeeze %dma_wait3A_213 : memref<1x5x80xi32, #tpu.memory_space<vmem>> -> memref<5x80xi32, #tpu.memory_space<vmem>>
            %dma_wait3A_215 = arith.constant 0 : i32
            %dma_wait3A_216 = arith.constant 0 : i32
            %dma_wait3A_217 = tpu.memref_slice %arg4[%arg0, %arg1, %add3A_193, %dma_wait3A_215, %dma_wait3A_216] : memref<2x16x25x5x80xi32, #tpu.memory_space<hbm>> -> memref<1x1x1x5x80xi32, #tpu.memory_space<hbm>>
            %dma_wait3A_218 = tpu.memref_squeeze %dma_wait3A_217 : memref<1x1x1x5x80xi32, #tpu.memory_space<hbm>> -> memref<5x80xi32, #tpu.memory_space<hbm>>
            %dma_wait3A_219 = arith.constant 0 : i32
            %dma_wait3A_220 = arith.constant 0 : i32
            %dma_wait3A_221 = tpu.memref_slice %arg7[%rem3A_182, %dma_wait3A_219, %dma_wait3A_220] : memref<2x5x80xi32, #tpu.memory_space<vmem>> -> memref<1x5x80xi32, #tpu.memory_space<vmem>>
            %dma_wait3A_222 = tpu.memref_squeeze %dma_wait3A_221 : memref<1x5x80xi32, #tpu.memory_space<vmem>> -> memref<5x80xi32, #tpu.memory_space<vmem>>
            %dma_wait3A_223 = arith.constant 0 : i32
            %dma_wait3A_224 = arith.constant 0 : i32
            %dma_wait3A_225 = tpu.memref_slice %arg4[%arg0, %arg1, %add3A_193, %dma_wait3A_223, %dma_wait3A_224] : memref<2x16x25x5x80xi32, #tpu.memory_space<hbm>> -> memref<1x1x1x5x80xi32, #tpu.memory_space<hbm>>
            %dma_wait3A_226 = tpu.memref_squeeze %dma_wait3A_225 : memref<1x1x1x5x80xi32, #tpu.memory_space<hbm>> -> memref<5x80xi32, #tpu.memory_space<hbm>>
            tpu.wait_dma2 semaphore(%run_scoped3A_194 : memref<!tpu.dma_semaphore, #tpu.memory_space<semaphore_mem>>) src(%dma_wait3A_226 : memref<5x80xi32, #tpu.memory_space<hbm>>) dst(%dma_wait3A_222 : memref<5x80xi32, #tpu.memory_space<vmem>>)
            tpu.yield
          }) : () -> ()
        } else {
        }
      } else {
      }
      %dma_wait3A_147 = arith.constant 0 : i32
      %dma_wait3A_148 = arith.constant 0 : i32
      %dma_wait3A_149 = tpu.memref_slice %arg8[%rem3A_111, %dma_wait3A_147, %dma_wait3A_148] : memref<3x80x128xf32, #tpu.memory_space<vmem>> -> memref<1x80x128xf32, #tpu.memory_space<vmem>>
      %dma_wait3A_150 = tpu.memref_squeeze %dma_wait3A_149 : memref<1x80x128xf32, #tpu.memory_space<vmem>> -> memref<80x128xf32, #tpu.memory_space<vmem>>
      %dma_wait3A_151 = arith.constant 0 : i32
      %dma_wait3A_152 = tpu.memref_slice %arg6[%rem3A_143, %select_n3A_141, %dma_wait3A_151] : memref<2x5x80xi32, #tpu.memory_space<vmem>> -> memref<1x1x80xi32, #tpu.memory_space<vmem>>
      %dma_wait3A_153 = tpu.memref_squeeze %dma_wait3A_152 : memref<1x1x80xi32, #tpu.memory_space<vmem>> -> memref<80xi32, #tpu.memory_space<vmem>>
      %dma_wait3A_154 = arith.constant 0 : i32
      %dma_wait3A_155 = arith.constant 0 : i32
      %dma_wait3A_156 = tpu.memref_slice %arg2[%dma_wait3A_154, %dma_wait3A_155] : memref<10000x128xf32, #tpu.memory_space<hbm>> -> memref<10000x128xf32, #tpu.memory_space<hbm>>
      %dma_wait3A_157 = tpu.memref_slice %arg10[%rem3A_111] : memref<3x!tpu.dma_semaphore, #tpu.memory_space<semaphore_mem>> -> memref<1x!tpu.dma_semaphore, #tpu.memory_space<semaphore_mem>>
      %dma_wait3A_158 = tpu.memref_squeeze %dma_wait3A_157 : memref<1x!tpu.dma_semaphore, #tpu.memory_space<semaphore_mem>> -> memref<!tpu.dma_semaphore, #tpu.memory_space<semaphore_mem>>
      tpu.wait_indirect_dma semaphore(%dma_wait3A_158 : memref<!tpu.dma_semaphore, #tpu.memory_space<semaphore_mem>>) src(%dma_wait3A_156 : memref<10000x128xf32, #tpu.memory_space<hbm>>) dst(%dma_wait3A_150 : memref<80x128xf32, #tpu.memory_space<vmem>>)
      %dma_start3A_159 = arith.constant 0 : i32
      %dma_start3A_160 = arith.constant 0 : i32
      %dma_start3A_161 = tpu.memref_slice %arg8[%rem3A_111, %dma_start3A_159, %dma_start3A_160] : memref<3x80x128xf32, #tpu.memory_space<vmem>> -> memref<1x80x128xf32, #tpu.memory_space<vmem>>
      %dma_start3A_162 = tpu.memref_squeeze %dma_start3A_161 : memref<1x80x128xf32, #tpu.memory_space<vmem>> -> memref<80x128xf32, #tpu.memory_space<vmem>>
      %dma_start3A_163 = arith.constant 0 : i32
      %dma_start3A_164 = tpu.memref_slice %arg7[%rem3A_143, %select_n3A_141, %dma_start3A_163] : memref<2x5x80xi32, #tpu.memory_space<vmem>> -> memref<1x1x80xi32, #tpu.memory_space<vmem>>
      %dma_start3A_165 = tpu.memref_squeeze %dma_start3A_164 : memref<1x1x80xi32, #tpu.memory_space<vmem>> -> memref<80xi32, #tpu.memory_space<vmem>>
      %dma_start3A_166 = arith.constant 0 : i32
      %dma_start3A_167 = arith.constant 0 : i32
      %dma_start3A_168 = tpu.memref_slice %arg9[%dma_start3A_166, %dma_start3A_167] : memref<10000x128xf32, #tpu.memory_space<vmem_shared>> -> memref<10000x128xf32, #tpu.memory_space<vmem_shared>>
      %dma_start3A_169 = tpu.memref_slice %arg11[%rem3A_111] : memref<3x!tpu.dma_semaphore, #tpu.memory_space<semaphore_mem>> -> memref<1x!tpu.dma_semaphore, #tpu.memory_space<semaphore_mem>>
      %dma_start3A_170 = tpu.memref_squeeze %dma_start3A_169 : memref<1x!tpu.dma_semaphore, #tpu.memory_space<semaphore_mem>> -> memref<!tpu.dma_semaphore, #tpu.memory_space<semaphore_mem>>
      tpu.enqueue_indirect_dma source(%dma_start3A_162 : memref<80x128xf32, #tpu.memory_space<vmem>>) target(%dma_start3A_168 : memref<10000x128xf32, #tpu.memory_space<vmem_shared>>) offsets(%dma_start3A_165 : memref<80xi32, #tpu.memory_space<vmem>>) semaphore(%dma_start3A_170 : memref<!tpu.dma_semaphore, #tpu.memory_space<semaphore_mem>>) {add = true}
      %add3A_171 = arith.constant 2 : i32
      %add3A_172 = arith.addi %scan3A_109, %add3A_171 : i32
      %lt3A_173 = arith.constant 125 : i32
      %lt3A_174 = arith.cmpi slt, %add3A_172, %lt3A_173 : i32
      %convert_element_type3A_175 = arith.extui %lt3A_174 : i1 to i32
      %cond3A_176 = arith.constant 0 : i32
      %cond3A_177 = arith.cmpi ne, %convert_element_type3A_175, %cond3A_176 : i32
      scf.if %cond3A_177 {
        %rem3A_179 = arith.constant 3 : i32
        %rem3A_180 = arith.remsi %add3A_172, %rem3A_179 : i32
        %jit3A_181 = arith.constant 5 : i32
        %div3A_182 = arith.divsi %add3A_172, %jit3A_181 : i32
        %sign3A_183 = arith.constant 0 : i32
        %sign3A_184 = arith.cmpi sgt, %add3A_172, %sign3A_183 : i32
        %sign3A_185 = arith.extui %sign3A_184 : i1 to i32
        %sign3A_186 = arith.constant 0 : i32
        %sign3A_187 = arith.cmpi slt, %add3A_172, %sign3A_186 : i32
        %sign3A_188 = arith.extui %sign3A_187 : i1 to i32
        %sign3A_189 = arith.subi %sign3A_185, %sign3A_188 : i32
        %sign3A_190 = arith.constant 0 : i32
        %sign3A_191 = arith.cmpi sgt, %jit3A_181, %sign3A_190 : i32
        %sign3A_192 = arith.extui %sign3A_191 : i1 to i32
        %sign3A_193 = arith.constant 0 : i32
        %sign3A_194 = arith.cmpi slt, %jit3A_181, %sign3A_193 : i32
        %sign3A_195 = arith.extui %sign3A_194 : i1 to i32
        %sign3A_196 = arith.subi %sign3A_192, %sign3A_195 : i32
        %ne3A_197 = arith.cmpi ne, %sign3A_189, %sign3A_196 : i32
        %rem3A_198 = arith.remsi %add3A_172, %jit3A_181 : i32
        %ne3A_199 = arith.constant 0 : i32
        %ne3A_200 = arith.cmpi ne, %rem3A_198, %ne3A_199 : i32
        %and3A_201 = arith.andi %ne3A_197, %ne3A_200 : i1
        %sub3A_202 = arith.constant 1 : i32
        %sub3A_203 = arith.subi %div3A_182, %sub3A_202 : i32
        %select_n3A_204 = arith.select %and3A_201, %sub3A_203, %div3A_182 : i32
        %jit3A_205 = arith.constant 5 : i32
        %eq3A_206 = arith.constant 0 : i32
        %eq3A_207 = arith.cmpi eq, %jit3A_205, %eq3A_206 : i32
        %jit3A_208 = arith.constant 1 : i32
        %select_n3A_209 = arith.select %eq3A_207, %jit3A_208, %jit3A_205 : i32
        %rem3A_210 = arith.remsi %add3A_172, %select_n3A_209 : i32
        %ne3A_211 = arith.constant 0 : i32
        %ne3A_212 = arith.cmpi ne, %rem3A_210, %ne3A_211 : i32
        %lt3A_213 = arith.constant 0 : i32
        %lt3A_214 = arith.cmpi slt, %rem3A_210, %lt3A_213 : i32
        %lt3A_215 = arith.constant 0 : i32
        %lt3A_216 = arith.cmpi slt, %select_n3A_209, %lt3A_215 : i32
        %ne3A_217 = arith.xori %lt3A_214, %lt3A_216 : i1
        %and3A_218 = arith.andi %ne3A_217, %ne3A_212 : i1
        %add3A_219 = arith.addi %rem3A_210, %select_n3A_209 : i32
        %select_n3A_220 = arith.select %and3A_218, %add3A_219, %rem3A_210 : i32
        %ge3A = arith.constant 1 : i32
        %ge3A_221 = arith.cmpi sge, %scan3A_109, %ge3A : i32
        %convert_element_type3A_222 = arith.extui %ge3A_221 : i1 to i32
        %cond3A_223 = arith.constant 0 : i32
        %cond3A_224 = arith.cmpi ne, %convert_element_type3A_222, %cond3A_223 : i32
        scf.if %cond3A_224 {
          %dma_wait3A_239 = arith.constant 0 : i32
          %dma_wait3A_240 = arith.constant 0 : i32
          %dma_wait3A_241 = tpu.memref_slice %arg8[%rem3A_180, %dma_wait3A_239, %dma_wait3A_240] : memref<3x80x128xf32, #tpu.memory_space<vmem>> -> memref<1x80x128xf32, #tpu.memory_space<vmem>>
          %dma_wait3A_242 = tpu.memref_squeeze %dma_wait3A_241 : memref<1x80x128xf32, #tpu.memory_space<vmem>> -> memref<80x128xf32, #tpu.memory_space<vmem>>
          %dma_wait3A_243 = arith.constant 0 : i32
          %dma_wait3A_244 = tpu.memref_slice %arg7[%rem3A_143, %select_n3A_141, %dma_wait3A_243] : memref<2x5x80xi32, #tpu.memory_space<vmem>> -> memref<1x1x80xi32, #tpu.memory_space<vmem>>
          %dma_wait3A_245 = tpu.memref_squeeze %dma_wait3A_244 : memref<1x1x80xi32, #tpu.memory_space<vmem>> -> memref<80xi32, #tpu.memory_space<vmem>>
          %dma_wait3A_246 = arith.constant 0 : i32
          %dma_wait3A_247 = arith.constant 0 : i32
          %dma_wait3A_248 = tpu.memref_slice %arg9[%dma_wait3A_246, %dma_wait3A_247] : memref<10000x128xf32, #tpu.memory_space<vmem_shared>> -> memref<10000x128xf32, #tpu.memory_space<vmem_shared>>
          %dma_wait3A_249 = tpu.memref_slice %arg11[%rem3A_180] : memref<3x!tpu.dma_semaphore, #tpu.memory_space<semaphore_mem>> -> memref<1x!tpu.dma_semaphore, #tpu.memory_space<semaphore_mem>>
          %dma_wait3A_250 = tpu.memref_squeeze %dma_wait3A_249 : memref<1x!tpu.dma_semaphore, #tpu.memory_space<semaphore_mem>> -> memref<!tpu.dma_semaphore, #tpu.memory_space<semaphore_mem>>
          tpu.wait_indirect_dma semaphore(%dma_wait3A_250 : memref<!tpu.dma_semaphore, #tpu.memory_space<semaphore_mem>>) src(%dma_wait3A_242 : memref<80x128xf32, #tpu.memory_space<vmem>>) dst(%dma_wait3A_248 : memref<10000x128xf32, #tpu.memory_space<vmem_shared>>)
        } else {
        }
        %rem3A_225 = arith.constant 2 : i32
        %rem3A_226 = arith.remsi %select_n3A_204, %rem3A_225 : i32
        %dma_start3A_227 = arith.constant 0 : i32
        %dma_start3A_228 = arith.constant 0 : i32
        %dma_start3A_229 = tpu.memref_slice %arg8[%rem3A_180, %dma_start3A_227, %dma_start3A_228] : memref<3x80x128xf32, #tpu.memory_space<vmem>> -> memref<1x80x128xf32, #tpu.memory_space<vmem>>
        %dma_start3A_230 = tpu.memref_squeeze %dma_start3A_229 : memref<1x80x128xf32, #tpu.memory_space<vmem>> -> memref<80x128xf32, #tpu.memory_space<vmem>>
        %dma_start3A_231 = arith.constant 0 : i32
        %dma_start3A_232 = tpu.memref_slice %arg6[%rem3A_226, %select_n3A_220, %dma_start3A_231] : memref<2x5x80xi32, #tpu.memory_space<vmem>> -> memref<1x1x80xi32, #tpu.memory_space<vmem>>
        %dma_start3A_233 = tpu.memref_squeeze %dma_start3A_232 : memref<1x1x80xi32, #tpu.memory_space<vmem>> -> memref<80xi32, #tpu.memory_space<vmem>>
        %dma_start3A_234 = arith.constant 0 : i32
        %dma_start3A_235 = arith.constant 0 : i32
        %dma_start3A_236 = tpu.memref_slice %arg2[%dma_start3A_234, %dma_start3A_235] : memref<10000x128xf32, #tpu.memory_space<hbm>> -> memref<10000x128xf32, #tpu.memory_space<hbm>>
        %dma_start3A_237 = tpu.memref_slice %arg10[%rem3A_180] : memref<3x!tpu.dma_semaphore, #tpu.memory_space<semaphore_mem>> -> memref<1x!tpu.dma_semaphore, #tpu.memory_space<semaphore_mem>>
        %dma_start3A_238 = tpu.memref_squeeze %dma_start3A_237 : memref<1x!tpu.dma_semaphore, #tpu.memory_space<semaphore_mem>> -> memref<!tpu.dma_semaphore, #tpu.memory_space<semaphore_mem>>
        tpu.enqueue_indirect_dma source(%dma_start3A_236 : memref<10000x128xf32, #tpu.memory_space<hbm>>) target(%dma_start3A_230 : memref<80x128xf32, #tpu.memory_space<vmem>>) offsets(%dma_start3A_233 : memref<80xi32, #tpu.memory_space<vmem>>) semaphore(%dma_start3A_238 : memref<!tpu.dma_semaphore, #tpu.memory_space<semaphore_mem>>)
      } else {
      }
      %scan3A_178 = arith.constant 0 : i32
      scf.yield %scan3A_178 : i32
    }
    %scan3A_53 = arith.constant 125 : i32
    %dma_wait3A = arith.constant 2 : i32
    %dma_wait3A_54 = arith.constant 0 : i32
    %dma_wait3A_55 = arith.constant 0 : i32
    %dma_wait3A_56 = arith.constant 2 : i32
    %dma_wait3A_57 = arith.constant 0 : i32
    %dma_wait3A_58 = arith.constant 0 : i32
    %dma_wait3A_59 = tpu.memref_slice %arg8[%dma_wait3A, %dma_wait3A_57, %dma_wait3A_58] : memref<3x80x128xf32, #tpu.memory_space<vmem>> -> memref<1x80x128xf32, #tpu.memory_space<vmem>>
    %dma_wait3A_60 = tpu.memref_squeeze %dma_wait3A_59 : memref<1x80x128xf32, #tpu.memory_space<vmem>> -> memref<80x128xf32, #tpu.memory_space<vmem>>
    %dma_wait3A_61 = arith.constant 0 : i32
    %dma_wait3A_62 = tpu.memref_slice %arg7[%dma_wait3A_54, %dma_wait3A_55, %dma_wait3A_61] : memref<2x5x80xi32, #tpu.memory_space<vmem>> -> memref<1x1x80xi32, #tpu.memory_space<vmem>>
    %dma_wait3A_63 = tpu.memref_squeeze %dma_wait3A_62 : memref<1x1x80xi32, #tpu.memory_space<vmem>> -> memref<80xi32, #tpu.memory_space<vmem>>
    %dma_wait3A_64 = arith.constant 0 : i32
    %dma_wait3A_65 = arith.constant 0 : i32
    %dma_wait3A_66 = tpu.memref_slice %arg9[%dma_wait3A_64, %dma_wait3A_65] : memref<10000x128xf32, #tpu.memory_space<vmem_shared>> -> memref<10000x128xf32, #tpu.memory_space<vmem_shared>>
    %dma_wait3A_67 = tpu.memref_slice %arg11[%dma_wait3A_56] : memref<3x!tpu.dma_semaphore, #tpu.memory_space<semaphore_mem>> -> memref<1x!tpu.dma_semaphore, #tpu.memory_space<semaphore_mem>>
    %dma_wait3A_68 = tpu.memref_squeeze %dma_wait3A_67 : memref<1x!tpu.dma_semaphore, #tpu.memory_space<semaphore_mem>> -> memref<!tpu.dma_semaphore, #tpu.memory_space<semaphore_mem>>
    tpu.wait_indirect_dma semaphore(%dma_wait3A_68 : memref<!tpu.dma_semaphore, #tpu.memory_space<semaphore_mem>>) src(%dma_wait3A_60 : memref<80x128xf32, #tpu.memory_space<vmem>>) dst(%dma_wait3A_66 : memref<10000x128xf32, #tpu.memory_space<vmem_shared>>)
    %dma_wait3A_69 = arith.constant 0 : i32
    %dma_wait3A_70 = arith.constant 0 : i32
    %dma_wait3A_71 = arith.constant 0 : i32
    %dma_wait3A_72 = arith.constant 0 : i32
    %dma_wait3A_73 = arith.constant 0 : i32
    %dma_wait3A_74 = arith.constant 0 : i32
    %dma_wait3A_75 = tpu.memref_slice %arg8[%dma_wait3A_69, %dma_wait3A_73, %dma_wait3A_74] : memref<3x80x128xf32, #tpu.memory_space<vmem>> -> memref<1x80x128xf32, #tpu.memory_space<vmem>>
    %dma_wait3A_76 = tpu.memref_squeeze %dma_wait3A_75 : memref<1x80x128xf32, #tpu.memory_space<vmem>> -> memref<80x128xf32, #tpu.memory_space<vmem>>
    %dma_wait3A_77 = arith.constant 0 : i32
    %dma_wait3A_78 = tpu.memref_slice %arg7[%dma_wait3A_70, %dma_wait3A_71, %dma_wait3A_77] : memref<2x5x80xi32, #tpu.memory_space<vmem>> -> memref<1x1x80xi32, #tpu.memory_space<vmem>>
    %dma_wait3A_79 = tpu.memref_squeeze %dma_wait3A_78 : memref<1x1x80xi32, #tpu.memory_space<vmem>> -> memref<80xi32, #tpu.memory_space<vmem>>
    %dma_wait3A_80 = arith.constant 0 : i32
    %dma_wait3A_81 = arith.constant 0 : i32
    %dma_wait3A_82 = tpu.memref_slice %arg9[%dma_wait3A_80, %dma_wait3A_81] : memref<10000x128xf32, #tpu.memory_space<vmem_shared>> -> memref<10000x128xf32, #tpu.memory_space<vmem_shared>>
    %dma_wait3A_83 = tpu.memref_slice %arg11[%dma_wait3A_72] : memref<3x!tpu.dma_semaphore, #tpu.memory_space<semaphore_mem>> -> memref<1x!tpu.dma_semaphore, #tpu.memory_space<semaphore_mem>>
    %dma_wait3A_84 = tpu.memref_squeeze %dma_wait3A_83 : memref<1x!tpu.dma_semaphore, #tpu.memory_space<semaphore_mem>> -> memref<!tpu.dma_semaphore, #tpu.memory_space<semaphore_mem>>
    tpu.wait_indirect_dma semaphore(%dma_wait3A_84 : memref<!tpu.dma_semaphore, #tpu.memory_space<semaphore_mem>>) src(%dma_wait3A_76 : memref<80x128xf32, #tpu.memory_space<vmem>>) dst(%dma_wait3A_82 : memref<10000x128xf32, #tpu.memory_space<vmem_shared>>)
    %dma_wait3A_85 = arith.constant 1 : i32
    %dma_wait3A_86 = arith.constant 0 : i32
    %dma_wait3A_87 = arith.constant 0 : i32
    %dma_wait3A_88 = arith.constant 1 : i32
    %dma_wait3A_89 = arith.constant 0 : i32
    %dma_wait3A_90 = arith.constant 0 : i32
    %dma_wait3A_91 = tpu.memref_slice %arg8[%dma_wait3A_85, %dma_wait3A_89, %dma_wait3A_90] : memref<3x80x128xf32, #tpu.memory_space<vmem>> -> memref<1x80x128xf32, #tpu.memory_space<vmem>>
    %dma_wait3A_92 = tpu.memref_squeeze %dma_wait3A_91 : memref<1x80x128xf32, #tpu.memory_space<vmem>> -> memref<80x128xf32, #tpu.memory_space<vmem>>
    %dma_wait3A_93 = arith.constant 0 : i32
    %dma_wait3A_94 = tpu.memref_slice %arg7[%dma_wait3A_86, %dma_wait3A_87, %dma_wait3A_93] : memref<2x5x80xi32, #tpu.memory_space<vmem>> -> memref<1x1x80xi32, #tpu.memory_space<vmem>>
    %dma_wait3A_95 = tpu.memref_squeeze %dma_wait3A_94 : memref<1x1x80xi32, #tpu.memory_space<vmem>> -> memref<80xi32, #tpu.memory_space<vmem>>
    %dma_wait3A_96 = arith.constant 0 : i32
    %dma_wait3A_97 = arith.constant 0 : i32
    %dma_wait3A_98 = tpu.memref_slice %arg9[%dma_wait3A_96, %dma_wait3A_97] : memref<10000x128xf32, #tpu.memory_space<vmem_shared>> -> memref<10000x128xf32, #tpu.memory_space<vmem_shared>>
    %dma_wait3A_99 = tpu.memref_slice %arg11[%dma_wait3A_88] : memref<3x!tpu.dma_semaphore, #tpu.memory_space<semaphore_mem>> -> memref<1x!tpu.dma_semaphore, #tpu.memory_space<semaphore_mem>>
    %dma_wait3A_100 = tpu.memref_squeeze %dma_wait3A_99 : memref<1x!tpu.dma_semaphore, #tpu.memory_space<semaphore_mem>> -> memref<!tpu.dma_semaphore, #tpu.memory_space<semaphore_mem>>
    tpu.wait_indirect_dma semaphore(%dma_wait3A_100 : memref<!tpu.dma_semaphore, #tpu.memory_space<semaphore_mem>>) src(%dma_wait3A_92 : memref<80x128xf32, #tpu.memory_space<vmem>>) dst(%dma_wait3A_98 : memref<10000x128xf32, #tpu.memory_space<vmem_shared>>)
    %barrier3A_101 = arith.constant 0 : index
    tpu.barrier barrier_id(%barrier3A_101)
    %scan3A_102 = arith.constant 0 : i32
    %scan3A_103 = arith.constant 0 : i32
    %scan3A_104 = arith.constant 8 : i32
    %scan3A_105 = arith.addi %scan3A_103, %scan3A_104 : i32
    %scan3A_106 = arith.constant 1 : i32
    %scan3A_107 = scf.for %scan3A_109 = %scan3A_103 to %scan3A_105 step %scan3A_106 iter_args(%scan3A_110 = %scan3A_102) -> (i32)  : i32 {
      %mul3A = arith.constant 16 : i32
      %mul3A_111 = arith.muli %scan3A_109, %mul3A : i32
      %add3A = arith.addi %mul3A_111, %arg1 : i32
      %lt3A = arith.constant 125 : i32
      %lt3A_112 = arith.cmpi slt, %add3A, %lt3A : i32
      %convert_element_type3A = arith.extui %lt3A_112 : i1 to i32
      %cond3A = arith.constant 0 : i32
      %cond3A_113 = arith.cmpi ne, %convert_element_type3A, %cond3A : i32
      scf.if %cond3A_113 {
        %mul3A_115 = arith.constant 80 : i32
        %mul3A_116 = arith.muli %add3A, %mul3A_115 : i32
        %multiple_of3A = tpu.assume_multiple %mul3A_116, 8 : i32
        %run_scoped3A_117 = arith.constant 0 : i32
        "tpu.region"() ({
          %run_scoped3A_119 = tpu.sem_alloc : memref<!tpu.dma_semaphore, #tpu.memory_space<semaphore_mem>>
          %dma_start3A_120 = arith.constant 0 : i32
          %dma_start3A_121 = arith.constant 0 : i32
          %dma_start3A_122 = tpu.memref_slice %arg8[%run_scoped3A_117, %dma_start3A_120, %dma_start3A_121] : memref<3x80x128xf32, #tpu.memory_space<vmem>> -> memref<1x80x128xf32, #tpu.memory_space<vmem>>
          %dma_start3A_123 = tpu.memref_squeeze %dma_start3A_122 : memref<1x80x128xf32, #tpu.memory_space<vmem>> -> memref<80x128xf32, #tpu.memory_space<vmem>>
          %dma_start3A_124 = arith.constant 0 : i32
          %dma_start3A_125 = tpu.memref_slice %arg9[%multiple_of3A, %dma_start3A_124] : memref<10000x128xf32, #tpu.memory_space<vmem_shared>> -> memref<80x128xf32, #tpu.memory_space<vmem_shared>>
          %dma_start3A_126 = arith.constant 0 : i32
          %dma_start3A_127 = arith.constant 0 : i32
          %dma_start3A_128 = tpu.memref_slice %arg8[%run_scoped3A_117, %dma_start3A_126, %dma_start3A_127] : memref<3x80x128xf32, #tpu.memory_space<vmem>> -> memref<1x80x128xf32, #tpu.memory_space<vmem>>
          %dma_start3A_129 = tpu.memref_squeeze %dma_start3A_128 : memref<1x80x128xf32, #tpu.memory_space<vmem>> -> memref<80x128xf32, #tpu.memory_space<vmem>>
          %dma_start3A_130 = arith.constant 0 : i32
          %dma_start3A_131 = tpu.memref_slice %arg9[%multiple_of3A, %dma_start3A_130] : memref<10000x128xf32, #tpu.memory_space<vmem_shared>> -> memref<80x128xf32, #tpu.memory_space<vmem_shared>>
          tpu.enqueue_dma source(%dma_start3A_131 : memref<80x128xf32, #tpu.memory_space<vmem_shared>>) target(%dma_start3A_129 : memref<80x128xf32, #tpu.memory_space<vmem>>) target_semaphore(%run_scoped3A_119 : memref<!tpu.dma_semaphore, #tpu.memory_space<semaphore_mem>>)
          %dma_wait3A_132 = arith.constant 0 : i32
          %dma_wait3A_133 = arith.constant 0 : i32
          %dma_wait3A_134 = tpu.memref_slice %arg8[%run_scoped3A_117, %dma_wait3A_132, %dma_wait3A_133] : memref<3x80x128xf32, #tpu.memory_space<vmem>> -> memref<1x80x128xf32, #tpu.memory_space<vmem>>
          %dma_wait3A_135 = tpu.memref_squeeze %dma_wait3A_134 : memref<1x80x128xf32, #tpu.memory_space<vmem>> -> memref<80x128xf32, #tpu.memory_space<vmem>>
          %dma_wait3A_136 = arith.constant 0 : i32
          %dma_wait3A_137 = tpu.memref_slice %arg9[%multiple_of3A, %dma_wait3A_136] : memref<10000x128xf32, #tpu.memory_space<vmem_shared>> -> memref<80x128xf32, #tpu.memory_space<vmem_shared>>
          %dma_wait3A_138 = arith.constant 0 : i32
          %dma_wait3A_139 = arith.constant 0 : i32
          %dma_wait3A_140 = tpu.memref_slice %arg8[%run_scoped3A_117, %dma_wait3A_138, %dma_wait3A_139] : memref<3x80x128xf32, #tpu.memory_space<vmem>> -> memref<1x80x128xf32, #tpu.memory_space<vmem>>
          %dma_wait3A_141 = tpu.memref_squeeze %dma_wait3A_140 : memref<1x80x128xf32, #tpu.memory_space<vmem>> -> memref<80x128xf32, #tpu.memory_space<vmem>>
          %dma_wait3A_142 = arith.constant 0 : i32
          %dma_wait3A_143 = tpu.memref_slice %arg9[%multiple_of3A, %dma_wait3A_142] : memref<10000x128xf32, #tpu.memory_space<vmem_shared>> -> memref<80x128xf32, #tpu.memory_space<vmem_shared>>
          tpu.wait_dma2 semaphore(%run_scoped3A_119 : memref<!tpu.dma_semaphore, #tpu.memory_space<semaphore_mem>>) src(%dma_wait3A_143 : memref<80x128xf32, #tpu.memory_space<vmem_shared>>) dst(%dma_wait3A_141 : memref<80x128xf32, #tpu.memory_space<vmem>>)
          tpu.yield
        }) : () -> ()
        %run_scoped3A_118 = arith.constant 0 : i32
        "tpu.region"() ({
          %run_scoped3A_119 = tpu.sem_alloc : memref<!tpu.dma_semaphore, #tpu.memory_space<semaphore_mem>>
          %dma_start3A_120 = arith.constant 0 : i32
          %dma_start3A_121 = arith.constant 0 : i32
          %dma_start3A_122 = tpu.memref_slice %arg8[%run_scoped3A_118, %dma_start3A_120, %dma_start3A_121] : memref<3x80x128xf32, #tpu.memory_space<vmem>> -> memref<1x80x128xf32, #tpu.memory_space<vmem>>
          %dma_start3A_123 = tpu.memref_squeeze %dma_start3A_122 : memref<1x80x128xf32, #tpu.memory_space<vmem>> -> memref<80x128xf32, #tpu.memory_space<vmem>>
          %dma_start3A_124 = arith.constant 0 : i32
          %dma_start3A_125 = tpu.memref_slice %arg5[%arg0, %multiple_of3A, %dma_start3A_124] : memref<2x10000x128xf32, #tpu.memory_space<hbm>> -> memref<1x80x128xf32, #tpu.memory_space<hbm>>
          %dma_start3A_126 = tpu.memref_squeeze %dma_start3A_125 : memref<1x80x128xf32, #tpu.memory_space<hbm>> -> memref<80x128xf32, #tpu.memory_space<hbm>>
          %dma_start3A_127 = arith.constant 0 : i32
          %dma_start3A_128 = tpu.memref_slice %arg5[%arg0, %multiple_of3A, %dma_start3A_127] : memref<2x10000x128xf32, #tpu.memory_space<hbm>> -> memref<1x80x128xf32, #tpu.memory_space<hbm>>
          %dma_start3A_129 = tpu.memref_squeeze %dma_start3A_128 : memref<1x80x128xf32, #tpu.memory_space<hbm>> -> memref<80x128xf32, #tpu.memory_space<hbm>>
          %dma_start3A_130 = arith.constant 0 : i32
          %dma_start3A_131 = arith.constant 0 : i32
          %dma_start3A_132 = tpu.memref_slice %arg8[%run_scoped3A_118, %dma_start3A_130, %dma_start3A_131] : memref<3x80x128xf32, #tpu.memory_space<vmem>> -> memref<1x80x128xf32, #tpu.memory_space<vmem>>
          %dma_start3A_133 = tpu.memref_squeeze %dma_start3A_132 : memref<1x80x128xf32, #tpu.memory_space<vmem>> -> memref<80x128xf32, #tpu.memory_space<vmem>>
          tpu.enqueue_dma source(%dma_start3A_133 : memref<80x128xf32, #tpu.memory_space<vmem>>) target(%dma_start3A_129 : memref<80x128xf32, #tpu.memory_space<hbm>>) target_semaphore(%run_scoped3A_119 : memref<!tpu.dma_semaphore, #tpu.memory_space<semaphore_mem>>)
          %dma_wait3A_134 = arith.constant 0 : i32
          %dma_wait3A_135 = arith.constant 0 : i32
          %dma_wait3A_136 = tpu.memref_slice %arg8[%run_scoped3A_118, %dma_wait3A_134, %dma_wait3A_135] : memref<3x80x128xf32, #tpu.memory_space<vmem>> -> memref<1x80x128xf32, #tpu.memory_space<vmem>>
          %dma_wait3A_137 = tpu.memref_squeeze %dma_wait3A_136 : memref<1x80x128xf32, #tpu.memory_space<vmem>> -> memref<80x128xf32, #tpu.memory_space<vmem>>
          %dma_wait3A_138 = arith.constant 0 : i32
          %dma_wait3A_139 = tpu.memref_slice %arg5[%arg0, %multiple_of3A, %dma_wait3A_138] : memref<2x10000x128xf32, #tpu.memory_space<hbm>> -> memref<1x80x128xf32, #tpu.memory_space<hbm>>
          %dma_wait3A_140 = tpu.memref_squeeze %dma_wait3A_139 : memref<1x80x128xf32, #tpu.memory_space<hbm>> -> memref<80x128xf32, #tpu.memory_space<hbm>>
          %dma_wait3A_141 = arith.constant 0 : i32
          %dma_wait3A_142 = tpu.memref_slice %arg5[%arg0, %multiple_of3A, %dma_wait3A_141] : memref<2x10000x128xf32, #tpu.memory_space<hbm>> -> memref<1x80x128xf32, #tpu.memory_space<hbm>>
          %dma_wait3A_143 = tpu.memref_squeeze %dma_wait3A_142 : memref<1x80x128xf32, #tpu.memory_space<hbm>> -> memref<80x128xf32, #tpu.memory_space<hbm>>
          %dma_wait3A_144 = arith.constant 0 : i32
          %dma_wait3A_145 = arith.constant 0 : i32
          %dma_wait3A_146 = tpu.memref_slice %arg8[%run_scoped3A_118, %dma_wait3A_144, %dma_wait3A_145] : memref<3x80x128xf32, #tpu.memory_space<vmem>> -> memref<1x80x128xf32, #tpu.memory_space<vmem>>
          %dma_wait3A_147 = tpu.memref_squeeze %dma_wait3A_146 : memref<1x80x128xf32, #tpu.memory_space<vmem>> -> memref<80x128xf32, #tpu.memory_space<vmem>>
          tpu.wait_dma2 semaphore(%run_scoped3A_119 : memref<!tpu.dma_semaphore, #tpu.memory_space<semaphore_mem>>) src(%dma_wait3A_147 : memref<80x128xf32, #tpu.memory_space<vmem>>) dst(%dma_wait3A_143 : memref<80x128xf32, #tpu.memory_space<hbm>>)
          tpu.yield
        }) : () -> ()
      } else {
      }
      %scan3A_114 = arith.constant 0 : i32
      scf.yield %scan3A_114 : i32
    }
    %scan3A_108 = arith.constant 8 : i32
    return
  }
}

#map = affine_map<(d0, d1) -> (0, 0)>
#map1 = affine_map<(d0, d1) -> (0, 0, 0, 0, 0)>
#map2 = affine_map<(d0, d1) -> (0, 0, 0)>
module attributes {stable_mosaic.version = 14 : i64} {
  func.func @_sc_agg_kernel(%arg0: i32, %arg1: i32, %arg2: memref<10000x128xf32, #tpu.memory_space<hbm>>, %arg3: memref<2x16x25x5x80xi32, #tpu.memory_space<hbm>>, %arg4: memref<2x16x25x5x80xi32, #tpu.memory_space<hbm>>, %arg5: memref<2x10000x128xf32, #tpu.memory_space<hbm>>, %arg6: memref<2x5x80xi32, #tpu.memory_space<vmem>>, %arg7: memref<2x5x80xi32, #tpu.memory_space<vmem>>, %arg8: memref<3x80x128xf32, #tpu.memory_space<vmem>>, %arg9: memref<10000x128xf32, #tpu.memory_space<vmem_shared>>, %arg10: memref<3x!tpu.dma_semaphore, #tpu.memory_space<semaphore_mem>>, %arg11: memref<3x!tpu.dma_semaphore, #tpu.memory_space<semaphore_mem>>) attributes {dimension_semantics = [#tpu.dimension_semantics<core_parallel>, #tpu.dimension_semantics<subcore_parallel>], iteration_bounds = array<i64: 2, 16>, scalar_prefetch = 0 : i64, scratch_operands = 6 : i64, tpu.core_type = #tpu.core_type<sc_vector_subcore>, window_params = [{transform_indices = #map}, {transform_indices = #map1}, {transform_indices = #map1}, {transform_indices = #map2}]} {
    %scan3A = arith.constant 0 : i32
    %scan3A_0 = arith.constant 0 : i32
    %scan3A_1 = arith.constant 80 : i32
    %scan3A_2 = arith.addi %scan3A_0, %scan3A_1 : i32
    %scan3A_3 = arith.constant 1 : i32
    %scan3A_4 = scf.for %scan3A_109 = %scan3A_0 to %scan3A_2 step %scan3A_3 iter_args(%scan3A_110 = %scan3A) -> (i32)  : i32 {
      %broadcast_in_dim3A = arith.constant 0.000000e+00 : f32
      %broadcast_in_dim3A_111 = vector.broadcast %broadcast_in_dim3A : f32 to vector<16xf32>
      %swap3A = arith.constant 0 : i32
      %swap3A_112 = arith.index_cast %swap3A : i32 to index
      %swap3A_113 = arith.index_cast %scan3A_109 : i32 to index
      %swap3A_114 = arith.constant 0 : index
      %swap3A_115 = tpu.vector_load %arg8[%swap3A_112, %swap3A_113, %swap3A_114] {strides = array<i32>} : memref<3x80x128xf32, #tpu.memory_space<vmem>>, vector<1x1x16xf32>,
      %swap3A_116 = vector.shape_cast %swap3A_115 : vector<1x1x16xf32> to vector<16xf32>
      %swap3A_117 = vector.shape_cast %broadcast_in_dim3A_111 : vector<16xf32> to vector<1x1x16xf32>
      tpu.vector_store %arg8[%swap3A_112, %swap3A_113, %swap3A_114], %swap3A_117 {strides = array<i32>} : memref<3x80x128xf32, #tpu.memory_space<vmem>>, vector<1x1x16xf32>,
      %broadcast_in_dim3A_118 = arith.constant 0.000000e+00 : f32
      %broadcast_in_dim3A_119 = vector.broadcast %broadcast_in_dim3A_118 : f32 to vector<16xf32>
      %swap3A_120 = arith.constant 0 : i32
      %swap3A_121 = arith.index_cast %swap3A_120 : i32 to index
      %swap3A_122 = arith.index_cast %scan3A_109 : i32 to index
      %swap3A_123 = arith.constant 16 : index
      %swap3A_124 = tpu.vector_load %arg8[%swap3A_121, %swap3A_122, %swap3A_123] {strides = array<i32>} : memref<3x80x128xf32, #tpu.memory_space<vmem>>, vector<1x1x16xf32>,
      %swap3A_125 = vector.shape_cast %swap3A_124 : vector<1x1x16xf32> to vector<16xf32>
      %swap3A_126 = vector.shape_cast %broadcast_in_dim3A_119 : vector<16xf32> to vector<1x1x16xf32>
      tpu.vector_store %arg8[%swap3A_121, %swap3A_122, %swap3A_123], %swap3A_126 {strides = array<i32>} : memref<3x80x128xf32, #tpu.memory_space<vmem>>, vector<1x1x16xf32>,
      %broadcast_in_dim3A_127 = arith.constant 0.000000e+00 : f32
      %broadcast_in_dim3A_128 = vector.broadcast %broadcast_in_dim3A_127 : f32 to vector<16xf32>
      %swap3A_129 = arith.constant 0 : i32
      %swap3A_130 = arith.index_cast %swap3A_129 : i32 to index
      %swap3A_131 = arith.index_cast %scan3A_109 : i32 to index
      %swap3A_132 = arith.constant 32 : index
      %swap3A_133 = tpu.vector_load %arg8[%swap3A_130, %swap3A_131, %swap3A_132] {strides = array<i32>} : memref<3x80x128xf32, #tpu.memory_space<vmem>>, vector<1x1x16xf32>,
      %swap3A_134 = vector.shape_cast %swap3A_133 : vector<1x1x16xf32> to vector<16xf32>
      %swap3A_135 = vector.shape_cast %broadcast_in_dim3A_128 : vector<16xf32> to vector<1x1x16xf32>
      tpu.vector_store %arg8[%swap3A_130, %swap3A_131, %swap3A_132], %swap3A_135 {strides = array<i32>} : memref<3x80x128xf32, #tpu.memory_space<vmem>>, vector<1x1x16xf32>,
      %broadcast_in_dim3A_136 = arith.constant 0.000000e+00 : f32
      %broadcast_in_dim3A_137 = vector.broadcast %broadcast_in_dim3A_136 : f32 to vector<16xf32>
      %swap3A_138 = arith.constant 0 : i32
      %swap3A_139 = arith.index_cast %swap3A_138 : i32 to index
      %swap3A_140 = arith.index_cast %scan3A_109 : i32 to index
      %swap3A_141 = arith.constant 48 : index
      %swap3A_142 = tpu.vector_load %arg8[%swap3A_139, %swap3A_140, %swap3A_141] {strides = array<i32>} : memref<3x80x128xf32, #tpu.memory_space<vmem>>, vector<1x1x16xf32>,
      %swap3A_143 = vector.shape_cast %swap3A_142 : vector<1x1x16xf32> to vector<16xf32>
      %swap3A_144 = vector.shape_cast %broadcast_in_dim3A_137 : vector<16xf32> to vector<1x1x16xf32>
      tpu.vector_store %arg8[%swap3A_139, %swap3A_140, %swap3A_141], %swap3A_144 {strides = array<i32>} : memref<3x80x128xf32, #tpu.memory_space<vmem>>, vector<1x1x16xf32>,
      %broadcast_in_dim3A_145 = arith.constant 0.000000e+00 : f32
      %broadcast_in_dim3A_146 = vector.broadcast %broadcast_in_dim3A_145 : f32 to vector<16xf32>
      %swap3A_147 = arith.constant 0 : i32
      %swap3A_148 = arith.index_cast %swap3A_147 : i32 to index
      %swap3A_149 = arith.index_cast %scan3A_109 : i32 to index
      %swap3A_150 = arith.constant 64 : index
      %swap3A_151 = tpu.vector_load %arg8[%swap3A_148, %swap3A_149, %swap3A_150] {strides = array<i32>} : memref<3x80x128xf32, #tpu.memory_space<vmem>>, vector<1x1x16xf32>,
      %swap3A_152 = vector.shape_cast %swap3A_151 : vector<1x1x16xf32> to vector<16xf32>
      %swap3A_153 = vector.shape_cast %broadcast_in_dim3A_146 : vector<16xf32> to vector<1x1x16xf32>
      tpu.vector_store %arg8[%swap3A_148, %swap3A_149, %swap3A_150], %swap3A_153 {strides = array<i32>} : memref<3x80x128xf32, #tpu.memory_space<vmem>>, vector<1x1x16xf32>,
      %broadcast_in_dim3A_154 = arith.constant 0.000000e+00 : f32
      %broadcast_in_dim3A_155 = vector.broadcast %broadcast_in_dim3A_154 : f32 to vector<16xf32>
      %swap3A_156 = arith.constant 0 : i32
      %swap3A_157 = arith.index_cast %swap3A_156 : i32 to index
      %swap3A_158 = arith.index_cast %scan3A_109 : i32 to index
      %swap3A_159 = arith.constant 80 : index
      %swap3A_160 = tpu.vector_load %arg8[%swap3A_157, %swap3A_158, %swap3A_159] {strides = array<i32>} : memref<3x80x128xf32, #tpu.memory_space<vmem>>, vector<1x1x16xf32>,
      %swap3A_161 = vector.shape_cast %swap3A_160 : vector<1x1x16xf32> to vector<16xf32>
      %swap3A_162 = vector.shape_cast %broadcast_in_dim3A_155 : vector<16xf32> to vector<1x1x16xf32>
      tpu.vector_store %arg8[%swap3A_157, %swap3A_158, %swap3A_159], %swap3A_162 {strides = array<i32>} : memref<3x80x128xf32, #tpu.memory_space<vmem>>, vector<1x1x16xf32>,
      %broadcast_in_dim3A_163 = arith.constant 0.000000e+00 : f32
      %broadcast_in_dim3A_164 = vector.broadcast %broadcast_in_dim3A_163 : f32 to vector<16xf32>
      %swap3A_165 = arith.constant 0 : i32
      %swap3A_166 = arith.index_cast %swap3A_165 : i32 to index
      %swap3A_167 = arith.index_cast %scan3A_109 : i32 to index
      %swap3A_168 = arith.constant 96 : index
      %swap3A_169 = tpu.vector_load %arg8[%swap3A_166, %swap3A_167, %swap3A_168] {strides = array<i32>} : memref<3x80x128xf32, #tpu.memory_space<vmem>>, vector<1x1x16xf32>,
      %swap3A_170 = vector.shape_cast %swap3A_169 : vector<1x1x16xf32> to vector<16xf32>
      %swap3A_171 = vector.shape_cast %broadcast_in_dim3A_164 : vector<16xf32> to vector<1x1x16xf32>
      tpu.vector_store %arg8[%swap3A_166, %swap3A_167, %swap3A_168], %swap3A_171 {strides = array<i32>} : memref<3x80x128xf32, #tpu.memory_space<vmem>>, vector<1x1x16xf32>,
      %broadcast_in_dim3A_172 = arith.constant 0.000000e+00 : f32
      %broadcast_in_dim3A_173 = vector.broadcast %broadcast_in_dim3A_172 : f32 to vector<16xf32>
      %swap3A_174 = arith.constant 0 : i32
      %swap3A_175 = arith.index_cast %swap3A_174 : i32 to index
      %swap3A_176 = arith.index_cast %scan3A_109 : i32 to index
      %swap3A_177 = arith.constant 112 : index
      %swap3A_178 = tpu.vector_load %arg8[%swap3A_175, %swap3A_176, %swap3A_177] {strides = array<i32>} : memref<3x80x128xf32, #tpu.memory_space<vmem>>, vector<1x1x16xf32>,
      %swap3A_179 = vector.shape_cast %swap3A_178 : vector<1x1x16xf32> to vector<16xf32>
      %swap3A_180 = vector.shape_cast %broadcast_in_dim3A_173 : vector<16xf32> to vector<1x1x16xf32>
      tpu.vector_store %arg8[%swap3A_175, %swap3A_176, %swap3A_177], %swap3A_180 {strides = array<i32>} : memref<3x80x128xf32, #tpu.memory_space<vmem>>, vector<1x1x16xf32>,
      %scan3A_181 = arith.constant 0 : i32
      scf.yield %scan3A_181 : i32
    }
    %scan3A_5 = arith.constant 80 : i32
    %scan3A_6 = arith.constant 0 : i32
    %scan3A_7 = arith.constant 0 : i32
    %scan3A_8 = arith.constant 8 : i32
    %scan3A_9 = arith.addi %scan3A_7, %scan3A_8 : i32
    %scan3A_10 = arith.constant 1 : i32
    %scan3A_11 = scf.for %scan3A_109 = %scan3A_7 to %scan3A_9 step %scan3A_10 iter_args(%scan3A_110 = %scan3A_6) -> (i32)  : i32 {
      %mul3A = arith.constant 16 : i32
      %mul3A_111 = arith.muli %scan3A_109, %mul3A : i32
      %add3A = arith.addi %mul3A_111, %arg1 : i32
      %lt3A = arith.constant 125 : i32
      %lt3A_112 = arith.cmpi slt, %add3A, %lt3A : i32
      %convert_element_type3A = arith.extui %lt3A_112 : i1 to i32
      %cond3A = arith.constant 0 : i32
      %cond3A_113 = arith.cmpi ne, %convert_element_type3A, %cond3A : i32
      scf.if %cond3A_113 {
        %mul3A_115 = arith.constant 80 : i32
        %mul3A_116 = arith.muli %add3A, %mul3A_115 : i32
        %multiple_of3A = tpu.assume_multiple %mul3A_116, 8 : i32
        %run_scoped3A_117 = arith.constant 0 : i32
        "tpu.region"() ({
          %run_scoped3A_118 = tpu.sem_alloc : memref<!tpu.dma_semaphore, #tpu.memory_space<semaphore_mem>>
          %dma_start3A_119 = arith.constant 0 : i32
          %dma_start3A_120 = arith.constant 0 : i32
          %dma_start3A_121 = tpu.memref_slice %arg8[%run_scoped3A_117, %dma_start3A_119, %dma_start3A_120] : memref<3x80x128xf32, #tpu.memory_space<vmem>> -> memref<1x80x128xf32, #tpu.memory_space<vmem>>
          %dma_start3A_122 = tpu.memref_squeeze %dma_start3A_121 : memref<1x80x128xf32, #tpu.memory_space<vmem>> -> memref<80x128xf32, #tpu.memory_space<vmem>>
          %dma_start3A_123 = arith.constant 0 : i32
          %dma_start3A_124 = tpu.memref_slice %arg9[%multiple_of3A, %dma_start3A_123] : memref<10000x128xf32, #tpu.memory_space<vmem_shared>> -> memref<80x128xf32, #tpu.memory_space<vmem_shared>>
          %dma_start3A_125 = arith.constant 0 : i32
          %dma_start3A_126 = tpu.memref_slice %arg9[%multiple_of3A, %dma_start3A_125] : memref<10000x128xf32, #tpu.memory_space<vmem_shared>> -> memref<80x128xf32, #tpu.memory_space<vmem_shared>>
          %dma_start3A_127 = arith.constant 0 : i32
          %dma_start3A_128 = arith.constant 0 : i32
          %dma_start3A_129 = tpu.memref_slice %arg8[%run_scoped3A_117, %dma_start3A_127, %dma_start3A_128] : memref<3x80x128xf32, #tpu.memory_space<vmem>> -> memref<1x80x128xf32, #tpu.memory_space<vmem>>
          %dma_start3A_130 = tpu.memref_squeeze %dma_start3A_129 : memref<1x80x128xf32, #tpu.memory_space<vmem>> -> memref<80x128xf32, #tpu.memory_space<vmem>>
          tpu.enqueue_dma source(%dma_start3A_130 : memref<80x128xf32, #tpu.memory_space<vmem>>) target(%dma_start3A_126 : memref<80x128xf32, #tpu.memory_space<vmem_shared>>) target_semaphore(%run_scoped3A_118 : memref<!tpu.dma_semaphore, #tpu.memory_space<semaphore_mem>>)
          %dma_wait3A_131 = arith.constant 0 : i32
          %dma_wait3A_132 = arith.constant 0 : i32
          %dma_wait3A_133 = tpu.memref_slice %arg8[%run_scoped3A_117, %dma_wait3A_131, %dma_wait3A_132] : memref<3x80x128xf32, #tpu.memory_space<vmem>> -> memref<1x80x128xf32, #tpu.memory_space<vmem>>
          %dma_wait3A_134 = tpu.memref_squeeze %dma_wait3A_133 : memref<1x80x128xf32, #tpu.memory_space<vmem>> -> memref<80x128xf32, #tpu.memory_space<vmem>>
          %dma_wait3A_135 = arith.constant 0 : i32
          %dma_wait3A_136 = tpu.memref_slice %arg9[%multiple_of3A, %dma_wait3A_135] : memref<10000x128xf32, #tpu.memory_space<vmem_shared>> -> memref<80x128xf32, #tpu.memory_space<vmem_shared>>
          %dma_wait3A_137 = arith.constant 0 : i32
          %dma_wait3A_138 = tpu.memref_slice %arg9[%multiple_of3A, %dma_wait3A_137] : memref<10000x128xf32, #tpu.memory_space<vmem_shared>> -> memref<80x128xf32, #tpu.memory_space<vmem_shared>>
          %dma_wait3A_139 = arith.constant 0 : i32
          %dma_wait3A_140 = arith.constant 0 : i32
          %dma_wait3A_141 = tpu.memref_slice %arg8[%run_scoped3A_117, %dma_wait3A_139, %dma_wait3A_140] : memref<3x80x128xf32, #tpu.memory_space<vmem>> -> memref<1x80x128xf32, #tpu.memory_space<vmem>>
          %dma_wait3A_142 = tpu.memref_squeeze %dma_wait3A_141 : memref<1x80x128xf32, #tpu.memory_space<vmem>> -> memref<80x128xf32, #tpu.memory_space<vmem>>
          tpu.wait_dma2 semaphore(%run_scoped3A_118 : memref<!tpu.dma_semaphore, #tpu.memory_space<semaphore_mem>>) src(%dma_wait3A_142 : memref<80x128xf32, #tpu.memory_space<vmem>>) dst(%dma_wait3A_138 : memref<80x128xf32, #tpu.memory_space<vmem_shared>>)
          tpu.yield
        }) : () -> ()
      } else {
      }
      %scan3A_114 = arith.constant 0 : i32
      scf.yield %scan3A_114 : i32
    }
    %scan3A_12 = arith.constant 8 : i32
    %barrier3A = arith.constant 0 : index
    tpu.barrier barrier_id(%barrier3A)
    %run_scoped3A = arith.constant 0 : i32
    %run_scoped3A_13 = arith.constant 0 : i32
    "tpu.region"() ({
      %run_scoped3A_109 = tpu.sem_alloc : memref<!tpu.dma_semaphore, #tpu.memory_space<semaphore_mem>>
      %dma_start3A_110 = arith.constant 0 : i32
      %dma_start3A_111 = arith.constant 0 : i32
      %dma_start3A_112 = tpu.memref_slice %arg6[%run_scoped3A_13, %dma_start3A_110, %dma_start3A_111] : memref<2x5x80xi32, #tpu.memory_space<vmem>> -> memref<1x5x80xi32, #tpu.memory_space<vmem>>
      %dma_start3A_113 = tpu.memref_squeeze %dma_start3A_112 : memref<1x5x80xi32, #tpu.memory_space<vmem>> -> memref<5x80xi32, #tpu.memory_space<vmem>>
      %dma_start3A_114 = arith.constant 0 : i32
      %dma_start3A_115 = arith.constant 0 : i32
      %dma_start3A_116 = tpu.memref_slice %arg3[%arg0, %arg1, %run_scoped3A, %dma_start3A_114, %dma_start3A_115] : memref<2x16x25x5x80xi32, #tpu.memory_space<hbm>> -> memref<1x1x1x5x80xi32, #tpu.memory_space<hbm>>
      %dma_start3A_117 = tpu.memref_squeeze %dma_start3A_116 : memref<1x1x1x5x80xi32, #tpu.memory_space<hbm>> -> memref<5x80xi32, #tpu.memory_space<hbm>>
      %dma_start3A_118 = arith.constant 0 : i32
      %dma_start3A_119 = arith.constant 0 : i32
      %dma_start3A_120 = tpu.memref_slice %arg6[%run_scoped3A_13, %dma_start3A_118, %dma_start3A_119] : memref<2x5x80xi32, #tpu.memory_space<vmem>> -> memref<1x5x80xi32, #tpu.memory_space<vmem>>
      %dma_start3A_121 = tpu.memref_squeeze %dma_start3A_120 : memref<1x5x80xi32, #tpu.memory_space<vmem>> -> memref<5x80xi32, #tpu.memory_space<vmem>>
      %dma_start3A_122 = arith.constant 0 : i32
      %dma_start3A_123 = arith.constant 0 : i32
      %dma_start3A_124 = tpu.memref_slice %arg3[%arg0, %arg1, %run_scoped3A, %dma_start3A_122, %dma_start3A_123] : memref<2x16x25x5x80xi32, #tpu.memory_space<hbm>> -> memref<1x1x1x5x80xi32, #tpu.memory_space<hbm>>
      %dma_start3A_125 = tpu.memref_squeeze %dma_start3A_124 : memref<1x1x1x5x80xi32, #tpu.memory_space<hbm>> -> memref<5x80xi32, #tpu.memory_space<hbm>>
      tpu.enqueue_dma source(%dma_start3A_125 : memref<5x80xi32, #tpu.memory_space<hbm>>) target(%dma_start3A_121 : memref<5x80xi32, #tpu.memory_space<vmem>>) target_semaphore(%run_scoped3A_109 : memref<!tpu.dma_semaphore, #tpu.memory_space<semaphore_mem>>)
      %dma_wait3A_126 = arith.constant 0 : i32
      %dma_wait3A_127 = arith.constant 0 : i32
      %dma_wait3A_128 = tpu.memref_slice %arg6[%run_scoped3A_13, %dma_wait3A_126, %dma_wait3A_127] : memref<2x5x80xi32, #tpu.memory_space<vmem>> -> memref<1x5x80xi32, #tpu.memory_space<vmem>>
      %dma_wait3A_129 = tpu.memref_squeeze %dma_wait3A_128 : memref<1x5x80xi32, #tpu.memory_space<vmem>> -> memref<5x80xi32, #tpu.memory_space<vmem>>
      %dma_wait3A_130 = arith.constant 0 : i32
      %dma_wait3A_131 = arith.constant 0 : i32
      %dma_wait3A_132 = tpu.memref_slice %arg3[%arg0, %arg1, %run_scoped3A, %dma_wait3A_130, %dma_wait3A_131] : memref<2x16x25x5x80xi32, #tpu.memory_space<hbm>> -> memref<1x1x1x5x80xi32, #tpu.memory_space<hbm>>
      %dma_wait3A_133 = tpu.memref_squeeze %dma_wait3A_132 : memref<1x1x1x5x80xi32, #tpu.memory_space<hbm>> -> memref<5x80xi32, #tpu.memory_space<hbm>>
      %dma_wait3A_134 = arith.constant 0 : i32
      %dma_wait3A_135 = arith.constant 0 : i32
      %dma_wait3A_136 = tpu.memref_slice %arg6[%run_scoped3A_13, %dma_wait3A_134, %dma_wait3A_135] : memref<2x5x80xi32, #tpu.memory_space<vmem>> -> memref<1x5x80xi32, #tpu.memory_space<vmem>>
      %dma_wait3A_137 = tpu.memref_squeeze %dma_wait3A_136 : memref<1x5x80xi32, #tpu.memory_space<vmem>> -> memref<5x80xi32, #tpu.memory_space<vmem>>
      %dma_wait3A_138 = arith.constant 0 : i32
      %dma_wait3A_139 = arith.constant 0 : i32
      %dma_wait3A_140 = tpu.memref_slice %arg3[%arg0, %arg1, %run_scoped3A, %dma_wait3A_138, %dma_wait3A_139] : memref<2x16x25x5x80xi32, #tpu.memory_space<hbm>> -> memref<1x1x1x5x80xi32, #tpu.memory_space<hbm>>
      %dma_wait3A_141 = tpu.memref_squeeze %dma_wait3A_140 : memref<1x1x1x5x80xi32, #tpu.memory_space<hbm>> -> memref<5x80xi32, #tpu.memory_space<hbm>>
      tpu.wait_dma2 semaphore(%run_scoped3A_109 : memref<!tpu.dma_semaphore, #tpu.memory_space<semaphore_mem>>) src(%dma_wait3A_141 : memref<5x80xi32, #tpu.memory_space<hbm>>) dst(%dma_wait3A_137 : memref<5x80xi32, #tpu.memory_space<vmem>>)
      tpu.yield
    }) : () -> ()
    %run_scoped3A_14 = arith.constant 0 : i32
    %run_scoped3A_15 = arith.constant 0 : i32
    "tpu.region"() ({
      %run_scoped3A_109 = tpu.sem_alloc : memref<!tpu.dma_semaphore, #tpu.memory_space<semaphore_mem>>
      %dma_start3A_110 = arith.constant 0 : i32
      %dma_start3A_111 = arith.constant 0 : i32
      %dma_start3A_112 = tpu.memref_slice %arg7[%run_scoped3A_15, %dma_start3A_110, %dma_start3A_111] : memref<2x5x80xi32, #tpu.memory_space<vmem>> -> memref<1x5x80xi32, #tpu.memory_space<vmem>>
      %dma_start3A_113 = tpu.memref_squeeze %dma_start3A_112 : memref<1x5x80xi32, #tpu.memory_space<vmem>> -> memref<5x80xi32, #tpu.memory_space<vmem>>
      %dma_start3A_114 = arith.constant 0 : i32
      %dma_start3A_115 = arith.constant 0 : i32
      %dma_start3A_116 = tpu.memref_slice %arg4[%arg0, %arg1, %run_scoped3A_14, %dma_start3A_114, %dma_start3A_115] : memref<2x16x25x5x80xi32, #tpu.memory_space<hbm>> -> memref<1x1x1x5x80xi32, #tpu.memory_space<hbm>>
      %dma_start3A_117 = tpu.memref_squeeze %dma_start3A_116 : memref<1x1x1x5x80xi32, #tpu.memory_space<hbm>> -> memref<5x80xi32, #tpu.memory_space<hbm>>
      %dma_start3A_118 = arith.constant 0 : i32
      %dma_start3A_119 = arith.constant 0 : i32
      %dma_start3A_120 = tpu.memref_slice %arg7[%run_scoped3A_15, %dma_start3A_118, %dma_start3A_119] : memref<2x5x80xi32, #tpu.memory_space<vmem>> -> memref<1x5x80xi32, #tpu.memory_space<vmem>>
      %dma_start3A_121 = tpu.memref_squeeze %dma_start3A_120 : memref<1x5x80xi32, #tpu.memory_space<vmem>> -> memref<5x80xi32, #tpu.memory_space<vmem>>
      %dma_start3A_122 = arith.constant 0 : i32
      %dma_start3A_123 = arith.constant 0 : i32
      %dma_start3A_124 = tpu.memref_slice %arg4[%arg0, %arg1, %run_scoped3A_14, %dma_start3A_122, %dma_start3A_123] : memref<2x16x25x5x80xi32, #tpu.memory_space<hbm>> -> memref<1x1x1x5x80xi32, #tpu.memory_space<hbm>>
      %dma_start3A_125 = tpu.memref_squeeze %dma_start3A_124 : memref<1x1x1x5x80xi32, #tpu.memory_space<hbm>> -> memref<5x80xi32, #tpu.memory_space<hbm>>
      tpu.enqueue_dma source(%dma_start3A_125 : memref<5x80xi32, #tpu.memory_space<hbm>>) target(%dma_start3A_121 : memref<5x80xi32, #tpu.memory_space<vmem>>) target_semaphore(%run_scoped3A_109 : memref<!tpu.dma_semaphore, #tpu.memory_space<semaphore_mem>>)
      %dma_wait3A_126 = arith.constant 0 : i32
      %dma_wait3A_127 = arith.constant 0 : i32
      %dma_wait3A_128 = tpu.memref_slice %arg7[%run_scoped3A_15, %dma_wait3A_126, %dma_wait3A_127] : memref<2x5x80xi32, #tpu.memory_space<vmem>> -> memref<1x5x80xi32, #tpu.memory_space<vmem>>
      %dma_wait3A_129 = tpu.memref_squeeze %dma_wait3A_128 : memref<1x5x80xi32, #tpu.memory_space<vmem>> -> memref<5x80xi32, #tpu.memory_space<vmem>>
      %dma_wait3A_130 = arith.constant 0 : i32
      %dma_wait3A_131 = arith.constant 0 : i32
      %dma_wait3A_132 = tpu.memref_slice %arg4[%arg0, %arg1, %run_scoped3A_14, %dma_wait3A_130, %dma_wait3A_131] : memref<2x16x25x5x80xi32, #tpu.memory_space<hbm>> -> memref<1x1x1x5x80xi32, #tpu.memory_space<hbm>>
      %dma_wait3A_133 = tpu.memref_squeeze %dma_wait3A_132 : memref<1x1x1x5x80xi32, #tpu.memory_space<hbm>> -> memref<5x80xi32, #tpu.memory_space<hbm>>
      %dma_wait3A_134 = arith.constant 0 : i32
      %dma_wait3A_135 = arith.constant 0 : i32
      %dma_wait3A_136 = tpu.memref_slice %arg7[%run_scoped3A_15, %dma_wait3A_134, %dma_wait3A_135] : memref<2x5x80xi32, #tpu.memory_space<vmem>> -> memref<1x5x80xi32, #tpu.memory_space<vmem>>
      %dma_wait3A_137 = tpu.memref_squeeze %dma_wait3A_136 : memref<1x5x80xi32, #tpu.memory_space<vmem>> -> memref<5x80xi32, #tpu.memory_space<vmem>>
      %dma_wait3A_138 = arith.constant 0 : i32
      %dma_wait3A_139 = arith.constant 0 : i32
      %dma_wait3A_140 = tpu.memref_slice %arg4[%arg0, %arg1, %run_scoped3A_14, %dma_wait3A_138, %dma_wait3A_139] : memref<2x16x25x5x80xi32, #tpu.memory_space<hbm>> -> memref<1x1x1x5x80xi32, #tpu.memory_space<hbm>>
      %dma_wait3A_141 = tpu.memref_squeeze %dma_wait3A_140 : memref<1x1x1x5x80xi32, #tpu.memory_space<hbm>> -> memref<5x80xi32, #tpu.memory_space<hbm>>
      tpu.wait_dma2 semaphore(%run_scoped3A_109 : memref<!tpu.dma_semaphore, #tpu.memory_space<semaphore_mem>>) src(%dma_wait3A_141 : memref<5x80xi32, #tpu.memory_space<hbm>>) dst(%dma_wait3A_137 : memref<5x80xi32, #tpu.memory_space<vmem>>)
      tpu.yield
    }) : () -> ()
    %dma_start3A = arith.constant 0 : i32
    %dma_start3A_16 = arith.constant 0 : i32
    %dma_start3A_17 = arith.constant 0 : i32
    %dma_start3A_18 = arith.constant 0 : i32
    %dma_start3A_19 = arith.constant 0 : i32
    %dma_start3A_20 = arith.constant 0 : i32
    %dma_start3A_21 = tpu.memref_slice %arg8[%dma_start3A_17, %dma_start3A_19, %dma_start3A_20] : memref<3x80x128xf32, #tpu.memory_space<vmem>> -> memref<1x80x128xf32, #tpu.memory_space<vmem>>
    %dma_start3A_22 = tpu.memref_squeeze %dma_start3A_21 : memref<1x80x128xf32, #tpu.memory_space<vmem>> -> memref<80x128xf32, #tpu.memory_space<vmem>>
    %dma_start3A_23 = arith.constant 0 : i32
    %dma_start3A_24 = tpu.memref_slice %arg6[%dma_start3A, %dma_start3A_16, %dma_start3A_23] : memref<2x5x80xi32, #tpu.memory_space<vmem>> -> memref<1x1x80xi32, #tpu.memory_space<vmem>>
    %dma_start3A_25 = tpu.memref_squeeze %dma_start3A_24 : memref<1x1x80xi32, #tpu.memory_space<vmem>> -> memref<80xi32, #tpu.memory_space<vmem>>
    %dma_start3A_26 = arith.constant 0 : i32
    %dma_start3A_27 = arith.constant 0 : i32
    %dma_start3A_28 = tpu.memref_slice %arg2[%dma_start3A_26, %dma_start3A_27] : memref<10000x128xf32, #tpu.memory_space<hbm>> -> memref<10000x128xf32, #tpu.memory_space<hbm>>
    %dma_start3A_29 = tpu.memref_slice %arg10[%dma_start3A_18] : memref<3x!tpu.dma_semaphore, #tpu.memory_space<semaphore_mem>> -> memref<1x!tpu.dma_semaphore, #tpu.memory_space<semaphore_mem>>
    %dma_start3A_30 = tpu.memref_squeeze %dma_start3A_29 : memref<1x!tpu.dma_semaphore, #tpu.memory_space<semaphore_mem>> -> memref<!tpu.dma_semaphore, #tpu.memory_space<semaphore_mem>>
    tpu.enqueue_indirect_dma source(%dma_start3A_28 : memref<10000x128xf32, #tpu.memory_space<hbm>>) target(%dma_start3A_22 : memref<80x128xf32, #tpu.memory_space<vmem>>) offsets(%dma_start3A_25 : memref<80xi32, #tpu.memory_space<vmem>>) semaphore(%dma_start3A_30 : memref<!tpu.dma_semaphore, #tpu.memory_space<semaphore_mem>>)
    %dma_start3A_31 = arith.constant 0 : i32
    %dma_start3A_32 = arith.constant 1 : i32
    %dma_start3A_33 = arith.constant 1 : i32
    %dma_start3A_34 = arith.constant 1 : i32
    %dma_start3A_35 = arith.constant 0 : i32
    %dma_start3A_36 = arith.constant 0 : i32
    %dma_start3A_37 = tpu.memref_slice %arg8[%dma_start3A_33, %dma_start3A_35, %dma_start3A_36] : memref<3x80x128xf32, #tpu.memory_space<vmem>> -> memref<1x80x128xf32, #tpu.memory_space<vmem>>
    %dma_start3A_38 = tpu.memref_squeeze %dma_start3A_37 : memref<1x80x128xf32, #tpu.memory_space<vmem>> -> memref<80x128xf32, #tpu.memory_space<vmem>>
    %dma_start3A_39 = arith.constant 0 : i32
    %dma_start3A_40 = tpu.memref_slice %arg6[%dma_start3A_31, %dma_start3A_32, %dma_start3A_39] : memref<2x5x80xi32, #tpu.memory_space<vmem>> -> memref<1x1x80xi32, #tpu.memory_space<vmem>>
    %dma_start3A_41 = tpu.memref_squeeze %dma_start3A_40 : memref<1x1x80xi32, #tpu.memory_space<vmem>> -> memref<80xi32, #tpu.memory_space<vmem>>
    %dma_start3A_42 = arith.constant 0 : i32
    %dma_start3A_43 = arith.constant 0 : i32
    %dma_start3A_44 = tpu.memref_slice %arg2[%dma_start3A_42, %dma_start3A_43] : memref<10000x128xf32, #tpu.memory_space<hbm>> -> memref<10000x128xf32, #tpu.memory_space<hbm>>
    %dma_start3A_45 = tpu.memref_slice %arg10[%dma_start3A_34] : memref<3x!tpu.dma_semaphore, #tpu.memory_space<semaphore_mem>> -> memref<1x!tpu.dma_semaphore, #tpu.memory_space<semaphore_mem>>
    %dma_start3A_46 = tpu.memref_squeeze %dma_start3A_45 : memref<1x!tpu.dma_semaphore, #tpu.memory_space<semaphore_mem>> -> memref<!tpu.dma_semaphore, #tpu.memory_space<semaphore_mem>>
    tpu.enqueue_indirect_dma source(%dma_start3A_44 : memref<10000x128xf32, #tpu.memory_space<hbm>>) target(%dma_start3A_38 : memref<80x128xf32, #tpu.memory_space<vmem>>) offsets(%dma_start3A_41 : memref<80xi32, #tpu.memory_space<vmem>>) semaphore(%dma_start3A_46 : memref<!tpu.dma_semaphore, #tpu.memory_space<semaphore_mem>>)
    %scan3A_47 = arith.constant 0 : i32
    %scan3A_48 = arith.constant 0 : i32
    %scan3A_49 = arith.constant 125 : i32
    %scan3A_50 = arith.addi %scan3A_48, %scan3A_49 : i32
    %scan3A_51 = arith.constant 1 : i32
    %scan3A_52 = scf.for %scan3A_109 = %scan3A_48 to %scan3A_50 step %scan3A_51 iter_args(%scan3A_110 = %scan3A_47) -> (i32)  : i32 {
      %rem3A = arith.constant 3 : i32
      %rem3A_111 = arith.remsi %scan3A_109, %rem3A : i32
      %jit3A = arith.constant 5 : i32
      %div3A = arith.divsi %scan3A_109, %jit3A : i32
      %sign3A = arith.constant 0 : i32
      %sign3A_112 = arith.cmpi sgt, %scan3A_109, %sign3A : i32
      %sign3A_113 = arith.extui %sign3A_112 : i1 to i32
      %sign3A_114 = arith.constant 0 : i32
      %sign3A_115 = arith.cmpi slt, %scan3A_109, %sign3A_114 : i32
      %sign3A_116 = arith.extui %sign3A_115 : i1 to i32
      %sign3A_117 = arith.subi %sign3A_113, %sign3A_116 : i32
      %sign3A_118 = arith.constant 0 : i32
      %sign3A_119 = arith.cmpi sgt, %jit3A, %sign3A_118 : i32
      %sign3A_120 = arith.extui %sign3A_119 : i1 to i32
      %sign3A_121 = arith.constant 0 : i32
      %sign3A_122 = arith.cmpi slt, %jit3A, %sign3A_121 : i32
      %sign3A_123 = arith.extui %sign3A_122 : i1 to i32
      %sign3A_124 = arith.subi %sign3A_120, %sign3A_123 : i32
      %ne3A = arith.cmpi ne, %sign3A_117, %sign3A_124 : i32
      %rem3A_125 = arith.remsi %scan3A_109, %jit3A : i32
      %ne3A_126 = arith.constant 0 : i32
      %ne3A_127 = arith.cmpi ne, %rem3A_125, %ne3A_126 : i32
      %and3A = arith.andi %ne3A, %ne3A_127 : i1
      %sub3A = arith.constant 1 : i32
      %sub3A_128 = arith.subi %div3A, %sub3A : i32
      %select_n3A = arith.select %and3A, %sub3A_128, %div3A : i32
      %jit3A_129 = arith.constant 5 : i32
      %eq3A = arith.constant 0 : i32
      %eq3A_130 = arith.cmpi eq, %jit3A_129, %eq3A : i32
      %jit3A_131 = arith.constant 1 : i32
      %select_n3A_132 = arith.select %eq3A_130, %jit3A_131, %jit3A_129 : i32
      %rem3A_133 = arith.remsi %scan3A_109, %select_n3A_132 : i32
      %ne3A_134 = arith.constant 0 : i32
      %ne3A_135 = arith.cmpi ne, %rem3A_133, %ne3A_134 : i32
      %lt3A = arith.constant 0 : i32
      %lt3A_136 = arith.cmpi slt, %rem3A_133, %lt3A : i32
      %lt3A_137 = arith.constant 0 : i32
      %lt3A_138 = arith.cmpi slt, %select_n3A_132, %lt3A_137 : i32
      %ne3A_139 = arith.xori %lt3A_136, %lt3A_138 : i1
      %and3A_140 = arith.andi %ne3A_139, %ne3A_135 : i1
      %add3A = arith.addi %rem3A_133, %select_n3A_132 : i32
      %select_n3A_141 = arith.select %and3A_140, %add3A, %rem3A_133 : i32
      %rem3A_142 = arith.constant 2 : i32
      %rem3A_143 = arith.remsi %select_n3A, %rem3A_142 : i32
      %eq3A_144 = arith.constant 0 : i32
      %eq3A_145 = arith.cmpi eq, %select_n3A_141, %eq3A_144 : i32
      %convert_element_type3A = arith.extui %eq3A_145 : i1 to i32
      %cond3A = arith.constant 0 : i32
      %cond3A_146 = arith.cmpi ne, %convert_element_type3A, %cond3A : i32
      scf.if %cond3A_146 {
        %add3A_179 = arith.constant 1 : i32
        %add3A_180 = arith.addi %select_n3A, %add3A_179 : i32
        %rem3A_181 = arith.constant 2 : i32
        %rem3A_182 = arith.remsi %add3A_180, %rem3A_181 : i32
        %add3A_183 = arith.constant 1 : i32
        %add3A_184 = arith.addi %select_n3A, %add3A_183 : i32
        %lt3A_185 = arith.constant 25 : i32
        %lt3A_186 = arith.cmpi slt, %add3A_184, %lt3A_185 : i32
        %convert_element_type3A_187 = arith.extui %lt3A_186 : i1 to i32
        %cond3A_188 = arith.constant 0 : i32
        %cond3A_189 = arith.cmpi ne, %convert_element_type3A_187, %cond3A_188 : i32
        scf.if %cond3A_189 {
          %add3A_190 = arith.constant 1 : i32
          %add3A_191 = arith.addi %select_n3A, %add3A_190 : i32
          "tpu.region"() ({
            %run_scoped3A_194 = tpu.sem_alloc : memref<!tpu.dma_semaphore, #tpu.memory_space<semaphore_mem>>
            %dma_start3A_195 = arith.constant 0 : i32
            %dma_start3A_196 = arith.constant 0 : i32
            %dma_start3A_197 = tpu.memref_slice %arg6[%rem3A_182, %dma_start3A_195, %dma_start3A_196] : memref<2x5x80xi32, #tpu.memory_space<vmem>> -> memref<1x5x80xi32, #tpu.memory_space<vmem>>
            %dma_start3A_198 = tpu.memref_squeeze %dma_start3A_197 : memref<1x5x80xi32, #tpu.memory_space<vmem>> -> memref<5x80xi32, #tpu.memory_space<vmem>>
            %dma_start3A_199 = arith.constant 0 : i32
            %dma_start3A_200 = arith.constant 0 : i32
            %dma_start3A_201 = tpu.memref_slice %arg3[%arg0, %arg1, %add3A_191, %dma_start3A_199, %dma_start3A_200] : memref<2x16x25x5x80xi32, #tpu.memory_space<hbm>> -> memref<1x1x1x5x80xi32, #tpu.memory_space<hbm>>
            %dma_start3A_202 = tpu.memref_squeeze %dma_start3A_201 : memref<1x1x1x5x80xi32, #tpu.memory_space<hbm>> -> memref<5x80xi32, #tpu.memory_space<hbm>>
            %dma_start3A_203 = arith.constant 0 : i32
            %dma_start3A_204 = arith.constant 0 : i32
            %dma_start3A_205 = tpu.memref_slice %arg6[%rem3A_182, %dma_start3A_203, %dma_start3A_204] : memref<2x5x80xi32, #tpu.memory_space<vmem>> -> memref<1x5x80xi32, #tpu.memory_space<vmem>>
            %dma_start3A_206 = tpu.memref_squeeze %dma_start3A_205 : memref<1x5x80xi32, #tpu.memory_space<vmem>> -> memref<5x80xi32, #tpu.memory_space<vmem>>
            %dma_start3A_207 = arith.constant 0 : i32
            %dma_start3A_208 = arith.constant 0 : i32
            %dma_start3A_209 = tpu.memref_slice %arg3[%arg0, %arg1, %add3A_191, %dma_start3A_207, %dma_start3A_208] : memref<2x16x25x5x80xi32, #tpu.memory_space<hbm>> -> memref<1x1x1x5x80xi32, #tpu.memory_space<hbm>>
            %dma_start3A_210 = tpu.memref_squeeze %dma_start3A_209 : memref<1x1x1x5x80xi32, #tpu.memory_space<hbm>> -> memref<5x80xi32, #tpu.memory_space<hbm>>
            tpu.enqueue_dma source(%dma_start3A_210 : memref<5x80xi32, #tpu.memory_space<hbm>>) target(%dma_start3A_206 : memref<5x80xi32, #tpu.memory_space<vmem>>) target_semaphore(%run_scoped3A_194 : memref<!tpu.dma_semaphore, #tpu.memory_space<semaphore_mem>>)
            %dma_wait3A_211 = arith.constant 0 : i32
            %dma_wait3A_212 = arith.constant 0 : i32
            %dma_wait3A_213 = tpu.memref_slice %arg6[%rem3A_182, %dma_wait3A_211, %dma_wait3A_212] : memref<2x5x80xi32, #tpu.memory_space<vmem>> -> memref<1x5x80xi32, #tpu.memory_space<vmem>>
            %dma_wait3A_214 = tpu.memref_squeeze %dma_wait3A_213 : memref<1x5x80xi32, #tpu.memory_space<vmem>> -> memref<5x80xi32, #tpu.memory_space<vmem>>
            %dma_wait3A_215 = arith.constant 0 : i32
            %dma_wait3A_216 = arith.constant 0 : i32
            %dma_wait3A_217 = tpu.memref_slice %arg3[%arg0, %arg1, %add3A_191, %dma_wait3A_215, %dma_wait3A_216] : memref<2x16x25x5x80xi32, #tpu.memory_space<hbm>> -> memref<1x1x1x5x80xi32, #tpu.memory_space<hbm>>
            %dma_wait3A_218 = tpu.memref_squeeze %dma_wait3A_217 : memref<1x1x1x5x80xi32, #tpu.memory_space<hbm>> -> memref<5x80xi32, #tpu.memory_space<hbm>>
            %dma_wait3A_219 = arith.constant 0 : i32
            %dma_wait3A_220 = arith.constant 0 : i32
            %dma_wait3A_221 = tpu.memref_slice %arg6[%rem3A_182, %dma_wait3A_219, %dma_wait3A_220] : memref<2x5x80xi32, #tpu.memory_space<vmem>> -> memref<1x5x80xi32, #tpu.memory_space<vmem>>
            %dma_wait3A_222 = tpu.memref_squeeze %dma_wait3A_221 : memref<1x5x80xi32, #tpu.memory_space<vmem>> -> memref<5x80xi32, #tpu.memory_space<vmem>>
            %dma_wait3A_223 = arith.constant 0 : i32
            %dma_wait3A_224 = arith.constant 0 : i32
            %dma_wait3A_225 = tpu.memref_slice %arg3[%arg0, %arg1, %add3A_191, %dma_wait3A_223, %dma_wait3A_224] : memref<2x16x25x5x80xi32, #tpu.memory_space<hbm>> -> memref<1x1x1x5x80xi32, #tpu.memory_space<hbm>>
            %dma_wait3A_226 = tpu.memref_squeeze %dma_wait3A_225 : memref<1x1x1x5x80xi32, #tpu.memory_space<hbm>> -> memref<5x80xi32, #tpu.memory_space<hbm>>
            tpu.wait_dma2 semaphore(%run_scoped3A_194 : memref<!tpu.dma_semaphore, #tpu.memory_space<semaphore_mem>>) src(%dma_wait3A_226 : memref<5x80xi32, #tpu.memory_space<hbm>>) dst(%dma_wait3A_222 : memref<5x80xi32, #tpu.memory_space<vmem>>)
            tpu.yield
          }) : () -> ()
          %add3A_192 = arith.constant 1 : i32
          %add3A_193 = arith.addi %select_n3A, %add3A_192 : i32
          "tpu.region"() ({
            %run_scoped3A_194 = tpu.sem_alloc : memref<!tpu.dma_semaphore, #tpu.memory_space<semaphore_mem>>
            %dma_start3A_195 = arith.constant 0 : i32
            %dma_start3A_196 = arith.constant 0 : i32
            %dma_start3A_197 = tpu.memref_slice %arg7[%rem3A_182, %dma_start3A_195, %dma_start3A_196] : memref<2x5x80xi32, #tpu.memory_space<vmem>> -> memref<1x5x80xi32, #tpu.memory_space<vmem>>
            %dma_start3A_198 = tpu.memref_squeeze %dma_start3A_197 : memref<1x5x80xi32, #tpu.memory_space<vmem>> -> memref<5x80xi32, #tpu.memory_space<vmem>>
            %dma_start3A_199 = arith.constant 0 : i32
            %dma_start3A_200 = arith.constant 0 : i32
            %dma_start3A_201 = tpu.memref_slice %arg4[%arg0, %arg1, %add3A_193, %dma_start3A_199, %dma_start3A_200] : memref<2x16x25x5x80xi32, #tpu.memory_space<hbm>> -> memref<1x1x1x5x80xi32, #tpu.memory_space<hbm>>
            %dma_start3A_202 = tpu.memref_squeeze %dma_start3A_201 : memref<1x1x1x5x80xi32, #tpu.memory_space<hbm>> -> memref<5x80xi32, #tpu.memory_space<hbm>>
            %dma_start3A_203 = arith.constant 0 : i32
            %dma_start3A_204 = arith.constant 0 : i32
            %dma_start3A_205 = tpu.memref_slice %arg7[%rem3A_182, %dma_start3A_203, %dma_start3A_204] : memref<2x5x80xi32, #tpu.memory_space<vmem>> -> memref<1x5x80xi32, #tpu.memory_space<vmem>>
            %dma_start3A_206 = tpu.memref_squeeze %dma_start3A_205 : memref<1x5x80xi32, #tpu.memory_space<vmem>> -> memref<5x80xi32, #tpu.memory_space<vmem>>
            %dma_start3A_207 = arith.constant 0 : i32
            %dma_start3A_208 = arith.constant 0 : i32
            %dma_start3A_209 = tpu.memref_slice %arg4[%arg0, %arg1, %add3A_193, %dma_start3A_207, %dma_start3A_208] : memref<2x16x25x5x80xi32, #tpu.memory_space<hbm>> -> memref<1x1x1x5x80xi32, #tpu.memory_space<hbm>>
            %dma_start3A_210 = tpu.memref_squeeze %dma_start3A_209 : memref<1x1x1x5x80xi32, #tpu.memory_space<hbm>> -> memref<5x80xi32, #tpu.memory_space<hbm>>
            tpu.enqueue_dma source(%dma_start3A_210 : memref<5x80xi32, #tpu.memory_space<hbm>>) target(%dma_start3A_206 : memref<5x80xi32, #tpu.memory_space<vmem>>) target_semaphore(%run_scoped3A_194 : memref<!tpu.dma_semaphore, #tpu.memory_space<semaphore_mem>>)
            %dma_wait3A_211 = arith.constant 0 : i32
            %dma_wait3A_212 = arith.constant 0 : i32
            %dma_wait3A_213 = tpu.memref_slice %arg7[%rem3A_182, %dma_wait3A_211, %dma_wait3A_212] : memref<2x5x80xi32, #tpu.memory_space<vmem>> -> memref<1x5x80xi32, #tpu.memory_space<vmem>>
            %dma_wait3A_214 = tpu.memref_squeeze %dma_wait3A_213 : memref<1x5x80xi32, #tpu.memory_space<vmem>> -> memref<5x80xi32, #tpu.memory_space<vmem>>
            %dma_wait3A_215 = arith.constant 0 : i32
            %dma_wait3A_216 = arith.constant 0 : i32
            %dma_wait3A_217 = tpu.memref_slice %arg4[%arg0, %arg1, %add3A_193, %dma_wait3A_215, %dma_wait3A_216] : memref<2x16x25x5x80xi32, #tpu.memory_space<hbm>> -> memref<1x1x1x5x80xi32, #tpu.memory_space<hbm>>
            %dma_wait3A_218 = tpu.memref_squeeze %dma_wait3A_217 : memref<1x1x1x5x80xi32, #tpu.memory_space<hbm>> -> memref<5x80xi32, #tpu.memory_space<hbm>>
            %dma_wait3A_219 = arith.constant 0 : i32
            %dma_wait3A_220 = arith.constant 0 : i32
            %dma_wait3A_221 = tpu.memref_slice %arg7[%rem3A_182, %dma_wait3A_219, %dma_wait3A_220] : memref<2x5x80xi32, #tpu.memory_space<vmem>> -> memref<1x5x80xi32, #tpu.memory_space<vmem>>
            %dma_wait3A_222 = tpu.memref_squeeze %dma_wait3A_221 : memref<1x5x80xi32, #tpu.memory_space<vmem>> -> memref<5x80xi32, #tpu.memory_space<vmem>>
            %dma_wait3A_223 = arith.constant 0 : i32
            %dma_wait3A_224 = arith.constant 0 : i32
            %dma_wait3A_225 = tpu.memref_slice %arg4[%arg0, %arg1, %add3A_193, %dma_wait3A_223, %dma_wait3A_224] : memref<2x16x25x5x80xi32, #tpu.memory_space<hbm>> -> memref<1x1x1x5x80xi32, #tpu.memory_space<hbm>>
            %dma_wait3A_226 = tpu.memref_squeeze %dma_wait3A_225 : memref<1x1x1x5x80xi32, #tpu.memory_space<hbm>> -> memref<5x80xi32, #tpu.memory_space<hbm>>
            tpu.wait_dma2 semaphore(%run_scoped3A_194 : memref<!tpu.dma_semaphore, #tpu.memory_space<semaphore_mem>>) src(%dma_wait3A_226 : memref<5x80xi32, #tpu.memory_space<hbm>>) dst(%dma_wait3A_222 : memref<5x80xi32, #tpu.memory_space<vmem>>)
            tpu.yield
          }) : () -> ()
        } else {
        }
      } else {
      }
      %dma_wait3A_147 = arith.constant 0 : i32
      %dma_wait3A_148 = arith.constant 0 : i32
      %dma_wait3A_149 = tpu.memref_slice %arg8[%rem3A_111, %dma_wait3A_147, %dma_wait3A_148] : memref<3x80x128xf32, #tpu.memory_space<vmem>> -> memref<1x80x128xf32, #tpu.memory_space<vmem>>
      %dma_wait3A_150 = tpu.memref_squeeze %dma_wait3A_149 : memref<1x80x128xf32, #tpu.memory_space<vmem>> -> memref<80x128xf32, #tpu.memory_space<vmem>>
      %dma_wait3A_151 = arith.constant 0 : i32
      %dma_wait3A_152 = tpu.memref_slice %arg6[%rem3A_143, %select_n3A_141, %dma_wait3A_151] : memref<2x5x80xi32, #tpu.memory_space<vmem>> -> memref<1x1x80xi32, #tpu.memory_space<vmem>>
      %dma_wait3A_153 = tpu.memref_squeeze %dma_wait3A_152 : memref<1x1x80xi32, #tpu.memory_space<vmem>> -> memref<80xi32, #tpu.memory_space<vmem>>
      %dma_wait3A_154 = arith.constant 0 : i32
      %dma_wait3A_155 = arith.constant 0 : i32
      %dma_wait3A_156 = tpu.memref_slice %arg2[%dma_wait3A_154, %dma_wait3A_155] : memref<10000x128xf32, #tpu.memory_space<hbm>> -> memref<10000x128xf32, #tpu.memory_space<hbm>>
      %dma_wait3A_157 = tpu.memref_slice %arg10[%rem3A_111] : memref<3x!tpu.dma_semaphore, #tpu.memory_space<semaphore_mem>> -> memref<1x!tpu.dma_semaphore, #tpu.memory_space<semaphore_mem>>
      %dma_wait3A_158 = tpu.memref_squeeze %dma_wait3A_157 : memref<1x!tpu.dma_semaphore, #tpu.memory_space<semaphore_mem>> -> memref<!tpu.dma_semaphore, #tpu.memory_space<semaphore_mem>>
      tpu.wait_indirect_dma semaphore(%dma_wait3A_158 : memref<!tpu.dma_semaphore, #tpu.memory_space<semaphore_mem>>) src(%dma_wait3A_156 : memref<10000x128xf32, #tpu.memory_space<hbm>>) dst(%dma_wait3A_150 : memref<80x128xf32, #tpu.memory_space<vmem>>)
      %dma_start3A_159 = arith.constant 0 : i32
      %dma_start3A_160 = arith.constant 0 : i32
      %dma_start3A_161 = tpu.memref_slice %arg8[%rem3A_111, %dma_start3A_159, %dma_start3A_160] : memref<3x80x128xf32, #tpu.memory_space<vmem>> -> memref<1x80x128xf32, #tpu.memory_space<vmem>>
      %dma_start3A_162 = tpu.memref_squeeze %dma_start3A_161 : memref<1x80x128xf32, #tpu.memory_space<vmem>> -> memref<80x128xf32, #tpu.memory_space<vmem>>
      %dma_start3A_163 = arith.constant 0 : i32
      %dma_start3A_164 = tpu.memref_slice %arg7[%rem3A_143, %select_n3A_141, %dma_start3A_163] : memref<2x5x80xi32, #tpu.memory_space<vmem>> -> memref<1x1x80xi32, #tpu.memory_space<vmem>>
      %dma_start3A_165 = tpu.memref_squeeze %dma_start3A_164 : memref<1x1x80xi32, #tpu.memory_space<vmem>> -> memref<80xi32, #tpu.memory_space<vmem>>
      %dma_start3A_166 = arith.constant 0 : i32
      %dma_start3A_167 = arith.constant 0 : i32
      %dma_start3A_168 = tpu.memref_slice %arg9[%dma_start3A_166, %dma_start3A_167] : memref<10000x128xf32, #tpu.memory_space<vmem_shared>> -> memref<10000x128xf32, #tpu.memory_space<vmem_shared>>
      %dma_start3A_169 = tpu.memref_slice %arg11[%rem3A_111] : memref<3x!tpu.dma_semaphore, #tpu.memory_space<semaphore_mem>> -> memref<1x!tpu.dma_semaphore, #tpu.memory_space<semaphore_mem>>
      %dma_start3A_170 = tpu.memref_squeeze %dma_start3A_169 : memref<1x!tpu.dma_semaphore, #tpu.memory_space<semaphore_mem>> -> memref<!tpu.dma_semaphore, #tpu.memory_space<semaphore_mem>>
      tpu.enqueue_indirect_dma source(%dma_start3A_162 : memref<80x128xf32, #tpu.memory_space<vmem>>) target(%dma_start3A_168 : memref<10000x128xf32, #tpu.memory_space<vmem_shared>>) offsets(%dma_start3A_165 : memref<80xi32, #tpu.memory_space<vmem>>) semaphore(%dma_start3A_170 : memref<!tpu.dma_semaphore, #tpu.memory_space<semaphore_mem>>) {add = true}
      %add3A_171 = arith.constant 2 : i32
      %add3A_172 = arith.addi %scan3A_109, %add3A_171 : i32
      %lt3A_173 = arith.constant 125 : i32
      %lt3A_174 = arith.cmpi slt, %add3A_172, %lt3A_173 : i32
      %convert_element_type3A_175 = arith.extui %lt3A_174 : i1 to i32
      %cond3A_176 = arith.constant 0 : i32
      %cond3A_177 = arith.cmpi ne, %convert_element_type3A_175, %cond3A_176 : i32
      scf.if %cond3A_177 {
        %rem3A_179 = arith.constant 3 : i32
        %rem3A_180 = arith.remsi %add3A_172, %rem3A_179 : i32
        %jit3A_181 = arith.constant 5 : i32
        %div3A_182 = arith.divsi %add3A_172, %jit3A_181 : i32
        %sign3A_183 = arith.constant 0 : i32
        %sign3A_184 = arith.cmpi sgt, %add3A_172, %sign3A_183 : i32
        %sign3A_185 = arith.extui %sign3A_184 : i1 to i32
        %sign3A_186 = arith.constant 0 : i32
        %sign3A_187 = arith.cmpi slt, %add3A_172, %sign3A_186 : i32
        %sign3A_188 = arith.extui %sign3A_187 : i1 to i32
        %sign3A_189 = arith.subi %sign3A_185, %sign3A_188 : i32
        %sign3A_190 = arith.constant 0 : i32
        %sign3A_191 = arith.cmpi sgt, %jit3A_181, %sign3A_190 : i32
        %sign3A_192 = arith.extui %sign3A_191 : i1 to i32
        %sign3A_193 = arith.constant 0 : i32
        %sign3A_194 = arith.cmpi slt, %jit3A_181, %sign3A_193 : i32
        %sign3A_195 = arith.extui %sign3A_194 : i1 to i32
        %sign3A_196 = arith.subi %sign3A_192, %sign3A_195 : i32
        %ne3A_197 = arith.cmpi ne, %sign3A_189, %sign3A_196 : i32
        %rem3A_198 = arith.remsi %add3A_172, %jit3A_181 : i32
        %ne3A_199 = arith.constant 0 : i32
        %ne3A_200 = arith.cmpi ne, %rem3A_198, %ne3A_199 : i32
        %and3A_201 = arith.andi %ne3A_197, %ne3A_200 : i1
        %sub3A_202 = arith.constant 1 : i32
        %sub3A_203 = arith.subi %div3A_182, %sub3A_202 : i32
        %select_n3A_204 = arith.select %and3A_201, %sub3A_203, %div3A_182 : i32
        %jit3A_205 = arith.constant 5 : i32
        %eq3A_206 = arith.constant 0 : i32
        %eq3A_207 = arith.cmpi eq, %jit3A_205, %eq3A_206 : i32
        %jit3A_208 = arith.constant 1 : i32
        %select_n3A_209 = arith.select %eq3A_207, %jit3A_208, %jit3A_205 : i32
        %rem3A_210 = arith.remsi %add3A_172, %select_n3A_209 : i32
        %ne3A_211 = arith.constant 0 : i32
        %ne3A_212 = arith.cmpi ne, %rem3A_210, %ne3A_211 : i32
        %lt3A_213 = arith.constant 0 : i32
        %lt3A_214 = arith.cmpi slt, %rem3A_210, %lt3A_213 : i32
        %lt3A_215 = arith.constant 0 : i32
        %lt3A_216 = arith.cmpi slt, %select_n3A_209, %lt3A_215 : i32
        %ne3A_217 = arith.xori %lt3A_214, %lt3A_216 : i1
        %and3A_218 = arith.andi %ne3A_217, %ne3A_212 : i1
        %add3A_219 = arith.addi %rem3A_210, %select_n3A_209 : i32
        %select_n3A_220 = arith.select %and3A_218, %add3A_219, %rem3A_210 : i32
        %ge3A = arith.constant 1 : i32
        %ge3A_221 = arith.cmpi sge, %scan3A_109, %ge3A : i32
        %convert_element_type3A_222 = arith.extui %ge3A_221 : i1 to i32
        %cond3A_223 = arith.constant 0 : i32
        %cond3A_224 = arith.cmpi ne, %convert_element_type3A_222, %cond3A_223 : i32
        scf.if %cond3A_224 {
          %dma_wait3A_239 = arith.constant 0 : i32
          %dma_wait3A_240 = arith.constant 0 : i32
          %dma_wait3A_241 = tpu.memref_slice %arg8[%rem3A_180, %dma_wait3A_239, %dma_wait3A_240] : memref<3x80x128xf32, #tpu.memory_space<vmem>> -> memref<1x80x128xf32, #tpu.memory_space<vmem>>
          %dma_wait3A_242 = tpu.memref_squeeze %dma_wait3A_241 : memref<1x80x128xf32, #tpu.memory_space<vmem>> -> memref<80x128xf32, #tpu.memory_space<vmem>>
          %dma_wait3A_243 = arith.constant 0 : i32
          %dma_wait3A_244 = tpu.memref_slice %arg7[%rem3A_143, %select_n3A_141, %dma_wait3A_243] : memref<2x5x80xi32, #tpu.memory_space<vmem>> -> memref<1x1x80xi32, #tpu.memory_space<vmem>>
          %dma_wait3A_245 = tpu.memref_squeeze %dma_wait3A_244 : memref<1x1x80xi32, #tpu.memory_space<vmem>> -> memref<80xi32, #tpu.memory_space<vmem>>
          %dma_wait3A_246 = arith.constant 0 : i32
          %dma_wait3A_247 = arith.constant 0 : i32
          %dma_wait3A_248 = tpu.memref_slice %arg9[%dma_wait3A_246, %dma_wait3A_247] : memref<10000x128xf32, #tpu.memory_space<vmem_shared>> -> memref<10000x128xf32, #tpu.memory_space<vmem_shared>>
          %dma_wait3A_249 = tpu.memref_slice %arg11[%rem3A_180] : memref<3x!tpu.dma_semaphore, #tpu.memory_space<semaphore_mem>> -> memref<1x!tpu.dma_semaphore, #tpu.memory_space<semaphore_mem>>
          %dma_wait3A_250 = tpu.memref_squeeze %dma_wait3A_249 : memref<1x!tpu.dma_semaphore, #tpu.memory_space<semaphore_mem>> -> memref<!tpu.dma_semaphore, #tpu.memory_space<semaphore_mem>>
          tpu.wait_indirect_dma semaphore(%dma_wait3A_250 : memref<!tpu.dma_semaphore, #tpu.memory_space<semaphore_mem>>) src(%dma_wait3A_242 : memref<80x128xf32, #tpu.memory_space<vmem>>) dst(%dma_wait3A_248 : memref<10000x128xf32, #tpu.memory_space<vmem_shared>>)
        } else {
        }
        %rem3A_225 = arith.constant 2 : i32
        %rem3A_226 = arith.remsi %select_n3A_204, %rem3A_225 : i32
        %dma_start3A_227 = arith.constant 0 : i32
        %dma_start3A_228 = arith.constant 0 : i32
        %dma_start3A_229 = tpu.memref_slice %arg8[%rem3A_180, %dma_start3A_227, %dma_start3A_228] : memref<3x80x128xf32, #tpu.memory_space<vmem>> -> memref<1x80x128xf32, #tpu.memory_space<vmem>>
        %dma_start3A_230 = tpu.memref_squeeze %dma_start3A_229 : memref<1x80x128xf32, #tpu.memory_space<vmem>> -> memref<80x128xf32, #tpu.memory_space<vmem>>
        %dma_start3A_231 = arith.constant 0 : i32
        %dma_start3A_232 = tpu.memref_slice %arg6[%rem3A_226, %select_n3A_220, %dma_start3A_231] : memref<2x5x80xi32, #tpu.memory_space<vmem>> -> memref<1x1x80xi32, #tpu.memory_space<vmem>>
        %dma_start3A_233 = tpu.memref_squeeze %dma_start3A_232 : memref<1x1x80xi32, #tpu.memory_space<vmem>> -> memref<80xi32, #tpu.memory_space<vmem>>
        %dma_start3A_234 = arith.constant 0 : i32
        %dma_start3A_235 = arith.constant 0 : i32
        %dma_start3A_236 = tpu.memref_slice %arg2[%dma_start3A_234, %dma_start3A_235] : memref<10000x128xf32, #tpu.memory_space<hbm>> -> memref<10000x128xf32, #tpu.memory_space<hbm>>
        %dma_start3A_237 = tpu.memref_slice %arg10[%rem3A_180] : memref<3x!tpu.dma_semaphore, #tpu.memory_space<semaphore_mem>> -> memref<1x!tpu.dma_semaphore, #tpu.memory_space<semaphore_mem>>
        %dma_start3A_238 = tpu.memref_squeeze %dma_start3A_237 : memref<1x!tpu.dma_semaphore, #tpu.memory_space<semaphore_mem>> -> memref<!tpu.dma_semaphore, #tpu.memory_space<semaphore_mem>>
        tpu.enqueue_indirect_dma source(%dma_start3A_236 : memref<10000x128xf32, #tpu.memory_space<hbm>>) target(%dma_start3A_230 : memref<80x128xf32, #tpu.memory_space<vmem>>) offsets(%dma_start3A_233 : memref<80xi32, #tpu.memory_space<vmem>>) semaphore(%dma_start3A_238 : memref<!tpu.dma_semaphore, #tpu.memory_space<semaphore_mem>>)
      } else {
      }
      %scan3A_178 = arith.constant 0 : i32
      scf.yield %scan3A_178 : i32
    }
    %scan3A_53 = arith.constant 125 : i32
    %dma_wait3A = arith.constant 2 : i32
    %dma_wait3A_54 = arith.constant 0 : i32
    %dma_wait3A_55 = arith.constant 0 : i32
    %dma_wait3A_56 = arith.constant 2 : i32
    %dma_wait3A_57 = arith.constant 0 : i32
    %dma_wait3A_58 = arith.constant 0 : i32
    %dma_wait3A_59 = tpu.memref_slice %arg8[%dma_wait3A, %dma_wait3A_57, %dma_wait3A_58] : memref<3x80x128xf32, #tpu.memory_space<vmem>> -> memref<1x80x128xf32, #tpu.memory_space<vmem>>
    %dma_wait3A_60 = tpu.memref_squeeze %dma_wait3A_59 : memref<1x80x128xf32, #tpu.memory_space<vmem>> -> memref<80x128xf32, #tpu.memory_space<vmem>>
    %dma_wait3A_61 = arith.constant 0 : i32
    %dma_wait3A_62 = tpu.memref_slice %arg7[%dma_wait3A_54, %dma_wait3A_55, %dma_wait3A_61] : memref<2x5x80xi32, #tpu.memory_space<vmem>> -> memref<1x1x80xi32, #tpu.memory_space<vmem>>
    %dma_wait3A_63 = tpu.memref_squeeze %dma_wait3A_62 : memref<1x1x80xi32, #tpu.memory_space<vmem>> -> memref<80xi32, #tpu.memory_space<vmem>>
    %dma_wait3A_64 = arith.constant 0 : i32
    %dma_wait3A_65 = arith.constant 0 : i32
    %dma_wait3A_66 = tpu.memref_slice %arg9[%dma_wait3A_64, %dma_wait3A_65] : memref<10000x128xf32, #tpu.memory_space<vmem_shared>> -> memref<10000x128xf32, #tpu.memory_space<vmem_shared>>
    %dma_wait3A_67 = tpu.memref_slice %arg11[%dma_wait3A_56] : memref<3x!tpu.dma_semaphore, #tpu.memory_space<semaphore_mem>> -> memref<1x!tpu.dma_semaphore, #tpu.memory_space<semaphore_mem>>
    %dma_wait3A_68 = tpu.memref_squeeze %dma_wait3A_67 : memref<1x!tpu.dma_semaphore, #tpu.memory_space<semaphore_mem>> -> memref<!tpu.dma_semaphore, #tpu.memory_space<semaphore_mem>>
    tpu.wait_indirect_dma semaphore(%dma_wait3A_68 : memref<!tpu.dma_semaphore, #tpu.memory_space<semaphore_mem>>) src(%dma_wait3A_60 : memref<80x128xf32, #tpu.memory_space<vmem>>) dst(%dma_wait3A_66 : memref<10000x128xf32, #tpu.memory_space<vmem_shared>>)
    %dma_wait3A_69 = arith.constant 0 : i32
    %dma_wait3A_70 = arith.constant 0 : i32
    %dma_wait3A_71 = arith.constant 0 : i32
    %dma_wait3A_72 = arith.constant 0 : i32
    %dma_wait3A_73 = arith.constant 0 : i32
    %dma_wait3A_74 = arith.constant 0 : i32
    %dma_wait3A_75 = tpu.memref_slice %arg8[%dma_wait3A_69, %dma_wait3A_73, %dma_wait3A_74] : memref<3x80x128xf32, #tpu.memory_space<vmem>> -> memref<1x80x128xf32, #tpu.memory_space<vmem>>
    %dma_wait3A_76 = tpu.memref_squeeze %dma_wait3A_75 : memref<1x80x128xf32, #tpu.memory_space<vmem>> -> memref<80x128xf32, #tpu.memory_space<vmem>>
    %dma_wait3A_77 = arith.constant 0 : i32
    %dma_wait3A_78 = tpu.memref_slice %arg7[%dma_wait3A_70, %dma_wait3A_71, %dma_wait3A_77] : memref<2x5x80xi32, #tpu.memory_space<vmem>> -> memref<1x1x80xi32, #tpu.memory_space<vmem>>
    %dma_wait3A_79 = tpu.memref_squeeze %dma_wait3A_78 : memref<1x1x80xi32, #tpu.memory_space<vmem>> -> memref<80xi32, #tpu.memory_space<vmem>>
    %dma_wait3A_80 = arith.constant 0 : i32
    %dma_wait3A_81 = arith.constant 0 : i32
    %dma_wait3A_82 = tpu.memref_slice %arg9[%dma_wait3A_80, %dma_wait3A_81] : memref<10000x128xf32, #tpu.memory_space<vmem_shared>> -> memref<10000x128xf32, #tpu.memory_space<vmem_shared>>
    %dma_wait3A_83 = tpu.memref_slice %arg11[%dma_wait3A_72] : memref<3x!tpu.dma_semaphore, #tpu.memory_space<semaphore_mem>> -> memref<1x!tpu.dma_semaphore, #tpu.memory_space<semaphore_mem>>
    %dma_wait3A_84 = tpu.memref_squeeze %dma_wait3A_83 : memref<1x!tpu.dma_semaphore, #tpu.memory_space<semaphore_mem>> -> memref<!tpu.dma_semaphore, #tpu.memory_space<semaphore_mem>>
    tpu.wait_indirect_dma semaphore(%dma_wait3A_84 : memref<!tpu.dma_semaphore, #tpu.memory_space<semaphore_mem>>) src(%dma_wait3A_76 : memref<80x128xf32, #tpu.memory_space<vmem>>) dst(%dma_wait3A_82 : memref<10000x128xf32, #tpu.memory_space<vmem_shared>>)
    %dma_wait3A_85 = arith.constant 1 : i32
    %dma_wait3A_86 = arith.constant 0 : i32
    %dma_wait3A_87 = arith.constant 0 : i32
    %dma_wait3A_88 = arith.constant 1 : i32
    %dma_wait3A_89 = arith.constant 0 : i32
    %dma_wait3A_90 = arith.constant 0 : i32
    %dma_wait3A_91 = tpu.memref_slice %arg8[%dma_wait3A_85, %dma_wait3A_89, %dma_wait3A_90] : memref<3x80x128xf32, #tpu.memory_space<vmem>> -> memref<1x80x128xf32, #tpu.memory_space<vmem>>
    %dma_wait3A_92 = tpu.memref_squeeze %dma_wait3A_91 : memref<1x80x128xf32, #tpu.memory_space<vmem>> -> memref<80x128xf32, #tpu.memory_space<vmem>>
    %dma_wait3A_93 = arith.constant 0 : i32
    %dma_wait3A_94 = tpu.memref_slice %arg7[%dma_wait3A_86, %dma_wait3A_87, %dma_wait3A_93] : memref<2x5x80xi32, #tpu.memory_space<vmem>> -> memref<1x1x80xi32, #tpu.memory_space<vmem>>
    %dma_wait3A_95 = tpu.memref_squeeze %dma_wait3A_94 : memref<1x1x80xi32, #tpu.memory_space<vmem>> -> memref<80xi32, #tpu.memory_space<vmem>>
    %dma_wait3A_96 = arith.constant 0 : i32
    %dma_wait3A_97 = arith.constant 0 : i32
    %dma_wait3A_98 = tpu.memref_slice %arg9[%dma_wait3A_96, %dma_wait3A_97] : memref<10000x128xf32, #tpu.memory_space<vmem_shared>> -> memref<10000x128xf32, #tpu.memory_space<vmem_shared>>
    %dma_wait3A_99 = tpu.memref_slice %arg11[%dma_wait3A_88] : memref<3x!tpu.dma_semaphore, #tpu.memory_space<semaphore_mem>> -> memref<1x!tpu.dma_semaphore, #tpu.memory_space<semaphore_mem>>
    %dma_wait3A_100 = tpu.memref_squeeze %dma_wait3A_99 : memref<1x!tpu.dma_semaphore, #tpu.memory_space<semaphore_mem>> -> memref<!tpu.dma_semaphore, #tpu.memory_space<semaphore_mem>>
    tpu.wait_indirect_dma semaphore(%dma_wait3A_100 : memref<!tpu.dma_semaphore, #tpu.memory_space<semaphore_mem>>) src(%dma_wait3A_92 : memref<80x128xf32, #tpu.memory_space<vmem>>) dst(%dma_wait3A_98 : memref<10000x128xf32, #tpu.memory_space<vmem_shared>>)
    %barrier3A_101 = arith.constant 0 : index
    tpu.barrier barrier_id(%barrier3A_101)
    %scan3A_102 = arith.constant 0 : i32
    %scan3A_103 = arith.constant 0 : i32
    %scan3A_104 = arith.constant 8 : i32
    %scan3A_105 = arith.addi %scan3A_103, %scan3A_104 : i32
    %scan3A_106 = arith.constant 1 : i32
    %scan3A_107 = scf.for %scan3A_109 = %scan3A_103 to %scan3A_105 step %scan3A_106 iter_args(%scan3A_110 = %scan3A_102) -> (i32)  : i32 {
      %mul3A = arith.constant 16 : i32
      %mul3A_111 = arith.muli %scan3A_109, %mul3A : i32
      %add3A = arith.addi %mul3A_111, %arg1 : i32
      %lt3A = arith.constant 125 : i32
      %lt3A_112 = arith.cmpi slt, %add3A, %lt3A : i32
      %convert_element_type3A = arith.extui %lt3A_112 : i1 to i32
      %cond3A = arith.constant 0 : i32
      %cond3A_113 = arith.cmpi ne, %convert_element_type3A, %cond3A : i32
      scf.if %cond3A_113 {
        %mul3A_115 = arith.constant 80 : i32
        %mul3A_116 = arith.muli %add3A, %mul3A_115 : i32
        %multiple_of3A = tpu.assume_multiple %mul3A_116, 8 : i32
        %run_scoped3A_117 = arith.constant 0 : i32
        "tpu.region"() ({
          %run_scoped3A_119 = tpu.sem_alloc : memref<!tpu.dma_semaphore, #tpu.memory_space<semaphore_mem>>
          %dma_start3A_120 = arith.constant 0 : i32
          %dma_start3A_121 = arith.constant 0 : i32
          %dma_start3A_122 = tpu.memref_slice %arg8[%run_scoped3A_117, %dma_start3A_120, %dma_start3A_121] : memref<3x80x128xf32, #tpu.memory_space<vmem>> -> memref<1x80x128xf32, #tpu.memory_space<vmem>>
          %dma_start3A_123 = tpu.memref_squeeze %dma_start3A_122 : memref<1x80x128xf32, #tpu.memory_space<vmem>> -> memref<80x128xf32, #tpu.memory_space<vmem>>
          %dma_start3A_124 = arith.constant 0 : i32
          %dma_start3A_125 = tpu.memref_slice %arg9[%multiple_of3A, %dma_start3A_124] : memref<10000x128xf32, #tpu.memory_space<vmem_shared>> -> memref<80x128xf32, #tpu.memory_space<vmem_shared>>
          %dma_start3A_126 = arith.constant 0 : i32
          %dma_start3A_127 = arith.constant 0 : i32
          %dma_start3A_128 = tpu.memref_slice %arg8[%run_scoped3A_117, %dma_start3A_126, %dma_start3A_127] : memref<3x80x128xf32, #tpu.memory_space<vmem>> -> memref<1x80x128xf32, #tpu.memory_space<vmem>>
          %dma_start3A_129 = tpu.memref_squeeze %dma_start3A_128 : memref<1x80x128xf32, #tpu.memory_space<vmem>> -> memref<80x128xf32, #tpu.memory_space<vmem>>
          %dma_start3A_130 = arith.constant 0 : i32
          %dma_start3A_131 = tpu.memref_slice %arg9[%multiple_of3A, %dma_start3A_130] : memref<10000x128xf32, #tpu.memory_space<vmem_shared>> -> memref<80x128xf32, #tpu.memory_space<vmem_shared>>
          tpu.enqueue_dma source(%dma_start3A_131 : memref<80x128xf32, #tpu.memory_space<vmem_shared>>) target(%dma_start3A_129 : memref<80x128xf32, #tpu.memory_space<vmem>>) target_semaphore(%run_scoped3A_119 : memref<!tpu.dma_semaphore, #tpu.memory_space<semaphore_mem>>)
          %dma_wait3A_132 = arith.constant 0 : i32
          %dma_wait3A_133 = arith.constant 0 : i32
          %dma_wait3A_134 = tpu.memref_slice %arg8[%run_scoped3A_117, %dma_wait3A_132, %dma_wait3A_133] : memref<3x80x128xf32, #tpu.memory_space<vmem>> -> memref<1x80x128xf32, #tpu.memory_space<vmem>>
          %dma_wait3A_135 = tpu.memref_squeeze %dma_wait3A_134 : memref<1x80x128xf32, #tpu.memory_space<vmem>> -> memref<80x128xf32, #tpu.memory_space<vmem>>
          %dma_wait3A_136 = arith.constant 0 : i32
          %dma_wait3A_137 = tpu.memref_slice %arg9[%multiple_of3A, %dma_wait3A_136] : memref<10000x128xf32, #tpu.memory_space<vmem_shared>> -> memref<80x128xf32, #tpu.memory_space<vmem_shared>>
          %dma_wait3A_138 = arith.constant 0 : i32
          %dma_wait3A_139 = arith.constant 0 : i32
          %dma_wait3A_140 = tpu.memref_slice %arg8[%run_scoped3A_117, %dma_wait3A_138, %dma_wait3A_139] : memref<3x80x128xf32, #tpu.memory_space<vmem>> -> memref<1x80x128xf32, #tpu.memory_space<vmem>>
          %dma_wait3A_141 = tpu.memref_squeeze %dma_wait3A_140 : memref<1x80x128xf32, #tpu.memory_space<vmem>> -> memref<80x128xf32, #tpu.memory_space<vmem>>
          %dma_wait3A_142 = arith.constant 0 : i32
          %dma_wait3A_143 = tpu.memref_slice %arg9[%multiple_of3A, %dma_wait3A_142] : memref<10000x128xf32, #tpu.memory_space<vmem_shared>> -> memref<80x128xf32, #tpu.memory_space<vmem_shared>>
          tpu.wait_dma2 semaphore(%run_scoped3A_119 : memref<!tpu.dma_semaphore, #tpu.memory_space<semaphore_mem>>) src(%dma_wait3A_143 : memref<80x128xf32, #tpu.memory_space<vmem_shared>>) dst(%dma_wait3A_141 : memref<80x128xf32, #tpu.memory_space<vmem>>)
          tpu.yield
        }) : () -> ()
        %run_scoped3A_118 = arith.constant 0 : i32
        "tpu.region"() ({
          %run_scoped3A_119 = tpu.sem_alloc : memref<!tpu.dma_semaphore, #tpu.memory_space<semaphore_mem>>
          %dma_start3A_120 = arith.constant 0 : i32
          %dma_start3A_121 = arith.constant 0 : i32
          %dma_start3A_122 = tpu.memref_slice %arg8[%run_scoped3A_118, %dma_start3A_120, %dma_start3A_121] : memref<3x80x128xf32, #tpu.memory_space<vmem>> -> memref<1x80x128xf32, #tpu.memory_space<vmem>>
          %dma_start3A_123 = tpu.memref_squeeze %dma_start3A_122 : memref<1x80x128xf32, #tpu.memory_space<vmem>> -> memref<80x128xf32, #tpu.memory_space<vmem>>
          %dma_start3A_124 = arith.constant 0 : i32
          %dma_start3A_125 = tpu.memref_slice %arg5[%arg0, %multiple_of3A, %dma_start3A_124] : memref<2x10000x128xf32, #tpu.memory_space<hbm>> -> memref<1x80x128xf32, #tpu.memory_space<hbm>>
          %dma_start3A_126 = tpu.memref_squeeze %dma_start3A_125 : memref<1x80x128xf32, #tpu.memory_space<hbm>> -> memref<80x128xf32, #tpu.memory_space<hbm>>
          %dma_start3A_127 = arith.constant 0 : i32
          %dma_start3A_128 = tpu.memref_slice %arg5[%arg0, %multiple_of3A, %dma_start3A_127] : memref<2x10000x128xf32, #tpu.memory_space<hbm>> -> memref<1x80x128xf32, #tpu.memory_space<hbm>>
          %dma_start3A_129 = tpu.memref_squeeze %dma_start3A_128 : memref<1x80x128xf32, #tpu.memory_space<hbm>> -> memref<80x128xf32, #tpu.memory_space<hbm>>
          %dma_start3A_130 = arith.constant 0 : i32
          %dma_start3A_131 = arith.constant 0 : i32
          %dma_start3A_132 = tpu.memref_slice %arg8[%run_scoped3A_118, %dma_start3A_130, %dma_start3A_131] : memref<3x80x128xf32, #tpu.memory_space<vmem>> -> memref<1x80x128xf32, #tpu.memory_space<vmem>>
          %dma_start3A_133 = tpu.memref_squeeze %dma_start3A_132 : memref<1x80x128xf32, #tpu.memory_space<vmem>> -> memref<80x128xf32, #tpu.memory_space<vmem>>
          tpu.enqueue_dma source(%dma_start3A_133 : memref<80x128xf32, #tpu.memory_space<vmem>>) target(%dma_start3A_129 : memref<80x128xf32, #tpu.memory_space<hbm>>) target_semaphore(%run_scoped3A_119 : memref<!tpu.dma_semaphore, #tpu.memory_space<semaphore_mem>>)
          %dma_wait3A_134 = arith.constant 0 : i32
          %dma_wait3A_135 = arith.constant 0 : i32
          %dma_wait3A_136 = tpu.memref_slice %arg8[%run_scoped3A_118, %dma_wait3A_134, %dma_wait3A_135] : memref<3x80x128xf32, #tpu.memory_space<vmem>> -> memref<1x80x128xf32, #tpu.memory_space<vmem>>
          %dma_wait3A_137 = tpu.memref_squeeze %dma_wait3A_136 : memref<1x80x128xf32, #tpu.memory_space<vmem>> -> memref<80x128xf32, #tpu.memory_space<vmem>>
          %dma_wait3A_138 = arith.constant 0 : i32
          %dma_wait3A_139 = tpu.memref_slice %arg5[%arg0, %multiple_of3A, %dma_wait3A_138] : memref<2x10000x128xf32, #tpu.memory_space<hbm>> -> memref<1x80x128xf32, #tpu.memory_space<hbm>>
          %dma_wait3A_140 = tpu.memref_squeeze %dma_wait3A_139 : memref<1x80x128xf32, #tpu.memory_space<hbm>> -> memref<80x128xf32, #tpu.memory_space<hbm>>
          %dma_wait3A_141 = arith.constant 0 : i32
          %dma_wait3A_142 = tpu.memref_slice %arg5[%arg0, %multiple_of3A, %dma_wait3A_141] : memref<2x10000x128xf32, #tpu.memory_space<hbm>> -> memref<1x80x128xf32, #tpu.memory_space<hbm>>
          %dma_wait3A_143 = tpu.memref_squeeze %dma_wait3A_142 : memref<1x80x128xf32, #tpu.memory_space<hbm>> -> memref<80x128xf32, #tpu.memory_space<hbm>>
          %dma_wait3A_144 = arith.constant 0 : i32
          %dma_wait3A_145 = arith.constant 0 : i32
          %dma_wait3A_146 = tpu.memref_slice %arg8[%run_scoped3A_118, %dma_wait3A_144, %dma_wait3A_145] : memref<3x80x128xf32, #tpu.memory_space<vmem>> -> memref<1x80x128xf32, #tpu.memory_space<vmem>>
          %dma_wait3A_147 = tpu.memref_squeeze %dma_wait3A_146 : memref<1x80x128xf32, #tpu.memory_space<vmem>> -> memref<80x128xf32, #tpu.memory_space<vmem>>
          tpu.wait_dma2 semaphore(%run_scoped3A_119 : memref<!tpu.dma_semaphore, #tpu.memory_space<semaphore_mem>>) src(%dma_wait3A_147 : memref<80x128xf32, #tpu.memory_space<vmem>>) dst(%dma_wait3A_143 : memref<80x128xf32, #tpu.memory_space<hbm>>)
          tpu.yield
        }) : () -> ()
      } else {
      }
      %scan3A_114 = arith.constant 0 : i32
      scf.yield %scan3A_114 : i32
    }
    %scan3A_108 = arith.constant 8 : i32
    return
  }
}

#map = affine_map<(d0, d1) -> (0, 0)>
#map1 = affine_map<(d0, d1) -> (0, 0, 0, 0, 0)>
#map2 = affine_map<(d0, d1) -> (0, 0, 0)>
module attributes {stable_mosaic.version = 14 : i64} {
  func.func @_sc_agg_kernel(%arg0: i32, %arg1: i32, %arg2: memref<10000x128xf32, #tpu.memory_space<hbm>>, %arg3: memref<2x16x25x5x80xi32, #tpu.memory_space<hbm>>, %arg4: memref<2x16x25x5x80xi32, #tpu.memory_space<hbm>>, %arg5: memref<2x10000x128xf32, #tpu.memory_space<hbm>>, %arg6: memref<2x5x80xi32, #tpu.memory_space<vmem>>, %arg7: memref<2x5x80xi32, #tpu.memory_space<vmem>>, %arg8: memref<3x80x128xf32, #tpu.memory_space<vmem>>, %arg9: memref<10000x128xf32, #tpu.memory_space<vmem_shared>>, %arg10: memref<3x!tpu.dma_semaphore, #tpu.memory_space<semaphore_mem>>, %arg11: memref<3x!tpu.dma_semaphore, #tpu.memory_space<semaphore_mem>>) attributes {dimension_semantics = [#tpu.dimension_semantics<core_parallel>, #tpu.dimension_semantics<subcore_parallel>], iteration_bounds = array<i64: 2, 16>, scalar_prefetch = 0 : i64, scratch_operands = 6 : i64, tpu.core_type = #tpu.core_type<sc_vector_subcore>, window_params = [{transform_indices = #map}, {transform_indices = #map1}, {transform_indices = #map1}, {transform_indices = #map2}]} {
    %scan3A = arith.constant 0 : i32
    %scan3A_0 = arith.constant 0 : i32
    %scan3A_1 = arith.constant 80 : i32
    %scan3A_2 = arith.addi %scan3A_0, %scan3A_1 : i32
    %scan3A_3 = arith.constant 1 : i32
    %scan3A_4 = scf.for %scan3A_109 = %scan3A_0 to %scan3A_2 step %scan3A_3 iter_args(%scan3A_110 = %scan3A) -> (i32)  : i32 {
      %broadcast_in_dim3A = arith.constant 0.000000e+00 : f32
      %broadcast_in_dim3A_111 = vector.broadcast %broadcast_in_dim3A : f32 to vector<16xf32>
      %swap3A = arith.constant 0 : i32
      %swap3A_112 = arith.index_cast %swap3A : i32 to index
      %swap3A_113 = arith.index_cast %scan3A_109 : i32 to index
      %swap3A_114 = arith.constant 0 : index
      %swap3A_115 = tpu.vector_load %arg8[%swap3A_112, %swap3A_113, %swap3A_114] {strides = array<i32>} : memref<3x80x128xf32, #tpu.memory_space<vmem>>, vector<1x1x16xf32>,
      %swap3A_116 = vector.shape_cast %swap3A_115 : vector<1x1x16xf32> to vector<16xf32>
      %swap3A_117 = vector.shape_cast %broadcast_in_dim3A_111 : vector<16xf32> to vector<1x1x16xf32>
      tpu.vector_store %arg8[%swap3A_112, %swap3A_113, %swap3A_114], %swap3A_117 {strides = array<i32>} : memref<3x80x128xf32, #tpu.memory_space<vmem>>, vector<1x1x16xf32>,
      %broadcast_in_dim3A_118 = arith.constant 0.000000e+00 : f32
      %broadcast_in_dim3A_119 = vector.broadcast %broadcast_in_dim3A_118 : f32 to vector<16xf32>
      %swap3A_120 = arith.constant 0 : i32
      %swap3A_121 = arith.index_cast %swap3A_120 : i32 to index
      %swap3A_122 = arith.index_cast %scan3A_109 : i32 to index
      %swap3A_123 = arith.constant 16 : index
      %swap3A_124 = tpu.vector_load %arg8[%swap3A_121, %swap3A_122, %swap3A_123] {strides = array<i32>} : memref<3x80x128xf32, #tpu.memory_space<vmem>>, vector<1x1x16xf32>,
      %swap3A_125 = vector.shape_cast %swap3A_124 : vector<1x1x16xf32> to vector<16xf32>
      %swap3A_126 = vector.shape_cast %broadcast_in_dim3A_119 : vector<16xf32> to vector<1x1x16xf32>
      tpu.vector_store %arg8[%swap3A_121, %swap3A_122, %swap3A_123], %swap3A_126 {strides = array<i32>} : memref<3x80x128xf32, #tpu.memory_space<vmem>>, vector<1x1x16xf32>,
      %broadcast_in_dim3A_127 = arith.constant 0.000000e+00 : f32
      %broadcast_in_dim3A_128 = vector.broadcast %broadcast_in_dim3A_127 : f32 to vector<16xf32>
      %swap3A_129 = arith.constant 0 : i32
      %swap3A_130 = arith.index_cast %swap3A_129 : i32 to index
      %swap3A_131 = arith.index_cast %scan3A_109 : i32 to index
      %swap3A_132 = arith.constant 32 : index
      %swap3A_133 = tpu.vector_load %arg8[%swap3A_130, %swap3A_131, %swap3A_132] {strides = array<i32>} : memref<3x80x128xf32, #tpu.memory_space<vmem>>, vector<1x1x16xf32>,
      %swap3A_134 = vector.shape_cast %swap3A_133 : vector<1x1x16xf32> to vector<16xf32>
      %swap3A_135 = vector.shape_cast %broadcast_in_dim3A_128 : vector<16xf32> to vector<1x1x16xf32>
      tpu.vector_store %arg8[%swap3A_130, %swap3A_131, %swap3A_132], %swap3A_135 {strides = array<i32>} : memref<3x80x128xf32, #tpu.memory_space<vmem>>, vector<1x1x16xf32>,
      %broadcast_in_dim3A_136 = arith.constant 0.000000e+00 : f32
      %broadcast_in_dim3A_137 = vector.broadcast %broadcast_in_dim3A_136 : f32 to vector<16xf32>
      %swap3A_138 = arith.constant 0 : i32
      %swap3A_139 = arith.index_cast %swap3A_138 : i32 to index
      %swap3A_140 = arith.index_cast %scan3A_109 : i32 to index
      %swap3A_141 = arith.constant 48 : index
      %swap3A_142 = tpu.vector_load %arg8[%swap3A_139, %swap3A_140, %swap3A_141] {strides = array<i32>} : memref<3x80x128xf32, #tpu.memory_space<vmem>>, vector<1x1x16xf32>,
      %swap3A_143 = vector.shape_cast %swap3A_142 : vector<1x1x16xf32> to vector<16xf32>
      %swap3A_144 = vector.shape_cast %broadcast_in_dim3A_137 : vector<16xf32> to vector<1x1x16xf32>
      tpu.vector_store %arg8[%swap3A_139, %swap3A_140, %swap3A_141], %swap3A_144 {strides = array<i32>} : memref<3x80x128xf32, #tpu.memory_space<vmem>>, vector<1x1x16xf32>,
      %broadcast_in_dim3A_145 = arith.constant 0.000000e+00 : f32
      %broadcast_in_dim3A_146 = vector.broadcast %broadcast_in_dim3A_145 : f32 to vector<16xf32>
      %swap3A_147 = arith.constant 0 : i32
      %swap3A_148 = arith.index_cast %swap3A_147 : i32 to index
      %swap3A_149 = arith.index_cast %scan3A_109 : i32 to index
      %swap3A_150 = arith.constant 64 : index
      %swap3A_151 = tpu.vector_load %arg8[%swap3A_148, %swap3A_149, %swap3A_150] {strides = array<i32>} : memref<3x80x128xf32, #tpu.memory_space<vmem>>, vector<1x1x16xf32>,
      %swap3A_152 = vector.shape_cast %swap3A_151 : vector<1x1x16xf32> to vector<16xf32>
      %swap3A_153 = vector.shape_cast %broadcast_in_dim3A_146 : vector<16xf32> to vector<1x1x16xf32>
      tpu.vector_store %arg8[%swap3A_148, %swap3A_149, %swap3A_150], %swap3A_153 {strides = array<i32>} : memref<3x80x128xf32, #tpu.memory_space<vmem>>, vector<1x1x16xf32>,
      %broadcast_in_dim3A_154 = arith.constant 0.000000e+00 : f32
      %broadcast_in_dim3A_155 = vector.broadcast %broadcast_in_dim3A_154 : f32 to vector<16xf32>
      %swap3A_156 = arith.constant 0 : i32
      %swap3A_157 = arith.index_cast %swap3A_156 : i32 to index
      %swap3A_158 = arith.index_cast %scan3A_109 : i32 to index
      %swap3A_159 = arith.constant 80 : index
      %swap3A_160 = tpu.vector_load %arg8[%swap3A_157, %swap3A_158, %swap3A_159] {strides = array<i32>} : memref<3x80x128xf32, #tpu.memory_space<vmem>>, vector<1x1x16xf32>,
      %swap3A_161 = vector.shape_cast %swap3A_160 : vector<1x1x16xf32> to vector<16xf32>
      %swap3A_162 = vector.shape_cast %broadcast_in_dim3A_155 : vector<16xf32> to vector<1x1x16xf32>
      tpu.vector_store %arg8[%swap3A_157, %swap3A_158, %swap3A_159], %swap3A_162 {strides = array<i32>} : memref<3x80x128xf32, #tpu.memory_space<vmem>>, vector<1x1x16xf32>,
      %broadcast_in_dim3A_163 = arith.constant 0.000000e+00 : f32
      %broadcast_in_dim3A_164 = vector.broadcast %broadcast_in_dim3A_163 : f32 to vector<16xf32>
      %swap3A_165 = arith.constant 0 : i32
      %swap3A_166 = arith.index_cast %swap3A_165 : i32 to index
      %swap3A_167 = arith.index_cast %scan3A_109 : i32 to index
      %swap3A_168 = arith.constant 96 : index
      %swap3A_169 = tpu.vector_load %arg8[%swap3A_166, %swap3A_167, %swap3A_168] {strides = array<i32>} : memref<3x80x128xf32, #tpu.memory_space<vmem>>, vector<1x1x16xf32>,
      %swap3A_170 = vector.shape_cast %swap3A_169 : vector<1x1x16xf32> to vector<16xf32>
      %swap3A_171 = vector.shape_cast %broadcast_in_dim3A_164 : vector<16xf32> to vector<1x1x16xf32>
      tpu.vector_store %arg8[%swap3A_166, %swap3A_167, %swap3A_168], %swap3A_171 {strides = array<i32>} : memref<3x80x128xf32, #tpu.memory_space<vmem>>, vector<1x1x16xf32>,
      %broadcast_in_dim3A_172 = arith.constant 0.000000e+00 : f32
      %broadcast_in_dim3A_173 = vector.broadcast %broadcast_in_dim3A_172 : f32 to vector<16xf32>
      %swap3A_174 = arith.constant 0 : i32
      %swap3A_175 = arith.index_cast %swap3A_174 : i32 to index
      %swap3A_176 = arith.index_cast %scan3A_109 : i32 to index
      %swap3A_177 = arith.constant 112 : index
      %swap3A_178 = tpu.vector_load %arg8[%swap3A_175, %swap3A_176, %swap3A_177] {strides = array<i32>} : memref<3x80x128xf32, #tpu.memory_space<vmem>>, vector<1x1x16xf32>,
      %swap3A_179 = vector.shape_cast %swap3A_178 : vector<1x1x16xf32> to vector<16xf32>
      %swap3A_180 = vector.shape_cast %broadcast_in_dim3A_173 : vector<16xf32> to vector<1x1x16xf32>
      tpu.vector_store %arg8[%swap3A_175, %swap3A_176, %swap3A_177], %swap3A_180 {strides = array<i32>} : memref<3x80x128xf32, #tpu.memory_space<vmem>>, vector<1x1x16xf32>,
      %scan3A_181 = arith.constant 0 : i32
      scf.yield %scan3A_181 : i32
    }
    %scan3A_5 = arith.constant 80 : i32
    %scan3A_6 = arith.constant 0 : i32
    %scan3A_7 = arith.constant 0 : i32
    %scan3A_8 = arith.constant 8 : i32
    %scan3A_9 = arith.addi %scan3A_7, %scan3A_8 : i32
    %scan3A_10 = arith.constant 1 : i32
    %scan3A_11 = scf.for %scan3A_109 = %scan3A_7 to %scan3A_9 step %scan3A_10 iter_args(%scan3A_110 = %scan3A_6) -> (i32)  : i32 {
      %mul3A = arith.constant 16 : i32
      %mul3A_111 = arith.muli %scan3A_109, %mul3A : i32
      %add3A = arith.addi %mul3A_111, %arg1 : i32
      %lt3A = arith.constant 125 : i32
      %lt3A_112 = arith.cmpi slt, %add3A, %lt3A : i32
      %convert_element_type3A = arith.extui %lt3A_112 : i1 to i32
      %cond3A = arith.constant 0 : i32
      %cond3A_113 = arith.cmpi ne, %convert_element_type3A, %cond3A : i32
      scf.if %cond3A_113 {
        %mul3A_115 = arith.constant 80 : i32
        %mul3A_116 = arith.muli %add3A, %mul3A_115 : i32
        %multiple_of3A = tpu.assume_multiple %mul3A_116, 8 : i32
        %run_scoped3A_117 = arith.constant 0 : i32
        "tpu.region"() ({
          %run_scoped3A_118 = tpu.sem_alloc : memref<!tpu.dma_semaphore, #tpu.memory_space<semaphore_mem>>
          %dma_start3A_119 = arith.constant 0 : i32
          %dma_start3A_120 = arith.constant 0 : i32
          %dma_start3A_121 = tpu.memref_slice %arg8[%run_scoped3A_117, %dma_start3A_119, %dma_start3A_120] : memref<3x80x128xf32, #tpu.memory_space<vmem>> -> memref<1x80x128xf32, #tpu.memory_space<vmem>>
          %dma_start3A_122 = tpu.memref_squeeze %dma_start3A_121 : memref<1x80x128xf32, #tpu.memory_space<vmem>> -> memref<80x128xf32, #tpu.memory_space<vmem>>
          %dma_start3A_123 = arith.constant 0 : i32
          %dma_start3A_124 = tpu.memref_slice %arg9[%multiple_of3A, %dma_start3A_123] : memref<10000x128xf32, #tpu.memory_space<vmem_shared>> -> memref<80x128xf32, #tpu.memory_space<vmem_shared>>
          %dma_start3A_125 = arith.constant 0 : i32
          %dma_start3A_126 = tpu.memref_slice %arg9[%multiple_of3A, %dma_start3A_125] : memref<10000x128xf32, #tpu.memory_space<vmem_shared>> -> memref<80x128xf32, #tpu.memory_space<vmem_shared>>
          %dma_start3A_127 = arith.constant 0 : i32
          %dma_start3A_128 = arith.constant 0 : i32
          %dma_start3A_129 = tpu.memref_slice %arg8[%run_scoped3A_117, %dma_start3A_127, %dma_start3A_128] : memref<3x80x128xf32, #tpu.memory_space<vmem>> -> memref<1x80x128xf32, #tpu.memory_space<vmem>>
          %dma_start3A_130 = tpu.memref_squeeze %dma_start3A_129 : memref<1x80x128xf32, #tpu.memory_space<vmem>> -> memref<80x128xf32, #tpu.memory_space<vmem>>
          tpu.enqueue_dma source(%dma_start3A_130 : memref<80x128xf32, #tpu.memory_space<vmem>>) target(%dma_start3A_126 : memref<80x128xf32, #tpu.memory_space<vmem_shared>>) target_semaphore(%run_scoped3A_118 : memref<!tpu.dma_semaphore, #tpu.memory_space<semaphore_mem>>)
          %dma_wait3A_131 = arith.constant 0 : i32
          %dma_wait3A_132 = arith.constant 0 : i32
          %dma_wait3A_133 = tpu.memref_slice %arg8[%run_scoped3A_117, %dma_wait3A_131, %dma_wait3A_132] : memref<3x80x128xf32, #tpu.memory_space<vmem>> -> memref<1x80x128xf32, #tpu.memory_space<vmem>>
          %dma_wait3A_134 = tpu.memref_squeeze %dma_wait3A_133 : memref<1x80x128xf32, #tpu.memory_space<vmem>> -> memref<80x128xf32, #tpu.memory_space<vmem>>
          %dma_wait3A_135 = arith.constant 0 : i32
          %dma_wait3A_136 = tpu.memref_slice %arg9[%multiple_of3A, %dma_wait3A_135] : memref<10000x128xf32, #tpu.memory_space<vmem_shared>> -> memref<80x128xf32, #tpu.memory_space<vmem_shared>>
          %dma_wait3A_137 = arith.constant 0 : i32
          %dma_wait3A_138 = tpu.memref_slice %arg9[%multiple_of3A, %dma_wait3A_137] : memref<10000x128xf32, #tpu.memory_space<vmem_shared>> -> memref<80x128xf32, #tpu.memory_space<vmem_shared>>
          %dma_wait3A_139 = arith.constant 0 : i32
          %dma_wait3A_140 = arith.constant 0 : i32
          %dma_wait3A_141 = tpu.memref_slice %arg8[%run_scoped3A_117, %dma_wait3A_139, %dma_wait3A_140] : memref<3x80x128xf32, #tpu.memory_space<vmem>> -> memref<1x80x128xf32, #tpu.memory_space<vmem>>
          %dma_wait3A_142 = tpu.memref_squeeze %dma_wait3A_141 : memref<1x80x128xf32, #tpu.memory_space<vmem>> -> memref<80x128xf32, #tpu.memory_space<vmem>>
          tpu.wait_dma2 semaphore(%run_scoped3A_118 : memref<!tpu.dma_semaphore, #tpu.memory_space<semaphore_mem>>) src(%dma_wait3A_142 : memref<80x128xf32, #tpu.memory_space<vmem>>) dst(%dma_wait3A_138 : memref<80x128xf32, #tpu.memory_space<vmem_shared>>)
          tpu.yield
        }) : () -> ()
      } else {
      }
      %scan3A_114 = arith.constant 0 : i32
      scf.yield %scan3A_114 : i32
    }
    %scan3A_12 = arith.constant 8 : i32
    %barrier3A = arith.constant 0 : index
    tpu.barrier barrier_id(%barrier3A)
    %run_scoped3A = arith.constant 0 : i32
    %run_scoped3A_13 = arith.constant 0 : i32
    "tpu.region"() ({
      %run_scoped3A_109 = tpu.sem_alloc : memref<!tpu.dma_semaphore, #tpu.memory_space<semaphore_mem>>
      %dma_start3A_110 = arith.constant 0 : i32
      %dma_start3A_111 = arith.constant 0 : i32
      %dma_start3A_112 = tpu.memref_slice %arg6[%run_scoped3A_13, %dma_start3A_110, %dma_start3A_111] : memref<2x5x80xi32, #tpu.memory_space<vmem>> -> memref<1x5x80xi32, #tpu.memory_space<vmem>>
      %dma_start3A_113 = tpu.memref_squeeze %dma_start3A_112 : memref<1x5x80xi32, #tpu.memory_space<vmem>> -> memref<5x80xi32, #tpu.memory_space<vmem>>
      %dma_start3A_114 = arith.constant 0 : i32
      %dma_start3A_115 = arith.constant 0 : i32
      %dma_start3A_116 = tpu.memref_slice %arg3[%arg0, %arg1, %run_scoped3A, %dma_start3A_114, %dma_start3A_115] : memref<2x16x25x5x80xi32, #tpu.memory_space<hbm>> -> memref<1x1x1x5x80xi32, #tpu.memory_space<hbm>>
      %dma_start3A_117 = tpu.memref_squeeze %dma_start3A_116 : memref<1x1x1x5x80xi32, #tpu.memory_space<hbm>> -> memref<5x80xi32, #tpu.memory_space<hbm>>
      %dma_start3A_118 = arith.constant 0 : i32
      %dma_start3A_119 = arith.constant 0 : i32
      %dma_start3A_120 = tpu.memref_slice %arg6[%run_scoped3A_13, %dma_start3A_118, %dma_start3A_119] : memref<2x5x80xi32, #tpu.memory_space<vmem>> -> memref<1x5x80xi32, #tpu.memory_space<vmem>>
      %dma_start3A_121 = tpu.memref_squeeze %dma_start3A_120 : memref<1x5x80xi32, #tpu.memory_space<vmem>> -> memref<5x80xi32, #tpu.memory_space<vmem>>
      %dma_start3A_122 = arith.constant 0 : i32
      %dma_start3A_123 = arith.constant 0 : i32
      %dma_start3A_124 = tpu.memref_slice %arg3[%arg0, %arg1, %run_scoped3A, %dma_start3A_122, %dma_start3A_123] : memref<2x16x25x5x80xi32, #tpu.memory_space<hbm>> -> memref<1x1x1x5x80xi32, #tpu.memory_space<hbm>>
      %dma_start3A_125 = tpu.memref_squeeze %dma_start3A_124 : memref<1x1x1x5x80xi32, #tpu.memory_space<hbm>> -> memref<5x80xi32, #tpu.memory_space<hbm>>
      tpu.enqueue_dma source(%dma_start3A_125 : memref<5x80xi32, #tpu.memory_space<hbm>>) target(%dma_start3A_121 : memref<5x80xi32, #tpu.memory_space<vmem>>) target_semaphore(%run_scoped3A_109 : memref<!tpu.dma_semaphore, #tpu.memory_space<semaphore_mem>>)
      %dma_wait3A_126 = arith.constant 0 : i32
      %dma_wait3A_127 = arith.constant 0 : i32
      %dma_wait3A_128 = tpu.memref_slice %arg6[%run_scoped3A_13, %dma_wait3A_126, %dma_wait3A_127] : memref<2x5x80xi32, #tpu.memory_space<vmem>> -> memref<1x5x80xi32, #tpu.memory_space<vmem>>
      %dma_wait3A_129 = tpu.memref_squeeze %dma_wait3A_128 : memref<1x5x80xi32, #tpu.memory_space<vmem>> -> memref<5x80xi32, #tpu.memory_space<vmem>>
      %dma_wait3A_130 = arith.constant 0 : i32
      %dma_wait3A_131 = arith.constant 0 : i32
      %dma_wait3A_132 = tpu.memref_slice %arg3[%arg0, %arg1, %run_scoped3A, %dma_wait3A_130, %dma_wait3A_131] : memref<2x16x25x5x80xi32, #tpu.memory_space<hbm>> -> memref<1x1x1x5x80xi32, #tpu.memory_space<hbm>>
      %dma_wait3A_133 = tpu.memref_squeeze %dma_wait3A_132 : memref<1x1x1x5x80xi32, #tpu.memory_space<hbm>> -> memref<5x80xi32, #tpu.memory_space<hbm>>
      %dma_wait3A_134 = arith.constant 0 : i32
      %dma_wait3A_135 = arith.constant 0 : i32
      %dma_wait3A_136 = tpu.memref_slice %arg6[%run_scoped3A_13, %dma_wait3A_134, %dma_wait3A_135] : memref<2x5x80xi32, #tpu.memory_space<vmem>> -> memref<1x5x80xi32, #tpu.memory_space<vmem>>
      %dma_wait3A_137 = tpu.memref_squeeze %dma_wait3A_136 : memref<1x5x80xi32, #tpu.memory_space<vmem>> -> memref<5x80xi32, #tpu.memory_space<vmem>>
      %dma_wait3A_138 = arith.constant 0 : i32
      %dma_wait3A_139 = arith.constant 0 : i32
      %dma_wait3A_140 = tpu.memref_slice %arg3[%arg0, %arg1, %run_scoped3A, %dma_wait3A_138, %dma_wait3A_139] : memref<2x16x25x5x80xi32, #tpu.memory_space<hbm>> -> memref<1x1x1x5x80xi32, #tpu.memory_space<hbm>>
      %dma_wait3A_141 = tpu.memref_squeeze %dma_wait3A_140 : memref<1x1x1x5x80xi32, #tpu.memory_space<hbm>> -> memref<5x80xi32, #tpu.memory_space<hbm>>
      tpu.wait_dma2 semaphore(%run_scoped3A_109 : memref<!tpu.dma_semaphore, #tpu.memory_space<semaphore_mem>>) src(%dma_wait3A_141 : memref<5x80xi32, #tpu.memory_space<hbm>>) dst(%dma_wait3A_137 : memref<5x80xi32, #tpu.memory_space<vmem>>)
      tpu.yield
    }) : () -> ()
    %run_scoped3A_14 = arith.constant 0 : i32
    %run_scoped3A_15 = arith.constant 0 : i32
    "tpu.region"() ({
      %run_scoped3A_109 = tpu.sem_alloc : memref<!tpu.dma_semaphore, #tpu.memory_space<semaphore_mem>>
      %dma_start3A_110 = arith.constant 0 : i32
      %dma_start3A_111 = arith.constant 0 : i32
      %dma_start3A_112 = tpu.memref_slice %arg7[%run_scoped3A_15, %dma_start3A_110, %dma_start3A_111] : memref<2x5x80xi32, #tpu.memory_space<vmem>> -> memref<1x5x80xi32, #tpu.memory_space<vmem>>
      %dma_start3A_113 = tpu.memref_squeeze %dma_start3A_112 : memref<1x5x80xi32, #tpu.memory_space<vmem>> -> memref<5x80xi32, #tpu.memory_space<vmem>>
      %dma_start3A_114 = arith.constant 0 : i32
      %dma_start3A_115 = arith.constant 0 : i32
      %dma_start3A_116 = tpu.memref_slice %arg4[%arg0, %arg1, %run_scoped3A_14, %dma_start3A_114, %dma_start3A_115] : memref<2x16x25x5x80xi32, #tpu.memory_space<hbm>> -> memref<1x1x1x5x80xi32, #tpu.memory_space<hbm>>
      %dma_start3A_117 = tpu.memref_squeeze %dma_start3A_116 : memref<1x1x1x5x80xi32, #tpu.memory_space<hbm>> -> memref<5x80xi32, #tpu.memory_space<hbm>>
      %dma_start3A_118 = arith.constant 0 : i32
      %dma_start3A_119 = arith.constant 0 : i32
      %dma_start3A_120 = tpu.memref_slice %arg7[%run_scoped3A_15, %dma_start3A_118, %dma_start3A_119] : memref<2x5x80xi32, #tpu.memory_space<vmem>> -> memref<1x5x80xi32, #tpu.memory_space<vmem>>
      %dma_start3A_121 = tpu.memref_squeeze %dma_start3A_120 : memref<1x5x80xi32, #tpu.memory_space<vmem>> -> memref<5x80xi32, #tpu.memory_space<vmem>>
      %dma_start3A_122 = arith.constant 0 : i32
      %dma_start3A_123 = arith.constant 0 : i32
      %dma_start3A_124 = tpu.memref_slice %arg4[%arg0, %arg1, %run_scoped3A_14, %dma_start3A_122, %dma_start3A_123] : memref<2x16x25x5x80xi32, #tpu.memory_space<hbm>> -> memref<1x1x1x5x80xi32, #tpu.memory_space<hbm>>
      %dma_start3A_125 = tpu.memref_squeeze %dma_start3A_124 : memref<1x1x1x5x80xi32, #tpu.memory_space<hbm>> -> memref<5x80xi32, #tpu.memory_space<hbm>>
      tpu.enqueue_dma source(%dma_start3A_125 : memref<5x80xi32, #tpu.memory_space<hbm>>) target(%dma_start3A_121 : memref<5x80xi32, #tpu.memory_space<vmem>>) target_semaphore(%run_scoped3A_109 : memref<!tpu.dma_semaphore, #tpu.memory_space<semaphore_mem>>)
      %dma_wait3A_126 = arith.constant 0 : i32
      %dma_wait3A_127 = arith.constant 0 : i32
      %dma_wait3A_128 = tpu.memref_slice %arg7[%run_scoped3A_15, %dma_wait3A_126, %dma_wait3A_127] : memref<2x5x80xi32, #tpu.memory_space<vmem>> -> memref<1x5x80xi32, #tpu.memory_space<vmem>>
      %dma_wait3A_129 = tpu.memref_squeeze %dma_wait3A_128 : memref<1x5x80xi32, #tpu.memory_space<vmem>> -> memref<5x80xi32, #tpu.memory_space<vmem>>
      %dma_wait3A_130 = arith.constant 0 : i32
      %dma_wait3A_131 = arith.constant 0 : i32
      %dma_wait3A_132 = tpu.memref_slice %arg4[%arg0, %arg1, %run_scoped3A_14, %dma_wait3A_130, %dma_wait3A_131] : memref<2x16x25x5x80xi32, #tpu.memory_space<hbm>> -> memref<1x1x1x5x80xi32, #tpu.memory_space<hbm>>
      %dma_wait3A_133 = tpu.memref_squeeze %dma_wait3A_132 : memref<1x1x1x5x80xi32, #tpu.memory_space<hbm>> -> memref<5x80xi32, #tpu.memory_space<hbm>>
      %dma_wait3A_134 = arith.constant 0 : i32
      %dma_wait3A_135 = arith.constant 0 : i32
      %dma_wait3A_136 = tpu.memref_slice %arg7[%run_scoped3A_15, %dma_wait3A_134, %dma_wait3A_135] : memref<2x5x80xi32, #tpu.memory_space<vmem>> -> memref<1x5x80xi32, #tpu.memory_space<vmem>>
      %dma_wait3A_137 = tpu.memref_squeeze %dma_wait3A_136 : memref<1x5x80xi32, #tpu.memory_space<vmem>> -> memref<5x80xi32, #tpu.memory_space<vmem>>
      %dma_wait3A_138 = arith.constant 0 : i32
      %dma_wait3A_139 = arith.constant 0 : i32
      %dma_wait3A_140 = tpu.memref_slice %arg4[%arg0, %arg1, %run_scoped3A_14, %dma_wait3A_138, %dma_wait3A_139] : memref<2x16x25x5x80xi32, #tpu.memory_space<hbm>> -> memref<1x1x1x5x80xi32, #tpu.memory_space<hbm>>
      %dma_wait3A_141 = tpu.memref_squeeze %dma_wait3A_140 : memref<1x1x1x5x80xi32, #tpu.memory_space<hbm>> -> memref<5x80xi32, #tpu.memory_space<hbm>>
      tpu.wait_dma2 semaphore(%run_scoped3A_109 : memref<!tpu.dma_semaphore, #tpu.memory_space<semaphore_mem>>) src(%dma_wait3A_141 : memref<5x80xi32, #tpu.memory_space<hbm>>) dst(%dma_wait3A_137 : memref<5x80xi32, #tpu.memory_space<vmem>>)
      tpu.yield
    }) : () -> ()
    %dma_start3A = arith.constant 0 : i32
    %dma_start3A_16 = arith.constant 0 : i32
    %dma_start3A_17 = arith.constant 0 : i32
    %dma_start3A_18 = arith.constant 0 : i32
    %dma_start3A_19 = arith.constant 0 : i32
    %dma_start3A_20 = arith.constant 0 : i32
    %dma_start3A_21 = tpu.memref_slice %arg8[%dma_start3A_17, %dma_start3A_19, %dma_start3A_20] : memref<3x80x128xf32, #tpu.memory_space<vmem>> -> memref<1x80x128xf32, #tpu.memory_space<vmem>>
    %dma_start3A_22 = tpu.memref_squeeze %dma_start3A_21 : memref<1x80x128xf32, #tpu.memory_space<vmem>> -> memref<80x128xf32, #tpu.memory_space<vmem>>
    %dma_start3A_23 = arith.constant 0 : i32
    %dma_start3A_24 = tpu.memref_slice %arg6[%dma_start3A, %dma_start3A_16, %dma_start3A_23] : memref<2x5x80xi32, #tpu.memory_space<vmem>> -> memref<1x1x80xi32, #tpu.memory_space<vmem>>
    %dma_start3A_25 = tpu.memref_squeeze %dma_start3A_24 : memref<1x1x80xi32, #tpu.memory_space<vmem>> -> memref<80xi32, #tpu.memory_space<vmem>>
    %dma_start3A_26 = arith.constant 0 : i32
    %dma_start3A_27 = arith.constant 0 : i32
    %dma_start3A_28 = tpu.memref_slice %arg2[%dma_start3A_26, %dma_start3A_27] : memref<10000x128xf32, #tpu.memory_space<hbm>> -> memref<10000x128xf32, #tpu.memory_space<hbm>>
    %dma_start3A_29 = tpu.memref_slice %arg10[%dma_start3A_18] : memref<3x!tpu.dma_semaphore, #tpu.memory_space<semaphore_mem>> -> memref<1x!tpu.dma_semaphore, #tpu.memory_space<semaphore_mem>>
    %dma_start3A_30 = tpu.memref_squeeze %dma_start3A_29 : memref<1x!tpu.dma_semaphore, #tpu.memory_space<semaphore_mem>> -> memref<!tpu.dma_semaphore, #tpu.memory_space<semaphore_mem>>
    tpu.enqueue_indirect_dma source(%dma_start3A_28 : memref<10000x128xf32, #tpu.memory_space<hbm>>) target(%dma_start3A_22 : memref<80x128xf32, #tpu.memory_space<vmem>>) offsets(%dma_start3A_25 : memref<80xi32, #tpu.memory_space<vmem>>) semaphore(%dma_start3A_30 : memref<!tpu.dma_semaphore, #tpu.memory_space<semaphore_mem>>)
    %dma_start3A_31 = arith.constant 0 : i32
    %dma_start3A_32 = arith.constant 1 : i32
    %dma_start3A_33 = arith.constant 1 : i32
    %dma_start3A_34 = arith.constant 1 : i32
    %dma_start3A_35 = arith.constant 0 : i32
    %dma_start3A_36 = arith.constant 0 : i32
    %dma_start3A_37 = tpu.memref_slice %arg8[%dma_start3A_33, %dma_start3A_35, %dma_start3A_36] : memref<3x80x128xf32, #tpu.memory_space<vmem>> -> memref<1x80x128xf32, #tpu.memory_space<vmem>>
    %dma_start3A_38 = tpu.memref_squeeze %dma_start3A_37 : memref<1x80x128xf32, #tpu.memory_space<vmem>> -> memref<80x128xf32, #tpu.memory_space<vmem>>
    %dma_start3A_39 = arith.constant 0 : i32
    %dma_start3A_40 = tpu.memref_slice %arg6[%dma_start3A_31, %dma_start3A_32, %dma_start3A_39] : memref<2x5x80xi32, #tpu.memory_space<vmem>> -> memref<1x1x80xi32, #tpu.memory_space<vmem>>
    %dma_start3A_41 = tpu.memref_squeeze %dma_start3A_40 : memref<1x1x80xi32, #tpu.memory_space<vmem>> -> memref<80xi32, #tpu.memory_space<vmem>>
    %dma_start3A_42 = arith.constant 0 : i32
    %dma_start3A_43 = arith.constant 0 : i32
    %dma_start3A_44 = tpu.memref_slice %arg2[%dma_start3A_42, %dma_start3A_43] : memref<10000x128xf32, #tpu.memory_space<hbm>> -> memref<10000x128xf32, #tpu.memory_space<hbm>>
    %dma_start3A_45 = tpu.memref_slice %arg10[%dma_start3A_34] : memref<3x!tpu.dma_semaphore, #tpu.memory_space<semaphore_mem>> -> memref<1x!tpu.dma_semaphore, #tpu.memory_space<semaphore_mem>>
    %dma_start3A_46 = tpu.memref_squeeze %dma_start3A_45 : memref<1x!tpu.dma_semaphore, #tpu.memory_space<semaphore_mem>> -> memref<!tpu.dma_semaphore, #tpu.memory_space<semaphore_mem>>
    tpu.enqueue_indirect_dma source(%dma_start3A_44 : memref<10000x128xf32, #tpu.memory_space<hbm>>) target(%dma_start3A_38 : memref<80x128xf32, #tpu.memory_space<vmem>>) offsets(%dma_start3A_41 : memref<80xi32, #tpu.memory_space<vmem>>) semaphore(%dma_start3A_46 : memref<!tpu.dma_semaphore, #tpu.memory_space<semaphore_mem>>)
    %scan3A_47 = arith.constant 0 : i32
    %scan3A_48 = arith.constant 0 : i32
    %scan3A_49 = arith.constant 125 : i32
    %scan3A_50 = arith.addi %scan3A_48, %scan3A_49 : i32
    %scan3A_51 = arith.constant 1 : i32
    %scan3A_52 = scf.for %scan3A_109 = %scan3A_48 to %scan3A_50 step %scan3A_51 iter_args(%scan3A_110 = %scan3A_47) -> (i32)  : i32 {
      %rem3A = arith.constant 3 : i32
      %rem3A_111 = arith.remsi %scan3A_109, %rem3A : i32
      %jit3A = arith.constant 5 : i32
      %div3A = arith.divsi %scan3A_109, %jit3A : i32
      %sign3A = arith.constant 0 : i32
      %sign3A_112 = arith.cmpi sgt, %scan3A_109, %sign3A : i32
      %sign3A_113 = arith.extui %sign3A_112 : i1 to i32
      %sign3A_114 = arith.constant 0 : i32
      %sign3A_115 = arith.cmpi slt, %scan3A_109, %sign3A_114 : i32
      %sign3A_116 = arith.extui %sign3A_115 : i1 to i32
      %sign3A_117 = arith.subi %sign3A_113, %sign3A_116 : i32
      %sign3A_118 = arith.constant 0 : i32
      %sign3A_119 = arith.cmpi sgt, %jit3A, %sign3A_118 : i32
      %sign3A_120 = arith.extui %sign3A_119 : i1 to i32
      %sign3A_121 = arith.constant 0 : i32
      %sign3A_122 = arith.cmpi slt, %jit3A, %sign3A_121 : i32
      %sign3A_123 = arith.extui %sign3A_122 : i1 to i32
      %sign3A_124 = arith.subi %sign3A_120, %sign3A_123 : i32
      %ne3A = arith.cmpi ne, %sign3A_117, %sign3A_124 : i32
      %rem3A_125 = arith.remsi %scan3A_109, %jit3A : i32
      %ne3A_126 = arith.constant 0 : i32
      %ne3A_127 = arith.cmpi ne, %rem3A_125, %ne3A_126 : i32
      %and3A = arith.andi %ne3A, %ne3A_127 : i1
      %sub3A = arith.constant 1 : i32
      %sub3A_128 = arith.subi %div3A, %sub3A : i32
      %select_n3A = arith.select %and3A, %sub3A_128, %div3A : i32
      %jit3A_129 = arith.constant 5 : i32
      %eq3A = arith.constant 0 : i32
      %eq3A_130 = arith.cmpi eq, %jit3A_129, %eq3A : i32
      %jit3A_131 = arith.constant 1 : i32
      %select_n3A_132 = arith.select %eq3A_130, %jit3A_131, %jit3A_129 : i32
      %rem3A_133 = arith.remsi %scan3A_109, %select_n3A_132 : i32
      %ne3A_134 = arith.constant 0 : i32
      %ne3A_135 = arith.cmpi ne, %rem3A_133, %ne3A_134 : i32
      %lt3A = arith.constant 0 : i32
      %lt3A_136 = arith.cmpi slt, %rem3A_133, %lt3A : i32
      %lt3A_137 = arith.constant 0 : i32
      %lt3A_138 = arith.cmpi slt, %select_n3A_132, %lt3A_137 : i32
      %ne3A_139 = arith.xori %lt3A_136, %lt3A_138 : i1
      %and3A_140 = arith.andi %ne3A_139, %ne3A_135 : i1
      %add3A = arith.addi %rem3A_133, %select_n3A_132 : i32
      %select_n3A_141 = arith.select %and3A_140, %add3A, %rem3A_133 : i32
      %rem3A_142 = arith.constant 2 : i32
      %rem3A_143 = arith.remsi %select_n3A, %rem3A_142 : i32
      %eq3A_144 = arith.constant 0 : i32
      %eq3A_145 = arith.cmpi eq, %select_n3A_141, %eq3A_144 : i32
      %convert_element_type3A = arith.extui %eq3A_145 : i1 to i32
      %cond3A = arith.constant 0 : i32
      %cond3A_146 = arith.cmpi ne, %convert_element_type3A, %cond3A : i32
      scf.if %cond3A_146 {
        %add3A_179 = arith.constant 1 : i32
        %add3A_180 = arith.addi %select_n3A, %add3A_179 : i32
        %rem3A_181 = arith.constant 2 : i32
        %rem3A_182 = arith.remsi %add3A_180, %rem3A_181 : i32
        %add3A_183 = arith.constant 1 : i32
        %add3A_184 = arith.addi %select_n3A, %add3A_183 : i32
        %lt3A_185 = arith.constant 25 : i32
        %lt3A_186 = arith.cmpi slt, %add3A_184, %lt3A_185 : i32
        %convert_element_type3A_187 = arith.extui %lt3A_186 : i1 to i32
        %cond3A_188 = arith.constant 0 : i32
        %cond3A_189 = arith.cmpi ne, %convert_element_type3A_187, %cond3A_188 : i32
        scf.if %cond3A_189 {
          %add3A_190 = arith.constant 1 : i32
          %add3A_191 = arith.addi %select_n3A, %add3A_190 : i32
          "tpu.region"() ({
            %run_scoped3A_194 = tpu.sem_alloc : memref<!tpu.dma_semaphore, #tpu.memory_space<semaphore_mem>>
            %dma_start3A_195 = arith.constant 0 : i32
            %dma_start3A_196 = arith.constant 0 : i32
            %dma_start3A_197 = tpu.memref_slice %arg6[%rem3A_182, %dma_start3A_195, %dma_start3A_196] : memref<2x5x80xi32, #tpu.memory_space<vmem>> -> memref<1x5x80xi32, #tpu.memory_space<vmem>>
            %dma_start3A_198 = tpu.memref_squeeze %dma_start3A_197 : memref<1x5x80xi32, #tpu.memory_space<vmem>> -> memref<5x80xi32, #tpu.memory_space<vmem>>
            %dma_start3A_199 = arith.constant 0 : i32
            %dma_start3A_200 = arith.constant 0 : i32
            %dma_start3A_201 = tpu.memref_slice %arg3[%arg0, %arg1, %add3A_191, %dma_start3A_199, %dma_start3A_200] : memref<2x16x25x5x80xi32, #tpu.memory_space<hbm>> -> memref<1x1x1x5x80xi32, #tpu.memory_space<hbm>>
            %dma_start3A_202 = tpu.memref_squeeze %dma_start3A_201 : memref<1x1x1x5x80xi32, #tpu.memory_space<hbm>> -> memref<5x80xi32, #tpu.memory_space<hbm>>
            %dma_start3A_203 = arith.constant 0 : i32
            %dma_start3A_204 = arith.constant 0 : i32
            %dma_start3A_205 = tpu.memref_slice %arg6[%rem3A_182, %dma_start3A_203, %dma_start3A_204] : memref<2x5x80xi32, #tpu.memory_space<vmem>> -> memref<1x5x80xi32, #tpu.memory_space<vmem>>
            %dma_start3A_206 = tpu.memref_squeeze %dma_start3A_205 : memref<1x5x80xi32, #tpu.memory_space<vmem>> -> memref<5x80xi32, #tpu.memory_space<vmem>>
            %dma_start3A_207 = arith.constant 0 : i32
            %dma_start3A_208 = arith.constant 0 : i32
            %dma_start3A_209 = tpu.memref_slice %arg3[%arg0, %arg1, %add3A_191, %dma_start3A_207, %dma_start3A_208] : memref<2x16x25x5x80xi32, #tpu.memory_space<hbm>> -> memref<1x1x1x5x80xi32, #tpu.memory_space<hbm>>
            %dma_start3A_210 = tpu.memref_squeeze %dma_start3A_209 : memref<1x1x1x5x80xi32, #tpu.memory_space<hbm>> -> memref<5x80xi32, #tpu.memory_space<hbm>>
            tpu.enqueue_dma source(%dma_start3A_210 : memref<5x80xi32, #tpu.memory_space<hbm>>) target(%dma_start3A_206 : memref<5x80xi32, #tpu.memory_space<vmem>>) target_semaphore(%run_scoped3A_194 : memref<!tpu.dma_semaphore, #tpu.memory_space<semaphore_mem>>)
            %dma_wait3A_211 = arith.constant 0 : i32
            %dma_wait3A_212 = arith.constant 0 : i32
            %dma_wait3A_213 = tpu.memref_slice %arg6[%rem3A_182, %dma_wait3A_211, %dma_wait3A_212] : memref<2x5x80xi32, #tpu.memory_space<vmem>> -> memref<1x5x80xi32, #tpu.memory_space<vmem>>
            %dma_wait3A_214 = tpu.memref_squeeze %dma_wait3A_213 : memref<1x5x80xi32, #tpu.memory_space<vmem>> -> memref<5x80xi32, #tpu.memory_space<vmem>>
            %dma_wait3A_215 = arith.constant 0 : i32
            %dma_wait3A_216 = arith.constant 0 : i32
            %dma_wait3A_217 = tpu.memref_slice %arg3[%arg0, %arg1, %add3A_191, %dma_wait3A_215, %dma_wait3A_216] : memref<2x16x25x5x80xi32, #tpu.memory_space<hbm>> -> memref<1x1x1x5x80xi32, #tpu.memory_space<hbm>>
            %dma_wait3A_218 = tpu.memref_squeeze %dma_wait3A_217 : memref<1x1x1x5x80xi32, #tpu.memory_space<hbm>> -> memref<5x80xi32, #tpu.memory_space<hbm>>
            %dma_wait3A_219 = arith.constant 0 : i32
            %dma_wait3A_220 = arith.constant 0 : i32
            %dma_wait3A_221 = tpu.memref_slice %arg6[%rem3A_182, %dma_wait3A_219, %dma_wait3A_220] : memref<2x5x80xi32, #tpu.memory_space<vmem>> -> memref<1x5x80xi32, #tpu.memory_space<vmem>>
            %dma_wait3A_222 = tpu.memref_squeeze %dma_wait3A_221 : memref<1x5x80xi32, #tpu.memory_space<vmem>> -> memref<5x80xi32, #tpu.memory_space<vmem>>
            %dma_wait3A_223 = arith.constant 0 : i32
            %dma_wait3A_224 = arith.constant 0 : i32
            %dma_wait3A_225 = tpu.memref_slice %arg3[%arg0, %arg1, %add3A_191, %dma_wait3A_223, %dma_wait3A_224] : memref<2x16x25x5x80xi32, #tpu.memory_space<hbm>> -> memref<1x1x1x5x80xi32, #tpu.memory_space<hbm>>
            %dma_wait3A_226 = tpu.memref_squeeze %dma_wait3A_225 : memref<1x1x1x5x80xi32, #tpu.memory_space<hbm>> -> memref<5x80xi32, #tpu.memory_space<hbm>>
            tpu.wait_dma2 semaphore(%run_scoped3A_194 : memref<!tpu.dma_semaphore, #tpu.memory_space<semaphore_mem>>) src(%dma_wait3A_226 : memref<5x80xi32, #tpu.memory_space<hbm>>) dst(%dma_wait3A_222 : memref<5x80xi32, #tpu.memory_space<vmem>>)
            tpu.yield
          }) : () -> ()
          %add3A_192 = arith.constant 1 : i32
          %add3A_193 = arith.addi %select_n3A, %add3A_192 : i32
          "tpu.region"() ({
            %run_scoped3A_194 = tpu.sem_alloc : memref<!tpu.dma_semaphore, #tpu.memory_space<semaphore_mem>>
            %dma_start3A_195 = arith.constant 0 : i32
            %dma_start3A_196 = arith.constant 0 : i32
            %dma_start3A_197 = tpu.memref_slice %arg7[%rem3A_182, %dma_start3A_195, %dma_start3A_196] : memref<2x5x80xi32, #tpu.memory_space<vmem>> -> memref<1x5x80xi32, #tpu.memory_space<vmem>>
            %dma_start3A_198 = tpu.memref_squeeze %dma_start3A_197 : memref<1x5x80xi32, #tpu.memory_space<vmem>> -> memref<5x80xi32, #tpu.memory_space<vmem>>
            %dma_start3A_199 = arith.constant 0 : i32
            %dma_start3A_200 = arith.constant 0 : i32
            %dma_start3A_201 = tpu.memref_slice %arg4[%arg0, %arg1, %add3A_193, %dma_start3A_199, %dma_start3A_200] : memref<2x16x25x5x80xi32, #tpu.memory_space<hbm>> -> memref<1x1x1x5x80xi32, #tpu.memory_space<hbm>>
            %dma_start3A_202 = tpu.memref_squeeze %dma_start3A_201 : memref<1x1x1x5x80xi32, #tpu.memory_space<hbm>> -> memref<5x80xi32, #tpu.memory_space<hbm>>
            %dma_start3A_203 = arith.constant 0 : i32
            %dma_start3A_204 = arith.constant 0 : i32
            %dma_start3A_205 = tpu.memref_slice %arg7[%rem3A_182, %dma_start3A_203, %dma_start3A_204] : memref<2x5x80xi32, #tpu.memory_space<vmem>> -> memref<1x5x80xi32, #tpu.memory_space<vmem>>
            %dma_start3A_206 = tpu.memref_squeeze %dma_start3A_205 : memref<1x5x80xi32, #tpu.memory_space<vmem>> -> memref<5x80xi32, #tpu.memory_space<vmem>>
            %dma_start3A_207 = arith.constant 0 : i32
            %dma_start3A_208 = arith.constant 0 : i32
            %dma_start3A_209 = tpu.memref_slice %arg4[%arg0, %arg1, %add3A_193, %dma_start3A_207, %dma_start3A_208] : memref<2x16x25x5x80xi32, #tpu.memory_space<hbm>> -> memref<1x1x1x5x80xi32, #tpu.memory_space<hbm>>
            %dma_start3A_210 = tpu.memref_squeeze %dma_start3A_209 : memref<1x1x1x5x80xi32, #tpu.memory_space<hbm>> -> memref<5x80xi32, #tpu.memory_space<hbm>>
            tpu.enqueue_dma source(%dma_start3A_210 : memref<5x80xi32, #tpu.memory_space<hbm>>) target(%dma_start3A_206 : memref<5x80xi32, #tpu.memory_space<vmem>>) target_semaphore(%run_scoped3A_194 : memref<!tpu.dma_semaphore, #tpu.memory_space<semaphore_mem>>)
            %dma_wait3A_211 = arith.constant 0 : i32
            %dma_wait3A_212 = arith.constant 0 : i32
            %dma_wait3A_213 = tpu.memref_slice %arg7[%rem3A_182, %dma_wait3A_211, %dma_wait3A_212] : memref<2x5x80xi32, #tpu.memory_space<vmem>> -> memref<1x5x80xi32, #tpu.memory_space<vmem>>
            %dma_wait3A_214 = tpu.memref_squeeze %dma_wait3A_213 : memref<1x5x80xi32, #tpu.memory_space<vmem>> -> memref<5x80xi32, #tpu.memory_space<vmem>>
            %dma_wait3A_215 = arith.constant 0 : i32
            %dma_wait3A_216 = arith.constant 0 : i32
            %dma_wait3A_217 = tpu.memref_slice %arg4[%arg0, %arg1, %add3A_193, %dma_wait3A_215, %dma_wait3A_216] : memref<2x16x25x5x80xi32, #tpu.memory_space<hbm>> -> memref<1x1x1x5x80xi32, #tpu.memory_space<hbm>>
            %dma_wait3A_218 = tpu.memref_squeeze %dma_wait3A_217 : memref<1x1x1x5x80xi32, #tpu.memory_space<hbm>> -> memref<5x80xi32, #tpu.memory_space<hbm>>
            %dma_wait3A_219 = arith.constant 0 : i32
            %dma_wait3A_220 = arith.constant 0 : i32
            %dma_wait3A_221 = tpu.memref_slice %arg7[%rem3A_182, %dma_wait3A_219, %dma_wait3A_220] : memref<2x5x80xi32, #tpu.memory_space<vmem>> -> memref<1x5x80xi32, #tpu.memory_space<vmem>>
            %dma_wait3A_222 = tpu.memref_squeeze %dma_wait3A_221 : memref<1x5x80xi32, #tpu.memory_space<vmem>> -> memref<5x80xi32, #tpu.memory_space<vmem>>
            %dma_wait3A_223 = arith.constant 0 : i32
            %dma_wait3A_224 = arith.constant 0 : i32
            %dma_wait3A_225 = tpu.memref_slice %arg4[%arg0, %arg1, %add3A_193, %dma_wait3A_223, %dma_wait3A_224] : memref<2x16x25x5x80xi32, #tpu.memory_space<hbm>> -> memref<1x1x1x5x80xi32, #tpu.memory_space<hbm>>
            %dma_wait3A_226 = tpu.memref_squeeze %dma_wait3A_225 : memref<1x1x1x5x80xi32, #tpu.memory_space<hbm>> -> memref<5x80xi32, #tpu.memory_space<hbm>>
            tpu.wait_dma2 semaphore(%run_scoped3A_194 : memref<!tpu.dma_semaphore, #tpu.memory_space<semaphore_mem>>) src(%dma_wait3A_226 : memref<5x80xi32, #tpu.memory_space<hbm>>) dst(%dma_wait3A_222 : memref<5x80xi32, #tpu.memory_space<vmem>>)
            tpu.yield
          }) : () -> ()
        } else {
        }
      } else {
      }
      %dma_wait3A_147 = arith.constant 0 : i32
      %dma_wait3A_148 = arith.constant 0 : i32
      %dma_wait3A_149 = tpu.memref_slice %arg8[%rem3A_111, %dma_wait3A_147, %dma_wait3A_148] : memref<3x80x128xf32, #tpu.memory_space<vmem>> -> memref<1x80x128xf32, #tpu.memory_space<vmem>>
      %dma_wait3A_150 = tpu.memref_squeeze %dma_wait3A_149 : memref<1x80x128xf32, #tpu.memory_space<vmem>> -> memref<80x128xf32, #tpu.memory_space<vmem>>
      %dma_wait3A_151 = arith.constant 0 : i32
      %dma_wait3A_152 = tpu.memref_slice %arg6[%rem3A_143, %select_n3A_141, %dma_wait3A_151] : memref<2x5x80xi32, #tpu.memory_space<vmem>> -> memref<1x1x80xi32, #tpu.memory_space<vmem>>
      %dma_wait3A_153 = tpu.memref_squeeze %dma_wait3A_152 : memref<1x1x80xi32, #tpu.memory_space<vmem>> -> memref<80xi32, #tpu.memory_space<vmem>>
      %dma_wait3A_154 = arith.constant 0 : i32
      %dma_wait3A_155 = arith.constant 0 : i32
      %dma_wait3A_156 = tpu.memref_slice %arg2[%dma_wait3A_154, %dma_wait3A_155] : memref<10000x128xf32, #tpu.memory_space<hbm>> -> memref<10000x128xf32, #tpu.memory_space<hbm>>
      %dma_wait3A_157 = tpu.memref_slice %arg10[%rem3A_111] : memref<3x!tpu.dma_semaphore, #tpu.memory_space<semaphore_mem>> -> memref<1x!tpu.dma_semaphore, #tpu.memory_space<semaphore_mem>>
      %dma_wait3A_158 = tpu.memref_squeeze %dma_wait3A_157 : memref<1x!tpu.dma_semaphore, #tpu.memory_space<semaphore_mem>> -> memref<!tpu.dma_semaphore, #tpu.memory_space<semaphore_mem>>
      tpu.wait_indirect_dma semaphore(%dma_wait3A_158 : memref<!tpu.dma_semaphore, #tpu.memory_space<semaphore_mem>>) src(%dma_wait3A_156 : memref<10000x128xf32, #tpu.memory_space<hbm>>) dst(%dma_wait3A_150 : memref<80x128xf32, #tpu.memory_space<vmem>>)
      %dma_start3A_159 = arith.constant 0 : i32
      %dma_start3A_160 = arith.constant 0 : i32
      %dma_start3A_161 = tpu.memref_slice %arg8[%rem3A_111, %dma_start3A_159, %dma_start3A_160] : memref<3x80x128xf32, #tpu.memory_space<vmem>> -> memref<1x80x128xf32, #tpu.memory_space<vmem>>
      %dma_start3A_162 = tpu.memref_squeeze %dma_start3A_161 : memref<1x80x128xf32, #tpu.memory_space<vmem>> -> memref<80x128xf32, #tpu.memory_space<vmem>>
      %dma_start3A_163 = arith.constant 0 : i32
      %dma_start3A_164 = tpu.memref_slice %arg7[%rem3A_143, %select_n3A_141, %dma_start3A_163] : memref<2x5x80xi32, #tpu.memory_space<vmem>> -> memref<1x1x80xi32, #tpu.memory_space<vmem>>
      %dma_start3A_165 = tpu.memref_squeeze %dma_start3A_164 : memref<1x1x80xi32, #tpu.memory_space<vmem>> -> memref<80xi32, #tpu.memory_space<vmem>>
      %dma_start3A_166 = arith.constant 0 : i32
      %dma_start3A_167 = arith.constant 0 : i32
      %dma_start3A_168 = tpu.memref_slice %arg9[%dma_start3A_166, %dma_start3A_167] : memref<10000x128xf32, #tpu.memory_space<vmem_shared>> -> memref<10000x128xf32, #tpu.memory_space<vmem_shared>>
      %dma_start3A_169 = tpu.memref_slice %arg11[%rem3A_111] : memref<3x!tpu.dma_semaphore, #tpu.memory_space<semaphore_mem>> -> memref<1x!tpu.dma_semaphore, #tpu.memory_space<semaphore_mem>>
      %dma_start3A_170 = tpu.memref_squeeze %dma_start3A_169 : memref<1x!tpu.dma_semaphore, #tpu.memory_space<semaphore_mem>> -> memref<!tpu.dma_semaphore, #tpu.memory_space<semaphore_mem>>
      tpu.enqueue_indirect_dma source(%dma_start3A_162 : memref<80x128xf32, #tpu.memory_space<vmem>>) target(%dma_start3A_168 : memref<10000x128xf32, #tpu.memory_space<vmem_shared>>) offsets(%dma_start3A_165 : memref<80xi32, #tpu.memory_space<vmem>>) semaphore(%dma_start3A_170 : memref<!tpu.dma_semaphore, #tpu.memory_space<semaphore_mem>>) {add = true}
      %add3A_171 = arith.constant 2 : i32
      %add3A_172 = arith.addi %scan3A_109, %add3A_171 : i32
      %lt3A_173 = arith.constant 125 : i32
      %lt3A_174 = arith.cmpi slt, %add3A_172, %lt3A_173 : i32
      %convert_element_type3A_175 = arith.extui %lt3A_174 : i1 to i32
      %cond3A_176 = arith.constant 0 : i32
      %cond3A_177 = arith.cmpi ne, %convert_element_type3A_175, %cond3A_176 : i32
      scf.if %cond3A_177 {
        %rem3A_179 = arith.constant 3 : i32
        %rem3A_180 = arith.remsi %add3A_172, %rem3A_179 : i32
        %jit3A_181 = arith.constant 5 : i32
        %div3A_182 = arith.divsi %add3A_172, %jit3A_181 : i32
        %sign3A_183 = arith.constant 0 : i32
        %sign3A_184 = arith.cmpi sgt, %add3A_172, %sign3A_183 : i32
        %sign3A_185 = arith.extui %sign3A_184 : i1 to i32
        %sign3A_186 = arith.constant 0 : i32
        %sign3A_187 = arith.cmpi slt, %add3A_172, %sign3A_186 : i32
        %sign3A_188 = arith.extui %sign3A_187 : i1 to i32
        %sign3A_189 = arith.subi %sign3A_185, %sign3A_188 : i32
        %sign3A_190 = arith.constant 0 : i32
        %sign3A_191 = arith.cmpi sgt, %jit3A_181, %sign3A_190 : i32
        %sign3A_192 = arith.extui %sign3A_191 : i1 to i32
        %sign3A_193 = arith.constant 0 : i32
        %sign3A_194 = arith.cmpi slt, %jit3A_181, %sign3A_193 : i32
        %sign3A_195 = arith.extui %sign3A_194 : i1 to i32
        %sign3A_196 = arith.subi %sign3A_192, %sign3A_195 : i32
        %ne3A_197 = arith.cmpi ne, %sign3A_189, %sign3A_196 : i32
        %rem3A_198 = arith.remsi %add3A_172, %jit3A_181 : i32
        %ne3A_199 = arith.constant 0 : i32
        %ne3A_200 = arith.cmpi ne, %rem3A_198, %ne3A_199 : i32
        %and3A_201 = arith.andi %ne3A_197, %ne3A_200 : i1
        %sub3A_202 = arith.constant 1 : i32
        %sub3A_203 = arith.subi %div3A_182, %sub3A_202 : i32
        %select_n3A_204 = arith.select %and3A_201, %sub3A_203, %div3A_182 : i32
        %jit3A_205 = arith.constant 5 : i32
        %eq3A_206 = arith.constant 0 : i32
        %eq3A_207 = arith.cmpi eq, %jit3A_205, %eq3A_206 : i32
        %jit3A_208 = arith.constant 1 : i32
        %select_n3A_209 = arith.select %eq3A_207, %jit3A_208, %jit3A_205 : i32
        %rem3A_210 = arith.remsi %add3A_172, %select_n3A_209 : i32
        %ne3A_211 = arith.constant 0 : i32
        %ne3A_212 = arith.cmpi ne, %rem3A_210, %ne3A_211 : i32
        %lt3A_213 = arith.constant 0 : i32
        %lt3A_214 = arith.cmpi slt, %rem3A_210, %lt3A_213 : i32
        %lt3A_215 = arith.constant 0 : i32
        %lt3A_216 = arith.cmpi slt, %select_n3A_209, %lt3A_215 : i32
        %ne3A_217 = arith.xori %lt3A_214, %lt3A_216 : i1
        %and3A_218 = arith.andi %ne3A_217, %ne3A_212 : i1
        %add3A_219 = arith.addi %rem3A_210, %select_n3A_209 : i32
        %select_n3A_220 = arith.select %and3A_218, %add3A_219, %rem3A_210 : i32
        %ge3A = arith.constant 1 : i32
        %ge3A_221 = arith.cmpi sge, %scan3A_109, %ge3A : i32
        %convert_element_type3A_222 = arith.extui %ge3A_221 : i1 to i32
        %cond3A_223 = arith.constant 0 : i32
        %cond3A_224 = arith.cmpi ne, %convert_element_type3A_222, %cond3A_223 : i32
        scf.if %cond3A_224 {
          %dma_wait3A_239 = arith.constant 0 : i32
          %dma_wait3A_240 = arith.constant 0 : i32
          %dma_wait3A_241 = tpu.memref_slice %arg8[%rem3A_180, %dma_wait3A_239, %dma_wait3A_240] : memref<3x80x128xf32, #tpu.memory_space<vmem>> -> memref<1x80x128xf32, #tpu.memory_space<vmem>>
          %dma_wait3A_242 = tpu.memref_squeeze %dma_wait3A_241 : memref<1x80x128xf32, #tpu.memory_space<vmem>> -> memref<80x128xf32, #tpu.memory_space<vmem>>
          %dma_wait3A_243 = arith.constant 0 : i32
          %dma_wait3A_244 = tpu.memref_slice %arg7[%rem3A_143, %select_n3A_141, %dma_wait3A_243] : memref<2x5x80xi32, #tpu.memory_space<vmem>> -> memref<1x1x80xi32, #tpu.memory_space<vmem>>
          %dma_wait3A_245 = tpu.memref_squeeze %dma_wait3A_244 : memref<1x1x80xi32, #tpu.memory_space<vmem>> -> memref<80xi32, #tpu.memory_space<vmem>>
          %dma_wait3A_246 = arith.constant 0 : i32
          %dma_wait3A_247 = arith.constant 0 : i32
          %dma_wait3A_248 = tpu.memref_slice %arg9[%dma_wait3A_246, %dma_wait3A_247] : memref<10000x128xf32, #tpu.memory_space<vmem_shared>> -> memref<10000x128xf32, #tpu.memory_space<vmem_shared>>
          %dma_wait3A_249 = tpu.memref_slice %arg11[%rem3A_180] : memref<3x!tpu.dma_semaphore, #tpu.memory_space<semaphore_mem>> -> memref<1x!tpu.dma_semaphore, #tpu.memory_space<semaphore_mem>>
          %dma_wait3A_250 = tpu.memref_squeeze %dma_wait3A_249 : memref<1x!tpu.dma_semaphore, #tpu.memory_space<semaphore_mem>> -> memref<!tpu.dma_semaphore, #tpu.memory_space<semaphore_mem>>
          tpu.wait_indirect_dma semaphore(%dma_wait3A_250 : memref<!tpu.dma_semaphore, #tpu.memory_space<semaphore_mem>>) src(%dma_wait3A_242 : memref<80x128xf32, #tpu.memory_space<vmem>>) dst(%dma_wait3A_248 : memref<10000x128xf32, #tpu.memory_space<vmem_shared>>)
        } else {
        }
        %rem3A_225 = arith.constant 2 : i32
        %rem3A_226 = arith.remsi %select_n3A_204, %rem3A_225 : i32
        %dma_start3A_227 = arith.constant 0 : i32
        %dma_start3A_228 = arith.constant 0 : i32
        %dma_start3A_229 = tpu.memref_slice %arg8[%rem3A_180, %dma_start3A_227, %dma_start3A_228] : memref<3x80x128xf32, #tpu.memory_space<vmem>> -> memref<1x80x128xf32, #tpu.memory_space<vmem>>
        %dma_start3A_230 = tpu.memref_squeeze %dma_start3A_229 : memref<1x80x128xf32, #tpu.memory_space<vmem>> -> memref<80x128xf32, #tpu.memory_space<vmem>>
        %dma_start3A_231 = arith.constant 0 : i32
        %dma_start3A_232 = tpu.memref_slice %arg6[%rem3A_226, %select_n3A_220, %dma_start3A_231] : memref<2x5x80xi32, #tpu.memory_space<vmem>> -> memref<1x1x80xi32, #tpu.memory_space<vmem>>
        %dma_start3A_233 = tpu.memref_squeeze %dma_start3A_232 : memref<1x1x80xi32, #tpu.memory_space<vmem>> -> memref<80xi32, #tpu.memory_space<vmem>>
        %dma_start3A_234 = arith.constant 0 : i32
        %dma_start3A_235 = arith.constant 0 : i32
        %dma_start3A_236 = tpu.memref_slice %arg2[%dma_start3A_234, %dma_start3A_235] : memref<10000x128xf32, #tpu.memory_space<hbm>> -> memref<10000x128xf32, #tpu.memory_space<hbm>>
        %dma_start3A_237 = tpu.memref_slice %arg10[%rem3A_180] : memref<3x!tpu.dma_semaphore, #tpu.memory_space<semaphore_mem>> -> memref<1x!tpu.dma_semaphore, #tpu.memory_space<semaphore_mem>>
        %dma_start3A_238 = tpu.memref_squeeze %dma_start3A_237 : memref<1x!tpu.dma_semaphore, #tpu.memory_space<semaphore_mem>> -> memref<!tpu.dma_semaphore, #tpu.memory_space<semaphore_mem>>
        tpu.enqueue_indirect_dma source(%dma_start3A_236 : memref<10000x128xf32, #tpu.memory_space<hbm>>) target(%dma_start3A_230 : memref<80x128xf32, #tpu.memory_space<vmem>>) offsets(%dma_start3A_233 : memref<80xi32, #tpu.memory_space<vmem>>) semaphore(%dma_start3A_238 : memref<!tpu.dma_semaphore, #tpu.memory_space<semaphore_mem>>)
      } else {
      }
      %scan3A_178 = arith.constant 0 : i32
      scf.yield %scan3A_178 : i32
    }
    %scan3A_53 = arith.constant 125 : i32
    %dma_wait3A = arith.constant 2 : i32
    %dma_wait3A_54 = arith.constant 0 : i32
    %dma_wait3A_55 = arith.constant 0 : i32
    %dma_wait3A_56 = arith.constant 2 : i32
    %dma_wait3A_57 = arith.constant 0 : i32
    %dma_wait3A_58 = arith.constant 0 : i32
    %dma_wait3A_59 = tpu.memref_slice %arg8[%dma_wait3A, %dma_wait3A_57, %dma_wait3A_58] : memref<3x80x128xf32, #tpu.memory_space<vmem>> -> memref<1x80x128xf32, #tpu.memory_space<vmem>>
    %dma_wait3A_60 = tpu.memref_squeeze %dma_wait3A_59 : memref<1x80x128xf32, #tpu.memory_space<vmem>> -> memref<80x128xf32, #tpu.memory_space<vmem>>
    %dma_wait3A_61 = arith.constant 0 : i32
    %dma_wait3A_62 = tpu.memref_slice %arg7[%dma_wait3A_54, %dma_wait3A_55, %dma_wait3A_61] : memref<2x5x80xi32, #tpu.memory_space<vmem>> -> memref<1x1x80xi32, #tpu.memory_space<vmem>>
    %dma_wait3A_63 = tpu.memref_squeeze %dma_wait3A_62 : memref<1x1x80xi32, #tpu.memory_space<vmem>> -> memref<80xi32, #tpu.memory_space<vmem>>
    %dma_wait3A_64 = arith.constant 0 : i32
    %dma_wait3A_65 = arith.constant 0 : i32
    %dma_wait3A_66 = tpu.memref_slice %arg9[%dma_wait3A_64, %dma_wait3A_65] : memref<10000x128xf32, #tpu.memory_space<vmem_shared>> -> memref<10000x128xf32, #tpu.memory_space<vmem_shared>>
    %dma_wait3A_67 = tpu.memref_slice %arg11[%dma_wait3A_56] : memref<3x!tpu.dma_semaphore, #tpu.memory_space<semaphore_mem>> -> memref<1x!tpu.dma_semaphore, #tpu.memory_space<semaphore_mem>>
    %dma_wait3A_68 = tpu.memref_squeeze %dma_wait3A_67 : memref<1x!tpu.dma_semaphore, #tpu.memory_space<semaphore_mem>> -> memref<!tpu.dma_semaphore, #tpu.memory_space<semaphore_mem>>
    tpu.wait_indirect_dma semaphore(%dma_wait3A_68 : memref<!tpu.dma_semaphore, #tpu.memory_space<semaphore_mem>>) src(%dma_wait3A_60 : memref<80x128xf32, #tpu.memory_space<vmem>>) dst(%dma_wait3A_66 : memref<10000x128xf32, #tpu.memory_space<vmem_shared>>)
    %dma_wait3A_69 = arith.constant 0 : i32
    %dma_wait3A_70 = arith.constant 0 : i32
    %dma_wait3A_71 = arith.constant 0 : i32
    %dma_wait3A_72 = arith.constant 0 : i32
    %dma_wait3A_73 = arith.constant 0 : i32
    %dma_wait3A_74 = arith.constant 0 : i32
    %dma_wait3A_75 = tpu.memref_slice %arg8[%dma_wait3A_69, %dma_wait3A_73, %dma_wait3A_74] : memref<3x80x128xf32, #tpu.memory_space<vmem>> -> memref<1x80x128xf32, #tpu.memory_space<vmem>>
    %dma_wait3A_76 = tpu.memref_squeeze %dma_wait3A_75 : memref<1x80x128xf32, #tpu.memory_space<vmem>> -> memref<80x128xf32, #tpu.memory_space<vmem>>
    %dma_wait3A_77 = arith.constant 0 : i32
    %dma_wait3A_78 = tpu.memref_slice %arg7[%dma_wait3A_70, %dma_wait3A_71, %dma_wait3A_77] : memref<2x5x80xi32, #tpu.memory_space<vmem>> -> memref<1x1x80xi32, #tpu.memory_space<vmem>>
    %dma_wait3A_79 = tpu.memref_squeeze %dma_wait3A_78 : memref<1x1x80xi32, #tpu.memory_space<vmem>> -> memref<80xi32, #tpu.memory_space<vmem>>
    %dma_wait3A_80 = arith.constant 0 : i32
    %dma_wait3A_81 = arith.constant 0 : i32
    %dma_wait3A_82 = tpu.memref_slice %arg9[%dma_wait3A_80, %dma_wait3A_81] : memref<10000x128xf32, #tpu.memory_space<vmem_shared>> -> memref<10000x128xf32, #tpu.memory_space<vmem_shared>>
    %dma_wait3A_83 = tpu.memref_slice %arg11[%dma_wait3A_72] : memref<3x!tpu.dma_semaphore, #tpu.memory_space<semaphore_mem>> -> memref<1x!tpu.dma_semaphore, #tpu.memory_space<semaphore_mem>>
    %dma_wait3A_84 = tpu.memref_squeeze %dma_wait3A_83 : memref<1x!tpu.dma_semaphore, #tpu.memory_space<semaphore_mem>> -> memref<!tpu.dma_semaphore, #tpu.memory_space<semaphore_mem>>
    tpu.wait_indirect_dma semaphore(%dma_wait3A_84 : memref<!tpu.dma_semaphore, #tpu.memory_space<semaphore_mem>>) src(%dma_wait3A_76 : memref<80x128xf32, #tpu.memory_space<vmem>>) dst(%dma_wait3A_82 : memref<10000x128xf32, #tpu.memory_space<vmem_shared>>)
    %dma_wait3A_85 = arith.constant 1 : i32
    %dma_wait3A_86 = arith.constant 0 : i32
    %dma_wait3A_87 = arith.constant 0 : i32
    %dma_wait3A_88 = arith.constant 1 : i32
    %dma_wait3A_89 = arith.constant 0 : i32
    %dma_wait3A_90 = arith.constant 0 : i32
    %dma_wait3A_91 = tpu.memref_slice %arg8[%dma_wait3A_85, %dma_wait3A_89, %dma_wait3A_90] : memref<3x80x128xf32, #tpu.memory_space<vmem>> -> memref<1x80x128xf32, #tpu.memory_space<vmem>>
    %dma_wait3A_92 = tpu.memref_squeeze %dma_wait3A_91 : memref<1x80x128xf32, #tpu.memory_space<vmem>> -> memref<80x128xf32, #tpu.memory_space<vmem>>
    %dma_wait3A_93 = arith.constant 0 : i32
    %dma_wait3A_94 = tpu.memref_slice %arg7[%dma_wait3A_86, %dma_wait3A_87, %dma_wait3A_93] : memref<2x5x80xi32, #tpu.memory_space<vmem>> -> memref<1x1x80xi32, #tpu.memory_space<vmem>>
    %dma_wait3A_95 = tpu.memref_squeeze %dma_wait3A_94 : memref<1x1x80xi32, #tpu.memory_space<vmem>> -> memref<80xi32, #tpu.memory_space<vmem>>
    %dma_wait3A_96 = arith.constant 0 : i32
    %dma_wait3A_97 = arith.constant 0 : i32
    %dma_wait3A_98 = tpu.memref_slice %arg9[%dma_wait3A_96, %dma_wait3A_97] : memref<10000x128xf32, #tpu.memory_space<vmem_shared>> -> memref<10000x128xf32, #tpu.memory_space<vmem_shared>>
    %dma_wait3A_99 = tpu.memref_slice %arg11[%dma_wait3A_88] : memref<3x!tpu.dma_semaphore, #tpu.memory_space<semaphore_mem>> -> memref<1x!tpu.dma_semaphore, #tpu.memory_space<semaphore_mem>>
    %dma_wait3A_100 = tpu.memref_squeeze %dma_wait3A_99 : memref<1x!tpu.dma_semaphore, #tpu.memory_space<semaphore_mem>> -> memref<!tpu.dma_semaphore, #tpu.memory_space<semaphore_mem>>
    tpu.wait_indirect_dma semaphore(%dma_wait3A_100 : memref<!tpu.dma_semaphore, #tpu.memory_space<semaphore_mem>>) src(%dma_wait3A_92 : memref<80x128xf32, #tpu.memory_space<vmem>>) dst(%dma_wait3A_98 : memref<10000x128xf32, #tpu.memory_space<vmem_shared>>)
    %barrier3A_101 = arith.constant 0 : index
    tpu.barrier barrier_id(%barrier3A_101)
    %scan3A_102 = arith.constant 0 : i32
    %scan3A_103 = arith.constant 0 : i32
    %scan3A_104 = arith.constant 8 : i32
    %scan3A_105 = arith.addi %scan3A_103, %scan3A_104 : i32
    %scan3A_106 = arith.constant 1 : i32
    %scan3A_107 = scf.for %scan3A_109 = %scan3A_103 to %scan3A_105 step %scan3A_106 iter_args(%scan3A_110 = %scan3A_102) -> (i32)  : i32 {
      %mul3A = arith.constant 16 : i32
      %mul3A_111 = arith.muli %scan3A_109, %mul3A : i32
      %add3A = arith.addi %mul3A_111, %arg1 : i32
      %lt3A = arith.constant 125 : i32
      %lt3A_112 = arith.cmpi slt, %add3A, %lt3A : i32
      %convert_element_type3A = arith.extui %lt3A_112 : i1 to i32
      %cond3A = arith.constant 0 : i32
      %cond3A_113 = arith.cmpi ne, %convert_element_type3A, %cond3A : i32
      scf.if %cond3A_113 {
        %mul3A_115 = arith.constant 80 : i32
        %mul3A_116 = arith.muli %add3A, %mul3A_115 : i32
        %multiple_of3A = tpu.assume_multiple %mul3A_116, 8 : i32
        %run_scoped3A_117 = arith.constant 0 : i32
        "tpu.region"() ({
          %run_scoped3A_119 = tpu.sem_alloc : memref<!tpu.dma_semaphore, #tpu.memory_space<semaphore_mem>>
          %dma_start3A_120 = arith.constant 0 : i32
          %dma_start3A_121 = arith.constant 0 : i32
          %dma_start3A_122 = tpu.memref_slice %arg8[%run_scoped3A_117, %dma_start3A_120, %dma_start3A_121] : memref<3x80x128xf32, #tpu.memory_space<vmem>> -> memref<1x80x128xf32, #tpu.memory_space<vmem>>
          %dma_start3A_123 = tpu.memref_squeeze %dma_start3A_122 : memref<1x80x128xf32, #tpu.memory_space<vmem>> -> memref<80x128xf32, #tpu.memory_space<vmem>>
          %dma_start3A_124 = arith.constant 0 : i32
          %dma_start3A_125 = tpu.memref_slice %arg9[%multiple_of3A, %dma_start3A_124] : memref<10000x128xf32, #tpu.memory_space<vmem_shared>> -> memref<80x128xf32, #tpu.memory_space<vmem_shared>>
          %dma_start3A_126 = arith.constant 0 : i32
          %dma_start3A_127 = arith.constant 0 : i32
          %dma_start3A_128 = tpu.memref_slice %arg8[%run_scoped3A_117, %dma_start3A_126, %dma_start3A_127] : memref<3x80x128xf32, #tpu.memory_space<vmem>> -> memref<1x80x128xf32, #tpu.memory_space<vmem>>
          %dma_start3A_129 = tpu.memref_squeeze %dma_start3A_128 : memref<1x80x128xf32, #tpu.memory_space<vmem>> -> memref<80x128xf32, #tpu.memory_space<vmem>>
          %dma_start3A_130 = arith.constant 0 : i32
          %dma_start3A_131 = tpu.memref_slice %arg9[%multiple_of3A, %dma_start3A_130] : memref<10000x128xf32, #tpu.memory_space<vmem_shared>> -> memref<80x128xf32, #tpu.memory_space<vmem_shared>>
          tpu.enqueue_dma source(%dma_start3A_131 : memref<80x128xf32, #tpu.memory_space<vmem_shared>>) target(%dma_start3A_129 : memref<80x128xf32, #tpu.memory_space<vmem>>) target_semaphore(%run_scoped3A_119 : memref<!tpu.dma_semaphore, #tpu.memory_space<semaphore_mem>>)
          %dma_wait3A_132 = arith.constant 0 : i32
          %dma_wait3A_133 = arith.constant 0 : i32
          %dma_wait3A_134 = tpu.memref_slice %arg8[%run_scoped3A_117, %dma_wait3A_132, %dma_wait3A_133] : memref<3x80x128xf32, #tpu.memory_space<vmem>> -> memref<1x80x128xf32, #tpu.memory_space<vmem>>
          %dma_wait3A_135 = tpu.memref_squeeze %dma_wait3A_134 : memref<1x80x128xf32, #tpu.memory_space<vmem>> -> memref<80x128xf32, #tpu.memory_space<vmem>>
          %dma_wait3A_136 = arith.constant 0 : i32
          %dma_wait3A_137 = tpu.memref_slice %arg9[%multiple_of3A, %dma_wait3A_136] : memref<10000x128xf32, #tpu.memory_space<vmem_shared>> -> memref<80x128xf32, #tpu.memory_space<vmem_shared>>
          %dma_wait3A_138 = arith.constant 0 : i32
          %dma_wait3A_139 = arith.constant 0 : i32
          %dma_wait3A_140 = tpu.memref_slice %arg8[%run_scoped3A_117, %dma_wait3A_138, %dma_wait3A_139] : memref<3x80x128xf32, #tpu.memory_space<vmem>> -> memref<1x80x128xf32, #tpu.memory_space<vmem>>
          %dma_wait3A_141 = tpu.memref_squeeze %dma_wait3A_140 : memref<1x80x128xf32, #tpu.memory_space<vmem>> -> memref<80x128xf32, #tpu.memory_space<vmem>>
          %dma_wait3A_142 = arith.constant 0 : i32
          %dma_wait3A_143 = tpu.memref_slice %arg9[%multiple_of3A, %dma_wait3A_142] : memref<10000x128xf32, #tpu.memory_space<vmem_shared>> -> memref<80x128xf32, #tpu.memory_space<vmem_shared>>
          tpu.wait_dma2 semaphore(%run_scoped3A_119 : memref<!tpu.dma_semaphore, #tpu.memory_space<semaphore_mem>>) src(%dma_wait3A_143 : memref<80x128xf32, #tpu.memory_space<vmem_shared>>) dst(%dma_wait3A_141 : memref<80x128xf32, #tpu.memory_space<vmem>>)
          tpu.yield
        }) : () -> ()
        %run_scoped3A_118 = arith.constant 0 : i32
        "tpu.region"() ({
          %run_scoped3A_119 = tpu.sem_alloc : memref<!tpu.dma_semaphore, #tpu.memory_space<semaphore_mem>>
          %dma_start3A_120 = arith.constant 0 : i32
          %dma_start3A_121 = arith.constant 0 : i32
          %dma_start3A_122 = tpu.memref_slice %arg8[%run_scoped3A_118, %dma_start3A_120, %dma_start3A_121] : memref<3x80x128xf32, #tpu.memory_space<vmem>> -> memref<1x80x128xf32, #tpu.memory_space<vmem>>
          %dma_start3A_123 = tpu.memref_squeeze %dma_start3A_122 : memref<1x80x128xf32, #tpu.memory_space<vmem>> -> memref<80x128xf32, #tpu.memory_space<vmem>>
          %dma_start3A_124 = arith.constant 0 : i32
          %dma_start3A_125 = tpu.memref_slice %arg5[%arg0, %multiple_of3A, %dma_start3A_124] : memref<2x10000x128xf32, #tpu.memory_space<hbm>> -> memref<1x80x128xf32, #tpu.memory_space<hbm>>
          %dma_start3A_126 = tpu.memref_squeeze %dma_start3A_125 : memref<1x80x128xf32, #tpu.memory_space<hbm>> -> memref<80x128xf32, #tpu.memory_space<hbm>>
          %dma_start3A_127 = arith.constant 0 : i32
          %dma_start3A_128 = tpu.memref_slice %arg5[%arg0, %multiple_of3A, %dma_start3A_127] : memref<2x10000x128xf32, #tpu.memory_space<hbm>> -> memref<1x80x128xf32, #tpu.memory_space<hbm>>
          %dma_start3A_129 = tpu.memref_squeeze %dma_start3A_128 : memref<1x80x128xf32, #tpu.memory_space<hbm>> -> memref<80x128xf32, #tpu.memory_space<hbm>>
          %dma_start3A_130 = arith.constant 0 : i32
          %dma_start3A_131 = arith.constant 0 : i32
          %dma_start3A_132 = tpu.memref_slice %arg8[%run_scoped3A_118, %dma_start3A_130, %dma_start3A_131] : memref<3x80x128xf32, #tpu.memory_space<vmem>> -> memref<1x80x128xf32, #tpu.memory_space<vmem>>
          %dma_start3A_133 = tpu.memref_squeeze %dma_start3A_132 : memref<1x80x128xf32, #tpu.memory_space<vmem>> -> memref<80x128xf32, #tpu.memory_space<vmem>>
          tpu.enqueue_dma source(%dma_start3A_133 : memref<80x128xf32, #tpu.memory_space<vmem>>) target(%dma_start3A_129 : memref<80x128xf32, #tpu.memory_space<hbm>>) target_semaphore(%run_scoped3A_119 : memref<!tpu.dma_semaphore, #tpu.memory_space<semaphore_mem>>)
          %dma_wait3A_134 = arith.constant 0 : i32
          %dma_wait3A_135 = arith.constant 0 : i32
          %dma_wait3A_136 = tpu.memref_slice %arg8[%run_scoped3A_118, %dma_wait3A_134, %dma_wait3A_135] : memref<3x80x128xf32, #tpu.memory_space<vmem>> -> memref<1x80x128xf32, #tpu.memory_space<vmem>>
          %dma_wait3A_137 = tpu.memref_squeeze %dma_wait3A_136 : memref<1x80x128xf32, #tpu.memory_space<vmem>> -> memref<80x128xf32, #tpu.memory_space<vmem>>
          %dma_wait3A_138 = arith.constant 0 : i32
          %dma_wait3A_139 = tpu.memref_slice %arg5[%arg0, %multiple_of3A, %dma_wait3A_138] : memref<2x10000x128xf32, #tpu.memory_space<hbm>> -> memref<1x80x128xf32, #tpu.memory_space<hbm>>
          %dma_wait3A_140 = tpu.memref_squeeze %dma_wait3A_139 : memref<1x80x128xf32, #tpu.memory_space<hbm>> -> memref<80x128xf32, #tpu.memory_space<hbm>>
          %dma_wait3A_141 = arith.constant 0 : i32
          %dma_wait3A_142 = tpu.memref_slice %arg5[%arg0, %multiple_of3A, %dma_wait3A_141] : memref<2x10000x128xf32, #tpu.memory_space<hbm>> -> memref<1x80x128xf32, #tpu.memory_space<hbm>>
          %dma_wait3A_143 = tpu.memref_squeeze %dma_wait3A_142 : memref<1x80x128xf32, #tpu.memory_space<hbm>> -> memref<80x128xf32, #tpu.memory_space<hbm>>
          %dma_wait3A_144 = arith.constant 0 : i32
          %dma_wait3A_145 = arith.constant 0 : i32
          %dma_wait3A_146 = tpu.memref_slice %arg8[%run_scoped3A_118, %dma_wait3A_144, %dma_wait3A_145] : memref<3x80x128xf32, #tpu.memory_space<vmem>> -> memref<1x80x128xf32, #tpu.memory_space<vmem>>
          %dma_wait3A_147 = tpu.memref_squeeze %dma_wait3A_146 : memref<1x80x128xf32, #tpu.memory_space<vmem>> -> memref<80x128xf32, #tpu.memory_space<vmem>>
          tpu.wait_dma2 semaphore(%run_scoped3A_119 : memref<!tpu.dma_semaphore, #tpu.memory_space<semaphore_mem>>) src(%dma_wait3A_147 : memref<80x128xf32, #tpu.memory_space<vmem>>) dst(%dma_wait3A_143 : memref<80x128xf32, #tpu.memory_space<hbm>>)
          tpu.yield
        }) : () -> ()
      } else {
      }
      %scan3A_114 = arith.constant 0 : i32
      scf.yield %scan3A_114 : i32
    }
    %scan3A_108 = arith.constant 8 : i32
    return
  }
}

module attributes {stable_mosaic.version = 14 : i64} {
  func.func @_tc_layer_kernel(%arg0: memref<10000x128xf32, #tpu.memory_space<vmem>>, %arg1: memref<2x10000x128xf32, #tpu.memory_space<vmem>>, %arg2: memref<128x128xf32, #tpu.memory_space<vmem>>, %arg3: memref<1x128xf32, #tpu.memory_space<vmem>>, %arg4: memref<1x128xf32, #tpu.memory_space<vmem>>, %arg5: memref<1x128xf32, #tpu.memory_space<vmem>>, %arg6: memref<128x128xf32, #tpu.memory_space<vmem>>, %arg7: memref<1x128xf32, #tpu.memory_space<vmem>>, %arg8: memref<5x2000xi32, #tpu.memory_space<vmem>>, %arg9: memref<10000x128xf32, #tpu.memory_space<vmem>>, %arg10: memref<64x128xf32, #tpu.memory_space<vmem>>, %arg11: memref<10000x128xf32, #tpu.memory_space<vmem>>) attributes {dimension_semantics = [], scalar_prefetch = 0 : i64, scratch_operands = 1 : i64, tpu.core_type = #tpu.core_type<tc>} {
    %get3A = arith.constant 0 : index
    %get3A_0 = arith.constant 0 : index
    %get3A_1 = vector.load %arg2[%get3A, %get3A_0] : memref<128x128xf32, #tpu.memory_space<vmem>>, vector<128x128xf32>
    %get3A_2 = arith.constant 0 : index
    %get3A_3 = arith.constant 0 : index
    %get3A_4 = vector.load %arg3[%get3A_2, %get3A_3] : memref<1x128xf32, #tpu.memory_space<vmem>>, vector<1x128xf32>
    %get3A_5 = arith.constant 0 : index
    %get3A_6 = arith.constant 0 : index
    %get3A_7 = vector.load %arg6[%get3A_5, %get3A_6] : memref<128x128xf32, #tpu.memory_space<vmem>>, vector<128x128xf32>
    %get3A_8 = arith.constant 0 : index
    %get3A_9 = arith.constant 0 : index
    %get3A_10 = vector.load %arg7[%get3A_8, %get3A_9] : memref<1x128xf32, #tpu.memory_space<vmem>>, vector<1x128xf32>
    %broadcast_in_dim3A = arith.constant 0.000000e+00 : f32
    %broadcast_in_dim3A_11 = vector.broadcast %broadcast_in_dim3A : f32 to vector<1x128xf32>
    %broadcast_in_dim3A_12 = arith.constant 0.000000e+00 : f32
    %broadcast_in_dim3A_13 = vector.broadcast %broadcast_in_dim3A_12 : f32 to vector<1x128xf32>
    %scan3A = arith.constant 0 : i32
    %scan3A_14 = arith.constant 5 : i32
    %scan3A_15 = arith.addi %scan3A, %scan3A_14 : i32
    %scan3A_16 = arith.constant 1 : i32
    %scan3A_17:2 = scf.for %scan3A_45 = %scan3A to %scan3A_15 step %scan3A_16 iter_args(%scan3A_46 = %broadcast_in_dim3A_11, %scan3A_47 = %broadcast_in_dim3A_13) -> (vector<1x128xf32>, vector<1x128xf32>)  : i32 {
      %mul3A_48 = arith.constant 2000 : i32
      %mul3A_49 = arith.muli %scan3A_45, %mul3A_48 : i32
      %get3A_50 = arith.index_cast %mul3A_49 : i32 to index
      %get3A_51 = arith.constant 0 : index
      %get3A_52 = vector.load %arg0[%get3A_50, %get3A_51] : memref<10000x128xf32, #tpu.memory_space<vmem>>, vector<2000x128xf32>
      %get3A_53 = arith.constant 0 : index
      %get3A_54 = arith.index_cast %mul3A_49 : i32 to index
      %get3A_55 = arith.constant 0 : index
      %get3A_56 = vector.load %arg1[%get3A_53, %get3A_54, %get3A_55] : memref<2x10000x128xf32, #tpu.memory_space<vmem>>, vector<1x2000x128xf32>
      %get3A_57 = vector.shape_cast %get3A_56 : vector<1x2000x128xf32> to vector<2000x128xf32>
      %add3A_58 = arith.addf %get3A_52, %get3A_57 : vector<2000x128xf32>
      %get3A_59 = arith.constant 1 : index
      %get3A_60 = arith.index_cast %mul3A_49 : i32 to index
      %get3A_61 = arith.constant 0 : index
      %get3A_62 = vector.load %arg1[%get3A_59, %get3A_60, %get3A_61] : memref<2x10000x128xf32, #tpu.memory_space<vmem>>, vector<1x2000x128xf32>
      %get3A_63 = vector.shape_cast %get3A_62 : vector<1x2000x128xf32> to vector<2000x128xf32>
      %add3A_64 = arith.addf %add3A_58, %get3A_63 : vector<2000x128xf32>
      %dot_general3A = arith.constant dense<0.000000e+00> : vector<2000x128xf32>
      %dot_general3A_65 = tpu.matmul %add3A_64, %get3A_1, %dot_general3A {dimension_numbers = #tpu.dot_dimension_numbers<[1], [0], [0], [1], [0, 0, 1, 1], [], []>, transpose_lhs_hint = false} : vector<2000x128xf32>, vector<128x128xf32>, vector<2000x128xf32> -> vector<2000x128xf32>
      %add3A_66 = vector.broadcast %get3A_4 : vector<1x128xf32> to vector<2000x128xf32>
      %add3A_67 = arith.addf %dot_general3A_65, %add3A_66 : vector<2000x128xf32>
      %swap3A_68 = arith.index_cast %mul3A_49 : i32 to index
      %swap3A_69 = arith.constant 0 : index
      %swap3A_70 = vector.load %arg11[%swap3A_68, %swap3A_69] : memref<10000x128xf32, #tpu.memory_space<vmem>>, vector<2000x128xf32>
      tpu.vector_store %arg11[%swap3A_68, %swap3A_69], %add3A_67 {strides = array<i32>} : memref<10000x128xf32, #tpu.memory_space<vmem>>, vector<2000x128xf32>,
      %reduce_sum3A = arith.constant dense<0.000000e+00> : vector<128xf32>
      %reduce_sum3A_71 = vector.multi_reduction <add>, %add3A_67, %reduce_sum3A [0] : vector<2000x128xf32> to vector<128xf32>
      %broadcast_in_dim3A_72 = vector.shape_cast %reduce_sum3A_71 : vector<128xf32> to vector<1x128xf32>
      %add3A_73 = arith.addf %scan3A_46, %broadcast_in_dim3A_72 : vector<1x128xf32>
      %mul3A_74 = arith.mulf %add3A_67, %add3A_67 : vector<2000x128xf32>
      %reduce_sum3A_75 = arith.constant dense<0.000000e+00> : vector<128xf32>
      %reduce_sum3A_76 = vector.multi_reduction <add>, %mul3A_74, %reduce_sum3A_75 [0] : vector<2000x128xf32> to vector<128xf32>
      %broadcast_in_dim3A_77 = vector.shape_cast %reduce_sum3A_76 : vector<128xf32> to vector<1x128xf32>
      %add3A_78 = arith.addf %scan3A_47, %broadcast_in_dim3A_77 : vector<1x128xf32>
      scf.yield %add3A_73, %add3A_78 : vector<1x128xf32>, vector<1x128xf32>
    }
    %scan3A_18 = arith.constant 5 : i32
    %div3A = arith.constant 1.000000e+04 : f32
    %div3A_19 = vector.broadcast %div3A : f32 to vector<1x128xf32>
    %div3A_20 = arith.divf %scan3A_17#0, %div3A_19 : vector<1x128xf32>
    %div3A_21 = arith.constant 1.000000e+04 : f32
    %div3A_22 = vector.broadcast %div3A_21 : f32 to vector<1x128xf32>
    %div3A_23 = arith.divf %scan3A_17#1, %div3A_22 : vector<1x128xf32>
    %mul3A = arith.mulf %div3A_20, %div3A_20 : vector<1x128xf32>
    %sub3A = arith.subf %div3A_23, %mul3A : vector<1x128xf32>
    %get3A_24 = arith.constant 0 : index
    %get3A_25 = arith.constant 0 : index
    %get3A_26 = vector.load %arg4[%get3A_24, %get3A_25] : memref<1x128xf32, #tpu.memory_space<vmem>>, vector<1x128xf32>
    %add3A = arith.constant 9.99999974E-6 : f32
    %add3A_27 = vector.broadcast %add3A : f32 to vector<1x128xf32>
    %add3A_28 = arith.addf %sub3A, %add3A_27 : vector<1x128xf32>
    %rsqrt3A = math.rsqrt %add3A_28 : vector<1x128xf32>
    %mul3A_29 = arith.mulf %get3A_26, %rsqrt3A : vector<1x128xf32>
    %get3A_30 = arith.constant 0 : index
    %get3A_31 = arith.constant 0 : index
    %get3A_32 = vector.load %arg5[%get3A_30, %get3A_31] : memref<1x128xf32, #tpu.memory_space<vmem>>, vector<1x128xf32>
    %mul3A_33 = arith.mulf %div3A_20, %mul3A_29 : vector<1x128xf32>
    %sub3A_34 = arith.subf %get3A_32, %mul3A_33 : vector<1x128xf32>
    %broadcast_in_dim3A_35 = arith.constant 0.000000e+00 : f32
    %broadcast_in_dim3A_36 = vector.broadcast %broadcast_in_dim3A_35 : f32 to vector<64x128xf32>
    %scan3A_37 = arith.constant 0 : i32
    %scan3A_38 = arith.constant 5 : i32
    %scan3A_39 = arith.addi %scan3A_37, %scan3A_38 : i32
    %scan3A_40 = arith.constant 1 : i32
    %scan3A_41 = scf.for %scan3A_45 = %scan3A_37 to %scan3A_39 step %scan3A_40 iter_args(%scan3A_46 = %broadcast_in_dim3A_36) -> (vector<64x128xf32>)  : i32 {
      %mul3A_47 = arith.constant 2000 : i32
      %mul3A_48 = arith.muli %scan3A_45, %mul3A_47 : i32
      %get3A_49 = arith.index_cast %mul3A_48 : i32 to index
      %get3A_50 = arith.constant 0 : index
      %get3A_51 = vector.load %arg11[%get3A_49, %get3A_50] : memref<10000x128xf32, #tpu.memory_space<vmem>>, vector<2000x128xf32>
      %mul3A_52 = vector.broadcast %mul3A_29 : vector<1x128xf32> to vector<2000x128xf32>
      %mul3A_53 = arith.mulf %get3A_51, %mul3A_52 : vector<2000x128xf32>
      %add3A_54 = vector.broadcast %sub3A_34 : vector<1x128xf32> to vector<2000x128xf32>
      %add3A_55 = arith.addf %mul3A_53, %add3A_54 : vector<2000x128xf32>
      %max3A = arith.constant 0.000000e+00 : f32
      %max3A_56 = vector.broadcast %max3A : f32 to vector<2000x128xf32>
      %max3A_57 = arith.maximumf %add3A_55, %max3A_56 : vector<2000x128xf32>
      %dot_general3A = arith.constant dense<0.000000e+00> : vector<2000x128xf32>
      %dot_general3A_58 = tpu.matmul %max3A_57, %get3A_7, %dot_general3A {dimension_numbers = #tpu.dot_dimension_numbers<[1], [0], [0], [1], [0, 0, 1, 1], [], []>, transpose_lhs_hint = false} : vector<2000x128xf32>, vector<128x128xf32>, vector<2000x128xf32> -> vector<2000x128xf32>
      %add3A_59 = vector.broadcast %get3A_10 : vector<1x128xf32> to vector<2000x128xf32>
      %add3A_60 = arith.addf %dot_general3A_58, %add3A_59 : vector<2000x128xf32>
      %max3A_61 = arith.constant 0.000000e+00 : f32
      %max3A_62 = vector.broadcast %max3A_61 : f32 to vector<2000x128xf32>
      %max3A_63 = arith.maximumf %add3A_60, %max3A_62 : vector<2000x128xf32>
      %swap3A_64 = arith.index_cast %mul3A_48 : i32 to index
      %swap3A_65 = arith.constant 0 : index
      %swap3A_66 = vector.load %arg9[%swap3A_64, %swap3A_65] : memref<10000x128xf32, #tpu.memory_space<vmem>>, vector<2000x128xf32>
      tpu.vector_store %arg9[%swap3A_64, %swap3A_65], %max3A_63 {strides = array<i32>} : memref<10000x128xf32, #tpu.memory_space<vmem>>, vector<2000x128xf32>,
      %get3A_67 = arith.index_cast %scan3A_45 : i32 to index
      %get3A_68 = arith.constant 0 : index
      %get3A_69 = vector.load %arg8[%get3A_67, %get3A_68] : memref<5x2000xi32, #tpu.memory_space<vmem>>, vector<1x2000xi32>
      %iota3A = tpu.iota {dimensions = array<i32: 0>} : vector<64x2000xi32>
      %eq3A = vector.broadcast %get3A_69 : vector<1x2000xi32> to vector<64x2000xi32>
      %eq3A_70 = arith.cmpi eq, %iota3A, %eq3A : vector<64x2000xi32>
      %convert_element_type3A = arith.extui %eq3A_70 : vector<64x2000xi1> to vector<64x2000xi32>
      %convert_element_type3A_71 = arith.sitofp %convert_element_type3A : vector<64x2000xi32> to vector<64x2000xf32>
      %dot_general3A_72 = arith.constant dense<0.000000e+00> : vector<64x128xf32>
      %dot_general3A_73 = tpu.matmul %convert_element_type3A_71, %max3A_63, %dot_general3A_72 {dimension_numbers = #tpu.dot_dimension_numbers<[1], [0], [0], [1], [0, 0, 1, 1], [], []>, transpose_lhs_hint = false} : vector<64x2000xf32>, vector<2000x128xf32>, vector<64x128xf32> -> vector<64x128xf32>
      %add3A_74 = arith.addf %scan3A_46, %dot_general3A_73 : vector<64x128xf32>
      scf.yield %add3A_74 : vector<64x128xf32>
    }
    %scan3A_42 = arith.constant 5 : i32
    %swap3A = arith.constant 0 : index
    %swap3A_43 = arith.constant 0 : index
    %swap3A_44 = vector.load %arg10[%swap3A, %swap3A_43] : memref<64x128xf32, #tpu.memory_space<vmem>>, vector<64x128xf32>
    tpu.vector_store %arg10[%swap3A, %swap3A_43], %scan3A_41 {strides = array<i32>} : memref<64x128xf32, #tpu.memory_space<vmem>>, vector<64x128xf32>,
    return
  }
}

module attributes {stable_mosaic.version = 14 : i64} {
  func.func @_tc_layer3_kernel(%arg0: memref<10000x128xf32, #tpu.memory_space<vmem>>, %arg1: memref<2x10000x128xf32, #tpu.memory_space<vmem>>, %arg2: memref<128x128xf32, #tpu.memory_space<vmem>>, %arg3: memref<1x128xf32, #tpu.memory_space<vmem>>, %arg4: memref<1x128xf32, #tpu.memory_space<vmem>>, %arg5: memref<1x128xf32, #tpu.memory_space<vmem>>, %arg6: memref<128x128xf32, #tpu.memory_space<vmem>>, %arg7: memref<1x128xf32, #tpu.memory_space<vmem>>, %arg8: memref<5x2000xi32, #tpu.memory_space<vmem>>, %arg9: memref<64x128xf32, #tpu.memory_space<vmem>>, %arg10: memref<64x128xf32, #tpu.memory_space<vmem>>, %arg11: memref<384x384xf32, #tpu.memory_space<vmem>>, %arg12: memref<1x384xf32, #tpu.memory_space<vmem>>, %arg13: memref<384x64xf32, #tpu.memory_space<vmem>>, %arg14: memref<1x64xf32, #tpu.memory_space<vmem>>, %arg15: memref<64x64xf32, #tpu.memory_space<vmem>>, %arg16: memref<10000x128xf32, #tpu.memory_space<vmem>>) attributes {dimension_semantics = [], scalar_prefetch = 0 : i64, scratch_operands = 1 : i64, tpu.core_type = #tpu.core_type<tc>} {
    %get3A = arith.constant 0 : index
    %get3A_0 = arith.constant 0 : index
    %get3A_1 = vector.load %arg2[%get3A, %get3A_0] : memref<128x128xf32, #tpu.memory_space<vmem>>, vector<128x128xf32>
    %get3A_2 = arith.constant 0 : index
    %get3A_3 = arith.constant 0 : index
    %get3A_4 = vector.load %arg3[%get3A_2, %get3A_3] : memref<1x128xf32, #tpu.memory_space<vmem>>, vector<1x128xf32>
    %get3A_5 = arith.constant 0 : index
    %get3A_6 = arith.constant 0 : index
    %get3A_7 = vector.load %arg6[%get3A_5, %get3A_6] : memref<128x128xf32, #tpu.memory_space<vmem>>, vector<128x128xf32>
    %get3A_8 = arith.constant 0 : index
    %get3A_9 = arith.constant 0 : index
    %get3A_10 = vector.load %arg7[%get3A_8, %get3A_9] : memref<1x128xf32, #tpu.memory_space<vmem>>, vector<1x128xf32>
    %broadcast_in_dim3A = arith.constant 0.000000e+00 : f32
    %broadcast_in_dim3A_11 = vector.broadcast %broadcast_in_dim3A : f32 to vector<1x128xf32>
    %broadcast_in_dim3A_12 = arith.constant 0.000000e+00 : f32
    %broadcast_in_dim3A_13 = vector.broadcast %broadcast_in_dim3A_12 : f32 to vector<1x128xf32>
    %scan3A = arith.constant 0 : i32
    %scan3A_14 = arith.constant 5 : i32
    %scan3A_15 = arith.addi %scan3A, %scan3A_14 : i32
    %scan3A_16 = arith.constant 1 : i32
    %scan3A_17:2 = scf.for %scan3A_72 = %scan3A to %scan3A_15 step %scan3A_16 iter_args(%scan3A_73 = %broadcast_in_dim3A_11, %scan3A_74 = %broadcast_in_dim3A_13) -> (vector<1x128xf32>, vector<1x128xf32>)  : i32 {
      %mul3A_75 = arith.constant 2000 : i32
      %mul3A_76 = arith.muli %scan3A_72, %mul3A_75 : i32
      %get3A_77 = arith.index_cast %mul3A_76 : i32 to index
      %get3A_78 = arith.constant 0 : index
      %get3A_79 = vector.load %arg0[%get3A_77, %get3A_78] : memref<10000x128xf32, #tpu.memory_space<vmem>>, vector<2000x128xf32>
      %get3A_80 = arith.constant 0 : index
      %get3A_81 = arith.index_cast %mul3A_76 : i32 to index
      %get3A_82 = arith.constant 0 : index
      %get3A_83 = vector.load %arg1[%get3A_80, %get3A_81, %get3A_82] : memref<2x10000x128xf32, #tpu.memory_space<vmem>>, vector<1x2000x128xf32>
      %get3A_84 = vector.shape_cast %get3A_83 : vector<1x2000x128xf32> to vector<2000x128xf32>
      %add3A_85 = arith.addf %get3A_79, %get3A_84 : vector<2000x128xf32>
      %get3A_86 = arith.constant 1 : index
      %get3A_87 = arith.index_cast %mul3A_76 : i32 to index
      %get3A_88 = arith.constant 0 : index
      %get3A_89 = vector.load %arg1[%get3A_86, %get3A_87, %get3A_88] : memref<2x10000x128xf32, #tpu.memory_space<vmem>>, vector<1x2000x128xf32>
      %get3A_90 = vector.shape_cast %get3A_89 : vector<1x2000x128xf32> to vector<2000x128xf32>
      %add3A_91 = arith.addf %add3A_85, %get3A_90 : vector<2000x128xf32>
      %dot_general3A_92 = arith.constant dense<0.000000e+00> : vector<2000x128xf32>
      %dot_general3A_93 = tpu.matmul %add3A_91, %get3A_1, %dot_general3A_92 {dimension_numbers = #tpu.dot_dimension_numbers<[1], [0], [0], [1], [0, 0, 1, 1], [], []>, transpose_lhs_hint = false} : vector<2000x128xf32>, vector<128x128xf32>, vector<2000x128xf32> -> vector<2000x128xf32>
      %add3A_94 = vector.broadcast %get3A_4 : vector<1x128xf32> to vector<2000x128xf32>
      %add3A_95 = arith.addf %dot_general3A_93, %add3A_94 : vector<2000x128xf32>
      %swap3A_96 = arith.index_cast %mul3A_76 : i32 to index
      %swap3A_97 = arith.constant 0 : index
      %swap3A_98 = vector.load %arg16[%swap3A_96, %swap3A_97] : memref<10000x128xf32, #tpu.memory_space<vmem>>, vector<2000x128xf32>
      tpu.vector_store %arg16[%swap3A_96, %swap3A_97], %add3A_95 {strides = array<i32>} : memref<10000x128xf32, #tpu.memory_space<vmem>>, vector<2000x128xf32>,
      %reduce_sum3A = arith.constant dense<0.000000e+00> : vector<128xf32>
      %reduce_sum3A_99 = vector.multi_reduction <add>, %add3A_95, %reduce_sum3A [0] : vector<2000x128xf32> to vector<128xf32>
      %broadcast_in_dim3A_100 = vector.shape_cast %reduce_sum3A_99 : vector<128xf32> to vector<1x128xf32>
      %add3A_101 = arith.addf %scan3A_73, %broadcast_in_dim3A_100 : vector<1x128xf32>
      %mul3A_102 = arith.mulf %add3A_95, %add3A_95 : vector<2000x128xf32>
      %reduce_sum3A_103 = arith.constant dense<0.000000e+00> : vector<128xf32>
      %reduce_sum3A_104 = vector.multi_reduction <add>, %mul3A_102, %reduce_sum3A_103 [0] : vector<2000x128xf32> to vector<128xf32>
      %broadcast_in_dim3A_105 = vector.shape_cast %reduce_sum3A_104 : vector<128xf32> to vector<1x128xf32>
      %add3A_106 = arith.addf %scan3A_74, %broadcast_in_dim3A_105 : vector<1x128xf32>
      scf.yield %add3A_101, %add3A_106 : vector<1x128xf32>, vector<1x128xf32>
    }
    %scan3A_18 = arith.constant 5 : i32
    %div3A = arith.constant 1.000000e+04 : f32
    %div3A_19 = vector.broadcast %div3A : f32 to vector<1x128xf32>
    %div3A_20 = arith.divf %scan3A_17#0, %div3A_19 : vector<1x128xf32>
    %div3A_21 = arith.constant 1.000000e+04 : f32
    %div3A_22 = vector.broadcast %div3A_21 : f32 to vector<1x128xf32>
    %div3A_23 = arith.divf %scan3A_17#1, %div3A_22 : vector<1x128xf32>
    %mul3A = arith.mulf %div3A_20, %div3A_20 : vector<1x128xf32>
    %sub3A = arith.subf %div3A_23, %mul3A : vector<1x128xf32>
    %get3A_24 = arith.constant 0 : index
    %get3A_25 = arith.constant 0 : index
    %get3A_26 = vector.load %arg4[%get3A_24, %get3A_25] : memref<1x128xf32, #tpu.memory_space<vmem>>, vector<1x128xf32>
    %add3A = arith.constant 9.99999974E-6 : f32
    %add3A_27 = vector.broadcast %add3A : f32 to vector<1x128xf32>
    %add3A_28 = arith.addf %sub3A, %add3A_27 : vector<1x128xf32>
    %rsqrt3A = math.rsqrt %add3A_28 : vector<1x128xf32>
    %mul3A_29 = arith.mulf %get3A_26, %rsqrt3A : vector<1x128xf32>
    %get3A_30 = arith.constant 0 : index
    %get3A_31 = arith.constant 0 : index
    %get3A_32 = vector.load %arg5[%get3A_30, %get3A_31] : memref<1x128xf32, #tpu.memory_space<vmem>>, vector<1x128xf32>
    %mul3A_33 = arith.mulf %div3A_20, %mul3A_29 : vector<1x128xf32>
    %sub3A_34 = arith.subf %get3A_32, %mul3A_33 : vector<1x128xf32>
    %broadcast_in_dim3A_35 = arith.constant 0.000000e+00 : f32
    %broadcast_in_dim3A_36 = vector.broadcast %broadcast_in_dim3A_35 : f32 to vector<64x128xf32>
    %scan3A_37 = arith.constant 0 : i32
    %scan3A_38 = arith.constant 5 : i32
    %scan3A_39 = arith.addi %scan3A_37, %scan3A_38 : i32
    %scan3A_40 = arith.constant 1 : i32
    %scan3A_41 = scf.for %scan3A_72 = %scan3A_37 to %scan3A_39 step %scan3A_40 iter_args(%scan3A_73 = %broadcast_in_dim3A_36) -> (vector<64x128xf32>)  : i32 {
      %mul3A_74 = arith.constant 2000 : i32
      %mul3A_75 = arith.muli %scan3A_72, %mul3A_74 : i32
      %get3A_76 = arith.index_cast %mul3A_75 : i32 to index
      %get3A_77 = arith.constant 0 : index
      %get3A_78 = vector.load %arg16[%get3A_76, %get3A_77] : memref<10000x128xf32, #tpu.memory_space<vmem>>, vector<2000x128xf32>
      %mul3A_79 = vector.broadcast %mul3A_29 : vector<1x128xf32> to vector<2000x128xf32>
      %mul3A_80 = arith.mulf %get3A_78, %mul3A_79 : vector<2000x128xf32>
      %add3A_81 = vector.broadcast %sub3A_34 : vector<1x128xf32> to vector<2000x128xf32>
      %add3A_82 = arith.addf %mul3A_80, %add3A_81 : vector<2000x128xf32>
      %max3A_83 = arith.constant 0.000000e+00 : f32
      %max3A_84 = vector.broadcast %max3A_83 : f32 to vector<2000x128xf32>
      %max3A_85 = arith.maximumf %add3A_82, %max3A_84 : vector<2000x128xf32>
      %dot_general3A_86 = arith.constant dense<0.000000e+00> : vector<2000x128xf32>
      %dot_general3A_87 = tpu.matmul %max3A_85, %get3A_7, %dot_general3A_86 {dimension_numbers = #tpu.dot_dimension_numbers<[1], [0], [0], [1], [0, 0, 1, 1], [], []>, transpose_lhs_hint = false} : vector<2000x128xf32>, vector<128x128xf32>, vector<2000x128xf32> -> vector<2000x128xf32>
      %add3A_88 = vector.broadcast %get3A_10 : vector<1x128xf32> to vector<2000x128xf32>
      %add3A_89 = arith.addf %dot_general3A_87, %add3A_88 : vector<2000x128xf32>
      %max3A_90 = arith.constant 0.000000e+00 : f32
      %max3A_91 = vector.broadcast %max3A_90 : f32 to vector<2000x128xf32>
      %max3A_92 = arith.maximumf %add3A_89, %max3A_91 : vector<2000x128xf32>
      %get3A_93 = arith.index_cast %scan3A_72 : i32 to index
      %get3A_94 = arith.constant 0 : index
      %get3A_95 = vector.load %arg8[%get3A_93, %get3A_94] : memref<5x2000xi32, #tpu.memory_space<vmem>>, vector<1x2000xi32>
      %iota3A = tpu.iota {dimensions = array<i32: 0>} : vector<64x2000xi32>
      %eq3A = vector.broadcast %get3A_95 : vector<1x2000xi32> to vector<64x2000xi32>
      %eq3A_96 = arith.cmpi eq, %iota3A, %eq3A : vector<64x2000xi32>
      %convert_element_type3A = arith.extui %eq3A_96 : vector<64x2000xi1> to vector<64x2000xi32>
      %convert_element_type3A_97 = arith.sitofp %convert_element_type3A : vector<64x2000xi32> to vector<64x2000xf32>
      %dot_general3A_98 = arith.constant dense<0.000000e+00> : vector<64x128xf32>
      %dot_general3A_99 = tpu.matmul %convert_element_type3A_97, %max3A_92, %dot_general3A_98 {dimension_numbers = #tpu.dot_dimension_numbers<[1], [0], [0], [1], [0, 0, 1, 1], [], []>, transpose_lhs_hint = false} : vector<64x2000xf32>, vector<2000x128xf32>, vector<64x128xf32> -> vector<64x128xf32>
      %add3A_100 = arith.addf %scan3A_73, %dot_general3A_99 : vector<64x128xf32>
      scf.yield %add3A_100 : vector<64x128xf32>
    }
    %scan3A_42 = arith.constant 5 : i32
    %get3A_43 = arith.constant 0 : index
    %get3A_44 = arith.constant 0 : index
    %get3A_45 = vector.load %arg9[%get3A_43, %get3A_44] : memref<64x128xf32, #tpu.memory_space<vmem>>, vector<64x128xf32>
    %get3A_46 = arith.constant 0 : index
    %get3A_47 = arith.constant 0 : index
    %get3A_48 = vector.load %arg10[%get3A_46, %get3A_47] : memref<64x128xf32, #tpu.memory_space<vmem>>, vector<64x128xf32>
    %concatenate3A = tpu.concatenate %get3A_45, %get3A_48, %scan3A_41 in 1 : vector<64x128xf32>, vector<64x128xf32>, vector<64x128xf32> -> vector<64x384xf32>
    %get3A_49 = arith.constant 0 : index
    %get3A_50 = arith.constant 0 : index
    %get3A_51 = vector.load %arg11[%get3A_49, %get3A_50] : memref<384x384xf32, #tpu.memory_space<vmem>>, vector<384x384xf32>
    %dot_general3A = arith.constant dense<0.000000e+00> : vector<64x384xf32>
    %dot_general3A_52 = tpu.matmul %concatenate3A, %get3A_51, %dot_general3A {dimension_numbers = #tpu.dot_dimension_numbers<[1], [0], [0], [1], [0, 0, 1, 1], [], []>, transpose_lhs_hint = false} : vector<64x384xf32>, vector<384x384xf32>, vector<64x384xf32> -> vector<64x384xf32>
    %get3A_53 = arith.constant 0 : index
    %get3A_54 = arith.constant 0 : index
    %get3A_55 = vector.load %arg12[%get3A_53, %get3A_54] : memref<1x384xf32, #tpu.memory_space<vmem>>, vector<1x384xf32>
    %add3A_56 = vector.broadcast %get3A_55 : vector<1x384xf32> to vector<64x384xf32>
    %add3A_57 = arith.addf %dot_general3A_52, %add3A_56 : vector<64x384xf32>
    %max3A = arith.constant 0.000000e+00 : f32
    %max3A_58 = vector.broadcast %max3A : f32 to vector<64x384xf32>
    %max3A_59 = arith.maximumf %add3A_57, %max3A_58 : vector<64x384xf32>
    %get3A_60 = arith.constant 0 : index
    %get3A_61 = arith.constant 0 : index
    %get3A_62 = vector.load %arg13[%get3A_60, %get3A_61] : memref<384x64xf32, #tpu.memory_space<vmem>>, vector<384x64xf32>
    %dot_general3A_63 = arith.constant dense<0.000000e+00> : vector<64x64xf32>
    %dot_general3A_64 = tpu.matmul %max3A_59, %get3A_62, %dot_general3A_63 {dimension_numbers = #tpu.dot_dimension_numbers<[1], [0], [0], [1], [0, 0, 1, 1], [], []>, transpose_lhs_hint = false} : vector<64x384xf32>, vector<384x64xf32>, vector<64x64xf32> -> vector<64x64xf32>
    %get3A_65 = arith.constant 0 : index
    %get3A_66 = arith.constant 0 : index
    %get3A_67 = vector.load %arg14[%get3A_65, %get3A_66] : memref<1x64xf32, #tpu.memory_space<vmem>>, vector<1x64xf32>
    %add3A_68 = vector.broadcast %get3A_67 : vector<1x64xf32> to vector<64x64xf32>
    %add3A_69 = arith.addf %dot_general3A_64, %add3A_68 : vector<64x64xf32>
    %swap3A = arith.constant 0 : index
    %swap3A_70 = arith.constant 0 : index
    %swap3A_71 = vector.load %arg15[%swap3A, %swap3A_70] : memref<64x64xf32, #tpu.memory_space<vmem>>, vector<64x64xf32>
    tpu.vector_store %arg15[%swap3A, %swap3A_70], %add3A_69 {strides = array<i32>} : memref<64x64xf32, #tpu.memory_space<vmem>>, vector<64x64xf32>,
    return
  }
}

</mosaic_0001>

<sc_bundles>
// kernel: kernel.11.cloned.1.call-start
scs
__scs_entry_jumppad:
0x0: {  	(pc) =	sbr.rel $0x88, $3  }
0x1: {  	(tag) =	ssettag $0x0;
	lr =	simm.s32 $0x1  }
0x2: {  	[smem:$0x3F88] =	sst lr;
	_ =	strace $0xD0000000  }
0x3: {  	_ = 	snop  }
0x4: {  	_ = 	snop  }
0x5: {  	_ = 	snop  }
0x6: {  	_ = 	snop  }
0x7: {  	_ = 	snop  }
__scs_overlays_trampoline_lowered:
0x8: {  	[smem:$0x3F97] =	sst s0  }
0x9: {  	[smem:$0x3F98] =	sst s1  }
0xa: {  	[smem:$0x3F99] =	sst s2  }
0xb: {  	[smem:$0x3F9A] =	sst s3  }
0xc: {  	[smem:$0x3F9B] =	sst s4  }
0xd: {  	[smem:$0x3F9C] =	sst s5  }
0xe: {  	[smem:$0x3F9D] =	sst s6  }
0xf: {  	[smem:$0x3F9E] =	sst s7  }
0x10: {  	[smem:$0x3F9F] =	sst s8  }
0x11: {  	[smem:$0x3FA0] =	sst s9;
	s0 =	simm.s32 @!p0 $0x0  }
0x12: {  	s1 =	sld [smem:$0x3F86];
	s0 =	simm.s32 @p0 $0x1  }
0x13: {  	[smem:$0x3FA1] =	sst s0;
	s0 =	simm.s32 @!p1 $0x0  }
0x14: {  	s2 =	sld [smem:$0x3F85];
	s0 =	simm.s32 @p1 $0x1  }
0x15: {  	[smem:$0x3FA2] =	sst s0;
	s0 =	simm.s32 @!p2 $0x0  }
0x16: {  	s3 =	sld [smem:$0x3FDB];
	s0 =	simm.s32 @p2 $0x1  }
0x17: {  	s4 =	simm.s32 $0x1BF5;
	[smem:$0x3FA4] =	sst s0  }
0x18: {  	s0 =	sld [smem:$0x3F87];
	_ =	swait.ge [sflag:s4], $0x0  }
0x19: {  	s7 =	sld [smem:$0x3F88]  }
0x1a: {  	s8 =	sadd.s32 $0xFFFFE003, lr  }
0x1b: {  	s9 =	sadd.s32 $0xFFFFFEF7, lr;
	s5 =	simm.s32 $0xFFFFFFFF;
	p2 =	slt.u32 s8, $0xFFFFF086  }
0x1c: {  	p1 =	slt.u32 s9, $0xF7A;
	s5 =	simm.s32 @!p2 $0x0  }
0x1d: {  	s5 =	simm.s32 @p1 $0x1;
	p0 =	seq.s32 s7, s2  }
0x1e: {  	s7 =	smul.u32 @!p0 $0xF7A, s2;
	p2 =	seq.s32 @!p0 s5, $0x0  }
0x1f: {  	s9 =	smul.u32 $0xF7A, s1;
	s8 =	simm.s32 @!p0 $0x1BF5;
	p2 =	por !p2, p0  }
0x20: {  	[sflag:s8] =	ssyncset.s32 @!p0 $0xFFFFF086;
	s6 =	sadd.s32 @!p0 s3, s7;
	s7 =	simm.s32 @!p0 $0x108  }
0x21: {  	s3 =	sadd.s32 s3, s9;
	s6 =	sadd.s32 @!p0 $0x88, s6;
	s7 =	simm.s32 @p2 $0x1082  }
0x22: {  	[simem:s7], [sflag:s8] =	dma.local @!p0 [hbm:s6], $0xF7A  }
0x23: {  	s9 =	sor.u32 $0xD0000000, s2;
	s6 =	simm.s32 $0x108;
	_ =	swait.ge @!p0 [sflag:s8], $0x0  }
0x24: {  	s3 =	sadd.s32 $0x88, s3;
	s6 =	simm.s32 @!p1 $0x1082;
	[sflag:s4] =	ssyncset.s32 $0xFFFFF086  }
0x25: {  	[simem:s6], [sflag:s4] =	dma.local [hbm:s3], $0xF7A  }
0x26: {  	[smem:$0x3F88] =	sst s1;
	(tag) =	ssettag s2;
	_ =	strace s9  }
0x27: {  	s1 =	sld [smem:$0x3F98]  }
0x28: {  	s2 =	sld [smem:$0x3F99]  }
0x29: {  	s4 =	sld [smem:$0x3F9B]  }
0x2a: {  	p0 =	seq.s32 s5, $0x0;
	s5 =	sld [smem:$0x3F9C]  }
0x2b: {  	s6 =	sld [smem:$0x3F9D]  }
0x2c: {  	s7 =	sld [smem:$0x3F9E]  }
0x2d: {  	s3 =	simm.s32 $0x108;
	s8 =	sld [smem:$0x3F9F]  }
0x2e: {  	s3 =	simm.s32 @!p0 $0x1082;
	s9 =	sld [smem:$0x3FA0]  }
0x2f: {  	lr =	sadd.s32 s0, s3;
	s0 =	sld [smem:$0x3F97]  }
0x30: {  	s3 =	sld [smem:$0x3F9A]  }
0x31: {  	[smem:$0x3FA3] =	sst s10  }
0x32: {  	s10 =	sld [smem:$0x3FA1];
	_ =	sdelay $0x3  }
0x33: {  	p0 =	seq.s32 s10, $0x1;
	s10 =	sld [smem:$0x3FA3];
	_ =	sdelay $0x3  }
0x34: {  	[smem:$0x3FA3] =	sst s10  }
0x35: {  	s10 =	sld [smem:$0x3FA2];
	_ =	sdelay $0x3  }
0x36: {  	p1 =	seq.s32 s10, $0x1;
	s10 =	sld [smem:$0x3FA3];
	_ =	sdelay $0x3  }
0x37: {  	[smem:$0x3FA3] =	sst s10  }
0x38: {  	s10 =	sld [smem:$0x3FA4]  }
0x39: {  	_ = 	snop;
	(pc) =	sbr.ind lr, $3  }
0x3a: {  	_ = 	snop  }
0x3b: {  	_ = 	snop  }
0x3c: {  	p2 =	seq.s32 s10, $0x1;
	s10 =	sld [smem:$0x3FA3]  }
0x3d: {  	_ =	shalt  }
0x3e: {  	_ =	shalt  }
0x3f: {  	_ =	shalt  }
0x40: {  	_ =	shalt  }
0x41: {  	_ =	shalt  }
0x42: {  	_ =	shalt  }
0x43: {  	_ =	shalt  }
0x44: {  	_ =	shalt  }
0x45: {  	_ =	shalt  }
0x46: {  	_ =	shalt  }
0x47: {  	_ =	shalt  }
0x48: {  	_ =	shalt  }
0x49: {  	_ =	shalt  }
0x4a: {  	_ =	shalt  }
0x4b: {  	_ =	shalt  }
0x4c: {  	_ =	shalt  }
0x4d: {  	_ =	shalt  }
0x4e: {  	_ =	shalt  }
0x4f: {  	_ =	shalt  }
0x50: {  	_ =	shalt  }
0x51: {  	_ =	shalt  }
0x52: {  	_ =	shalt  }
0x53: {  	_ =	shalt  }
0x54: {  	_ =	shalt  }
0x55: {  	_ =	shalt  }
0x56: {  	_ =	shalt  }
0x57: {  	_ =	shalt  }
0x58: {  	_ =	shalt  }
0x59: {  	_ =	shalt  }
0x5a: {  	_ =	shalt  }
0x5b: {  	_ =	shalt  }
0x5c: {  	_ =	shalt  }
0x5d: {  	_ =	shalt  }
0x5e: {  	_ =	shalt  }
0x5f: {  	_ =	shalt  }
0x60: {  	_ =	shalt  }
0x61: {  	_ =	shalt  }
0x62: {  	_ =	shalt  }
0x63: {  	_ =	shalt  }
0x64: {  	_ =	shalt  }
0x65: {  	_ =	shalt  }
0x66: {  	_ =	shalt  }
0x67: {  	_ =	shalt  }
0x68: {  	_ =	shalt  }
0x69: {  	_ =	shalt  }
0x6a: {  	_ =	shalt  }
0x6b: {  	_ =	shalt  }
0x6c: {  	_ =	shalt  }
0x6d: {  	_ =	shalt  }
0x6e: {  	_ =	shalt  }
0x6f: {  	_ =	shalt  }
0x70: {  	_ =	shalt  }
0x71: {  	_ =	shalt  }
0x72: {  	_ =	shalt  }
0x73: {  	_ =	shalt  }
0x74: {  	_ =	shalt  }
0x75: {  	_ =	shalt  }
0x76: {  	_ =	shalt  }
0x77: {  	_ =	shalt  }
0x78: {  	_ =	shalt  }
0x79: {  	_ =	shalt  }
0x7a: {  	_ =	shalt  }
0x7b: {  	_ =	shalt  }
0x7c: {  	_ =	shalt  }
0x7d: {  	_ =	shalt  }
0x7e: {  	_ =	shalt  }
0x7f: {  	_ =	shalt  }
0x80: {  	_ =	shalt  }
0x81: {  	_ =	shalt  }
0x82: {  	_ =	shalt  }
0x83: {  	_ =	shalt  }
0x84: {  	_ =	shalt  }
0x85: {  	_ =	shalt  }
0x86: {  	_ =	shalt  }
0x87: {  	_ =	shalt  }
.Lfunc_end0:
.L_simem_size_0:
called_computation.1_lowered:
.L_overlay_start_0:
0x88: {  	s2 =	sld [smem:$0x3FD9]  }
0x89: {  	s3 =	sld [smem:$0x3FFE];
	_ =	sdelay $0x1  }
0x8a: {  	s1 =	srdreg.scid  }
0x8b: {  	s0 =	sand.u32 $0x1, s1  }
0x8c: {  	s16 =	sshll.u32 s0, $0xA;
	s2 =	sadd.s32 s3, s2  }
0x8d: {  	s2 =	sadd.s32 s2, s16  }
0x8e: {  	[smem:$0x3FAF] =	sst s2  }
0x8f: {  	_ = 	snop  }
0x90: {  	(tm) =	ssettm $0x1  }
0x91: {  	s17 =	sld [smem:$0x3FFB];
	_ =	sdelay $0x3  }
0x92: {  	_ =	strace s17  }
0x93: {  	s2 =	sld [smem:$0x3FFC];
	_ =	sdelay $0x3  }
0x94: {  	_ =	strace s2  }
0x95: {  	s2 =	sld [smem:$0x3FFD];
	_ =	sdelay $0x3  }
0x96: {  	_ =	strace s2  }
0x97: {  	_ =	strace $0x8FFFFFFF  }
0x98: {  	s18 =	sld [smem:$0x3FDB];
	_ =	sdelay $0x1  }
0x99: {  	s19 =	simm.s32 $_scs_section_size  }
0x9a: {  	s4 =	simm.s32 $_size__tile_overlayer_lowered;
	s5 =	simm.s32 $_tile_overlayer_lowered  }
0x9b: {  	s22 =	simm.s32 $0x1BFF;
	s21 =	sshll.u32 s5, $0x1;
	s2 =	sadd.s32 s19, s18  }
0x9c: {  	s6 =	simm.s32 $0x0;
	s20 =	sshll.u32 s4, $0x1;
	s4 =	sadd.s32 s21, s2  }
0x9d: {  	[timem:s6], [sflag:s22] =	dma.local [hbm:s4], s20  }
0x9e: {  	_ =	swait.ge [sflag:s22], s20  }
0x9f: {  	s3 =	ssub.s32 $0x0, s20;
	[sflag:s22] =	ssyncset.done $0x0  }
0xa0: {  	[sflag:s22] =	ssyncadd.s32 s3;
	_ =	sdelay $0x1  }
0xa1: {  	s23 =	simm.s32 $0x1B8B  }
0xa2: {  	_ =	swait.ge [sflag:s23], $0x1  }
0xa3: {  	[sflag:s23] =	ssyncset.done $0x0  }
0xa4: {  	s25 =	simm.s32 $0x1B8E;
	s24 =	sld [smem:$0x3FFE];
	[sflag:s23] =	ssyncadd.s32 $0xFFFFFFFF  }
0xa5: {  	s26 =	simm.s32 $execute0_lowered;
	[smem:$0x3FD2] =	sst s25  }
0xa6: {  	s4 =	sshll.u32 s26, $0x1;
	_ =	strace $0x80000049;
	[dreg:$0x1] =	wrdreg $0xFFFFFFFF  }
0xa7: {  	s28 =	simm.s32 $_size_execute0_lowered;
	s2 =	sadd.s32 s2, s4;
	[dreg:$0x0] =	wrdreg $0x0  }
0xa8: {  	s4 =	sshll.u32 s28, $0x1;
	[dreg:$0x2] =	wrdreg s2  }
0xa9: {  	[dreg:$0x3] =	wrdreg s4  }
0xaa: {  	[dreg:$0x4] =	wrdreg $0xC0  }
0xab: {  	_ =	task [dreg:s6], $0x5FFFF  }
0xac: {  	[dreg:$0x1] =	wrdreg $0xFFFFFFFF  }
0xad: {  	[dreg:$0x0] =	wrdreg $0x60  }
0xae: {  	[dreg:$0x2] =	wrdreg s24  }
0xaf: {  	[dreg:$0x3] =	wrdreg $0x88000  }
0xb0: {  	[dreg:$0x4] =	wrdreg $0x9  }
0xb1: {  	_ =	task.clear_ibuf [dreg:s6], $0x5FFFF;
	_ =	strace $0x90000049  }
0xb2: {  	s29 =	simm.s32 $0x9;
	_ =	strace $0x8000004B  }
0xb3: {  	_ =	swait.ge [sflag:s29], $0x1  }
0xb4: {  	[sflag:s29] =	ssyncadd.s32 $0xFFFFFFFF  }
0xb5: {  	_ =	strace $0x9000004B  }
0xb6: {  	_ =	sfence  }
0xb7: {  	s30 =	sld [smem:$0x0];
	_ =	sdelay $0x2  }
0xb8: {  	s31 =	sshll.u32 s1, $0xD;
	s1 =	sshrl.u32 s1, $0x2  }
0xb9: {  	s3 =	sand.u32 $0x4000, s31;
	s1 =	sadd.s32 s1, s30  }
0xba: {  	s0 =	sor.u32 s3, s0;
	s1 =	sshll.u32 s1, $0x11  }
0xbb: {  	s0 =	sor.u32 s1, s0  }
0xbc: {  	s0 =	sadd.s32 $0x8F2B, s0  }
0xbd: {  	[sflag:s0] =	ssyncadd.remote.s32 $0x1  }
0xbe: {  	_ =	sfence.sel $0xFFFF  }
0xbf: {  	[dreg:$0x0] =	wrdreg $0xFFFFFFFF;
	(pc) =	sbr.abs _section_cstart, $3  }
0xc0: {  	[dreg:$0x1] =	wrdreg $0xFFFFFFFF  }
0xc1: {  	_ =	task.clear_ibuf [dreg:s6], $0x2FFFF;
	_ =	strace $0x9FFFFFFF  }
0xc2: {  	(tm) =	ssettm $0x7FFFFFFF  }
0xc3: {  	_ =	shalt  }
tec
execute0_lowered:
.L_overlay_start_1:
0x0: {  	(tag) =	ssettag $0x1  }
0x1: {  	s0 =	rddreg [dreg:$0x0]  }
0x2: {  	s1 =	rddreg [dreg:$0x1];
	s24 =	stileid.u32  }
0x3: {  	s3 =	simm.s32 $0x0;
	s2 =	srdreg.scid;
	s8 =	smul.u32 $0x6400, s24  }
0x4: {  	s28 =	simm.s32 $0x1000;
	s2 =	sand.u32 $0x1, s2;
	s11 =	smul.u32 $0x2800, s24  }
0x5: {  	s29 =	simm.s32 $0x7;
	s31 =	simm.s32 $0x50;
	s7 =	smul.u32 $0x64000, s2  }
0x6: {  	[smem:$0x7FF] =	sst s3;
	s10 =	sor.u32 $0x10, s24;
	s9 =	smul.u32 $0x138800, s2  }
0x7: {  	s4 =	sadd.s32 $0x37800, s0;
	s12 =	sor.u32 $0x20, s24;
	s13 =	smul.u32 $0x2800, s10  }
0x8: {  	s5 =	sadd.s32 $0x5800, s0;
	s15 =	sor.u32 $0x30, s24;
	s16 =	smul.u32 $0x2800, s12  }
0x9: {  	s6 =	sadd.s32 $0x1E800, s0;
	s19 =	sor.u32 $0x60, s24;
	s17 =	smul.u32 $0x2800, s15  }
0xa: {  	s0 =	sadd.s32 $0x5EA00, s0;
	s20 =	sor.u32 $0x70, s24;
	s22 =	smul.u32 $0x2800, s19  }
0xb: {  	_ =	strace $0x8000004A;
	s2 =	ssub.s32 $0x2, s2;
	s23 =	smul.u32 $0x2800, s20  }
0xc: {  	s10 =	smul.u32 $0xA000, s10;
	p0 =	sgt.u32 s20, $0x7C;
	s14 =	sshrl.u32 s2, $0x1  }
0xd: {  	s2 =	ssub.s32 s2, s14;
	s14 =	sor.u32 $0x40, s24;
	s7 =	sadd.s32 s8, s7  }
0xe: {  	s8 =	sor.u32 $0x50, s24;
	s11 =	sadd.s32 s9, s11;
	s13 =	sadd.s32 s9, s13  }
0xf: {  	s16 =	sadd.s32 s9, s16;
	s17 =	sadd.s32 s9, s17;
	s18 =	smul.u32 $0x2800, s14  }
0x10: {  	s22 =	sadd.s32 s9, s22;
	s21 =	smul.u32 $0x2800, s8;
	s11 =	sshrl.u32 s11, $0x3  }
0x11: {  	s30 =	sshrl.u32 s13, $0x3;
	s13 =	sshrl.u32 s16, $0x3;
	s16 =	sshrl.u32 s17, $0x3  }
0x12: {  	s26 =	sshrl.u32 s22, $0x3;
	s2 =	smax.u32 s2, $0x1;
	s22 =	smul.u32 $0xA000, s14  }
0x13: {  	s8 =	smul.u32 $0xA000, s8;
	s11 =	sadd.s32 s0, s11;
	s17 =	sadd.s32 s0, s16  }
0x14: {  	[dreg:$0xd] =	wrdreg s2;
	s18 =	sadd.s32 s9, s18;
	s21 =	sadd.s32 s9, s21  }
0x15: {  	s9 =	sadd.s32 s9, s23;
	s23 =	sshrl.u32 s7, $0x3;
	[dreg:$0x3] =	wrdreg s11  }
0x16: {  	s11 =	sadd.s32 s0, s30;
	[dreg:$0x6] =	wrdreg s17;
	s30 =	sadd.s32 s0, s26  }
0x17: {  	s17 =	smul.u32 $0xA000, s12;
	s26 =	sshrl.u32 s8, $0x2;
	[dreg:$0x4] =	wrdreg s11  }
0x18: {  	s11 =	sadd.s32 s0, s13;
	s18 =	sshrl.u32 s18, $0x3;
	s25 =	sshrl.u32 s21, $0x3  }
0x19: {  	[dreg:$0x9] =	wrdreg s30;
	s9 =	sshrl.u32 s9, $0x3;
	s13 =	smul.u32 $0xA000, s24  }
0x1a: {  	s16 =	sadd.s32 s6, s23;
	s21 =	smul.u32 $0xA000, s15;
	[dreg:$0x5] =	wrdreg s11  }
0x1b: {  	s24 =	smul.u32 $0xA000, s19;
	s11 =	sadd.s32 s0, s18;
	[dreg:$0xc] =	wrdreg s16  }
0x1c: {  	s18 =	sshrl.u32 s10, $0x2;
	s16 =	sadd.s32 s26, s1;
	[dreg:$0x7] =	wrdreg s11  }
0x1d: {  	s2 =	sshrl.u32 s17, $0x2;
	s11 =	sadd.s32 s0, s25;
	[dreg:$0x10] =	wrdreg s16  }
0x1e: {  	s0 =	sadd.s32 s0, s9;
	s25 =	smul.u32 $0xA000, s20;
	[dreg:$0x8] =	wrdreg s11  }
0x1f: {  	[dreg:$0xa] =	wrdreg s0;
	s11 =	sadd.s32 s5, s23;
	s0 =	sshrl.u32 s13, $0x2  }
0x20: {  	s23 =	sshrl.u32 s21, $0x2;
	s13 =	sadd.s32 s2, s1;
	s2 =	sshrl.u32 s24, $0x2  }
0x21: {  	[dreg:$0xb] =	wrdreg s11;
	s11 =	sadd.s32 s0, s1;
	s14 =	sadd.s32 s23, s1  }
0x22: {  	s0 =	sshrl.u32 s22, $0x2;
	s17 =	sadd.s32 s2, s1;
	[dreg:$0xe] =	wrdreg s14  }
0x23: {  	s30 =	sshrl.u32 s25, $0x2;
	s15 =	sadd.s32 s0, s1;
	[dreg:$0x11] =	wrdreg s17  }
0x24: {  	s12 =	sadd.s32 s18, s1;
	s18 =	sadd.s32 s30, s1;
	[dreg:$0xf] =	wrdreg s15  }
0x25: {  	v0 =	vimm.f32 $0.0e+00;
	s8 =	simm.s32 $0x8;
	s9 =	simm.s32 $0x0;
	[dreg:$0x12] =	wrdreg s18  }
.LBB2_1:
0x26: {  	s0 =	simm.s32 $0x0;
	s2 =	simm.s32 $0x200  }
.LBB2_2:
0x27: {  	p1 =	sne.s32 s2, $0x9E00;
	[tilespmem:s0+$0x1070] =	vst v0  }
0x28: {  	[tilespmem:s0+$0x1000] =	vst v0  }
0x29: {  	[tilespmem:s0+$0x1010] =	vst v0  }
.Ltmp0:
0x2a: {  	[tilespmem:s0+$0x1020] =	vst v0;
	(pc) =	sbr.rel @p1 .LBB2_2-.Ltmp0, $4  }
0x2b: {  	[tilespmem:s0+$0x1030] =	vst v0  }
0x2c: {  	[tilespmem:s0+$0x1040] =	vst v0  }
0x2d: {  	[tilespmem:s0+$0x1050] =	vst v0  }
0x2e: {  	[tilespmem:s0+$0x1060] =	vst v0;
	s0 =	sshra.s32 s2, $0x2;
	s2 =	sadd.s32 $0x200, s2  }
0x2f: {  	[tilespmem:s0+$0x1070] =	vst v0  }
0x30: {  	[tilespmem:s0+$0x1000] =	vst v0  }
0x31: {  	[tilespmem:s0+$0x1010] =	vst v0  }
0x32: {  	[tilespmem:s0+$0x1020] =	vst v0  }
0x33: {  	[tilespmem:s0+$0x1030] =	vst v0  }
0x34: {  	[tilespmem:s0+$0x1040] =	vst v0  }
0x35: {  	[tilespmem:s0+$0x1050] =	vst v0  }
0x36: {  	[tilespmem:s0+$0x1060] =	vst v0  }
0x37: {  	[spmem:s11] =	stream.linear.scatter [tilespmem:s28], [sflag:$0x7], $0x2800, $0x38;
	[tilespmem:$0x1C080] =	vst v63  }
0x38: {  	_ =	swait.ge [sflag:s29], $0x2800  }
0x39: {  	[sflag:s29] =	ssyncset.done $0x0  }
0x3a: {  	[sflag:s29] =	ssyncadd.s32 $0xFFFFD800  }
0x3b: {  	[spmem:s12] =	stream.linear.scatter [tilespmem:s28], [sflag:$0x7], $0x2800, $0x38;
	[tilespmem:$0x1C080] =	vst v63  }
0x3c: {  	_ =	swait.ge [sflag:s29], $0x2800  }
0x3d: {  	[sflag:s29] =	ssyncset.done $0x0  }
0x3e: {  	[sflag:s29] =	ssyncadd.s32 $0xFFFFD800  }
0x3f: {  	[spmem:s13] =	stream.linear.scatter [tilespmem:s28], [sflag:$0x7], $0x2800, $0x38;
	[tilespmem:$0x1C080] =	vst v63  }
0x40: {  	_ =	swait.ge [sflag:s29], $0x2800  }
0x41: {  	[sflag:s29] =	ssyncset.done $0x0  }
0x42: {  	[sflag:s29] =	ssyncadd.s32 $0xFFFFD800  }
0x43: {  	[spmem:s14] =	stream.linear.scatter [tilespmem:s28], [sflag:$0x7], $0x2800, $0x38;
	[tilespmem:$0x1C080] =	vst v63  }
0x44: {  	_ =	swait.ge [sflag:s29], $0x2800  }
0x45: {  	[sflag:s29] =	ssyncset.done $0x0  }
0x46: {  	[sflag:s29] =	ssyncadd.s32 $0xFFFFD800  }
0x47: {  	[spmem:s15] =	stream.linear.scatter [tilespmem:s28], [sflag:$0x7], $0x2800, $0x38;
	[tilespmem:$0x1C080] =	vst v63  }
0x48: {  	_ =	swait.ge [sflag:s29], $0x2800  }
0x49: {  	[sflag:s29] =	ssyncset.done $0x0  }
0x4a: {  	[sflag:s29] =	ssyncadd.s32 $0xFFFFD800  }
0x4b: {  	[spmem:s16] =	stream.linear.scatter [tilespmem:s28], [sflag:$0x7], $0x2800, $0x38;
	[tilespmem:$0x1C080] =	vst v63  }
0x4c: {  	_ =	swait.ge [sflag:s29], $0x2800  }
0x4d: {  	[sflag:s29] =	ssyncset.done $0x0  }
0x4e: {  	[sflag:s29] =	ssyncadd.s32 $0xFFFFD800  }
0x4f: {  	[spmem:s17] =	stream.linear.scatter [tilespmem:s28], [sflag:$0x7], $0x2800, $0x38;
	[tilespmem:$0x1C080] =	vst v63  }
0x50: {  	_ =	swait.ge [sflag:s29], $0x2800  }
0x51: {  	[sflag:s29] =	ssyncset.done $0x0  }
0x52: {  	s0 =	simm.s32 @!p0 $0x1000;
	[sflag:s29] =	ssyncadd.s32 $0xFFFFD800  }
0x53: {  	[spmem:s18] =	stream.linear.scatter @!p0 [tilespmem:s0], [sflag:$0x7], $0x2800, $0x38;
	[tilespmem:$0x1C080] =	vst v63  }
0x54: {  	s0 =	simm.s32 @!p0 $0x7  }
0x55: {  	_ =	swait.ge @!p0 [sflag:s0], $0x2800  }
0x56: {  	s24 =	smov.u32 s11;
	s25 =	smov.u32 s12;
	[sflag:s0] =	ssyncset.done @!p0 $0x0  }
0x57: {  	s26 =	smov.u32 s13;
	s16 =	simm.s32 $0x0;
	[sflag:s0] =	ssyncadd.s32 @!p0 $0xFFFFD800  }
0x58: {  	s10 =	simm.s32 $0x800;
	s18 =	smul.u32 $0xCD, s16;
	[bflag:$0x0] =	sbarrier.arrive $0xFFFF  }
0x59: {  	s20 =	simm.s32 $0x80;
	s0 =	smul.u32 $0xAB, s16;
	s2 =	rddreg [dreg:$0xb]  }
0x5a: {  	[tilespmem:s16], [sflag:$0x7] =	stream.linear.gather [hbm4b:s2+s16], $0x280, $0x38;
	[tilespmem:$0x1C080] =	vst v63  }
0x5b: {  	s21 =	simm.s32 $0x3800;
	s0 =	sshrl.u32 s0, $0x9;
	s2 =	sshrl.u32 s18, $0xA  }
0x5c: {  	s0 =	sand.u32 $0x7F, s0;
	_ =	swait.ge [sflag:s29], $0x280;
	s2 =	sand.u32 $0x3F, s2  }
0x5d: {  	s0 =	smul.u32 $0x3, s0;
	[sflag:s29] =	ssyncset.done $0x0;
	s17 =	rddreg [dreg:$0xc]  }
0x5e: {  	s19 =	smul.u32 $0x5, s2;
	s23 =	sshll.u32 s2, $0xA;
	[sflag:s29] =	ssyncadd.s32 $0xFFFFFD80  }
0x5f: {  	[tilespmem:s10], [sflag:$0x7] =	stream.linear.gather [hbm4b:s17+s16], $0x280, $0x38;
	[tilespmem:$0x1C080] =	vst v63  }
0x60: {  	s11 =	simm.s32 $0x2;
	s13 =	sand.u32 $0x400, s23;
	s10 =	ssub.s32 $0x0, s19  }
0x61: {  	s0 =	ssub.s32 $0x0, s0;
	_ =	swait.ge [sflag:s29], $0x280;
	s22 =	sand.u32 $0xFF, s10  }
0x62: {  	s10 =	simm.s32 $0x1;
	[sflag:s29] =	ssyncset.done $0x0;
	p1 =	sne.s32 s22, $0x0  }
0x63: {  	s12 =	sshll.u32 s22, $0x7;
	[sflag:s29] =	ssyncadd.s32 $0xFFFFFD80;
	p2 =	por @!p1 $0x0, $0x0  }
0x64: {  	[tilespmem:s28], [sflag:$0x1] =	stream.indirect.gather [hbm4b:s4+s31], $0x80, s16, s31, $0xb8;
	[tilespmem:$0x1C080] =	vst v63  }
0x65: {  	s14 =	sadd.s32 s12, s13;
	s13 =	sand.u32 $0xFF, s0;
	p1 =	por p2, p1  }
0x66: {  	p2 =	por $0x0, $0x0;
	s0 =	smul.u32 $0xA000, s13;
	s2 =	sshll.u32 @!p1 s2, $0xA  }
0x67: {  	[tilespmem:s21], [sflag:$0x2] =	stream.indirect.gather [hbm4b:s4+s31], $0x80, s20, s31, $0xb8;
	[tilespmem:$0x1C080] =	vst v63  }
0x68: {  	s16 =	simm.s32 @!p2 $0x2;
	p3 =	por @!p2 $0x1, $0x1;
	s2 =	sadd.s32 @!p1 $0x400, s2  }
0x69: {  	s19 =	sand.u32 @!p2 $0xFF, s16;
	s0 =	sshrl.u32 s0, $0x2;
	s20 =	simm.s32 @!p1 $0x7  }
0x6a: {  	s21 =	smul.u32 $0xCD, s10;
	s12 =	sadd.s32 @!p1 s7, s2;
	s17 =	sand.u32 @!p1 $0x400, s2  }
0x6b: {  	s2 =	simm.s32 @!p1 $0x0;
	s12 =	sshrl.u32 @!p1 s12, $0x3;
	s30 =	sor.u32 @!p1 $0x800, s17  }
0x6c: {  	s15 =	sadd.s32 @!p1 s5, s12;
	s18 =	sadd.s32 @!p1 s6, s12;
	s12 =	smul.u32 @!p2 $0xAB, s19  }
0x6d: {  	[tilespmem:s17], [sflag:$0x7] =	stream.linear.gather @!p1 [hbm4b:s15+s2], $0x280, $0x38;
	[tilespmem:$0x1C080] =	vst v63  }
0x6e: {  	s17 =	smul.u32 @!p2 $0xCD, s19;
	s15 =	sadd.s32 $0x1000, s0;
	s12 =	sshrl.u32 @!p2 s12, $0x9  }
0x6f: {  	_ =	swait.ge @!p1 [sflag:s20], $0x280;
	s0 =	smul.u32 @!p2 $0x3, s12;
	p2 =	por p2, p2  }
0x70: {  	s19 =	sshrl.u32 @!p2 s17, $0xA;
	p3 =	por p3, p2;
	s12 =	simm.s32 @!p2 $0x50  }
0x71: {  	s17 =	smul.u32 @!p2 $0x5, s19;
	s19 =	sshll.u32 @!p2 s19, $0xA;
	s0 =	ssub.s32 @!p2 $0x2, s0  }
.LBB2_4:
0x72: {  	[sflag:s20] =	ssyncset.done @!p1 $0x0  }
0x73: {  	s16 =	ssub.s32 @!p2 s16, s17;
	s17 =	smov.u32 s11;
	s11 =	sadd.s32 $0x1, s11  }
0x74: {  	s22 =	smul.u32 $0xAB, s10;
	s21 =	sshrl.u32 s21, $0xA;
	[sflag:s20] =	ssyncadd.s32 @!p1 $0xFFFFFD80  }
0x75: {  	[tilespmem:s30], [sflag:$0x7] =	stream.linear.gather @!p1 [hbm4b:s18+s2], $0x280, $0x38;
	[tilespmem:$0x1C080] =	vst v63  }
0x76: {  	s16 =	sand.u32 @!p2 $0xFF, s16;
	s2 =	sand.u32 $0x3F, s21;
	_ =	swait.ge @!p1 [sflag:s20], $0x280  }
0x77: {  	s19 =	sand.u32 @!p2 $0x400, s19;
	s16 =	sshll.u32 @!p2 s16, $0x7;
	s18 =	smul.u32 $0x5, s2  }
0x78: {  	s21 =	sshll.u32 s2, $0xA;
	s19 =	sadd.s32 @!p2 s16, s19;
	[sflag:s20] =	ssyncset.done @!p1 $0x0  }
0x79: {  	s16 =	ssub.s32 s10, s18;
	s18 =	sadd.s32 $0x1, s13;
	[sflag:s20] =	ssyncadd.s32 @!p1 $0xFFFFFD80  }
0x7a: {  	s16 =	sand.u32 $0xFF, s16;
	s20 =	sand.u32 $0x400, s21;
	_ =	swait.ge [sflag:s18], $0x2800  }
0x7b: {  	p1 =	sne.s32 s16, $0x0;
	s16 =	sshll.u32 s16, $0x7;
	[sflag:s18] =	ssyncset.done $0x0  }
0x7c: {  	s0 =	sand.u32 @!p2 $0xFF, s0;
	p4 =	sgt.u32 @!p1 s10, $0x77;
	[sflag:s18] =	ssyncadd.s32 $0xFFFFD800  }
0x7d: {  	s20 =	sadd.s32 s16, s20;
	p1 =	por p4, p1;
	s18 =	sadd.s32 @!p3 $0x4, s0  }
0x7e: {  	s16 =	smul.u32 @!p2 $0xA000, s0;
	p4 =	sgt.u32 s10, $0x7A;
	s2 =	sshll.u32 @!p1 s2, $0xA  }
0x7f: {  	s14 =	sadd.s32 $0x800, s14;
	s13 =	sadd.s32 $0x4, s13;
	s2 =	sadd.s32 @!p1 $0x400, s2  }
0x80: {  	s0 =	sadd.s32 @!p2 $0x1, s0;
	s16 =	sshrl.u32 @!p2 s16, $0x2;
	s21 =	sadd.s32 @!p1 s7, s2  }
0x81: {  	[spmem:s1] =	stream.indirect.scatter.add.f32 [tilespmem:s15], [sflag:s13], $0x80, s14, s31, $0xb8;
	[tilespmem:$0x1C080] =	vst v63  }
0x82: {  	s13 =	sshrl.u32 @!p1 s21, $0x3;
	s14 =	sadd.s32 @!p2 $0x1000, s16;
	_ =	swait.ge @!p3 [sflag:s18], $0x2800  }
0x83: {  	s15 =	sshrl.u32 s22, $0x9;
	s21 =	sadd.s32 @!p1 s5, s13;
	[sflag:s18] =	ssyncset.done @!p3 $0x0  }
0x84: {  	s16 =	sadd.s32 @!p4 $0x2, s10;
	s15 =	sand.u32 $0x7F, s15;
	[sflag:s18] =	ssyncadd.s32 @!p3 $0xFFFFD800  }
0x85: {  	s22 =	sand.u32 @!p1 $0x400, s2;
	s23 =	sand.u32 @!p4 $0xFF, s16;
	s15 =	smul.u32 $0x3, s15  }
0x86: {  	[tilespmem:s14], [sflag:s0] =	stream.indirect.gather @!p2 [hbm4b:s4+s12], $0x80, s19, s12, $0xb8;
	[tilespmem:$0x1C080] =	vst v63  }
0x87: {  	s18 =	sadd.s32 @!p1 s6, s13;
	s0 =	ssub.s32 s10, s15;
	s12 =	smul.u32 @!p4 $0xAB, s23  }
0x88: {  	s30 =	sor.u32 @!p1 $0x800, s22;
	p3 =	seq.s32 @!p4 s10, $0x0;
	s13 =	sand.u32 $0xFF, s0  }
0x89: {  	p5 =	sne.s32 s11, $0x7D;
	s2 =	simm.s32 @!p1 $0x0;
	s0 =	smul.u32 $0xA000, s13  }
0x8a: {  	[tilespmem:s22], [sflag:$0x7] =	stream.linear.gather @!p1 [hbm4b:s21+s2], $0x280, $0x38;
	[tilespmem:$0x1C080] =	vst v63  }
0x8b: {  	s10 =	smov.u32 s17;
	s0 =	sshrl.u32 s0, $0x2  }
0x8c: {  	s12 =	sshrl.u32 @!p4 s12, $0x9;
	s15 =	sadd.s32 $0x1000, s0;
	s0 =	smul.u32 @!p4 $0xCD, s23  }
.Ltmp1:
0x8d: {  	(pc) =	sbr.rel @p5 .LBB2_4-.Ltmp1, $4  }
0x8e: {  	s14 =	smov.u32 s20;
	p2 =	por p4, p4;
	s22 =	smul.u32 @!p4 $0x3, s12  }
0x8f: {  	p3 =	por p3, p2;
	s12 =	simm.s32 @!p2 $0x50;
	s0 =	sshrl.u32 @!p2 s0, $0xA  }
0x90: {  	s20 =	simm.s32 @!p1 $0x7;
	s17 =	smul.u32 @!p2 $0x5, s0;
	s19 =	sshll.u32 @!p2 s0, $0xA  }
0x91: {  	s21 =	smul.u32 $0xCD, s10;
	s0 =	ssub.s32 @!p2 s16, s22;
	_ =	swait.ge @!p1 [sflag:s20], $0x280  }
0x92: {  	[sflag:s20] =	ssyncset.done @!p1 $0x0  }
0x93: {  	[sflag:s20] =	ssyncadd.s32 @!p1 $0xFFFFFD80  }
0x94: {  	[tilespmem:s30], [sflag:$0x7] =	stream.linear.gather @!p1 [hbm4b:s18+s2], $0x280, $0x38;
	[tilespmem:$0x1C080] =	vst v63  }
0x95: {  	_ =	swait.ge @!p1 [sflag:s20], $0x280  }
0x96: {  	[sflag:s20] =	ssyncset.done @!p1 $0x0  }
0x97: {  	s11 =	sadd.s32 $0x4, s13;
	s18 =	sadd.s32 $0x1, s13;
	[sflag:s20] =	ssyncadd.s32 @!p1 $0xFFFFFD80  }
0x98: {  	s0 =	sand.u32 @!p2 $0xFF, s0;
	s22 =	sshrl.u32 s21, $0xA;
	_ =	swait.ge [sflag:s18], $0x2800  }
0x99: {  	s2 =	sand.u32 $0x3F, s22;
	s13 =	ssub.s32 @!p2 s16, s17;
	[sflag:s18] =	ssyncset.done $0x0  }
0x9a: {  	s23 =	smul.u32 $0x5, s2;
	s20 =	sadd.s32 $0x800, s14;
	[sflag:s18] =	ssyncadd.s32 $0xFFFFD800  }
0x9b: {  	[spmem:s1] =	stream.indirect.scatter.add.f32 [tilespmem:s15], [sflag:s11], $0x80, s20, s31, $0xb8;
	[tilespmem:$0x1C080] =	vst v63  }
0x9c: {  	s16 =	smul.u32 @!p2 $0xA000, s0;
	s13 =	sand.u32 @!p2 $0xFF, s13;
	s11 =	ssub.s32 s10, s23  }
0x9d: {  	s13 =	sshll.u32 @!p2 s13, $0x7;
	s15 =	sadd.s32 @!p3 $0x4, s0;
	s11 =	sand.u32 $0xFF, s11  }
0x9e: {  	s14 =	sand.u32 @!p2 $0x400, s19;
	_ =	swait.ge @!p3 [sflag:s15], $0x2800;
	p1 =	sne.s32 s11, $0x0  }
0x9f: {  	s13 =	sadd.s32 @!p2 s13, s14;
	[sflag:s15] =	ssyncset.done @!p3 $0x0;
	p4 =	sgt.u32 @!p1 s10, $0x77  }
0xa0: {  	[sflag:s15] =	ssyncadd.s32 @!p3 $0xFFFFD800;
	s15 =	sshrl.u32 @!p2 s16, $0x2;
	p1 =	por p4, p1  }
0xa1: {  	s0 =	sadd.s32 @!p2 $0x1, s0;
	s15 =	sadd.s32 @!p2 $0x1000, s15;
	s14 =	sshll.u32 @!p1 s2, $0xA  }
0xa2: {  	[tilespmem:s15], [sflag:s0] =	stream.indirect.gather @!p2 [hbm4b:s4+s12], $0x80, s13, s12, $0xb8;
	[tilespmem:$0x1C080] =	vst v63  }
0xa3: {  	s14 =	sadd.s32 @!p1 $0x400, s14  }
0xa4: {  	s0 =	sadd.s32 @!p1 s7, s14  }
0xa5: {  	s0 =	sshrl.u32 @!p1 s0, $0x3  }
0xa6: {  	s13 =	sand.u32 @!p1 $0x400, s14;
	s14 =	simm.s32 @!p1 $0x0;
	s12 =	sadd.s32 @!p1 s5, s0  }
0xa7: {  	[tilespmem:s13], [sflag:$0x7] =	stream.linear.gather @!p1 [hbm4b:s12+s14], $0x280, $0x38;
	[tilespmem:$0x1C080] =	vst v63  }
0xa8: {  	s12 =	simm.s32 @!p1 $0x7  }
0xa9: {  	_ =	swait.ge @!p1 [sflag:s12], $0x280  }
0xaa: {  	s30 =	smul.u32 $0xAB, s10;
	[sflag:s12] =	ssyncset.done @!p1 $0x0  }
0xab: {  	s0 =	sadd.s32 @!p1 s6, s0;
	s13 =	sor.u32 @!p1 $0x800, s13;
	[sflag:s12] =	ssyncadd.s32 @!p1 $0xFFFFFD80  }
0xac: {  	[tilespmem:s13], [sflag:$0x7] =	stream.linear.gather @!p1 [hbm4b:s0+s14], $0x280, $0x38;
	[tilespmem:$0x1C080] =	vst v63  }
0xad: {  	s14 =	sshrl.u32 s30, $0x9  }
0xae: {  	s0 =	sand.u32 $0x7F, s14  }
0xaf: {  	s2 =	sshll.u32 s2, $0xA;
	s0 =	smul.u32 $0x3, s0  }
0xb0: {  	s11 =	sshll.u32 s11, $0x7;
	p2 =	sgt.u32 s10, $0x7A;
	s2 =	sand.u32 $0x400, s2  }
0xb1: {  	s2 =	sadd.s32 s11, s2;
	_ =	swait.ge @!p1 [sflag:s12], $0x280;
	s0 =	ssub.s32 s10, s0  }
0xb2: {  	s13 =	sadd.s32 @!p2 $0x2, s10;
	[sflag:s12] =	ssyncset.done @!p1 $0x0;
	s0 =	sand.u32 $0xFF, s0  }
0xb3: {  	[sflag:s12] =	ssyncadd.s32 @!p1 $0xFFFFFD80;
	s15 =	sadd.s32 $0x1, s0;
	s16 =	smul.u32 $0xA000, s0  }
0xb4: {  	s2 =	sadd.s32 $0x800, s2;
	s11 =	sand.u32 @!p2 $0xFF, s13;
	_ =	swait.ge [sflag:s15], $0x2800  }
0xb5: {  	s12 =	smul.u32 @!p2 $0xAB, s11;
	[sflag:s15] =	ssyncset.done $0x0;
	s14 =	sshrl.u32 s16, $0x2  }
0xb6: {  	s0 =	sadd.s32 $0x4, s0;
	[sflag:s15] =	ssyncadd.s32 $0xFFFFD800;
	s14 =	sadd.s32 $0x1000, s14  }
0xb7: {  	[spmem:s1] =	stream.indirect.scatter.add.f32 [tilespmem:s14], [sflag:s0], $0x80, s2, s31, $0xb8;
	[tilespmem:$0x1C080] =	vst v63  }
0xb8: {  	s2 =	smul.u32 @!p2 $0xCD, s11  }
0xb9: {  	p1 =	por p2, p2;
	s0 =	sshrl.u32 @!p2 s12, $0x9  }
0xba: {  	s0 =	smul.u32 @!p2 $0x3, s0;
	s2 =	sshrl.u32 @!p1 s2, $0xA  }
0xbb: {  	s17 =	simm.s32 $0x6;
	p2 =	seq.s32 @!p2 s10, $0x0;
	s10 =	smul.u32 @!p1 $0x5, s2  }
0xbc: {  	p2 =	por p2, p1;
	s0 =	ssub.s32 @!p1 s13, s0;
	s2 =	sshll.u32 @!p1 s2, $0xA  }
0xbd: {  	s0 =	sand.u32 @!p1 $0xFF, s0;
	s2 =	sand.u32 @!p1 $0x400, s2;
	s10 =	ssub.s32 @!p1 s13, s10  }
0xbe: {  	s11 =	sadd.s32 @!p2 $0x4, s0;
	s12 =	smul.u32 @!p1 $0xA000, s0;
	s10 =	sand.u32 @!p1 $0xFF, s10  }
0xbf: {  	s0 =	sadd.s32 @!p1 $0x1, s0;
	_ =	swait.ge @!p2 [sflag:s11], $0x2800;
	s10 =	sshll.u32 @!p1 s10, $0x7  }
0xc0: {  	[sflag:s11] =	ssyncset.done @!p2 $0x0;
	s2 =	sadd.s32 @!p1 s10, s2;
	s10 =	sshrl.u32 @!p1 s12, $0x2  }
0xc1: {  	[sflag:s11] =	ssyncadd.s32 @!p2 $0xFFFFD800;
	s11 =	simm.s32 @!p1 $0x50;
	s10 =	sadd.s32 @!p1 $0x1000, s10  }
0xc2: {  	[tilespmem:s10], [sflag:s0] =	stream.indirect.gather @!p1 [hbm4b:s4+s11], $0x80, s2, s11, $0xb8;
	[tilespmem:$0x1C080] =	vst v63  }
0xc3: {  	_ =	swait.ge [sflag:s17], $0x2800  }
0xc4: {  	[sflag:s17] =	ssyncset.done $0x0  }
0xc5: {  	s18 =	simm.s32 $0x4;
	[sflag:s17] =	ssyncadd.s32 $0xFFFFD800  }
0xc6: {  	_ =	swait.ge [sflag:s18], $0x2800  }
0xc7: {  	[sflag:s18] =	ssyncset.done $0x0  }
0xc8: {  	s19 =	simm.s32 $0x5;
	[sflag:s18] =	ssyncadd.s32 $0xFFFFD800  }
0xc9: {  	_ =	swait.ge [sflag:s19], $0x2800  }
0xca: {  	[sflag:s19] =	ssyncset.done $0x0  }
0xcb: {  	[sflag:s19] =	ssyncadd.s32 $0xFFFFD800  }
0xcc: {  	[bflag:$0x0] =	sbarrier.arrive $0xFFFF  }
0xcd: {  	[tilespmem:s28], [sflag:$0x8] =	stream.linear.gather [spmem:s24], $0x2800, $0x38;
	[tilespmem:$0x1C080] =	vst v63  }
0xce: {  	_ =	swait.ge [sflag:s8], $0x2800  }
0xcf: {  	[sflag:s8] =	ssyncset.done $0x0  }
0xd0: {  	s20 =	rddreg [dreg:$0x3];
	[sflag:s8] =	ssyncadd.s32 $0xFFFFD800  }
0xd1: {  	[hbm4b:s20+s3] =	stream.linear.scatter [tilespmem:s28], [sflag:$0x7], $0x2800, $0x38;
	[tilespmem:$0x1C080] =	vst v63  }
0xd2: {  	_ =	swait.ge [sflag:s29], $0x2800  }
0xd3: {  	[sflag:s29] =	ssyncset.done $0x0  }
0xd4: {  	[sflag:s29] =	ssyncadd.s32 $0xFFFFD800  }
0xd5: {  	[tilespmem:s28], [sflag:$0x8] =	stream.linear.gather [spmem:s25], $0x2800, $0x38;
	[tilespmem:$0x1C080] =	vst v63  }
0xd6: {  	_ =	swait.ge [sflag:s8], $0x2800  }
0xd7: {  	[sflag:s8] =	ssyncset.done $0x0  }
0xd8: {  	s21 =	rddreg [dreg:$0x4];
	[sflag:s8] =	ssyncadd.s32 $0xFFFFD800  }
0xd9: {  	[hbm4b:s21+s3] =	stream.linear.scatter [tilespmem:s28], [sflag:$0x7], $0x2800, $0x38;
	[tilespmem:$0x1C080] =	vst v63  }
0xda: {  	_ =	swait.ge [sflag:s29], $0x2800  }
0xdb: {  	[sflag:s29] =	ssyncset.done $0x0  }
0xdc: {  	[sflag:s29] =	ssyncadd.s32 $0xFFFFD800  }
0xdd: {  	[tilespmem:s28], [sflag:$0x8] =	stream.linear.gather [spmem:s26], $0x2800, $0x38;
	[tilespmem:$0x1C080] =	vst v63  }
0xde: {  	_ =	swait.ge [sflag:s8], $0x2800  }
0xdf: {  	[sflag:s8] =	ssyncset.done $0x0  }
0xe0: {  	s22 =	rddreg [dreg:$0x5];
	[sflag:s8] =	ssyncadd.s32 $0xFFFFD800  }
0xe1: {  	[hbm4b:s22+s3] =	stream.linear.scatter [tilespmem:s28], [sflag:$0x7], $0x2800, $0x38;
	[tilespmem:$0x1C080] =	vst v63  }
0xe2: {  	_ =	swait.ge [sflag:s29], $0x2800  }
0xe3: {  	[sflag:s29] =	ssyncset.done $0x0  }
0xe4: {  	s14 =	rddreg [dreg:$0xe];
	[sflag:s29] =	ssyncadd.s32 $0xFFFFD800  }
0xe5: {  	[tilespmem:s28], [sflag:$0x8] =	stream.linear.gather [spmem:s14], $0x2800, $0x38;
	[tilespmem:$0x1C080] =	vst v63  }
0xe6: {  	_ =	swait.ge [sflag:s8], $0x2800  }
0xe7: {  	[sflag:s8] =	ssyncset.done $0x0  }
0xe8: {  	s23 =	rddreg [dreg:$0x6];
	[sflag:s8] =	ssyncadd.s32 $0xFFFFD800  }
0xe9: {  	[hbm4b:s23+s3] =	stream.linear.scatter [tilespmem:s28], [sflag:$0x7], $0x2800, $0x38;
	[tilespmem:$0x1C080] =	vst v63  }
0xea: {  	_ =	swait.ge [sflag:s29], $0x2800  }
0xeb: {  	[sflag:s29] =	ssyncset.done $0x0  }
0xec: {  	s15 =	rddreg [dreg:$0xf];
	[sflag:s29] =	ssyncadd.s32 $0xFFFFD800  }
0xed: {  	[tilespmem:s28], [sflag:$0x8] =	stream.linear.gather [spmem:s15], $0x2800, $0x38;
	[tilespmem:$0x1C080] =	vst v63  }
0xee: {  	_ =	swait.ge [sflag:s8], $0x2800  }
0xef: {  	[sflag:s8] =	ssyncset.done $0x0  }
0xf0: {  	s11 =	smov.u32 s24;
	s24 =	rddreg [dreg:$0x7];
	[sflag:s8] =	ssyncadd.s32 $0xFFFFD800  }
0xf1: {  	[hbm4b:s24+s3] =	stream.linear.scatter [tilespmem:s28], [sflag:$0x7], $0x2800, $0x38;
	[tilespmem:$0x1C080] =	vst v63  }
0xf2: {  	_ =	swait.ge [sflag:s29], $0x2800  }
0xf3: {  	[sflag:s29] =	ssyncset.done $0x0  }
0xf4: {  	s16 =	rddreg [dreg:$0x10];
	[sflag:s29] =	ssyncadd.s32 $0xFFFFD800  }
0xf5: {  	[tilespmem:s28], [sflag:$0x8] =	stream.linear.gather [spmem:s16], $0x2800, $0x38;
	[tilespmem:$0x1C080] =	vst v63  }
0xf6: {  	_ =	swait.ge [sflag:s8], $0x2800  }
0xf7: {  	[sflag:s8] =	ssyncset.done $0x0  }
0xf8: {  	s12 =	smov.u32 s25;
	s25 =	rddreg [dreg:$0x8];
	[sflag:s8] =	ssyncadd.s32 $0xFFFFD800  }
0xf9: {  	[hbm4b:s25+s3] =	stream.linear.scatter [tilespmem:s28], [sflag:$0x7], $0x2800, $0x38;
	[tilespmem:$0x1C080] =	vst v63  }
0xfa: {  	_ =	swait.ge [sflag:s29], $0x2800  }
0xfb: {  	[sflag:s29] =	ssyncset.done $0x0  }
0xfc: {  	s17 =	rddreg [dreg:$0x11];
	[sflag:s29] =	ssyncadd.s32 $0xFFFFD800  }
0xfd: {  	[tilespmem:s28], [sflag:$0x8] =	stream.linear.gather [spmem:s17], $0x2800, $0x38;
	[tilespmem:$0x1C080] =	vst v63  }
0xfe: {  	_ =	swait.ge [sflag:s8], $0x2800  }
0xff: {  	[sflag:s8] =	ssyncset.done $0x0  }
0x100: {  	s13 =	smov.u32 s26;
	s26 =	rddreg [dreg:$0x9];
	[sflag:s8] =	ssyncadd.s32 $0xFFFFD800  }
0x101: {  	[hbm4b:s26+s3] =	stream.linear.scatter [tilespmem:s28], [sflag:$0x7], $0x2800, $0x38;
	[tilespmem:$0x1C080] =	vst v63  }
0x102: {  	_ =	swait.ge [sflag:s29], $0x2800  }
0x103: {  	s0 =	simm.s32 @!p0 $0x1000;
	[sflag:s29] =	ssyncset.done $0x0  }
0x104: {  	s2 =	simm.s32 @!p0 $0x8;
	s18 =	rddreg [dreg:$0x12];
	[sflag:s29] =	ssyncadd.s32 $0xFFFFD800  }
0x105: {  	[tilespmem:s0], [sflag:$0x8] =	stream.linear.gather @!p0 [spmem:s18], $0x2800, $0x38;
	[tilespmem:$0x1C080] =	vst v63  }
0x106: {  	_ =	swait.ge @!p0 [sflag:s2], $0x2800  }
0x107: {  	[sflag:s2] =	ssyncset.done @!p0 $0x0  }
0x108: {  	s10 =	rddreg [dreg:$0xa];
	[sflag:s2] =	ssyncadd.s32 @!p0 $0xFFFFD800;
	s2 =	simm.s32 @!p0 $0x0  }
0x109: {  	[hbm4b:s10+s2] =	stream.linear.scatter @!p0 [tilespmem:s0], [sflag:$0x7], $0x2800, $0x38;
	[tilespmem:$0x1C080] =	vst v63  }
0x10a: {  	s0 =	simm.s32 @!p0 $0x7  }
0x10b: {  	_ =	swait.ge @!p0 [sflag:s0], $0x2800  }
0x10c: {  	s9 =	sadd.s32 $0x1, s9;
	s30 =	rddreg [dreg:$0xd]  }
0x10d: {  	p1 =	sne.s32 s9, s30  }
.Ltmp2:
0x10e: {  	_ = 	snop;
	(pc) =	sbr.rel @p1 .LBB2_1-.Ltmp2, $3  }
0x10f: {  	_ =	sdelay $0x1  }
0x110: {  	[sflag:s0] =	ssyncset.done @!p0 $0x0  }
0x111: {  	[sflag:s0] =	ssyncadd.s32 @!p0 $0xFFFFD800  }
0x112: {  	_ =	sfence.sel $0x180000  }
0x113: {  	[bflag:$0x0] =	sbarrier.arrive $0xFFFF  }
0x114: {  	_ =	strace $0x9000004A  }
0x115: {  	s0 =	stileid.u32;
	[bflag:$0x2] =	sbarrier.arrive $0xFFFF  }
0x116: {  	p0 =	sne.s32 s0, $0x0;
	s0 =	rddreg [dreg:$0x2]  }
0x117: {  	s0 =	sadd.s32 @!p0 $0x100000, s0  }
0x118: {  	[sflag:s0] =	ssyncadd.tile.s32 @!p0 $0x1;
	_ =	shalt  }
.Lfunc_end2:
_tile_overlayer_lowered:
.L_overlay_start_2:
0x119: {  	(tag) =	ssettag $0x2  }
0x11a: {  	s0 =	rddreg [dreg:$0x0];
	s2 =	stileid.u32  }
0x11b: {  	s1 =	rddreg [dreg:$0x1];
	p0 =	sne.s32 s2, $0x0  }
0x11c: {  	s3 =	rddreg [dreg:$0x2];
	[bflag:$0x3] =	sbarrier.arrive $0xFFFF;
	s2 =	simm.s32 @!p0 $0x1C07  }
0x11d: {  	[timem:s3], [sflag:s2] =	dma.local @!p0 [hbm:s0], s1  }
0x11e: {  	s0 =	simm.s32 @!p0 $0x7  }
0x11f: {  	_ =	swait.ge @!p0 [sflag:s0], s1  }
0x120: {  	s1 =	ssub.s32 @!p0 $0x0, s1;
	[sflag:s0] =	ssyncset.done @!p0 $0x0  }
0x121: {  	[sflag:s0] =	ssyncadd.s32 @!p0 s1  }
0x122: {  	[bflag:$0x3] =	sbarrier.arrive $0xFFFF  }
0x123: {  	_ =	shalt  }

// kernel: kernel.14.cloned.1.call-start
scs
__scs_entry_jumppad:
0x0: {  	(pc) =	sbr.rel $0x88, $3  }
0x1: {  	(tag) =	ssettag $0x0;
	lr =	simm.s32 $0x1  }
0x2: {  	[smem:$0x3F88] =	sst lr;
	_ =	strace $0xD0000000  }
0x3: {  	_ = 	snop  }
0x4: {  	_ = 	snop  }
0x5: {  	_ = 	snop  }
0x6: {  	_ = 	snop  }
0x7: {  	_ = 	snop  }
__scs_overlays_trampoline_lowered:
0x8: {  	[smem:$0x3F97] =	sst s0  }
0x9: {  	[smem:$0x3F98] =	sst s1  }
0xa: {  	[smem:$0x3F99] =	sst s2  }
0xb: {  	[smem:$0x3F9A] =	sst s3  }
0xc: {  	[smem:$0x3F9B] =	sst s4  }
0xd: {  	[smem:$0x3F9C] =	sst s5  }
0xe: {  	[smem:$0x3F9D] =	sst s6  }
0xf: {  	[smem:$0x3F9E] =	sst s7  }
0x10: {  	[smem:$0x3F9F] =	sst s8  }
0x11: {  	[smem:$0x3FA0] =	sst s9;
	s0 =	simm.s32 @!p0 $0x0  }
0x12: {  	s1 =	sld [smem:$0x3F86];
	s0 =	simm.s32 @p0 $0x1  }
0x13: {  	[smem:$0x3FA1] =	sst s0;
	s0 =	simm.s32 @!p1 $0x0  }
0x14: {  	s2 =	sld [smem:$0x3F85];
	s0 =	simm.s32 @p1 $0x1  }
0x15: {  	[smem:$0x3FA2] =	sst s0;
	s0 =	simm.s32 @!p2 $0x0  }
0x16: {  	s3 =	sld [smem:$0x3FDB];
	s0 =	simm.s32 @p2 $0x1  }
0x17: {  	s4 =	simm.s32 $0x1BF5;
	[smem:$0x3FA4] =	sst s0  }
0x18: {  	s0 =	sld [smem:$0x3F87];
	_ =	swait.ge [sflag:s4], $0x0  }
0x19: {  	s7 =	sld [smem:$0x3F88]  }
0x1a: {  	s8 =	sadd.s32 $0xFFFFE003, lr  }
0x1b: {  	s9 =	sadd.s32 $0xFFFFFEF7, lr;
	s5 =	simm.s32 $0xFFFFFFFF;
	p2 =	slt.u32 s8, $0xFFFFF086  }
0x1c: {  	p1 =	slt.u32 s9, $0xF7A;
	s5 =	simm.s32 @!p2 $0x0  }
0x1d: {  	s5 =	simm.s32 @p1 $0x1;
	p0 =	seq.s32 s7, s2  }
0x1e: {  	s7 =	smul.u32 @!p0 $0xF7A, s2;
	p2 =	seq.s32 @!p0 s5, $0x0  }
0x1f: {  	s9 =	smul.u32 $0xF7A, s1;
	s8 =	simm.s32 @!p0 $0x1BF5;
	p2 =	por !p2, p0  }
0x20: {  	[sflag:s8] =	ssyncset.s32 @!p0 $0xFFFFF086;
	s6 =	sadd.s32 @!p0 s3, s7;
	s7 =	simm.s32 @!p0 $0x108  }
0x21: {  	s3 =	sadd.s32 s3, s9;
	s6 =	sadd.s32 @!p0 $0x88, s6;
	s7 =	simm.s32 @p2 $0x1082  }
0x22: {  	[simem:s7], [sflag:s8] =	dma.local @!p0 [hbm:s6], $0xF7A  }
0x23: {  	s9 =	sor.u32 $0xD0000000, s2;
	s6 =	simm.s32 $0x108;
	_ =	swait.ge @!p0 [sflag:s8], $0x0  }
0x24: {  	s3 =	sadd.s32 $0x88, s3;
	s6 =	simm.s32 @!p1 $0x1082;
	[sflag:s4] =	ssyncset.s32 $0xFFFFF086  }
0x25: {  	[simem:s6], [sflag:s4] =	dma.local [hbm:s3], $0xF7A  }
0x26: {  	[smem:$0x3F88] =	sst s1;
	(tag) =	ssettag s2;
	_ =	strace s9  }
0x27: {  	s1 =	sld [smem:$0x3F98]  }
0x28: {  	s2 =	sld [smem:$0x3F99]  }
0x29: {  	s4 =	sld [smem:$0x3F9B]  }
0x2a: {  	p0 =	seq.s32 s5, $0x0;
	s5 =	sld [smem:$0x3F9C]  }
0x2b: {  	s6 =	sld [smem:$0x3F9D]  }
0x2c: {  	s7 =	sld [smem:$0x3F9E]  }
0x2d: {  	s3 =	simm.s32 $0x108;
	s8 =	sld [smem:$0x3F9F]  }
0x2e: {  	s3 =	simm.s32 @!p0 $0x1082;
	s9 =	sld [smem:$0x3FA0]  }
0x2f: {  	lr =	sadd.s32 s0, s3;
	s0 =	sld [smem:$0x3F97]  }
0x30: {  	s3 =	sld [smem:$0x3F9A]  }
0x31: {  	[smem:$0x3FA3] =	sst s10  }
0x32: {  	s10 =	sld [smem:$0x3FA1];
	_ =	sdelay $0x3  }
0x33: {  	p0 =	seq.s32 s10, $0x1;
	s10 =	sld [smem:$0x3FA3];
	_ =	sdelay $0x3  }
0x34: {  	[smem:$0x3FA3] =	sst s10  }
0x35: {  	s10 =	sld [smem:$0x3FA2];
	_ =	sdelay $0x3  }
0x36: {  	p1 =	seq.s32 s10, $0x1;
	s10 =	sld [smem:$0x3FA3];
	_ =	sdelay $0x3  }
0x37: {  	[smem:$0x3FA3] =	sst s10  }
0x38: {  	s10 =	sld [smem:$0x3FA4]  }
0x39: {  	_ = 	snop;
	(pc) =	sbr.ind lr, $3  }
0x3a: {  	_ = 	snop  }
0x3b: {  	_ = 	snop  }
0x3c: {  	p2 =	seq.s32 s10, $0x1;
	s10 =	sld [smem:$0x3FA3]  }
0x3d: {  	_ =	shalt  }
0x3e: {  	_ =	shalt  }
0x3f: {  	_ =	shalt  }
0x40: {  	_ =	shalt  }
0x41: {  	_ =	shalt  }
0x42: {  	_ =	shalt  }
0x43: {  	_ =	shalt  }
0x44: {  	_ =	shalt  }
0x45: {  	_ =	shalt  }
0x46: {  	_ =	shalt  }
0x47: {  	_ =	shalt  }
0x48: {  	_ =	shalt  }
0x49: {  	_ =	shalt  }
0x4a: {  	_ =	shalt  }
0x4b: {  	_ =	shalt  }
0x4c: {  	_ =	shalt  }
0x4d: {  	_ =	shalt  }
0x4e: {  	_ =	shalt  }
0x4f: {  	_ =	shalt  }
0x50: {  	_ =	shalt  }
0x51: {  	_ =	shalt  }
0x52: {  	_ =	shalt  }
0x53: {  	_ =	shalt  }
0x54: {  	_ =	shalt  }
0x55: {  	_ =	shalt  }
0x56: {  	_ =	shalt  }
0x57: {  	_ =	shalt  }
0x58: {  	_ =	shalt  }
0x59: {  	_ =	shalt  }
0x5a: {  	_ =	shalt  }
0x5b: {  	_ =	shalt  }
0x5c: {  	_ =	shalt  }
0x5d: {  	_ =	shalt  }
0x5e: {  	_ =	shalt  }
0x5f: {  	_ =	shalt  }
0x60: {  	_ =	shalt  }
0x61: {  	_ =	shalt  }
0x62: {  	_ =	shalt  }
0x63: {  	_ =	shalt  }
0x64: {  	_ =	shalt  }
0x65: {  	_ =	shalt  }
0x66: {  	_ =	shalt  }
0x67: {  	_ =	shalt  }
0x68: {  	_ =	shalt  }
0x69: {  	_ =	shalt  }
0x6a: {  	_ =	shalt  }
0x6b: {  	_ =	shalt  }
0x6c: {  	_ =	shalt  }
0x6d: {  	_ =	shalt  }
0x6e: {  	_ =	shalt  }
0x6f: {  	_ =	shalt  }
0x70: {  	_ =	shalt  }
0x71: {  	_ =	shalt  }
0x72: {  	_ =	shalt  }
0x73: {  	_ =	shalt  }
0x74: {  	_ =	shalt  }
0x75: {  	_ =	shalt  }
0x76: {  	_ =	shalt  }
0x77: {  	_ =	shalt  }
0x78: {  	_ =	shalt  }
0x79: {  	_ =	shalt  }
0x7a: {  	_ =	shalt  }
0x7b: {  	_ =	shalt  }
0x7c: {  	_ =	shalt  }
0x7d: {  	_ =	shalt  }
0x7e: {  	_ =	shalt  }
0x7f: {  	_ =	shalt  }
0x80: {  	_ =	shalt  }
0x81: {  	_ =	shalt  }
0x82: {  	_ =	shalt  }
0x83: {  	_ =	shalt  }
0x84: {  	_ =	shalt  }
0x85: {  	_ =	shalt  }
0x86: {  	_ =	shalt  }
0x87: {  	_ =	shalt  }
.Lfunc_end0:
.L_simem_size_0:
called_computation.2_lowered:
.L_overlay_start_0:
0x88: {  	s2 =	sld [smem:$0x3FD9]  }
0x89: {  	s3 =	sld [smem:$0x3FFE];
	_ =	sdelay $0x1  }
0x8a: {  	s1 =	srdreg.scid  }
0x8b: {  	s0 =	sand.u32 $0x1, s1  }
0x8c: {  	s16 =	sshll.u32 s0, $0xA;
	s2 =	sadd.s32 s3, s2  }
0x8d: {  	s2 =	sadd.s32 s2, s16  }
0x8e: {  	[smem:$0x3FAF] =	sst s2  }
0x8f: {  	_ = 	snop  }
0x90: {  	(tm) =	ssettm $0x1  }
0x91: {  	s17 =	sld [smem:$0x3FFB];
	_ =	sdelay $0x3  }
0x92: {  	_ =	strace s17  }
0x93: {  	s2 =	sld [smem:$0x3FFC];
	_ =	sdelay $0x3  }
0x94: {  	_ =	strace s2  }
0x95: {  	s2 =	sld [smem:$0x3FFD];
	_ =	sdelay $0x3  }
0x96: {  	_ =	strace s2  }
0x97: {  	_ =	strace $0x8FFFFFFF  }
0x98: {  	s18 =	sld [smem:$0x3FDB];
	_ =	sdelay $0x1  }
0x99: {  	s19 =	simm.s32 $_scs_section_size  }
0x9a: {  	s4 =	simm.s32 $_size__tile_overlayer_lowered;
	s5 =	simm.s32 $_tile_overlayer_lowered  }
0x9b: {  	s22 =	simm.s32 $0x1BFF;
	s21 =	sshll.u32 s5, $0x1;
	s2 =	sadd.s32 s19, s18  }
0x9c: {  	s6 =	simm.s32 $0x0;
	s20 =	sshll.u32 s4, $0x1;
	s4 =	sadd.s32 s21, s2  }
0x9d: {  	[timem:s6], [sflag:s22] =	dma.local [hbm:s4], s20  }
0x9e: {  	_ =	swait.ge [sflag:s22], s20  }
0x9f: {  	s3 =	ssub.s32 $0x0, s20;
	[sflag:s22] =	ssyncset.done $0x0  }
0xa0: {  	[sflag:s22] =	ssyncadd.s32 s3;
	_ =	sdelay $0x1  }
0xa1: {  	s23 =	simm.s32 $0x1B8B  }
0xa2: {  	_ =	swait.ge [sflag:s23], $0x1  }
0xa3: {  	[sflag:s23] =	ssyncset.done $0x0  }
0xa4: {  	s25 =	simm.s32 $0x1B8E;
	s24 =	sld [smem:$0x3FFE];
	[sflag:s23] =	ssyncadd.s32 $0xFFFFFFFF  }
0xa5: {  	s26 =	simm.s32 $execute0_lowered;
	[smem:$0x3FD2] =	sst s25  }
0xa6: {  	s4 =	sshll.u32 s26, $0x1;
	_ =	strace $0x8000004C;
	[dreg:$0x1] =	wrdreg $0xFFFFFFFF  }
0xa7: {  	s28 =	simm.s32 $_size_execute0_lowered;
	s2 =	sadd.s32 s2, s4;
	[dreg:$0x0] =	wrdreg $0x0  }
0xa8: {  	s4 =	sshll.u32 s28, $0x1;
	[dreg:$0x2] =	wrdreg s2  }
0xa9: {  	[dreg:$0x3] =	wrdreg s4  }
0xaa: {  	[dreg:$0x4] =	wrdreg $0xC0  }
0xab: {  	_ =	task [dreg:s6], $0x5FFFF  }
0xac: {  	[dreg:$0x1] =	wrdreg $0xFFFFFFFF  }
0xad: {  	[dreg:$0x0] =	wrdreg $0x60  }
0xae: {  	[dreg:$0x2] =	wrdreg s24  }
0xaf: {  	[dreg:$0x3] =	wrdreg $0x88000  }
0xb0: {  	[dreg:$0x4] =	wrdreg $0x9  }
0xb1: {  	_ =	task.clear_ibuf [dreg:s6], $0x5FFFF;
	_ =	strace $0x9000004C  }
0xb2: {  	s29 =	simm.s32 $0x9;
	_ =	strace $0x8000004E  }
0xb3: {  	_ =	swait.ge [sflag:s29], $0x1  }
0xb4: {  	[sflag:s29] =	ssyncadd.s32 $0xFFFFFFFF  }
0xb5: {  	_ =	strace $0x9000004E  }
0xb6: {  	_ =	sfence  }
0xb7: {  	s30 =	sld [smem:$0x0];
	_ =	sdelay $0x2  }
0xb8: {  	s31 =	sshll.u32 s1, $0xD;
	s1 =	sshrl.u32 s1, $0x2  }
0xb9: {  	s3 =	sand.u32 $0x4000, s31;
	s1 =	sadd.s32 s1, s30  }
0xba: {  	s0 =	sor.u32 s3, s0;
	s1 =	sshll.u32 s1, $0x11  }
0xbb: {  	s0 =	sor.u32 s1, s0  }
0xbc: {  	s0 =	sadd.s32 $0x8F2B, s0  }
0xbd: {  	[sflag:s0] =	ssyncadd.remote.s32 $0x1  }
0xbe: {  	_ =	sfence.sel $0xFFFF  }
0xbf: {  	[dreg:$0x0] =	wrdreg $0xFFFFFFFF;
	(pc) =	sbr.abs _section_cstart, $3  }
0xc0: {  	[dreg:$0x1] =	wrdreg $0xFFFFFFFF  }
0xc1: {  	_ =	task.clear_ibuf [dreg:s6], $0x2FFFF;
	_ =	strace $0x9FFFFFFF  }
0xc2: {  	(tm) =	ssettm $0x7FFFFFFF  }
0xc3: {  	_ =	shalt  }
tec
execute0_lowered:
.L_overlay_start_1:
0x0: {  	(tag) =	ssettag $0x1  }
0x1: {  	s0 =	rddreg [dreg:$0x0]  }
0x2: {  	s1 =	rddreg [dreg:$0x1];
	s24 =	stileid.u32  }
0x3: {  	s3 =	simm.s32 $0x0;
	s2 =	srdreg.scid;
	s8 =	smul.u32 $0x6400, s24  }
0x4: {  	s28 =	simm.s32 $0x1000;
	s2 =	sand.u32 $0x1, s2;
	s11 =	smul.u32 $0x2800, s24  }
0x5: {  	s29 =	simm.s32 $0x7;
	s31 =	simm.s32 $0x50;
	s7 =	smul.u32 $0x64000, s2  }
0x6: {  	[smem:$0x7FF] =	sst s3;
	s10 =	sor.u32 $0x10, s24;
	s9 =	smul.u32 $0x138800, s2  }
0x7: {  	s4 =	sadd.s32 $0x37800, s0;
	s12 =	sor.u32 $0x20, s24;
	s13 =	smul.u32 $0x2800, s10  }
0x8: {  	s5 =	sadd.s32 $0x5800, s0;
	s15 =	sor.u32 $0x30, s24;
	s16 =	smul.u32 $0x2800, s12  }
0x9: {  	s6 =	sadd.s32 $0x1E800, s0;
	s19 =	sor.u32 $0x60, s24;
	s17 =	smul.u32 $0x2800, s15  }
0xa: {  	s0 =	sadd.s32 $0x5EA00, s0;
	s20 =	sor.u32 $0x70, s24;
	s22 =	smul.u32 $0x2800, s19  }
0xb: {  	_ =	strace $0x8000004D;
	s2 =	ssub.s32 $0x2, s2;
	s23 =	smul.u32 $0x2800, s20  }
0xc: {  	s10 =	smul.u32 $0xA000, s10;
	p0 =	sgt.u32 s20, $0x7C;
	s14 =	sshrl.u32 s2, $0x1  }
0xd: {  	s2 =	ssub.s32 s2, s14;
	s14 =	sor.u32 $0x40, s24;
	s7 =	sadd.s32 s8, s7  }
0xe: {  	s8 =	sor.u32 $0x50, s24;
	s11 =	sadd.s32 s9, s11;
	s13 =	sadd.s32 s9, s13  }
0xf: {  	s16 =	sadd.s32 s9, s16;
	s17 =	sadd.s32 s9, s17;
	s18 =	smul.u32 $0x2800, s14  }
0x10: {  	s22 =	sadd.s32 s9, s22;
	s21 =	smul.u32 $0x2800, s8;
	s11 =	sshrl.u32 s11, $0x3  }
0x11: {  	s30 =	sshrl.u32 s13, $0x3;
	s13 =	sshrl.u32 s16, $0x3;
	s16 =	sshrl.u32 s17, $0x3  }
0x12: {  	s26 =	sshrl.u32 s22, $0x3;
	s2 =	smax.u32 s2, $0x1;
	s22 =	smul.u32 $0xA000, s14  }
0x13: {  	s8 =	smul.u32 $0xA000, s8;
	s11 =	sadd.s32 s0, s11;
	s17 =	sadd.s32 s0, s16  }
0x14: {  	[dreg:$0xd] =	wrdreg s2;
	s18 =	sadd.s32 s9, s18;
	s21 =	sadd.s32 s9, s21  }
0x15: {  	s9 =	sadd.s32 s9, s23;
	s23 =	sshrl.u32 s7, $0x3;
	[dreg:$0x3] =	wrdreg s11  }
0x16: {  	s11 =	sadd.s32 s0, s30;
	[dreg:$0x6] =	wrdreg s17;
	s30 =	sadd.s32 s0, s26  }
0x17: {  	s17 =	smul.u32 $0xA000, s12;
	s26 =	sshrl.u32 s8, $0x2;
	[dreg:$0x4] =	wrdreg s11  }
0x18: {  	s11 =	sadd.s32 s0, s13;
	s18 =	sshrl.u32 s18, $0x3;
	s25 =	sshrl.u32 s21, $0x3  }
0x19: {  	[dreg:$0x9] =	wrdreg s30;
	s9 =	sshrl.u32 s9, $0x3;
	s13 =	smul.u32 $0xA000, s24  }
0x1a: {  	s16 =	sadd.s32 s6, s23;
	s21 =	smul.u32 $0xA000, s15;
	[dreg:$0x5] =	wrdreg s11  }
0x1b: {  	s24 =	smul.u32 $0xA000, s19;
	s11 =	sadd.s32 s0, s18;
	[dreg:$0xc] =	wrdreg s16  }
0x1c: {  	s18 =	sshrl.u32 s10, $0x2;
	s16 =	sadd.s32 s26, s1;
	[dreg:$0x7] =	wrdreg s11  }
0x1d: {  	s2 =	sshrl.u32 s17, $0x2;
	s11 =	sadd.s32 s0, s25;
	[dreg:$0x10] =	wrdreg s16  }
0x1e: {  	s0 =	sadd.s32 s0, s9;
	s25 =	smul.u32 $0xA000, s20;
	[dreg:$0x8] =	wrdreg s11  }
0x1f: {  	[dreg:$0xa] =	wrdreg s0;
	s11 =	sadd.s32 s5, s23;
	s0 =	sshrl.u32 s13, $0x2  }
0x20: {  	s23 =	sshrl.u32 s21, $0x2;
	s13 =	sadd.s32 s2, s1;
	s2 =	sshrl.u32 s24, $0x2  }
0x21: {  	[dreg:$0xb] =	wrdreg s11;
	s11 =	sadd.s32 s0, s1;
	s14 =	sadd.s32 s23, s1  }
0x22: {  	s0 =	sshrl.u32 s22, $0x2;
	s17 =	sadd.s32 s2, s1;
	[dreg:$0xe] =	wrdreg s14  }
0x23: {  	s30 =	sshrl.u32 s25, $0x2;
	s15 =	sadd.s32 s0, s1;
	[dreg:$0x11] =	wrdreg s17  }
0x24: {  	s12 =	sadd.s32 s18, s1;
	s18 =	sadd.s32 s30, s1;
	[dreg:$0xf] =	wrdreg s15  }
0x25: {  	v0 =	vimm.f32 $0.0e+00;
	s8 =	simm.s32 $0x8;
	s9 =	simm.s32 $0x0;
	[dreg:$0x12] =	wrdreg s18  }
.LBB2_1:
0x26: {  	s0 =	simm.s32 $0x0;
	s2 =	simm.s32 $0x200  }
.LBB2_2:
0x27: {  	p1 =	sne.s32 s2, $0x9E00;
	[tilespmem:s0+$0x1070] =	vst v0  }
0x28: {  	[tilespmem:s0+$0x1000] =	vst v0  }
0x29: {  	[tilespmem:s0+$0x1010] =	vst v0  }
.Ltmp0:
0x2a: {  	[tilespmem:s0+$0x1020] =	vst v0;
	(pc) =	sbr.rel @p1 .LBB2_2-.Ltmp0, $4  }
0x2b: {  	[tilespmem:s0+$0x1030] =	vst v0  }
0x2c: {  	[tilespmem:s0+$0x1040] =	vst v0  }
0x2d: {  	[tilespmem:s0+$0x1050] =	vst v0  }
0x2e: {  	[tilespmem:s0+$0x1060] =	vst v0;
	s0 =	sshra.s32 s2, $0x2;
	s2 =	sadd.s32 $0x200, s2  }
0x2f: {  	[tilespmem:s0+$0x1070] =	vst v0  }
0x30: {  	[tilespmem:s0+$0x1000] =	vst v0  }
0x31: {  	[tilespmem:s0+$0x1010] =	vst v0  }
0x32: {  	[tilespmem:s0+$0x1020] =	vst v0  }
0x33: {  	[tilespmem:s0+$0x1030] =	vst v0  }
0x34: {  	[tilespmem:s0+$0x1040] =	vst v0  }
0x35: {  	[tilespmem:s0+$0x1050] =	vst v0  }
0x36: {  	[tilespmem:s0+$0x1060] =	vst v0  }
0x37: {  	[spmem:s11] =	stream.linear.scatter [tilespmem:s28], [sflag:$0x7], $0x2800, $0x38;
	[tilespmem:$0x1C080] =	vst v63  }
0x38: {  	_ =	swait.ge [sflag:s29], $0x2800  }
0x39: {  	[sflag:s29] =	ssyncset.done $0x0  }
0x3a: {  	[sflag:s29] =	ssyncadd.s32 $0xFFFFD800  }
0x3b: {  	[spmem:s12] =	stream.linear.scatter [tilespmem:s28], [sflag:$0x7], $0x2800, $0x38;
	[tilespmem:$0x1C080] =	vst v63  }
0x3c: {  	_ =	swait.ge [sflag:s29], $0x2800  }
0x3d: {  	[sflag:s29] =	ssyncset.done $0x0  }
0x3e: {  	[sflag:s29] =	ssyncadd.s32 $0xFFFFD800  }
0x3f: {  	[spmem:s13] =	stream.linear.scatter [tilespmem:s28], [sflag:$0x7], $0x2800, $0x38;
	[tilespmem:$0x1C080] =	vst v63  }
0x40: {  	_ =	swait.ge [sflag:s29], $0x2800  }
0x41: {  	[sflag:s29] =	ssyncset.done $0x0  }
0x42: {  	[sflag:s29] =	ssyncadd.s32 $0xFFFFD800  }
0x43: {  	[spmem:s14] =	stream.linear.scatter [tilespmem:s28], [sflag:$0x7], $0x2800, $0x38;
	[tilespmem:$0x1C080] =	vst v63  }
0x44: {  	_ =	swait.ge [sflag:s29], $0x2800  }
0x45: {  	[sflag:s29] =	ssyncset.done $0x0  }
0x46: {  	[sflag:s29] =	ssyncadd.s32 $0xFFFFD800  }
0x47: {  	[spmem:s15] =	stream.linear.scatter [tilespmem:s28], [sflag:$0x7], $0x2800, $0x38;
	[tilespmem:$0x1C080] =	vst v63  }
0x48: {  	_ =	swait.ge [sflag:s29], $0x2800  }
0x49: {  	[sflag:s29] =	ssyncset.done $0x0  }
0x4a: {  	[sflag:s29] =	ssyncadd.s32 $0xFFFFD800  }
0x4b: {  	[spmem:s16] =	stream.linear.scatter [tilespmem:s28], [sflag:$0x7], $0x2800, $0x38;
	[tilespmem:$0x1C080] =	vst v63  }
0x4c: {  	_ =	swait.ge [sflag:s29], $0x2800  }
0x4d: {  	[sflag:s29] =	ssyncset.done $0x0  }
0x4e: {  	[sflag:s29] =	ssyncadd.s32 $0xFFFFD800  }
0x4f: {  	[spmem:s17] =	stream.linear.scatter [tilespmem:s28], [sflag:$0x7], $0x2800, $0x38;
	[tilespmem:$0x1C080] =	vst v63  }
0x50: {  	_ =	swait.ge [sflag:s29], $0x2800  }
0x51: {  	[sflag:s29] =	ssyncset.done $0x0  }
0x52: {  	s0 =	simm.s32 @!p0 $0x1000;
	[sflag:s29] =	ssyncadd.s32 $0xFFFFD800  }
0x53: {  	[spmem:s18] =	stream.linear.scatter @!p0 [tilespmem:s0], [sflag:$0x7], $0x2800, $0x38;
	[tilespmem:$0x1C080] =	vst v63  }
0x54: {  	s0 =	simm.s32 @!p0 $0x7  }
0x55: {  	_ =	swait.ge @!p0 [sflag:s0], $0x2800  }
0x56: {  	s24 =	smov.u32 s11;
	s25 =	smov.u32 s12;
	[sflag:s0] =	ssyncset.done @!p0 $0x0  }
0x57: {  	s26 =	smov.u32 s13;
	s16 =	simm.s32 $0x0;
	[sflag:s0] =	ssyncadd.s32 @!p0 $0xFFFFD800  }
0x58: {  	s10 =	simm.s32 $0x800;
	s18 =	smul.u32 $0xCD, s16;
	[bflag:$0x0] =	sbarrier.arrive $0xFFFF  }
0x59: {  	s20 =	simm.s32 $0x80;
	s0 =	smul.u32 $0xAB, s16;
	s2 =	rddreg [dreg:$0xb]  }
0x5a: {  	[tilespmem:s16], [sflag:$0x7] =	stream.linear.gather [hbm4b:s2+s16], $0x280, $0x38;
	[tilespmem:$0x1C080] =	vst v63  }
0x5b: {  	s21 =	simm.s32 $0x3800;
	s0 =	sshrl.u32 s0, $0x9;
	s2 =	sshrl.u32 s18, $0xA  }
0x5c: {  	s0 =	sand.u32 $0x7F, s0;
	_ =	swait.ge [sflag:s29], $0x280;
	s2 =	sand.u32 $0x3F, s2  }
0x5d: {  	s0 =	smul.u32 $0x3, s0;
	[sflag:s29] =	ssyncset.done $0x0;
	s17 =	rddreg [dreg:$0xc]  }
0x5e: {  	s19 =	smul.u32 $0x5, s2;
	s23 =	sshll.u32 s2, $0xA;
	[sflag:s29] =	ssyncadd.s32 $0xFFFFFD80  }
0x5f: {  	[tilespmem:s10], [sflag:$0x7] =	stream.linear.gather [hbm4b:s17+s16], $0x280, $0x38;
	[tilespmem:$0x1C080] =	vst v63  }
0x60: {  	s11 =	simm.s32 $0x2;
	s13 =	sand.u32 $0x400, s23;
	s10 =	ssub.s32 $0x0, s19  }
0x61: {  	s0 =	ssub.s32 $0x0, s0;
	_ =	swait.ge [sflag:s29], $0x280;
	s22 =	sand.u32 $0xFF, s10  }
0x62: {  	s10 =	simm.s32 $0x1;
	[sflag:s29] =	ssyncset.done $0x0;
	p1 =	sne.s32 s22, $0x0  }
0x63: {  	s12 =	sshll.u32 s22, $0x7;
	[sflag:s29] =	ssyncadd.s32 $0xFFFFFD80;
	p2 =	por @!p1 $0x0, $0x0  }
0x64: {  	[tilespmem:s28], [sflag:$0x1] =	stream.indirect.gather [hbm4b:s4+s31], $0x80, s16, s31, $0xb8;
	[tilespmem:$0x1C080] =	vst v63  }
0x65: {  	s14 =	sadd.s32 s12, s13;
	s13 =	sand.u32 $0xFF, s0;
	p1 =	por p2, p1  }
0x66: {  	p2 =	por $0x0, $0x0;
	s0 =	smul.u32 $0xA000, s13;
	s2 =	sshll.u32 @!p1 s2, $0xA  }
0x67: {  	[tilespmem:s21], [sflag:$0x2] =	stream.indirect.gather [hbm4b:s4+s31], $0x80, s20, s31, $0xb8;
	[tilespmem:$0x1C080] =	vst v63  }
0x68: {  	s16 =	simm.s32 @!p2 $0x2;
	p3 =	por @!p2 $0x1, $0x1;
	s2 =	sadd.s32 @!p1 $0x400, s2  }
0x69: {  	s19 =	sand.u32 @!p2 $0xFF, s16;
	s0 =	sshrl.u32 s0, $0x2;
	s20 =	simm.s32 @!p1 $0x7  }
0x6a: {  	s21 =	smul.u32 $0xCD, s10;
	s12 =	sadd.s32 @!p1 s7, s2;
	s17 =	sand.u32 @!p1 $0x400, s2  }
0x6b: {  	s2 =	simm.s32 @!p1 $0x0;
	s12 =	sshrl.u32 @!p1 s12, $0x3;
	s30 =	sor.u32 @!p1 $0x800, s17  }
0x6c: {  	s15 =	sadd.s32 @!p1 s5, s12;
	s18 =	sadd.s32 @!p1 s6, s12;
	s12 =	smul.u32 @!p2 $0xAB, s19  }
0x6d: {  	[tilespmem:s17], [sflag:$0x7] =	stream.linear.gather @!p1 [hbm4b:s15+s2], $0x280, $0x38;
	[tilespmem:$0x1C080] =	vst v63  }
0x6e: {  	s17 =	smul.u32 @!p2 $0xCD, s19;
	s15 =	sadd.s32 $0x1000, s0;
	s12 =	sshrl.u32 @!p2 s12, $0x9  }
0x6f: {  	_ =	swait.ge @!p1 [sflag:s20], $0x280;
	s0 =	smul.u32 @!p2 $0x3, s12;
	p2 =	por p2, p2  }
0x70: {  	s19 =	sshrl.u32 @!p2 s17, $0xA;
	p3 =	por p3, p2;
	s12 =	simm.s32 @!p2 $0x50  }
0x71: {  	s17 =	smul.u32 @!p2 $0x5, s19;
	s19 =	sshll.u32 @!p2 s19, $0xA;
	s0 =	ssub.s32 @!p2 $0x2, s0  }
.LBB2_4:
0x72: {  	[sflag:s20] =	ssyncset.done @!p1 $0x0  }
0x73: {  	s16 =	ssub.s32 @!p2 s16, s17;
	s17 =	smov.u32 s11;
	s11 =	sadd.s32 $0x1, s11  }
0x74: {  	s22 =	smul.u32 $0xAB, s10;
	s21 =	sshrl.u32 s21, $0xA;
	[sflag:s20] =	ssyncadd.s32 @!p1 $0xFFFFFD80  }
0x75: {  	[tilespmem:s30], [sflag:$0x7] =	stream.linear.gather @!p1 [hbm4b:s18+s2], $0x280, $0x38;
	[tilespmem:$0x1C080] =	vst v63  }
0x76: {  	s16 =	sand.u32 @!p2 $0xFF, s16;
	s2 =	sand.u32 $0x3F, s21;
	_ =	swait.ge @!p1 [sflag:s20], $0x280  }
0x77: {  	s19 =	sand.u32 @!p2 $0x400, s19;
	s16 =	sshll.u32 @!p2 s16, $0x7;
	s18 =	smul.u32 $0x5, s2  }
0x78: {  	s21 =	sshll.u32 s2, $0xA;
	s19 =	sadd.s32 @!p2 s16, s19;
	[sflag:s20] =	ssyncset.done @!p1 $0x0  }
0x79: {  	s16 =	ssub.s32 s10, s18;
	s18 =	sadd.s32 $0x1, s13;
	[sflag:s20] =	ssyncadd.s32 @!p1 $0xFFFFFD80  }
0x7a: {  	s16 =	sand.u32 $0xFF, s16;
	s20 =	sand.u32 $0x400, s21;
	_ =	swait.ge [sflag:s18], $0x2800  }
0x7b: {  	p1 =	sne.s32 s16, $0x0;
	s16 =	sshll.u32 s16, $0x7;
	[sflag:s18] =	ssyncset.done $0x0  }
0x7c: {  	s0 =	sand.u32 @!p2 $0xFF, s0;
	p4 =	sgt.u32 @!p1 s10, $0x77;
	[sflag:s18] =	ssyncadd.s32 $0xFFFFD800  }
0x7d: {  	s20 =	sadd.s32 s16, s20;
	p1 =	por p4, p1;
	s18 =	sadd.s32 @!p3 $0x4, s0  }
0x7e: {  	s16 =	smul.u32 @!p2 $0xA000, s0;
	p4 =	sgt.u32 s10, $0x7A;
	s2 =	sshll.u32 @!p1 s2, $0xA  }
0x7f: {  	s14 =	sadd.s32 $0x800, s14;
	s13 =	sadd.s32 $0x4, s13;
	s2 =	sadd.s32 @!p1 $0x400, s2  }
0x80: {  	s0 =	sadd.s32 @!p2 $0x1, s0;
	s16 =	sshrl.u32 @!p2 s16, $0x2;
	s21 =	sadd.s32 @!p1 s7, s2  }
0x81: {  	[spmem:s1] =	stream.indirect.scatter.add.f32 [tilespmem:s15], [sflag:s13], $0x80, s14, s31, $0xb8;
	[tilespmem:$0x1C080] =	vst v63  }
0x82: {  	s13 =	sshrl.u32 @!p1 s21, $0x3;
	s14 =	sadd.s32 @!p2 $0x1000, s16;
	_ =	swait.ge @!p3 [sflag:s18], $0x2800  }
0x83: {  	s15 =	sshrl.u32 s22, $0x9;
	s21 =	sadd.s32 @!p1 s5, s13;
	[sflag:s18] =	ssyncset.done @!p3 $0x0  }
0x84: {  	s16 =	sadd.s32 @!p4 $0x2, s10;
	s15 =	sand.u32 $0x7F, s15;
	[sflag:s18] =	ssyncadd.s32 @!p3 $0xFFFFD800  }
0x85: {  	s22 =	sand.u32 @!p1 $0x400, s2;
	s23 =	sand.u32 @!p4 $0xFF, s16;
	s15 =	smul.u32 $0x3, s15  }
0x86: {  	[tilespmem:s14], [sflag:s0] =	stream.indirect.gather @!p2 [hbm4b:s4+s12], $0x80, s19, s12, $0xb8;
	[tilespmem:$0x1C080] =	vst v63  }
0x87: {  	s18 =	sadd.s32 @!p1 s6, s13;
	s0 =	ssub.s32 s10, s15;
	s12 =	smul.u32 @!p4 $0xAB, s23  }
0x88: {  	s30 =	sor.u32 @!p1 $0x800, s22;
	p3 =	seq.s32 @!p4 s10, $0x0;
	s13 =	sand.u32 $0xFF, s0  }
0x89: {  	p5 =	sne.s32 s11, $0x7D;
	s2 =	simm.s32 @!p1 $0x0;
	s0 =	smul.u32 $0xA000, s13  }
0x8a: {  	[tilespmem:s22], [sflag:$0x7] =	stream.linear.gather @!p1 [hbm4b:s21+s2], $0x280, $0x38;
	[tilespmem:$0x1C080] =	vst v63  }
0x8b: {  	s10 =	smov.u32 s17;
	s0 =	sshrl.u32 s0, $0x2  }
0x8c: {  	s12 =	sshrl.u32 @!p4 s12, $0x9;
	s15 =	sadd.s32 $0x1000, s0;
	s0 =	smul.u32 @!p4 $0xCD, s23  }
.Ltmp1:
0x8d: {  	(pc) =	sbr.rel @p5 .LBB2_4-.Ltmp1, $4  }
0x8e: {  	s14 =	smov.u32 s20;
	p2 =	por p4, p4;
	s22 =	smul.u32 @!p4 $0x3, s12  }
0x8f: {  	p3 =	por p3, p2;
	s12 =	simm.s32 @!p2 $0x50;
	s0 =	sshrl.u32 @!p2 s0, $0xA  }
0x90: {  	s20 =	simm.s32 @!p1 $0x7;
	s17 =	smul.u32 @!p2 $0x5, s0;
	s19 =	sshll.u32 @!p2 s0, $0xA  }
0x91: {  	s21 =	smul.u32 $0xCD, s10;
	s0 =	ssub.s32 @!p2 s16, s22;
	_ =	swait.ge @!p1 [sflag:s20], $0x280  }
0x92: {  	[sflag:s20] =	ssyncset.done @!p1 $0x0  }
0x93: {  	[sflag:s20] =	ssyncadd.s32 @!p1 $0xFFFFFD80  }
0x94: {  	[tilespmem:s30], [sflag:$0x7] =	stream.linear.gather @!p1 [hbm4b:s18+s2], $0x280, $0x38;
	[tilespmem:$0x1C080] =	vst v63  }
0x95: {  	_ =	swait.ge @!p1 [sflag:s20], $0x280  }
0x96: {  	[sflag:s20] =	ssyncset.done @!p1 $0x0  }
0x97: {  	s11 =	sadd.s32 $0x4, s13;
	s18 =	sadd.s32 $0x1, s13;
	[sflag:s20] =	ssyncadd.s32 @!p1 $0xFFFFFD80  }
0x98: {  	s0 =	sand.u32 @!p2 $0xFF, s0;
	s22 =	sshrl.u32 s21, $0xA;
	_ =	swait.ge [sflag:s18], $0x2800  }
0x99: {  	s2 =	sand.u32 $0x3F, s22;
	s13 =	ssub.s32 @!p2 s16, s17;
	[sflag:s18] =	ssyncset.done $0x0  }
0x9a: {  	s23 =	smul.u32 $0x5, s2;
	s20 =	sadd.s32 $0x800, s14;
	[sflag:s18] =	ssyncadd.s32 $0xFFFFD800  }
0x9b: {  	[spmem:s1] =	stream.indirect.scatter.add.f32 [tilespmem:s15], [sflag:s11], $0x80, s20, s31, $0xb8;
	[tilespmem:$0x1C080] =	vst v63  }
0x9c: {  	s16 =	smul.u32 @!p2 $0xA000, s0;
	s13 =	sand.u32 @!p2 $0xFF, s13;
	s11 =	ssub.s32 s10, s23  }
0x9d: {  	s13 =	sshll.u32 @!p2 s13, $0x7;
	s15 =	sadd.s32 @!p3 $0x4, s0;
	s11 =	sand.u32 $0xFF, s11  }
0x9e: {  	s14 =	sand.u32 @!p2 $0x400, s19;
	_ =	swait.ge @!p3 [sflag:s15], $0x2800;
	p1 =	sne.s32 s11, $0x0  }
0x9f: {  	s13 =	sadd.s32 @!p2 s13, s14;
	[sflag:s15] =	ssyncset.done @!p3 $0x0;
	p4 =	sgt.u32 @!p1 s10, $0x77  }
0xa0: {  	[sflag:s15] =	ssyncadd.s32 @!p3 $0xFFFFD800;
	s15 =	sshrl.u32 @!p2 s16, $0x2;
	p1 =	por p4, p1  }
0xa1: {  	s0 =	sadd.s32 @!p2 $0x1, s0;
	s15 =	sadd.s32 @!p2 $0x1000, s15;
	s14 =	sshll.u32 @!p1 s2, $0xA  }
0xa2: {  	[tilespmem:s15], [sflag:s0] =	stream.indirect.gather @!p2 [hbm4b:s4+s12], $0x80, s13, s12, $0xb8;
	[tilespmem:$0x1C080] =	vst v63  }
0xa3: {  	s14 =	sadd.s32 @!p1 $0x400, s14  }
0xa4: {  	s0 =	sadd.s32 @!p1 s7, s14  }
0xa5: {  	s0 =	sshrl.u32 @!p1 s0, $0x3  }
0xa6: {  	s13 =	sand.u32 @!p1 $0x400, s14;
	s14 =	simm.s32 @!p1 $0x0;
	s12 =	sadd.s32 @!p1 s5, s0  }
0xa7: {  	[tilespmem:s13], [sflag:$0x7] =	stream.linear.gather @!p1 [hbm4b:s12+s14], $0x280, $0x38;
	[tilespmem:$0x1C080] =	vst v63  }
0xa8: {  	s12 =	simm.s32 @!p1 $0x7  }
0xa9: {  	_ =	swait.ge @!p1 [sflag:s12], $0x280  }
0xaa: {  	s30 =	smul.u32 $0xAB, s10;
	[sflag:s12] =	ssyncset.done @!p1 $0x0  }
0xab: {  	s0 =	sadd.s32 @!p1 s6, s0;
	s13 =	sor.u32 @!p1 $0x800, s13;
	[sflag:s12] =	ssyncadd.s32 @!p1 $0xFFFFFD80  }
0xac: {  	[tilespmem:s13], [sflag:$0x7] =	stream.linear.gather @!p1 [hbm4b:s0+s14], $0x280, $0x38;
	[tilespmem:$0x1C080] =	vst v63  }
0xad: {  	s14 =	sshrl.u32 s30, $0x9  }
0xae: {  	s0 =	sand.u32 $0x7F, s14  }
0xaf: {  	s2 =	sshll.u32 s2, $0xA;
	s0 =	smul.u32 $0x3, s0  }
0xb0: {  	s11 =	sshll.u32 s11, $0x7;
	p2 =	sgt.u32 s10, $0x7A;
	s2 =	sand.u32 $0x400, s2  }
0xb1: {  	s2 =	sadd.s32 s11, s2;
	_ =	swait.ge @!p1 [sflag:s12], $0x280;
	s0 =	ssub.s32 s10, s0  }
0xb2: {  	s13 =	sadd.s32 @!p2 $0x2, s10;
	[sflag:s12] =	ssyncset.done @!p1 $0x0;
	s0 =	sand.u32 $0xFF, s0  }
0xb3: {  	[sflag:s12] =	ssyncadd.s32 @!p1 $0xFFFFFD80;
	s15 =	sadd.s32 $0x1, s0;
	s16 =	smul.u32 $0xA000, s0  }
0xb4: {  	s2 =	sadd.s32 $0x800, s2;
	s11 =	sand.u32 @!p2 $0xFF, s13;
	_ =	swait.ge [sflag:s15], $0x2800  }
0xb5: {  	s12 =	smul.u32 @!p2 $0xAB, s11;
	[sflag:s15] =	ssyncset.done $0x0;
	s14 =	sshrl.u32 s16, $0x2  }
0xb6: {  	s0 =	sadd.s32 $0x4, s0;
	[sflag:s15] =	ssyncadd.s32 $0xFFFFD800;
	s14 =	sadd.s32 $0x1000, s14  }
0xb7: {  	[spmem:s1] =	stream.indirect.scatter.add.f32 [tilespmem:s14], [sflag:s0], $0x80, s2, s31, $0xb8;
	[tilespmem:$0x1C080] =	vst v63  }
0xb8: {  	s2 =	smul.u32 @!p2 $0xCD, s11  }
0xb9: {  	p1 =	por p2, p2;
	s0 =	sshrl.u32 @!p2 s12, $0x9  }
0xba: {  	s0 =	smul.u32 @!p2 $0x3, s0;
	s2 =	sshrl.u32 @!p1 s2, $0xA  }
0xbb: {  	s17 =	simm.s32 $0x6;
	p2 =	seq.s32 @!p2 s10, $0x0;
	s10 =	smul.u32 @!p1 $0x5, s2  }
0xbc: {  	p2 =	por p2, p1;
	s0 =	ssub.s32 @!p1 s13, s0;
	s2 =	sshll.u32 @!p1 s2, $0xA  }
0xbd: {  	s0 =	sand.u32 @!p1 $0xFF, s0;
	s2 =	sand.u32 @!p1 $0x400, s2;
	s10 =	ssub.s32 @!p1 s13, s10  }
0xbe: {  	s11 =	sadd.s32 @!p2 $0x4, s0;
	s12 =	smul.u32 @!p1 $0xA000, s0;
	s10 =	sand.u32 @!p1 $0xFF, s10  }
0xbf: {  	s0 =	sadd.s32 @!p1 $0x1, s0;
	_ =	swait.ge @!p2 [sflag:s11], $0x2800;
	s10 =	sshll.u32 @!p1 s10, $0x7  }
0xc0: {  	[sflag:s11] =	ssyncset.done @!p2 $0x0;
	s2 =	sadd.s32 @!p1 s10, s2;
	s10 =	sshrl.u32 @!p1 s12, $0x2  }
0xc1: {  	[sflag:s11] =	ssyncadd.s32 @!p2 $0xFFFFD800;
	s11 =	simm.s32 @!p1 $0x50;
	s10 =	sadd.s32 @!p1 $0x1000, s10  }
0xc2: {  	[tilespmem:s10], [sflag:s0] =	stream.indirect.gather @!p1 [hbm4b:s4+s11], $0x80, s2, s11, $0xb8;
	[tilespmem:$0x1C080] =	vst v63  }
0xc3: {  	_ =	swait.ge [sflag:s17], $0x2800  }
0xc4: {  	[sflag:s17] =	ssyncset.done $0x0  }
0xc5: {  	s18 =	simm.s32 $0x4;
	[sflag:s17] =	ssyncadd.s32 $0xFFFFD800  }
0xc6: {  	_ =	swait.ge [sflag:s18], $0x2800  }
0xc7: {  	[sflag:s18] =	ssyncset.done $0x0  }
0xc8: {  	s19 =	simm.s32 $0x5;
	[sflag:s18] =	ssyncadd.s32 $0xFFFFD800  }
0xc9: {  	_ =	swait.ge [sflag:s19], $0x2800  }
0xca: {  	[sflag:s19] =	ssyncset.done $0x0  }
0xcb: {  	[sflag:s19] =	ssyncadd.s32 $0xFFFFD800  }
0xcc: {  	[bflag:$0x0] =	sbarrier.arrive $0xFFFF  }
0xcd: {  	[tilespmem:s28], [sflag:$0x8] =	stream.linear.gather [spmem:s24], $0x2800, $0x38;
	[tilespmem:$0x1C080] =	vst v63  }
0xce: {  	_ =	swait.ge [sflag:s8], $0x2800  }
0xcf: {  	[sflag:s8] =	ssyncset.done $0x0  }
0xd0: {  	s20 =	rddreg [dreg:$0x3];
	[sflag:s8] =	ssyncadd.s32 $0xFFFFD800  }
0xd1: {  	[hbm4b:s20+s3] =	stream.linear.scatter [tilespmem:s28], [sflag:$0x7], $0x2800, $0x38;
	[tilespmem:$0x1C080] =	vst v63  }
0xd2: {  	_ =	swait.ge [sflag:s29], $0x2800  }
0xd3: {  	[sflag:s29] =	ssyncset.done $0x0  }
0xd4: {  	[sflag:s29] =	ssyncadd.s32 $0xFFFFD800  }
0xd5: {  	[tilespmem:s28], [sflag:$0x8] =	stream.linear.gather [spmem:s25], $0x2800, $0x38;
	[tilespmem:$0x1C080] =	vst v63  }
0xd6: {  	_ =	swait.ge [sflag:s8], $0x2800  }
0xd7: {  	[sflag:s8] =	ssyncset.done $0x0  }
0xd8: {  	s21 =	rddreg [dreg:$0x4];
	[sflag:s8] =	ssyncadd.s32 $0xFFFFD800  }
0xd9: {  	[hbm4b:s21+s3] =	stream.linear.scatter [tilespmem:s28], [sflag:$0x7], $0x2800, $0x38;
	[tilespmem:$0x1C080] =	vst v63  }
0xda: {  	_ =	swait.ge [sflag:s29], $0x2800  }
0xdb: {  	[sflag:s29] =	ssyncset.done $0x0  }
0xdc: {  	[sflag:s29] =	ssyncadd.s32 $0xFFFFD800  }
0xdd: {  	[tilespmem:s28], [sflag:$0x8] =	stream.linear.gather [spmem:s26], $0x2800, $0x38;
	[tilespmem:$0x1C080] =	vst v63  }
0xde: {  	_ =	swait.ge [sflag:s8], $0x2800  }
0xdf: {  	[sflag:s8] =	ssyncset.done $0x0  }
0xe0: {  	s22 =	rddreg [dreg:$0x5];
	[sflag:s8] =	ssyncadd.s32 $0xFFFFD800  }
0xe1: {  	[hbm4b:s22+s3] =	stream.linear.scatter [tilespmem:s28], [sflag:$0x7], $0x2800, $0x38;
	[tilespmem:$0x1C080] =	vst v63  }
0xe2: {  	_ =	swait.ge [sflag:s29], $0x2800  }
0xe3: {  	[sflag:s29] =	ssyncset.done $0x0  }
0xe4: {  	s14 =	rddreg [dreg:$0xe];
	[sflag:s29] =	ssyncadd.s32 $0xFFFFD800  }
0xe5: {  	[tilespmem:s28], [sflag:$0x8] =	stream.linear.gather [spmem:s14], $0x2800, $0x38;
	[tilespmem:$0x1C080] =	vst v63  }
0xe6: {  	_ =	swait.ge [sflag:s8], $0x2800  }
0xe7: {  	[sflag:s8] =	ssyncset.done $0x0  }
0xe8: {  	s23 =	rddreg [dreg:$0x6];
	[sflag:s8] =	ssyncadd.s32 $0xFFFFD800  }
0xe9: {  	[hbm4b:s23+s3] =	stream.linear.scatter [tilespmem:s28], [sflag:$0x7], $0x2800, $0x38;
	[tilespmem:$0x1C080] =	vst v63  }
0xea: {  	_ =	swait.ge [sflag:s29], $0x2800  }
0xeb: {  	[sflag:s29] =	ssyncset.done $0x0  }
0xec: {  	s15 =	rddreg [dreg:$0xf];
	[sflag:s29] =	ssyncadd.s32 $0xFFFFD800  }
0xed: {  	[tilespmem:s28], [sflag:$0x8] =	stream.linear.gather [spmem:s15], $0x2800, $0x38;
	[tilespmem:$0x1C080] =	vst v63  }
0xee: {  	_ =	swait.ge [sflag:s8], $0x2800  }
0xef: {  	[sflag:s8] =	ssyncset.done $0x0  }
0xf0: {  	s11 =	smov.u32 s24;
	s24 =	rddreg [dreg:$0x7];
	[sflag:s8] =	ssyncadd.s32 $0xFFFFD800  }
0xf1: {  	[hbm4b:s24+s3] =	stream.linear.scatter [tilespmem:s28], [sflag:$0x7], $0x2800, $0x38;
	[tilespmem:$0x1C080] =	vst v63  }
0xf2: {  	_ =	swait.ge [sflag:s29], $0x2800  }
0xf3: {  	[sflag:s29] =	ssyncset.done $0x0  }
0xf4: {  	s16 =	rddreg [dreg:$0x10];
	[sflag:s29] =	ssyncadd.s32 $0xFFFFD800  }
0xf5: {  	[tilespmem:s28], [sflag:$0x8] =	stream.linear.gather [spmem:s16], $0x2800, $0x38;
	[tilespmem:$0x1C080] =	vst v63  }
0xf6: {  	_ =	swait.ge [sflag:s8], $0x2800  }
0xf7: {  	[sflag:s8] =	ssyncset.done $0x0  }
0xf8: {  	s12 =	smov.u32 s25;
	s25 =	rddreg [dreg:$0x8];
	[sflag:s8] =	ssyncadd.s32 $0xFFFFD800  }
0xf9: {  	[hbm4b:s25+s3] =	stream.linear.scatter [tilespmem:s28], [sflag:$0x7], $0x2800, $0x38;
	[tilespmem:$0x1C080] =	vst v63  }
0xfa: {  	_ =	swait.ge [sflag:s29], $0x2800  }
0xfb: {  	[sflag:s29] =	ssyncset.done $0x0  }
0xfc: {  	s17 =	rddreg [dreg:$0x11];
	[sflag:s29] =	ssyncadd.s32 $0xFFFFD800  }
0xfd: {  	[tilespmem:s28], [sflag:$0x8] =	stream.linear.gather [spmem:s17], $0x2800, $0x38;
	[tilespmem:$0x1C080] =	vst v63  }
0xfe: {  	_ =	swait.ge [sflag:s8], $0x2800  }
0xff: {  	[sflag:s8] =	ssyncset.done $0x0  }
0x100: {  	s13 =	smov.u32 s26;
	s26 =	rddreg [dreg:$0x9];
	[sflag:s8] =	ssyncadd.s32 $0xFFFFD800  }
0x101: {  	[hbm4b:s26+s3] =	stream.linear.scatter [tilespmem:s28], [sflag:$0x7], $0x2800, $0x38;
	[tilespmem:$0x1C080] =	vst v63  }
0x102: {  	_ =	swait.ge [sflag:s29], $0x2800  }
0x103: {  	s0 =	simm.s32 @!p0 $0x1000;
	[sflag:s29] =	ssyncset.done $0x0  }
0x104: {  	s2 =	simm.s32 @!p0 $0x8;
	s18 =	rddreg [dreg:$0x12];
	[sflag:s29] =	ssyncadd.s32 $0xFFFFD800  }
0x105: {  	[tilespmem:s0], [sflag:$0x8] =	stream.linear.gather @!p0 [spmem:s18], $0x2800, $0x38;
	[tilespmem:$0x1C080] =	vst v63  }
0x106: {  	_ =	swait.ge @!p0 [sflag:s2], $0x2800  }
0x107: {  	[sflag:s2] =	ssyncset.done @!p0 $0x0  }
0x108: {  	s10 =	rddreg [dreg:$0xa];
	[sflag:s2] =	ssyncadd.s32 @!p0 $0xFFFFD800;
	s2 =	simm.s32 @!p0 $0x0  }
0x109: {  	[hbm4b:s10+s2] =	stream.linear.scatter @!p0 [tilespmem:s0], [sflag:$0x7], $0x2800, $0x38;
	[tilespmem:$0x1C080] =	vst v63  }
0x10a: {  	s0 =	simm.s32 @!p0 $0x7  }
0x10b: {  	_ =	swait.ge @!p0 [sflag:s0], $0x2800  }
0x10c: {  	s9 =	sadd.s32 $0x1, s9;
	s30 =	rddreg [dreg:$0xd]  }
0x10d: {  	p1 =	sne.s32 s9, s30  }
.Ltmp2:
0x10e: {  	_ = 	snop;
	(pc) =	sbr.rel @p1 .LBB2_1-.Ltmp2, $3  }
0x10f: {  	_ =	sdelay $0x1  }
0x110: {  	[sflag:s0] =	ssyncset.done @!p0 $0x0  }
0x111: {  	[sflag:s0] =	ssyncadd.s32 @!p0 $0xFFFFD800  }
0x112: {  	_ =	sfence.sel $0x180000  }
0x113: {  	[bflag:$0x0] =	sbarrier.arrive $0xFFFF  }
0x114: {  	_ =	strace $0x9000004D  }
0x115: {  	s0 =	stileid.u32;
	[bflag:$0x2] =	sbarrier.arrive $0xFFFF  }
0x116: {  	p0 =	sne.s32 s0, $0x0;
	s0 =	rddreg [dreg:$0x2]  }
0x117: {  	s0 =	sadd.s32 @!p0 $0x100000, s0  }
0x118: {  	[sflag:s0] =	ssyncadd.tile.s32 @!p0 $0x1;
	_ =	shalt  }
.Lfunc_end2:
_tile_overlayer_lowered:
.L_overlay_start_2:
0x119: {  	(tag) =	ssettag $0x2  }
0x11a: {  	s0 =	rddreg [dreg:$0x0];
	s2 =	stileid.u32  }
0x11b: {  	s1 =	rddreg [dreg:$0x1];
	p0 =	sne.s32 s2, $0x0  }
0x11c: {  	s3 =	rddreg [dreg:$0x2];
	[bflag:$0x3] =	sbarrier.arrive $0xFFFF;
	s2 =	simm.s32 @!p0 $0x1C07  }
0x11d: {  	[timem:s3], [sflag:s2] =	dma.local @!p0 [hbm:s0], s1  }
0x11e: {  	s0 =	simm.s32 @!p0 $0x7  }
0x11f: {  	_ =	swait.ge @!p0 [sflag:s0], s1  }
0x120: {  	s1 =	ssub.s32 @!p0 $0x0, s1;
	[sflag:s0] =	ssyncset.done @!p0 $0x0  }
0x121: {  	[sflag:s0] =	ssyncadd.s32 @!p0 s1  }
0x122: {  	[bflag:$0x3] =	sbarrier.arrive $0xFFFF  }
0x123: {  	_ =	shalt  }

// kernel: kernel.8.cloned.1.call-start
scs
__scs_entry_jumppad:
0x0: {  	(pc) =	sbr.rel $0x88, $3  }
0x1: {  	(tag) =	ssettag $0x0;
	lr =	simm.s32 $0x1  }
0x2: {  	[smem:$0x3F88] =	sst lr;
	_ =	strace $0xD0000000  }
0x3: {  	_ = 	snop  }
0x4: {  	_ = 	snop  }
0x5: {  	_ = 	snop  }
0x6: {  	_ = 	snop  }
0x7: {  	_ = 	snop  }
__scs_overlays_trampoline_lowered:
0x8: {  	[smem:$0x3F97] =	sst s0  }
0x9: {  	[smem:$0x3F98] =	sst s1  }
0xa: {  	[smem:$0x3F99] =	sst s2  }
0xb: {  	[smem:$0x3F9A] =	sst s3  }
0xc: {  	[smem:$0x3F9B] =	sst s4  }
0xd: {  	[smem:$0x3F9C] =	sst s5  }
0xe: {  	[smem:$0x3F9D] =	sst s6  }
0xf: {  	[smem:$0x3F9E] =	sst s7  }
0x10: {  	[smem:$0x3F9F] =	sst s8  }
0x11: {  	[smem:$0x3FA0] =	sst s9;
	s0 =	simm.s32 @!p0 $0x0  }
0x12: {  	s1 =	sld [smem:$0x3F86];
	s0 =	simm.s32 @p0 $0x1  }
0x13: {  	[smem:$0x3FA1] =	sst s0;
	s0 =	simm.s32 @!p1 $0x0  }
0x14: {  	s2 =	sld [smem:$0x3F85];
	s0 =	simm.s32 @p1 $0x1  }
0x15: {  	[smem:$0x3FA2] =	sst s0;
	s0 =	simm.s32 @!p2 $0x0  }
0x16: {  	s3 =	sld [smem:$0x3FDB];
	s0 =	simm.s32 @p2 $0x1  }
0x17: {  	s4 =	simm.s32 $0x1BF5;
	[smem:$0x3FA4] =	sst s0  }
0x18: {  	s0 =	sld [smem:$0x3F87];
	_ =	swait.ge [sflag:s4], $0x0  }
0x19: {  	s7 =	sld [smem:$0x3F88]  }
0x1a: {  	s8 =	sadd.s32 $0xFFFFE003, lr  }
0x1b: {  	s9 =	sadd.s32 $0xFFFFFEF7, lr;
	s5 =	simm.s32 $0xFFFFFFFF;
	p2 =	slt.u32 s8, $0xFFFFF086  }
0x1c: {  	p1 =	slt.u32 s9, $0xF7A;
	s5 =	simm.s32 @!p2 $0x0  }
0x1d: {  	s5 =	simm.s32 @p1 $0x1;
	p0 =	seq.s32 s7, s2  }
0x1e: {  	s7 =	smul.u32 @!p0 $0xF7A, s2;
	p2 =	seq.s32 @!p0 s5, $0x0  }
0x1f: {  	s9 =	smul.u32 $0xF7A, s1;
	s8 =	simm.s32 @!p0 $0x1BF5;
	p2 =	por !p2, p0  }
0x20: {  	[sflag:s8] =	ssyncset.s32 @!p0 $0xFFFFF086;
	s6 =	sadd.s32 @!p0 s3, s7;
	s7 =	simm.s32 @!p0 $0x108  }
0x21: {  	s3 =	sadd.s32 s3, s9;
	s6 =	sadd.s32 @!p0 $0x88, s6;
	s7 =	simm.s32 @p2 $0x1082  }
0x22: {  	[simem:s7], [sflag:s8] =	dma.local @!p0 [hbm:s6], $0xF7A  }
0x23: {  	s9 =	sor.u32 $0xD0000000, s2;
	s6 =	simm.s32 $0x108;
	_ =	swait.ge @!p0 [sflag:s8], $0x0  }
0x24: {  	s3 =	sadd.s32 $0x88, s3;
	s6 =	simm.s32 @!p1 $0x1082;
	[sflag:s4] =	ssyncset.s32 $0xFFFFF086  }
0x25: {  	[simem:s6], [sflag:s4] =	dma.local [hbm:s3], $0xF7A  }
0x26: {  	[smem:$0x3F88] =	sst s1;
	(tag) =	ssettag s2;
	_ =	strace s9  }
0x27: {  	s1 =	sld [smem:$0x3F98]  }
0x28: {  	s2 =	sld [smem:$0x3F99]  }
0x29: {  	s4 =	sld [smem:$0x3F9B]  }
0x2a: {  	p0 =	seq.s32 s5, $0x0;
	s5 =	sld [smem:$0x3F9C]  }
0x2b: {  	s6 =	sld [smem:$0x3F9D]  }
0x2c: {  	s7 =	sld [smem:$0x3F9E]  }
0x2d: {  	s3 =	simm.s32 $0x108;
	s8 =	sld [smem:$0x3F9F]  }
0x2e: {  	s3 =	simm.s32 @!p0 $0x1082;
	s9 =	sld [smem:$0x3FA0]  }
0x2f: {  	lr =	sadd.s32 s0, s3;
	s0 =	sld [smem:$0x3F97]  }
0x30: {  	s3 =	sld [smem:$0x3F9A]  }
0x31: {  	[smem:$0x3FA3] =	sst s10  }
0x32: {  	s10 =	sld [smem:$0x3FA1];
	_ =	sdelay $0x3  }
0x33: {  	p0 =	seq.s32 s10, $0x1;
	s10 =	sld [smem:$0x3FA3];
	_ =	sdelay $0x3  }
0x34: {  	[smem:$0x3FA3] =	sst s10  }
0x35: {  	s10 =	sld [smem:$0x3FA2];
	_ =	sdelay $0x3  }
0x36: {  	p1 =	seq.s32 s10, $0x1;
	s10 =	sld [smem:$0x3FA3];
	_ =	sdelay $0x3  }
0x37: {  	[smem:$0x3FA3] =	sst s10  }
0x38: {  	s10 =	sld [smem:$0x3FA4]  }
0x39: {  	_ = 	snop;
	(pc) =	sbr.ind lr, $3  }
0x3a: {  	_ = 	snop  }
0x3b: {  	_ = 	snop  }
0x3c: {  	p2 =	seq.s32 s10, $0x1;
	s10 =	sld [smem:$0x3FA3]  }
0x3d: {  	_ =	shalt  }
0x3e: {  	_ =	shalt  }
0x3f: {  	_ =	shalt  }
0x40: {  	_ =	shalt  }
0x41: {  	_ =	shalt  }
0x42: {  	_ =	shalt  }
0x43: {  	_ =	shalt  }
0x44: {  	_ =	shalt  }
0x45: {  	_ =	shalt  }
0x46: {  	_ =	shalt  }
0x47: {  	_ =	shalt  }
0x48: {  	_ =	shalt  }
0x49: {  	_ =	shalt  }
0x4a: {  	_ =	shalt  }
0x4b: {  	_ =	shalt  }
0x4c: {  	_ =	shalt  }
0x4d: {  	_ =	shalt  }
0x4e: {  	_ =	shalt  }
0x4f: {  	_ =	shalt  }
0x50: {  	_ =	shalt  }
0x51: {  	_ =	shalt  }
0x52: {  	_ =	shalt  }
0x53: {  	_ =	shalt  }
0x54: {  	_ =	shalt  }
0x55: {  	_ =	shalt  }
0x56: {  	_ =	shalt  }
0x57: {  	_ =	shalt  }
0x58: {  	_ =	shalt  }
0x59: {  	_ =	shalt  }
0x5a: {  	_ =	shalt  }
0x5b: {  	_ =	shalt  }
0x5c: {  	_ =	shalt  }
0x5d: {  	_ =	shalt  }
0x5e: {  	_ =	shalt  }
0x5f: {  	_ =	shalt  }
0x60: {  	_ =	shalt  }
0x61: {  	_ =	shalt  }
0x62: {  	_ =	shalt  }
0x63: {  	_ =	shalt  }
0x64: {  	_ =	shalt  }
0x65: {  	_ =	shalt  }
0x66: {  	_ =	shalt  }
0x67: {  	_ =	shalt  }
0x68: {  	_ =	shalt  }
0x69: {  	_ =	shalt  }
0x6a: {  	_ =	shalt  }
0x6b: {  	_ =	shalt  }
0x6c: {  	_ =	shalt  }
0x6d: {  	_ =	shalt  }
0x6e: {  	_ =	shalt  }
0x6f: {  	_ =	shalt  }
0x70: {  	_ =	shalt  }
0x71: {  	_ =	shalt  }
0x72: {  	_ =	shalt  }
0x73: {  	_ =	shalt  }
0x74: {  	_ =	shalt  }
0x75: {  	_ =	shalt  }
0x76: {  	_ =	shalt  }
0x77: {  	_ =	shalt  }
0x78: {  	_ =	shalt  }
0x79: {  	_ =	shalt  }
0x7a: {  	_ =	shalt  }
0x7b: {  	_ =	shalt  }
0x7c: {  	_ =	shalt  }
0x7d: {  	_ =	shalt  }
0x7e: {  	_ =	shalt  }
0x7f: {  	_ =	shalt  }
0x80: {  	_ =	shalt  }
0x81: {  	_ =	shalt  }
0x82: {  	_ =	shalt  }
0x83: {  	_ =	shalt  }
0x84: {  	_ =	shalt  }
0x85: {  	_ =	shalt  }
0x86: {  	_ =	shalt  }
0x87: {  	_ =	shalt  }
.Lfunc_end0:
.L_simem_size_0:
called_computation_lowered:
.L_overlay_start_0:
0x88: {  	s2 =	sld [smem:$0x3FD9]  }
0x89: {  	s3 =	sld [smem:$0x3FFE];
	_ =	sdelay $0x1  }
0x8a: {  	s1 =	srdreg.scid  }
0x8b: {  	s0 =	sand.u32 $0x1, s1  }
0x8c: {  	s17 =	sshll.u32 s0, $0xA;
	s2 =	sadd.s32 s3, s2  }
0x8d: {  	s2 =	sadd.s32 s2, s17  }
0x8e: {  	[smem:$0x3FAF] =	sst s2  }
0x8f: {  	_ = 	snop  }
0x90: {  	s2 =	sld [smem:$0x3FC9];
	(tm) =	ssettm $0x1  }
0x91: {  	s18 =	sld [smem:$0x3FFB];
	_ =	sdelay $0x3  }
0x92: {  	_ =	strace s18  }
0x93: {  	s3 =	sld [smem:$0x3FFC];
	_ =	sdelay $0x3  }
0x94: {  	_ =	strace s3  }
0x95: {  	s3 =	sld [smem:$0x3FFD];
	_ =	sdelay $0x3  }
0x96: {  	_ =	strace s3  }
0x97: {  	_ =	strace $0x8FFFFFFF  }
0x98: {  	s19 =	sld [smem:$0x3FDB];
	_ =	sdelay $0x1  }
0x99: {  	s4 =	simm.s32 $_scs_section_size  }
0x9a: {  	s5 =	simm.s32 $_size__tile_overlayer_lowered;
	s6 =	simm.s32 $_tile_overlayer_lowered  }
0x9b: {  	s22 =	simm.s32 $0x1BFF;
	s21 =	sshll.u32 s6, $0x1;
	s3 =	sadd.s32 s4, s19  }
0x9c: {  	s7 =	simm.s32 $0x0;
	s20 =	sshll.u32 s5, $0x1;
	s5 =	sadd.s32 s21, s3  }
0x9d: {  	[timem:s7], [sflag:s22] =	dma.local [hbm:s5], s20  }
0x9e: {  	_ =	swait.ge [sflag:s22], s20  }
0x9f: {  	s4 =	ssub.s32 $0x0, s20;
	[sflag:s22] =	ssyncset.done $0x0  }
0xa0: {  	[sflag:s22] =	ssyncadd.s32 s4;
	_ =	sdelay $0x1  }
0xa1: {  	s23 =	simm.s32 $0x1B8B  }
0xa2: {  	_ =	swait.ge [sflag:s23], $0x1  }
0xa3: {  	[sflag:s23] =	ssyncset.done $0x0  }
0xa4: {  	s25 =	simm.s32 $0x1B8E;
	s24 =	sld [smem:$0x3FFE];
	[sflag:s23] =	ssyncadd.s32 $0xFFFFFFFF  }
0xa5: {  	s26 =	simm.s32 $execute0_lowered;
	[smem:$0x3FD2] =	sst s25  }
0xa6: {  	s5 =	sshll.u32 s26, $0x1;
	_ =	strace $0x80000046;
	[dreg:$0x1] =	wrdreg $0xFFFFFFFF  }
0xa7: {  	s28 =	simm.s32 $_size_execute0_lowered;
	s3 =	sadd.s32 s3, s5;
	[dreg:$0x0] =	wrdreg $0x0  }
0xa8: {  	s5 =	sshll.u32 s28, $0x1;
	[dreg:$0x2] =	wrdreg s3  }
0xa9: {  	[dreg:$0x3] =	wrdreg s5  }
0xaa: {  	[dreg:$0x4] =	wrdreg $0xC0  }
0xab: {  	_ =	task [dreg:s7], $0x5FFFF  }
0xac: {  	[dreg:$0x1] =	wrdreg $0xFFFFFFFF  }
0xad: {  	[dreg:$0x0] =	wrdreg $0x60  }
0xae: {  	[dreg:$0x2] =	wrdreg s2  }
0xaf: {  	[dreg:$0x3] =	wrdreg s24  }
0xb0: {  	[dreg:$0x4] =	wrdreg $0x88000  }
0xb1: {  	[dreg:$0x5] =	wrdreg $0x9  }
0xb2: {  	_ =	task.clear_ibuf [dreg:s7], $0x6FFFF;
	_ =	strace $0x90000046  }
0xb3: {  	s29 =	simm.s32 $0x9;
	_ =	strace $0x80000048  }
0xb4: {  	_ =	swait.ge [sflag:s29], $0x1  }
0xb5: {  	[sflag:s29] =	ssyncadd.s32 $0xFFFFFFFF  }
0xb6: {  	_ =	strace $0x90000048  }
0xb7: {  	_ =	sfence  }
0xb8: {  	s30 =	sld [smem:$0x0];
	_ =	sdelay $0x2  }
0xb9: {  	s31 =	sshll.u32 s1, $0xD;
	s1 =	sshrl.u32 s1, $0x2  }
0xba: {  	s3 =	sand.u32 $0x4000, s31;
	s1 =	sadd.s32 s1, s30  }
0xbb: {  	s0 =	sor.u32 s3, s0;
	s1 =	sshll.u32 s1, $0x11  }
0xbc: {  	s0 =	sor.u32 s1, s0  }
0xbd: {  	s0 =	sadd.s32 $0x8F2B, s0  }
0xbe: {  	[sflag:s0] =	ssyncadd.remote.s32 $0x1  }
0xbf: {  	_ =	sfence.sel $0xFFFF  }
0xc0: {  	[dreg:$0x0] =	wrdreg $0xFFFFFFFF;
	(pc) =	sbr.abs _section_cstart, $3  }
0xc1: {  	[dreg:$0x1] =	wrdreg $0xFFFFFFFF  }
0xc2: {  	_ =	task.clear_ibuf [dreg:s7], $0x2FFFF;
	_ =	strace $0x9FFFFFFF  }
0xc3: {  	(tm) =	ssettm $0x7FFFFFFF  }
tec
execute0_lowered:
.L_overlay_start_1:
0x0: {  	(tag) =	ssettag $0x1  }
0x1: {  	s1 =	rddreg [dreg:$0x0]  }
0x2: {  	s0 =	rddreg [dreg:$0x1]  }
0x3: {  	s2 =	rddreg [dreg:$0x2];
	s24 =	stileid.u32  }
0x4: {  	s3 =	srdreg.scid;
	s8 =	smul.u32 $0x6400, s24  }
0x5: {  	s4 =	simm.s32 $0x0;
	s3 =	sand.u32 $0x1, s3;
	s11 =	smul.u32 $0x2800, s24  }
0x6: {  	s28 =	simm.s32 $0x1000;
	s29 =	simm.s32 $0x7;
	s7 =	smul.u32 $0x64000, s3  }
0x7: {  	s31 =	simm.s32 $0x50;
	s10 =	sor.u32 $0x10, s24;
	s9 =	smul.u32 $0x138800, s3  }
0x8: {  	[smem:$0x7FF] =	sst s4;
	s12 =	sor.u32 $0x20, s24;
	s13 =	smul.u32 $0x2800, s10  }
0x9: {  	s5 =	sadd.s32 $0x5800, s0;
	s15 =	sor.u32 $0x30, s24;
	s16 =	smul.u32 $0x2800, s12  }
0xa: {  	s6 =	sadd.s32 $0x1E800, s0;
	s19 =	sor.u32 $0x60, s24;
	s17 =	smul.u32 $0x2800, s15  }
0xb: {  	s0 =	sadd.s32 $0x37800, s0;
	s20 =	sor.u32 $0x70, s24;
	s22 =	smul.u32 $0x2800, s19  }
0xc: {  	_ =	strace $0x80000047;
	s3 =	ssub.s32 $0x2, s3;
	s23 =	smul.u32 $0x2800, s20  }
0xd: {  	s10 =	smul.u32 $0xA000, s10;
	p0 =	sgt.u32 s20, $0x7C;
	s14 =	sshrl.u32 s3, $0x1  }
0xe: {  	s3 =	ssub.s32 s3, s14;
	s14 =	sor.u32 $0x40, s24;
	s7 =	sadd.s32 s8, s7  }
0xf: {  	s8 =	sor.u32 $0x50, s24;
	s11 =	sadd.s32 s9, s11;
	s13 =	sadd.s32 s9, s13  }
0x10: {  	s16 =	sadd.s32 s9, s16;
	s17 =	sadd.s32 s9, s17;
	s18 =	smul.u32 $0x2800, s14  }
0x11: {  	s22 =	sadd.s32 s9, s22;
	s21 =	smul.u32 $0x2800, s8;
	s11 =	sshrl.u32 s11, $0x3  }
0x12: {  	s30 =	sshrl.u32 s13, $0x3;
	s13 =	sshrl.u32 s16, $0x3;
	s16 =	sshrl.u32 s17, $0x3  }
0x13: {  	s26 =	sshrl.u32 s22, $0x3;
	s3 =	smax.u32 s3, $0x1;
	s22 =	smul.u32 $0xA000, s14  }
0x14: {  	s8 =	smul.u32 $0xA000, s8;
	s11 =	sadd.s32 s0, s11;
	s17 =	sadd.s32 s0, s16  }
0x15: {  	[dreg:$0xe] =	wrdreg s3;
	s18 =	sadd.s32 s9, s18;
	s21 =	sadd.s32 s9, s21  }
0x16: {  	s9 =	sadd.s32 s9, s23;
	s23 =	sshrl.u32 s7, $0x3;
	[dreg:$0x4] =	wrdreg s11  }
0x17: {  	s11 =	sadd.s32 s0, s30;
	[dreg:$0x7] =	wrdreg s17;
	s30 =	sadd.s32 s0, s26  }
0x18: {  	s17 =	smul.u32 $0xA000, s12;
	s26 =	sshrl.u32 s8, $0x2;
	[dreg:$0x5] =	wrdreg s11  }
0x19: {  	s11 =	sadd.s32 s0, s13;
	s18 =	sshrl.u32 s18, $0x3;
	s25 =	sshrl.u32 s21, $0x3  }
0x1a: {  	[dreg:$0xa] =	wrdreg s30;
	s9 =	sshrl.u32 s9, $0x3;
	s13 =	smul.u32 $0xA000, s24  }
0x1b: {  	s16 =	sadd.s32 s6, s23;
	s21 =	smul.u32 $0xA000, s15;
	[dreg:$0x6] =	wrdreg s11  }
0x1c: {  	s24 =	smul.u32 $0xA000, s19;
	s11 =	sadd.s32 s0, s18;
	[dreg:$0xd] =	wrdreg s16  }
0x1d: {  	s18 =	sshrl.u32 s10, $0x2;
	s16 =	sadd.s32 s26, s2;
	[dreg:$0x8] =	wrdreg s11  }
0x1e: {  	s3 =	sshrl.u32 s17, $0x2;
	s11 =	sadd.s32 s0, s25;
	[dreg:$0x11] =	wrdreg s16  }
0x1f: {  	s0 =	sadd.s32 s0, s9;
	s25 =	smul.u32 $0xA000, s20;
	[dreg:$0x9] =	wrdreg s11  }
0x20: {  	[dreg:$0xb] =	wrdreg s0;
	s11 =	sadd.s32 s5, s23;
	s0 =	sshrl.u32 s13, $0x2  }
0x21: {  	s23 =	sshrl.u32 s21, $0x2;
	s13 =	sadd.s32 s3, s2;
	s3 =	sshrl.u32 s24, $0x2  }
0x22: {  	[dreg:$0xc] =	wrdreg s11;
	s11 =	sadd.s32 s0, s2;
	s14 =	sadd.s32 s23, s2  }
0x23: {  	s0 =	sshrl.u32 s22, $0x2;
	s17 =	sadd.s32 s3, s2;
	[dreg:$0xf] =	wrdreg s14  }
0x24: {  	s30 =	sshrl.u32 s25, $0x2;
	s15 =	sadd.s32 s0, s2;
	[dreg:$0x12] =	wrdreg s17  }
0x25: {  	s12 =	sadd.s32 s18, s2;
	s18 =	sadd.s32 s30, s2;
	[dreg:$0x10] =	wrdreg s15  }
0x26: {  	v0 =	vimm.f32 $0.0e+00;
	s8 =	simm.s32 $0x8;
	s9 =	simm.s32 $0x0;
	[dreg:$0x13] =	wrdreg s18  }
.LBB2_1:
0x27: {  	s0 =	simm.s32 $0x0;
	s3 =	simm.s32 $0x200  }
.LBB2_2:
0x28: {  	p1 =	sne.s32 s3, $0x9E00;
	[tilespmem:s0+$0x1070] =	vst v0  }
0x29: {  	[tilespmem:s0+$0x1000] =	vst v0  }
0x2a: {  	[tilespmem:s0+$0x1010] =	vst v0  }
.Ltmp0:
0x2b: {  	[tilespmem:s0+$0x1020] =	vst v0;
	(pc) =	sbr.rel @p1 .LBB2_2-.Ltmp0, $4  }
0x2c: {  	[tilespmem:s0+$0x1030] =	vst v0  }
0x2d: {  	[tilespmem:s0+$0x1040] =	vst v0  }
0x2e: {  	[tilespmem:s0+$0x1050] =	vst v0  }
0x2f: {  	[tilespmem:s0+$0x1060] =	vst v0;
	s0 =	sshra.s32 s3, $0x2;
	s3 =	sadd.s32 $0x200, s3  }
0x30: {  	[tilespmem:s0+$0x1070] =	vst v0  }
0x31: {  	[tilespmem:s0+$0x1000] =	vst v0  }
0x32: {  	[tilespmem:s0+$0x1010] =	vst v0  }
0x33: {  	[tilespmem:s0+$0x1020] =	vst v0  }
0x34: {  	[tilespmem:s0+$0x1030] =	vst v0  }
0x35: {  	[tilespmem:s0+$0x1040] =	vst v0  }
0x36: {  	[tilespmem:s0+$0x1050] =	vst v0  }
0x37: {  	[tilespmem:s0+$0x1060] =	vst v0  }
0x38: {  	[spmem:s11] =	stream.linear.scatter [tilespmem:s28], [sflag:$0x7], $0x2800, $0x38;
	[tilespmem:$0x1C080] =	vst v63  }
0x39: {  	_ =	swait.ge [sflag:s29], $0x2800  }
0x3a: {  	[sflag:s29] =	ssyncset.done $0x0  }
0x3b: {  	[sflag:s29] =	ssyncadd.s32 $0xFFFFD800  }
0x3c: {  	[spmem:s12] =	stream.linear.scatter [tilespmem:s28], [sflag:$0x7], $0x2800, $0x38;
	[tilespmem:$0x1C080] =	vst v63  }
0x3d: {  	_ =	swait.ge [sflag:s29], $0x2800  }
0x3e: {  	[sflag:s29] =	ssyncset.done $0x0  }
0x3f: {  	[sflag:s29] =	ssyncadd.s32 $0xFFFFD800  }
0x40: {  	[spmem:s13] =	stream.linear.scatter [tilespmem:s28], [sflag:$0x7], $0x2800, $0x38;
	[tilespmem:$0x1C080] =	vst v63  }
0x41: {  	_ =	swait.ge [sflag:s29], $0x2800  }
0x42: {  	[sflag:s29] =	ssyncset.done $0x0  }
0x43: {  	[sflag:s29] =	ssyncadd.s32 $0xFFFFD800  }
0x44: {  	[spmem:s14] =	stream.linear.scatter [tilespmem:s28], [sflag:$0x7], $0x2800, $0x38;
	[tilespmem:$0x1C080] =	vst v63  }
0x45: {  	_ =	swait.ge [sflag:s29], $0x2800  }
0x46: {  	[sflag:s29] =	ssyncset.done $0x0  }
0x47: {  	[sflag:s29] =	ssyncadd.s32 $0xFFFFD800  }
0x48: {  	[spmem:s15] =	stream.linear.scatter [tilespmem:s28], [sflag:$0x7], $0x2800, $0x38;
	[tilespmem:$0x1C080] =	vst v63  }
0x49: {  	_ =	swait.ge [sflag:s29], $0x2800  }
0x4a: {  	[sflag:s29] =	ssyncset.done $0x0  }
0x4b: {  	[sflag:s29] =	ssyncadd.s32 $0xFFFFD800  }
0x4c: {  	[spmem:s16] =	stream.linear.scatter [tilespmem:s28], [sflag:$0x7], $0x2800, $0x38;
	[tilespmem:$0x1C080] =	vst v63  }
0x4d: {  	_ =	swait.ge [sflag:s29], $0x2800  }
0x4e: {  	[sflag:s29] =	ssyncset.done $0x0  }
0x4f: {  	[sflag:s29] =	ssyncadd.s32 $0xFFFFD800  }
0x50: {  	[spmem:s17] =	stream.linear.scatter [tilespmem:s28], [sflag:$0x7], $0x2800, $0x38;
	[tilespmem:$0x1C080] =	vst v63  }
0x51: {  	_ =	swait.ge [sflag:s29], $0x2800  }
0x52: {  	[sflag:s29] =	ssyncset.done $0x0  }
0x53: {  	s0 =	simm.s32 @!p0 $0x1000;
	[sflag:s29] =	ssyncadd.s32 $0xFFFFD800  }
0x54: {  	[spmem:s18] =	stream.linear.scatter @!p0 [tilespmem:s0], [sflag:$0x7], $0x2800, $0x38;
	[tilespmem:$0x1C080] =	vst v63  }
0x55: {  	s0 =	simm.s32 @!p0 $0x7  }
0x56: {  	_ =	swait.ge @!p0 [sflag:s0], $0x2800  }
0x57: {  	s24 =	smov.u32 s11;
	s25 =	smov.u32 s12;
	[sflag:s0] =	ssyncset.done @!p0 $0x0  }
0x58: {  	s26 =	smov.u32 s13;
	s16 =	simm.s32 $0x0;
	[sflag:s0] =	ssyncadd.s32 @!p0 $0xFFFFD800  }
0x59: {  	s10 =	simm.s32 $0x800;
	s18 =	smul.u32 $0xCD, s16;
	[bflag:$0x0] =	sbarrier.arrive $0xFFFF  }
0x5a: {  	s20 =	simm.s32 $0x80;
	s0 =	smul.u32 $0xAB, s16;
	s3 =	rddreg [dreg:$0xc]  }
0x5b: {  	[tilespmem:s16], [sflag:$0x7] =	stream.linear.gather [hbm4b:s3+s16], $0x280, $0x38;
	[tilespmem:$0x1C080] =	vst v63  }
0x5c: {  	s21 =	simm.s32 $0x3800;
	s0 =	sshrl.u32 s0, $0x9;
	s3 =	sshrl.u32 s18, $0xA  }
0x5d: {  	s0 =	sand.u32 $0x7F, s0;
	_ =	swait.ge [sflag:s29], $0x280;
	s3 =	sand.u32 $0x3F, s3  }
0x5e: {  	s0 =	smul.u32 $0x3, s0;
	[sflag:s29] =	ssyncset.done $0x0;
	s17 =	rddreg [dreg:$0xd]  }
0x5f: {  	s19 =	smul.u32 $0x5, s3;
	s23 =	sshll.u32 s3, $0xA;
	[sflag:s29] =	ssyncadd.s32 $0xFFFFFD80  }
0x60: {  	[tilespmem:s10], [sflag:$0x7] =	stream.linear.gather [hbm4b:s17+s16], $0x280, $0x38;
	[tilespmem:$0x1C080] =	vst v63  }
0x61: {  	s11 =	simm.s32 $0x2;
	s13 =	sand.u32 $0x400, s23;
	s10 =	ssub.s32 $0x0, s19  }
0x62: {  	s0 =	ssub.s32 $0x0, s0;
	_ =	swait.ge [sflag:s29], $0x280;
	s22 =	sand.u32 $0xFF, s10  }
0x63: {  	s10 =	simm.s32 $0x1;
	[sflag:s29] =	ssyncset.done $0x0;
	p1 =	sne.s32 s22, $0x0  }
0x64: {  	s12 =	sshll.u32 s22, $0x7;
	[sflag:s29] =	ssyncadd.s32 $0xFFFFFD80;
	p2 =	por @!p1 $0x0, $0x0  }
0x65: {  	[tilespmem:s28], [sflag:$0x1] =	stream.indirect.gather [hbm4b:s1+s31], $0x80, s16, s31, $0xb8;
	[tilespmem:$0x1C080] =	vst v63  }
0x66: {  	s14 =	sadd.s32 s12, s13;
	s13 =	sand.u32 $0xFF, s0;
	p1 =	por p2, p1  }
0x67: {  	p2 =	por $0x0, $0x0;
	s0 =	smul.u32 $0xA000, s13;
	s3 =	sshll.u32 @!p1 s3, $0xA  }
0x68: {  	[tilespmem:s21], [sflag:$0x2] =	stream.indirect.gather [hbm4b:s1+s31], $0x80, s20, s31, $0xb8;
	[tilespmem:$0x1C080] =	vst v63  }
0x69: {  	s16 =	simm.s32 @!p2 $0x2;
	p3 =	por @!p2 $0x1, $0x1;
	s3 =	sadd.s32 @!p1 $0x400, s3  }
0x6a: {  	s19 =	sand.u32 @!p2 $0xFF, s16;
	s0 =	sshrl.u32 s0, $0x2;
	s20 =	simm.s32 @!p1 $0x7  }
0x6b: {  	s21 =	smul.u32 $0xCD, s10;
	s12 =	sadd.s32 @!p1 s7, s3;
	s17 =	sand.u32 @!p1 $0x400, s3  }
0x6c: {  	s3 =	simm.s32 @!p1 $0x0;
	s12 =	sshrl.u32 @!p1 s12, $0x3;
	s30 =	sor.u32 @!p1 $0x800, s17  }
0x6d: {  	s15 =	sadd.s32 @!p1 s5, s12;
	s18 =	sadd.s32 @!p1 s6, s12;
	s12 =	smul.u32 @!p2 $0xAB, s19  }
0x6e: {  	[tilespmem:s17], [sflag:$0x7] =	stream.linear.gather @!p1 [hbm4b:s15+s3], $0x280, $0x38;
	[tilespmem:$0x1C080] =	vst v63  }
0x6f: {  	s17 =	smul.u32 @!p2 $0xCD, s19;
	s15 =	sadd.s32 $0x1000, s0;
	s12 =	sshrl.u32 @!p2 s12, $0x9  }
0x70: {  	_ =	swait.ge @!p1 [sflag:s20], $0x280;
	s0 =	smul.u32 @!p2 $0x3, s12;
	p2 =	por p2, p2  }
0x71: {  	s19 =	sshrl.u32 @!p2 s17, $0xA;
	p3 =	por p3, p2;
	s12 =	simm.s32 @!p2 $0x50  }
0x72: {  	s17 =	smul.u32 @!p2 $0x5, s19;
	s19 =	sshll.u32 @!p2 s19, $0xA;
	s0 =	ssub.s32 @!p2 $0x2, s0  }
.LBB2_4:
0x73: {  	[sflag:s20] =	ssyncset.done @!p1 $0x0  }
0x74: {  	s16 =	ssub.s32 @!p2 s16, s17;
	s17 =	smov.u32 s11;
	s11 =	sadd.s32 $0x1, s11  }
0x75: {  	s22 =	smul.u32 $0xAB, s10;
	s21 =	sshrl.u32 s21, $0xA;
	[sflag:s20] =	ssyncadd.s32 @!p1 $0xFFFFFD80  }
0x76: {  	[tilespmem:s30], [sflag:$0x7] =	stream.linear.gather @!p1 [hbm4b:s18+s3], $0x280, $0x38;
	[tilespmem:$0x1C080] =	vst v63  }
0x77: {  	s16 =	sand.u32 @!p2 $0xFF, s16;
	s3 =	sand.u32 $0x3F, s21;
	_ =	swait.ge @!p1 [sflag:s20], $0x280  }
0x78: {  	s19 =	sand.u32 @!p2 $0x400, s19;
	s16 =	sshll.u32 @!p2 s16, $0x7;
	s18 =	smul.u32 $0x5, s3  }
0x79: {  	s21 =	sshll.u32 s3, $0xA;
	s19 =	sadd.s32 @!p2 s16, s19;
	[sflag:s20] =	ssyncset.done @!p1 $0x0  }
0x7a: {  	s16 =	ssub.s32 s10, s18;
	s18 =	sadd.s32 $0x1, s13;
	[sflag:s20] =	ssyncadd.s32 @!p1 $0xFFFFFD80  }
0x7b: {  	s16 =	sand.u32 $0xFF, s16;
	s20 =	sand.u32 $0x400, s21;
	_ =	swait.ge [sflag:s18], $0x2800  }
0x7c: {  	p1 =	sne.s32 s16, $0x0;
	s16 =	sshll.u32 s16, $0x7;
	[sflag:s18] =	ssyncset.done $0x0  }
0x7d: {  	s0 =	sand.u32 @!p2 $0xFF, s0;
	p4 =	sgt.u32 @!p1 s10, $0x77;
	[sflag:s18] =	ssyncadd.s32 $0xFFFFD800  }
0x7e: {  	s20 =	sadd.s32 s16, s20;
	p1 =	por p4, p1;
	s18 =	sadd.s32 @!p3 $0x4, s0  }
0x7f: {  	s16 =	smul.u32 @!p2 $0xA000, s0;
	p4 =	sgt.u32 s10, $0x7A;
	s3 =	sshll.u32 @!p1 s3, $0xA  }
0x80: {  	s14 =	sadd.s32 $0x800, s14;
	s13 =	sadd.s32 $0x4, s13;
	s3 =	sadd.s32 @!p1 $0x400, s3  }
0x81: {  	s0 =	sadd.s32 @!p2 $0x1, s0;
	s16 =	sshrl.u32 @!p2 s16, $0x2;
	s21 =	sadd.s32 @!p1 s7, s3  }
0x82: {  	[spmem:s2] =	stream.indirect.scatter.add.f32 [tilespmem:s15], [sflag:s13], $0x80, s14, s31, $0xb8;
	[tilespmem:$0x1C080] =	vst v63  }
0x83: {  	s13 =	sshrl.u32 @!p1 s21, $0x3;
	s14 =	sadd.s32 @!p2 $0x1000, s16;
	_ =	swait.ge @!p3 [sflag:s18], $0x2800  }
0x84: {  	s15 =	sshrl.u32 s22, $0x9;
	s21 =	sadd.s32 @!p1 s5, s13;
	[sflag:s18] =	ssyncset.done @!p3 $0x0  }
0x85: {  	s16 =	sadd.s32 @!p4 $0x2, s10;
	s15 =	sand.u32 $0x7F, s15;
	[sflag:s18] =	ssyncadd.s32 @!p3 $0xFFFFD800  }
0x86: {  	s22 =	sand.u32 @!p1 $0x400, s3;
	s23 =	sand.u32 @!p4 $0xFF, s16;
	s15 =	smul.u32 $0x3, s15  }
0x87: {  	[tilespmem:s14], [sflag:s0] =	stream.indirect.gather @!p2 [hbm4b:s1+s12], $0x80, s19, s12, $0xb8;
	[tilespmem:$0x1C080] =	vst v63  }
0x88: {  	s18 =	sadd.s32 @!p1 s6, s13;
	s0 =	ssub.s32 s10, s15;
	s12 =	smul.u32 @!p4 $0xAB, s23  }
0x89: {  	s30 =	sor.u32 @!p1 $0x800, s22;
	p3 =	seq.s32 @!p4 s10, $0x0;
	s13 =	sand.u32 $0xFF, s0  }
0x8a: {  	p5 =	sne.s32 s11, $0x7D;
	s3 =	simm.s32 @!p1 $0x0;
	s0 =	smul.u32 $0xA000, s13  }
0x8b: {  	[tilespmem:s22], [sflag:$0x7] =	stream.linear.gather @!p1 [hbm4b:s21+s3], $0x280, $0x38;
	[tilespmem:$0x1C080] =	vst v63  }
0x8c: {  	s10 =	smov.u32 s17;
	s0 =	sshrl.u32 s0, $0x2  }
0x8d: {  	s12 =	sshrl.u32 @!p4 s12, $0x9;
	s15 =	sadd.s32 $0x1000, s0;
	s0 =	smul.u32 @!p4 $0xCD, s23  }
.Ltmp1:
0x8e: {  	(pc) =	sbr.rel @p5 .LBB2_4-.Ltmp1, $4  }
0x8f: {  	s14 =	smov.u32 s20;
	p2 =	por p4, p4;
	s22 =	smul.u32 @!p4 $0x3, s12  }
0x90: {  	p3 =	por p3, p2;
	s12 =	simm.s32 @!p2 $0x50;
	s0 =	sshrl.u32 @!p2 s0, $0xA  }
0x91: {  	s20 =	simm.s32 @!p1 $0x7;
	s17 =	smul.u32 @!p2 $0x5, s0;
	s19 =	sshll.u32 @!p2 s0, $0xA  }
0x92: {  	s21 =	smul.u32 $0xCD, s10;
	s0 =	ssub.s32 @!p2 s16, s22;
	_ =	swait.ge @!p1 [sflag:s20], $0x280  }
0x93: {  	[sflag:s20] =	ssyncset.done @!p1 $0x0  }
0x94: {  	[sflag:s20] =	ssyncadd.s32 @!p1 $0xFFFFFD80  }
0x95: {  	[tilespmem:s30], [sflag:$0x7] =	stream.linear.gather @!p1 [hbm4b:s18+s3], $0x280, $0x38;
	[tilespmem:$0x1C080] =	vst v63  }
0x96: {  	_ =	swait.ge @!p1 [sflag:s20], $0x280  }
0x97: {  	[sflag:s20] =	ssyncset.done @!p1 $0x0  }
0x98: {  	s11 =	sadd.s32 $0x4, s13;
	s18 =	sadd.s32 $0x1, s13;
	[sflag:s20] =	ssyncadd.s32 @!p1 $0xFFFFFD80  }
0x99: {  	s0 =	sand.u32 @!p2 $0xFF, s0;
	s22 =	sshrl.u32 s21, $0xA;
	_ =	swait.ge [sflag:s18], $0x2800  }
0x9a: {  	s3 =	sand.u32 $0x3F, s22;
	s13 =	ssub.s32 @!p2 s16, s17;
	[sflag:s18] =	ssyncset.done $0x0  }
0x9b: {  	s23 =	smul.u32 $0x5, s3;
	s20 =	sadd.s32 $0x800, s14;
	[sflag:s18] =	ssyncadd.s32 $0xFFFFD800  }
0x9c: {  	[spmem:s2] =	stream.indirect.scatter.add.f32 [tilespmem:s15], [sflag:s11], $0x80, s20, s31, $0xb8;
	[tilespmem:$0x1C080] =	vst v63  }
0x9d: {  	s16 =	smul.u32 @!p2 $0xA000, s0;
	s13 =	sand.u32 @!p2 $0xFF, s13;
	s11 =	ssub.s32 s10, s23  }
0x9e: {  	s13 =	sshll.u32 @!p2 s13, $0x7;
	s15 =	sadd.s32 @!p3 $0x4, s0;
	s11 =	sand.u32 $0xFF, s11  }
0x9f: {  	s14 =	sand.u32 @!p2 $0x400, s19;
	_ =	swait.ge @!p3 [sflag:s15], $0x2800;
	p1 =	sne.s32 s11, $0x0  }
0xa0: {  	s13 =	sadd.s32 @!p2 s13, s14;
	[sflag:s15] =	ssyncset.done @!p3 $0x0;
	p4 =	sgt.u32 @!p1 s10, $0x77  }
0xa1: {  	[sflag:s15] =	ssyncadd.s32 @!p3 $0xFFFFD800;
	s15 =	sshrl.u32 @!p2 s16, $0x2;
	p1 =	por p4, p1  }
0xa2: {  	s0 =	sadd.s32 @!p2 $0x1, s0;
	s15 =	sadd.s32 @!p2 $0x1000, s15;
	s14 =	sshll.u32 @!p1 s3, $0xA  }
0xa3: {  	[tilespmem:s15], [sflag:s0] =	stream.indirect.gather @!p2 [hbm4b:s1+s12], $0x80, s13, s12, $0xb8;
	[tilespmem:$0x1C080] =	vst v63  }
0xa4: {  	s14 =	sadd.s32 @!p1 $0x400, s14  }
0xa5: {  	s0 =	sadd.s32 @!p1 s7, s14  }
0xa6: {  	s0 =	sshrl.u32 @!p1 s0, $0x3  }
0xa7: {  	s13 =	sand.u32 @!p1 $0x400, s14;
	s14 =	simm.s32 @!p1 $0x0;
	s12 =	sadd.s32 @!p1 s5, s0  }
0xa8: {  	[tilespmem:s13], [sflag:$0x7] =	stream.linear.gather @!p1 [hbm4b:s12+s14], $0x280, $0x38;
	[tilespmem:$0x1C080] =	vst v63  }
0xa9: {  	s12 =	simm.s32 @!p1 $0x7  }
0xaa: {  	_ =	swait.ge @!p1 [sflag:s12], $0x280  }
0xab: {  	s30 =	smul.u32 $0xAB, s10;
	[sflag:s12] =	ssyncset.done @!p1 $0x0  }
0xac: {  	s0 =	sadd.s32 @!p1 s6, s0;
	s13 =	sor.u32 @!p1 $0x800, s13;
	[sflag:s12] =	ssyncadd.s32 @!p1 $0xFFFFFD80  }
0xad: {  	[tilespmem:s13], [sflag:$0x7] =	stream.linear.gather @!p1 [hbm4b:s0+s14], $0x280, $0x38;
	[tilespmem:$0x1C080] =	vst v63  }
0xae: {  	s14 =	sshrl.u32 s30, $0x9  }
0xaf: {  	s0 =	sand.u32 $0x7F, s14  }
0xb0: {  	s3 =	sshll.u32 s3, $0xA;
	s0 =	smul.u32 $0x3, s0  }
0xb1: {  	s11 =	sshll.u32 s11, $0x7;
	p2 =	sgt.u32 s10, $0x7A;
	s3 =	sand.u32 $0x400, s3  }
0xb2: {  	s3 =	sadd.s32 s11, s3;
	_ =	swait.ge @!p1 [sflag:s12], $0x280;
	s0 =	ssub.s32 s10, s0  }
0xb3: {  	s13 =	sadd.s32 @!p2 $0x2, s10;
	[sflag:s12] =	ssyncset.done @!p1 $0x0;
	s0 =	sand.u32 $0xFF, s0  }
0xb4: {  	[sflag:s12] =	ssyncadd.s32 @!p1 $0xFFFFFD80;
	s15 =	sadd.s32 $0x1, s0;
	s16 =	smul.u32 $0xA000, s0  }
0xb5: {  	s3 =	sadd.s32 $0x800, s3;
	s11 =	sand.u32 @!p2 $0xFF, s13;
	_ =	swait.ge [sflag:s15], $0x2800  }
0xb6: {  	s12 =	smul.u32 @!p2 $0xAB, s11;
	[sflag:s15] =	ssyncset.done $0x0;
	s14 =	sshrl.u32 s16, $0x2  }
0xb7: {  	s0 =	sadd.s32 $0x4, s0;
	[sflag:s15] =	ssyncadd.s32 $0xFFFFD800;
	s14 =	sadd.s32 $0x1000, s14  }
0xb8: {  	[spmem:s2] =	stream.indirect.scatter.add.f32 [tilespmem:s14], [sflag:s0], $0x80, s3, s31, $0xb8;
	[tilespmem:$0x1C080] =	vst v63  }
0xb9: {  	s3 =	smul.u32 @!p2 $0xCD, s11  }
0xba: {  	p1 =	por p2, p2;
	s0 =	sshrl.u32 @!p2 s12, $0x9  }
0xbb: {  	s0 =	smul.u32 @!p2 $0x3, s0;
	s3 =	sshrl.u32 @!p1 s3, $0xA  }
0xbc: {  	s17 =	simm.s32 $0x6;
	p2 =	seq.s32 @!p2 s10, $0x0;
	s10 =	smul.u32 @!p1 $0x5, s3  }
0xbd: {  	p2 =	por p2, p1;
	s0 =	ssub.s32 @!p1 s13, s0;
	s3 =	sshll.u32 @!p1 s3, $0xA  }
0xbe: {  	s0 =	sand.u32 @!p1 $0xFF, s0;
	s3 =	sand.u32 @!p1 $0x400, s3;
	s10 =	ssub.s32 @!p1 s13, s10  }
0xbf: {  	s11 =	sadd.s32 @!p2 $0x4, s0;
	s12 =	smul.u32 @!p1 $0xA000, s0;
	s10 =	sand.u32 @!p1 $0xFF, s10  }
0xc0: {  	s0 =	sadd.s32 @!p1 $0x1, s0;
	_ =	swait.ge @!p2 [sflag:s11], $0x2800;
	s10 =	sshll.u32 @!p1 s10, $0x7  }
0xc1: {  	[sflag:s11] =	ssyncset.done @!p2 $0x0;
	s3 =	sadd.s32 @!p1 s10, s3;
	s10 =	sshrl.u32 @!p1 s12, $0x2  }
0xc2: {  	[sflag:s11] =	ssyncadd.s32 @!p2 $0xFFFFD800;
	s11 =	simm.s32 @!p1 $0x50;
	s10 =	sadd.s32 @!p1 $0x1000, s10  }
0xc3: {  	[tilespmem:s10], [sflag:s0] =	stream.indirect.gather @!p1 [hbm4b:s1+s11], $0x80, s3, s11, $0xb8;
	[tilespmem:$0x1C080] =	vst v63  }
0xc4: {  	_ =	swait.ge [sflag:s17], $0x2800  }
0xc5: {  	[sflag:s17] =	ssyncset.done $0x0  }
0xc6: {  	s18 =	simm.s32 $0x4;
	[sflag:s17] =	ssyncadd.s32 $0xFFFFD800  }
0xc7: {  	_ =	swait.ge [sflag:s18], $0x2800  }
0xc8: {  	[sflag:s18] =	ssyncset.done $0x0  }
0xc9: {  	s19 =	simm.s32 $0x5;
	[sflag:s18] =	ssyncadd.s32 $0xFFFFD800  }
0xca: {  	_ =	swait.ge [sflag:s19], $0x2800  }
0xcb: {  	[sflag:s19] =	ssyncset.done $0x0  }
0xcc: {  	[sflag:s19] =	ssyncadd.s32 $0xFFFFD800  }
0xcd: {  	[bflag:$0x0] =	sbarrier.arrive $0xFFFF  }
0xce: {  	[tilespmem:s28], [sflag:$0x8] =	stream.linear.gather [spmem:s24], $0x2800, $0x38;
	[tilespmem:$0x1C080] =	vst v63  }
0xcf: {  	_ =	swait.ge [sflag:s8], $0x2800  }
0xd0: {  	[sflag:s8] =	ssyncset.done $0x0  }
0xd1: {  	s20 =	rddreg [dreg:$0x4];
	[sflag:s8] =	ssyncadd.s32 $0xFFFFD800  }
0xd2: {  	[hbm4b:s20+s4] =	stream.linear.scatter [tilespmem:s28], [sflag:$0x7], $0x2800, $0x38;
	[tilespmem:$0x1C080] =	vst v63  }
0xd3: {  	_ =	swait.ge [sflag:s29], $0x2800  }
0xd4: {  	[sflag:s29] =	ssyncset.done $0x0  }
0xd5: {  	[sflag:s29] =	ssyncadd.s32 $0xFFFFD800  }
0xd6: {  	[tilespmem:s28], [sflag:$0x8] =	stream.linear.gather [spmem:s25], $0x2800, $0x38;
	[tilespmem:$0x1C080] =	vst v63  }
0xd7: {  	_ =	swait.ge [sflag:s8], $0x2800  }
0xd8: {  	[sflag:s8] =	ssyncset.done $0x0  }
0xd9: {  	s21 =	rddreg [dreg:$0x5];
	[sflag:s8] =	ssyncadd.s32 $0xFFFFD800  }
0xda: {  	[hbm4b:s21+s4] =	stream.linear.scatter [tilespmem:s28], [sflag:$0x7], $0x2800, $0x38;
	[tilespmem:$0x1C080] =	vst v63  }
0xdb: {  	_ =	swait.ge [sflag:s29], $0x2800  }
0xdc: {  	[sflag:s29] =	ssyncset.done $0x0  }
0xdd: {  	[sflag:s29] =	ssyncadd.s32 $0xFFFFD800  }
0xde: {  	[tilespmem:s28], [sflag:$0x8] =	stream.linear.gather [spmem:s26], $0x2800, $0x38;
	[tilespmem:$0x1C080] =	vst v63  }
0xdf: {  	_ =	swait.ge [sflag:s8], $0x2800  }
0xe0: {  	[sflag:s8] =	ssyncset.done $0x0  }
0xe1: {  	s22 =	rddreg [dreg:$0x6];
	[sflag:s8] =	ssyncadd.s32 $0xFFFFD800  }
0xe2: {  	[hbm4b:s22+s4] =	stream.linear.scatter [tilespmem:s28], [sflag:$0x7], $0x2800, $0x38;
	[tilespmem:$0x1C080] =	vst v63  }
0xe3: {  	_ =	swait.ge [sflag:s29], $0x2800  }
0xe4: {  	[sflag:s29] =	ssyncset.done $0x0  }
0xe5: {  	s14 =	rddreg [dreg:$0xf];
	[sflag:s29] =	ssyncadd.s32 $0xFFFFD800  }
0xe6: {  	[tilespmem:s28], [sflag:$0x8] =	stream.linear.gather [spmem:s14], $0x2800, $0x38;
	[tilespmem:$0x1C080] =	vst v63  }
0xe7: {  	_ =	swait.ge [sflag:s8], $0x2800  }
0xe8: {  	[sflag:s8] =	ssyncset.done $0x0  }
0xe9: {  	s23 =	rddreg [dreg:$0x7];
	[sflag:s8] =	ssyncadd.s32 $0xFFFFD800  }
0xea: {  	[hbm4b:s23+s4] =	stream.linear.scatter [tilespmem:s28], [sflag:$0x7], $0x2800, $0x38;
	[tilespmem:$0x1C080] =	vst v63  }
0xeb: {  	_ =	swait.ge [sflag:s29], $0x2800  }
0xec: {  	[sflag:s29] =	ssyncset.done $0x0  }
0xed: {  	s15 =	rddreg [dreg:$0x10];
	[sflag:s29] =	ssyncadd.s32 $0xFFFFD800  }
0xee: {  	[tilespmem:s28], [sflag:$0x8] =	stream.linear.gather [spmem:s15], $0x2800, $0x38;
	[tilespmem:$0x1C080] =	vst v63  }
0xef: {  	_ =	swait.ge [sflag:s8], $0x2800  }
0xf0: {  	[sflag:s8] =	ssyncset.done $0x0  }
0xf1: {  	s11 =	smov.u32 s24;
	s24 =	rddreg [dreg:$0x8];
	[sflag:s8] =	ssyncadd.s32 $0xFFFFD800  }
0xf2: {  	[hbm4b:s24+s4] =	stream.linear.scatter [tilespmem:s28], [sflag:$0x7], $0x2800, $0x38;
	[tilespmem:$0x1C080] =	vst v63  }
0xf3: {  	_ =	swait.ge [sflag:s29], $0x2800  }
0xf4: {  	[sflag:s29] =	ssyncset.done $0x0  }
0xf5: {  	s16 =	rddreg [dreg:$0x11];
	[sflag:s29] =	ssyncadd.s32 $0xFFFFD800  }
0xf6: {  	[tilespmem:s28], [sflag:$0x8] =	stream.linear.gather [spmem:s16], $0x2800, $0x38;
	[tilespmem:$0x1C080] =	vst v63  }
0xf7: {  	_ =	swait.ge [sflag:s8], $0x2800  }
0xf8: {  	[sflag:s8] =	ssyncset.done $0x0  }
0xf9: {  	s12 =	smov.u32 s25;
	s25 =	rddreg [dreg:$0x9];
	[sflag:s8] =	ssyncadd.s32 $0xFFFFD800  }
0xfa: {  	[hbm4b:s25+s4] =	stream.linear.scatter [tilespmem:s28], [sflag:$0x7], $0x2800, $0x38;
	[tilespmem:$0x1C080] =	vst v63  }
0xfb: {  	_ =	swait.ge [sflag:s29], $0x2800  }
0xfc: {  	[sflag:s29] =	ssyncset.done $0x0  }
0xfd: {  	s17 =	rddreg [dreg:$0x12];
	[sflag:s29] =	ssyncadd.s32 $0xFFFFD800  }
0xfe: {  	[tilespmem:s28], [sflag:$0x8] =	stream.linear.gather [spmem:s17], $0x2800, $0x38;
	[tilespmem:$0x1C080] =	vst v63  }
0xff: {  	_ =	swait.ge [sflag:s8], $0x2800  }
0x100: {  	[sflag:s8] =	ssyncset.done $0x0  }
0x101: {  	s13 =	smov.u32 s26;
	s26 =	rddreg [dreg:$0xa];
	[sflag:s8] =	ssyncadd.s32 $0xFFFFD800  }
0x102: {  	[hbm4b:s26+s4] =	stream.linear.scatter [tilespmem:s28], [sflag:$0x7], $0x2800, $0x38;
	[tilespmem:$0x1C080] =	vst v63  }
0x103: {  	_ =	swait.ge [sflag:s29], $0x2800  }
0x104: {  	s0 =	simm.s32 @!p0 $0x1000;
	[sflag:s29] =	ssyncset.done $0x0  }
0x105: {  	s3 =	simm.s32 @!p0 $0x8;
	s18 =	rddreg [dreg:$0x13];
	[sflag:s29] =	ssyncadd.s32 $0xFFFFD800  }
0x106: {  	[tilespmem:s0], [sflag:$0x8] =	stream.linear.gather @!p0 [spmem:s18], $0x2800, $0x38;
	[tilespmem:$0x1C080] =	vst v63  }
0x107: {  	_ =	swait.ge @!p0 [sflag:s3], $0x2800  }
0x108: {  	[sflag:s3] =	ssyncset.done @!p0 $0x0  }
0x109: {  	s10 =	rddreg [dreg:$0xb];
	[sflag:s3] =	ssyncadd.s32 @!p0 $0xFFFFD800;
	s3 =	simm.s32 @!p0 $0x0  }
0x10a: {  	[hbm4b:s10+s3] =	stream.linear.scatter @!p0 [tilespmem:s0], [sflag:$0x7], $0x2800, $0x38;
	[tilespmem:$0x1C080] =	vst v63  }
0x10b: {  	s0 =	simm.s32 @!p0 $0x7  }
0x10c: {  	_ =	swait.ge @!p0 [sflag:s0], $0x2800  }
0x10d: {  	s9 =	sadd.s32 $0x1, s9;
	s30 =	rddreg [dreg:$0xe]  }
0x10e: {  	p1 =	sne.s32 s9, s30  }
.Ltmp2:
0x10f: {  	_ = 	snop;
	(pc) =	sbr.rel @p1 .LBB2_1-.Ltmp2, $3  }
0x110: {  	_ =	sdelay $0x1  }
0x111: {  	[sflag:s0] =	ssyncset.done @!p0 $0x0  }
0x112: {  	[sflag:s0] =	ssyncadd.s32 @!p0 $0xFFFFD800  }
0x113: {  	_ =	sfence.sel $0x180000  }
0x114: {  	[bflag:$0x0] =	sbarrier.arrive $0xFFFF  }
0x115: {  	_ =	strace $0x90000047  }
0x116: {  	s0 =	stileid.u32;
	[bflag:$0x2] =	sbarrier.arrive $0xFFFF  }
0x117: {  	p0 =	sne.s32 s0, $0x0;
	s0 =	rddreg [dreg:$0x3]  }
0x118: {  	s0 =	sadd.s32 @!p0 $0x100000, s0  }
0x119: {  	[sflag:s0] =	ssyncadd.tile.s32 @!p0 $0x1;
	_ =	shalt  }
.Lfunc_end2:
_tile_overlayer_lowered:
.L_overlay_start_2:
0x11a: {  	(tag) =	ssettag $0x2  }
0x11b: {  	s0 =	rddreg [dreg:$0x0];
	s2 =	stileid.u32  }
0x11c: {  	s1 =	rddreg [dreg:$0x1];
	p0 =	sne.s32 s2, $0x0  }
0x11d: {  	s3 =	rddreg [dreg:$0x2];
	[bflag:$0x3] =	sbarrier.arrive $0xFFFF;
	s2 =	simm.s32 @!p0 $0x1C07  }
0x11e: {  	[timem:s3], [sflag:s2] =	dma.local @!p0 [hbm:s0], s1  }
0x11f: {  	s0 =	simm.s32 @!p0 $0x7  }
0x120: {  	_ =	swait.ge @!p0 [sflag:s0], s1  }
0x121: {  	s1 =	ssub.s32 @!p0 $0x0, s1;
	[sflag:s0] =	ssyncset.done @!p0 $0x0  }
0x122: {  	[sflag:s0] =	ssyncadd.s32 @!p0 s1  }
0x123: {  	[bflag:$0x3] =	sbarrier.arrive $0xFFFF  }
0x124: {  	_ =	shalt  }

</sc_bundles>
